<compile_context>
chip_gen: v7x
topology: tpu7x:2x2x1
jax: 0.10.2.dev20260603
libtpu: 0.0.44.dev20260713+nightly
codegen_flags: <defaults>
</compile_context>

<pallas_src>
import jax
import jax.numpy as jnp
from jax import lax
from jax.experimental import pallas as pl
from jax.experimental.pallas import tpu as pltpu
from jax.experimental.pallas import tpu_sc as plsc

N = 10000
NP = 10112
E = 320000
D = 128
NC_PAD = 64
NCORES = 2
NSUB = 16
NW = NCORES * NSUB
ROWS_PER_TILE = NP // NSUB
KD = 128
DBUF = 4


def _make_sc_agg(dv, with_deg, k, nbuf):
    mesh = plsc.VectorSubcoreMesh(core_axis_name="c", subcore_axis_name="s")

    nchunk = E // k

    out_type = [jax.ShapeDtypeStruct((NCORES, NP, dv), jnp.float32)]
    scratch = [
        pltpu.VMEM((nbuf, k), jnp.int32),
        pltpu.VMEM((nbuf, k), jnp.int32),
        pltpu.VMEM((nbuf, k, dv), jnp.float32),
        pltpu.VMEM_SHARED((NP, dv), jnp.float32),
        pltpu.SemaphoreType.DMA((nbuf,)),
        pltpu.SemaphoreType.DMA((nbuf,)),
        pltpu.SemaphoreType.DMA((nbuf,)),
    ]
    if with_deg:
        out_type.append(jax.ShapeDtypeStruct((NCORES, NP, 16), jnp.float32))
        scratch += [
            pltpu.VMEM((k, 16), jnp.float32),
            pltpu.VMEM_SHARED((NP, 16), jnp.float32),
        ]

    def body(*refs):
        if with_deg:
            (y_hbm, edge_hbm, zeros_hbm, zeros16_hbm, ones_hbm,
             out_hbm, deg_hbm, src_r, dst_r, rows_v, acc_sh, gsem, isem, ssem,
             ones_v, deg_sh) = refs
        else:
            (y_hbm, edge_hbm, zeros_hbm,
             out_hbm, src_r, dst_r, rows_v, acc_sh, gsem, isem, ssem) = refs
        c = lax.axis_index("c")
        s = lax.axis_index("s")
        w = s * NCORES + c
        if nchunk % NW == 0:
            n_w = nchunk // NW
        else:
            n_w = nchunk // NW + jnp.where(w < nchunk % NW, 1, 0)

        def start_idx_dyn(i, b):
            off = (w + i * NW) * k
            pltpu.async_copy(edge_hbm.at[0, pl.ds(off, k)], src_r.at[b],
                             isem.at[b])
            pltpu.async_copy(edge_hbm.at[1, pl.ds(off, k)], dst_r.at[b],
                             isem.at[b])

        def wait_idx(b):
            pltpu.make_async_copy(edge_hbm.at[0, pl.ds(0, k)], src_r.at[b],
                                  isem.at[b]).wait()
            pltpu.make_async_copy(edge_hbm.at[1, pl.ds(0, k)], dst_r.at[b],
                                  isem.at[b]).wait()

        def start_gather(b):
            pltpu.async_copy(y_hbm.at[src_r.at[b]], rows_v.at[b], gsem.at[b])

        def wait_gather(b):
            pltpu.make_async_copy(y_hbm.at[src_r.at[b]], rows_v.at[b],
                                  gsem.at[b]).wait()

        def start_scatter(b):
            pltpu.async_copy(rows_v.at[b], acc_sh.at[dst_r.at[b]],
                             ssem.at[b], add=True)
            if with_deg:
                pltpu.async_copy(ones_v, deg_sh.at[dst_r.at[b]],
                                 ssem.at[b], add=True)

        def wait_scatter(b):
            pltpu.make_async_copy(rows_v.at[b], acc_sh.at[dst_r.at[b]],
                                  ssem.at[b]).wait()
            if with_deg:
                pltpu.make_async_copy(ones_v, deg_sh.at[dst_r.at[b]],
                                      ssem.at[b]).wait()

        for j in range(nbuf):
            start_idx_dyn(j, j)
        r0 = s * ROWS_PER_TILE
        pltpu.sync_copy(zeros_hbm.at[pl.ds(r0, ROWS_PER_TILE)],
                        acc_sh.at[pl.ds(r0, ROWS_PER_TILE)])
        if with_deg:
            pltpu.sync_copy(zeros16_hbm.at[pl.ds(r0, ROWS_PER_TILE)],
                            deg_sh.at[pl.ds(r0, ROWS_PER_TILE)])
            pltpu.sync_copy(ones_hbm, ones_v)
        plsc.subcore_barrier()

        for j in range(nbuf - 1):
            wait_idx(j)
            start_gather(j)

        def chunk(g, carry):
            b = lax.rem(g, nbuf)
            bp = lax.rem(g + nbuf - 1, nbuf)
            bg = lax.rem(g + nbuf - 2, nbuf)

            @pl.when(g >= 1)
            def _retire():
                wait_scatter(bp)

            @pl.when((g >= 1) & (g + nbuf - 1 < n_w))
            def _issue_idx():
                start_idx_dyn(g + nbuf - 1, bp)

            @pl.when((g >= 1) & (g + nbuf - 2 < n_w))
            def _issue_gather():
                wait_idx(bg)
                start_gather(bg)

            wait_gather(b)
            start_scatter(b)
            return carry

        lax.fori_loop(0, n_w, chunk, 0)
        wait_scatter(lax.rem(n_w - 1, nbuf))
        plsc.subcore_barrier()

        pltpu.sync_copy(acc_sh.at[pl.ds(r0, ROWS_PER_TILE)],
                        out_hbm.at[c, pl.ds(r0, ROWS_PER_TILE)])
        if with_deg:
            pltpu.sync_copy(deg_sh.at[pl.ds(r0, ROWS_PER_TILE)],
                            deg_hbm.at[c, pl.ds(r0, ROWS_PER_TILE)])

    return pl.kernel(
        body, mesh=mesh, out_type=out_type, scratch_types=scratch,
        compiler_params=pltpu.CompilerParams(use_tc_tiling_on_sc=False))


BN = 2000


def _tc_pre(x, ws, wn, b):
    dm = x.shape[1]
    do = ws.shape[1]

    def body(x_ref, ws_ref, wn_ref, b_ref, z_ref, y_ref):
        xv = x_ref[...]
        z_ref[...] = jnp.dot(xv, ws_ref[...],
                             preferred_element_type=jnp.float32) + b_ref[...]
        y_ref[...] = jnp.dot(xv, wn_ref[...], preferred_element_type=jnp.float32)

    return pl.pallas_call(
        body,
        grid=(N // BN,),
        in_specs=[
            pl.BlockSpec((BN, dm), lambda i: (i, 0)),
            pl.BlockSpec((dm, do), lambda i: (0, 0)),
            pl.BlockSpec((dm, do), lambda i: (0, 0)),
            pl.BlockSpec((1, do), lambda i: (0, 0)),
        ],
        out_specs=[
            pl.BlockSpec((BN, do), lambda i: (i, 0)),
            pl.BlockSpec((BN, do), lambda i: (i, 0)),
        ],
        out_shape=[
            jax.ShapeDtypeStruct((N, do), jnp.float32),
            jax.ShapeDtypeStruct((N, do), jnp.float32),
        ],
    )(x, ws, wn, b.reshape(1, do))


def _combine_refs(z_ref, pa_ref, pb_ref, da_ref, db_ref):
    deg = da_ref[0][:, 0:1] + db_ref[0][:, 0:1]
    invd = 1.0 / jnp.maximum(deg, 1.0)
    return z_ref[...] + (pa_ref[0] + pb_ref[0]) * invd


def _tc_mid(z, p, dg, ws, wn, b):
    dm = z.shape[1]
    do = ws.shape[1]

    def body(z_ref, pa_ref, pb_ref, da_ref, db_ref, ws_ref, wn_ref, b_ref,
             z2_ref, y2_ref):
        h = jnp.maximum(_combine_refs(z_ref, pa_ref, pb_ref, da_ref, db_ref),
                        0.0)
        z2_ref[...] = jnp.dot(h, ws_ref[...],
                              preferred_element_type=jnp.float32) + b_ref[...]
        y2_ref[...] = jnp.dot(h, wn_ref[...], preferred_element_type=jnp.float32)

    return pl.pallas_call(
        body,
        grid=(N // BN,),
        in_specs=[
            pl.BlockSpec((BN, dm), lambda i: (i, 0)),
            pl.BlockSpec((1, BN, dm), lambda i: (0, i, 0)),
            pl.BlockSpec((1, BN, dm), lambda i: (1, i, 0)),
            pl.BlockSpec((1, BN, 16), lambda i: (0, i, 0)),
            pl.BlockSpec((1, BN, 16), lambda i: (1, i, 0)),
            pl.BlockSpec((dm, do), lambda i: (0, 0)),
            pl.BlockSpec((dm, do), lambda i: (0, 0)),
            pl.BlockSpec((1, do), lambda i: (0, 0)),
        ],
        out_specs=[
            pl.BlockSpec((BN, do), lambda i: (i, 0)),
            pl.BlockSpec((BN, do), lambda i: (i, 0)),
        ],
        out_shape=[
            jax.ShapeDtypeStruct((N, do), jnp.float32),
            jax.ShapeDtypeStruct((N, do), jnp.float32),
        ],
    )(z, p, p, dg, dg, ws, wn, b.reshape(1, do))


def _tc_final(z, p, dg, nc):
    dm = z.shape[1]

    def body(z_ref, pa_ref, pb_ref, da_ref, db_ref, o_ref):
        o_ref[...] = _combine_refs(z_ref, pa_ref, pb_ref, da_ref,
                                   db_ref)[:, :nc]

    return pl.pallas_call(
        body,
        grid=(N // BN,),
        in_specs=[
            pl.BlockSpec((BN, dm), lambda i: (i, 0)),
            pl.BlockSpec((1, BN, dm), lambda i: (0, i, 0)),
            pl.BlockSpec((1, BN, dm), lambda i: (1, i, 0)),
            pl.BlockSpec((1, BN, 16), lambda i: (0, i, 0)),
            pl.BlockSpec((1, BN, 16), lambda i: (1, i, 0)),
        ],
        out_specs=pl.BlockSpec((BN, nc), lambda i: (i, 0)),
        out_shape=jax.ShapeDtypeStruct((N, nc), jnp.float32),
    )(z, p, p, dg, dg)


def kernel(features, edge_index, Wself0, Wneigh0, b0, Wself1, Wneigh1, b1,
           Wself2, Wneigh2, b2):
    zeros128 = jnp.zeros((NP, D), jnp.float32)
    zeros64 = jnp.zeros((NP, NC_PAD), jnp.float32)
    zeros16 = jnp.zeros((NP, 16), jnp.float32)
    ones16 = jnp.ones((80, 16), jnp.float32)

    ws2p = jnp.pad(Wself2, ((0, 0), (0, NC_PAD - Wself2.shape[1])))
    wn2p = jnp.pad(Wneigh2, ((0, 0), (0, NC_PAD - Wneigh2.shape[1])))
    b2p = jnp.pad(b2, (0, NC_PAD - b2.shape[0]))

    z0, y0 = _tc_pre(features, Wself0, Wneigh0, b0)
    p0, dg = _make_sc_agg(D, True, 80, 3)(y0, edge_index, zeros128,
                                          zeros16, ones16)
    z1, y1 = _tc_mid(z0, p0, dg, Wself1, Wneigh1, b1)
    (p1,) = _make_sc_agg(D, False, 80, 4)(y1, edge_index, zeros128)
    z2, y2 = _tc_mid(z1, p1, dg, ws2p, wn2p, b2p)
    (p2,) = _make_sc_agg(NC_PAD, False, 128, 10)(y2, edge_index, zeros64)
    return _tc_final(z2, p2, dg, Wself2.shape[1])

# --- scband reference (transcript-rebuilt; emitter-appended) ---
"""Pipeline reference for scband-gnnmodel-53618371723995 (READ-ONLY COPY).

The authoritative reference and input builder live on the scoring server;
editing this copy changes nothing except your own understanding.
"""

import jax, jax.numpy as jnp
import numpy as np

N = 10000
E = 320000
DIN = 128
DH = 128
NC = 40


def setup_inputs(seed: int = 0) -> dict:
    key = jax.random.key(seed)
    ks = jax.random.split(key, 12)
    features = jax.random.normal(ks[0], (N, DIN), dtype=jnp.float32)
    edge_index = jax.random.randint(ks[1], (2, E), 0, N, dtype=jnp.int32)
    def lin(k, din, dout):
        s = 1.0 / np.sqrt(din)
        return jax.random.uniform(k, (din, dout), dtype=jnp.float32, minval=-s, maxval=s)
    inp = {
        "features": features,
        "edge_index": edge_index,
        "Wself0": lin(ks[2], DIN, DH), "Wneigh0": lin(ks[3], DIN, DH), "b0": jnp.zeros((DH,), jnp.float32),
        "Wself1": lin(ks[4], DH, DH), "Wneigh1": lin(ks[5], DH, DH), "b1": jnp.zeros((DH,), jnp.float32),
        "Wself2": lin(ks[6], DH, NC), "Wneigh2": lin(ks[7], DH, NC), "b2": jnp.zeros((NC,), jnp.float32),
    }
    return inp


def _sage_layer(x, src, dst, Wself, Wneigh, b):
    # DGL SAGEConv with aggregator_type='mean':
    # h_neigh = mean over in-neighbors; out = fc_self(x) + fc_neigh(h_neigh) + bias
    msg = jnp.take(x, src, axis=0)
    agg = jax.ops.segment_sum(msg, dst, num_segments=N)
    deg = jax.ops.segment_sum(jnp.ones((E, 1), jnp.float32), dst, num_segments=N)
    h_neigh = agg / jnp.maximum(deg, 1.0)
    return x @ Wself + h_neigh @ Wneigh + b


def reference(features, edge_index, Wself0, Wneigh0, b0, Wself1, Wneigh1, b1, Wself2, Wneigh2, b2):
    src = edge_index[0]
    dst = edge_index[1]
    x = _sage_layer(features, src, dst, Wself0, Wneigh0, b0)
    x = jax.nn.relu(x)
    x = _sage_layer(x, src, dst, Wself1, Wneigh1, b1)
    x = jax.nn.relu(x)
    x = _sage_layer(x, src, dst, Wself2, Wneigh2, b2)
    return x

if __name__ == "__main__":
    import jax
    _d = setup_inputs()
    print(jax.jit(kernel)(*tuple(_d.values())))

</pallas_src>

<mosaic_0001>
#map = affine_map<(d0, d1) -> (0, 0)>
#map1 = affine_map<(d0, d1) -> (0, 0, 0)>
module attributes {stable_mosaic.version = 14 : i64} {
  func.func @body(%arg0: i32, %arg1: i32, %arg2: memref<10000x128xf32, #tpu.memory_space<hbm>>, %arg3: memref<2x320000xi32, #tpu.memory_space<hbm>>, %arg4: memref<10112x128xf32, #tpu.memory_space<hbm>>, %arg5: memref<10112x16xf32, #tpu.memory_space<hbm>>, %arg6: memref<80x16xf32, #tpu.memory_space<hbm>>, %arg7: memref<2x10112x128xf32, #tpu.memory_space<hbm>>, %arg8: memref<2x10112x16xf32, #tpu.memory_space<hbm>>, %arg9: memref<3x80xi32, #tpu.memory_space<vmem>>, %arg10: memref<3x80xi32, #tpu.memory_space<vmem>>, %arg11: memref<3x80x128xf32, #tpu.memory_space<vmem>>, %arg12: memref<10112x128xf32, #tpu.memory_space<vmem_shared>>, %arg13: memref<3x!tpu.dma_semaphore, #tpu.memory_space<semaphore_mem>>, %arg14: memref<3x!tpu.dma_semaphore, #tpu.memory_space<semaphore_mem>>, %arg15: memref<3x!tpu.dma_semaphore, #tpu.memory_space<semaphore_mem>>, %arg16: memref<80x16xf32, #tpu.memory_space<vmem>>, %arg17: memref<10112x16xf32, #tpu.memory_space<vmem_shared>>) attributes {dimension_semantics = [#tpu.dimension_semantics<core_parallel>, #tpu.dimension_semantics<subcore_parallel>], iteration_bounds = array<i64: 2, 16>, scalar_prefetch = 0 : i64, scratch_operands = 9 : i64, tpu.core_type = #tpu.core_type<sc_vector_subcore>, window_params = [{transform_indices = #map}, {transform_indices = #map}, {transform_indices = #map}, {transform_indices = #map}, {transform_indices = #map}, {transform_indices = #map1}, {transform_indices = #map1}]} {
    %mul3A = arith.constant 2 : i32
    %mul3A_0 = arith.muli %arg1, %mul3A : i32
    %add3A = arith.addi %mul3A_0, %arg0 : i32
    %add3A_1 = arith.constant 0 : i32
    %add3A_2 = arith.addi %add3A, %add3A_1 : i32
    %mul3A_3 = arith.constant 80 : i32
    %mul3A_4 = arith.muli %add3A_2, %mul3A_3 : i32
    %dma_start3A = arith.constant 0 : i32
    %dma_start3A_5 = arith.constant 0 : i32
    %dma_start3A_6 = arith.constant 0 : i32
    %dma_start3A_7 = arith.constant 0 : i32
    %dma_start3A_8 = tpu.memref_slice %arg9[%dma_start3A_5, %dma_start3A_7] : memref<3x80xi32, #tpu.memory_space<vmem>> -> memref<1x80xi32, #tpu.memory_space<vmem>>
    %dma_start3A_9 = tpu.memref_squeeze %dma_start3A_8 : memref<1x80xi32, #tpu.memory_space<vmem>> -> memref<80xi32, #tpu.memory_space<vmem>>
    %dma_start3A_10 = tpu.memref_slice %arg3[%dma_start3A, %mul3A_4] : memref<2x320000xi32, #tpu.memory_space<hbm>> -> memref<1x80xi32, #tpu.memory_space<hbm>>
    %dma_start3A_11 = tpu.memref_squeeze %dma_start3A_10 : memref<1x80xi32, #tpu.memory_space<hbm>> -> memref<80xi32, #tpu.memory_space<hbm>>
    %dma_start3A_12 = tpu.memref_slice %arg14[%dma_start3A_6] : memref<3x!tpu.dma_semaphore, #tpu.memory_space<semaphore_mem>> -> memref<1x!tpu.dma_semaphore, #tpu.memory_space<semaphore_mem>>
    %dma_start3A_13 = tpu.memref_squeeze %dma_start3A_12 : memref<1x!tpu.dma_semaphore, #tpu.memory_space<semaphore_mem>> -> memref<!tpu.dma_semaphore, #tpu.memory_space<semaphore_mem>>
    %dma_start3A_14 = arith.constant 0 : i32
    %dma_start3A_15 = tpu.memref_slice %arg9[%dma_start3A_5, %dma_start3A_14] : memref<3x80xi32, #tpu.memory_space<vmem>> -> memref<1x80xi32, #tpu.memory_space<vmem>>
    %dma_start3A_16 = tpu.memref_squeeze %dma_start3A_15 : memref<1x80xi32, #tpu.memory_space<vmem>> -> memref<80xi32, #tpu.memory_space<vmem>>
    %dma_start3A_17 = tpu.memref_slice %arg3[%dma_start3A, %mul3A_4] : memref<2x320000xi32, #tpu.memory_space<hbm>> -> memref<1x80xi32, #tpu.memory_space<hbm>>
    %dma_start3A_18 = tpu.memref_squeeze %dma_start3A_17 : memref<1x80xi32, #tpu.memory_space<hbm>> -> memref<80xi32, #tpu.memory_space<hbm>>
    tpu.enqueue_dma source(%dma_start3A_18 : memref<80xi32, #tpu.memory_space<hbm>>) target(%dma_start3A_16 : memref<80xi32, #tpu.memory_space<vmem>>) target_semaphore(%dma_start3A_13 : memref<!tpu.dma_semaphore, #tpu.memory_space<semaphore_mem>>)
    %dma_start3A_19 = arith.constant 1 : i32
    %dma_start3A_20 = arith.constant 0 : i32
    %dma_start3A_21 = arith.constant 0 : i32
    %dma_start3A_22 = arith.constant 0 : i32
    %dma_start3A_23 = tpu.memref_slice %arg10[%dma_start3A_20, %dma_start3A_22] : memref<3x80xi32, #tpu.memory_space<vmem>> -> memref<1x80xi32, #tpu.memory_space<vmem>>
    %dma_start3A_24 = tpu.memref_squeeze %dma_start3A_23 : memref<1x80xi32, #tpu.memory_space<vmem>> -> memref<80xi32, #tpu.memory_space<vmem>>
    %dma_start3A_25 = tpu.memref_slice %arg3[%dma_start3A_19, %mul3A_4] : memref<2x320000xi32, #tpu.memory_space<hbm>> -> memref<1x80xi32, #tpu.memory_space<hbm>>
    %dma_start3A_26 = tpu.memref_squeeze %dma_start3A_25 : memref<1x80xi32, #tpu.memory_space<hbm>> -> memref<80xi32, #tpu.memory_space<hbm>>
    %dma_start3A_27 = tpu.memref_slice %arg14[%dma_start3A_21] : memref<3x!tpu.dma_semaphore, #tpu.memory_space<semaphore_mem>> -> memref<1x!tpu.dma_semaphore, #tpu.memory_space<semaphore_mem>>
    %dma_start3A_28 = tpu.memref_squeeze %dma_start3A_27 : memref<1x!tpu.dma_semaphore, #tpu.memory_space<semaphore_mem>> -> memref<!tpu.dma_semaphore, #tpu.memory_space<semaphore_mem>>
    %dma_start3A_29 = arith.constant 0 : i32
    %dma_start3A_30 = tpu.memref_slice %arg10[%dma_start3A_20, %dma_start3A_29] : memref<3x80xi32, #tpu.memory_space<vmem>> -> memref<1x80xi32, #tpu.memory_space<vmem>>
    %dma_start3A_31 = tpu.memref_squeeze %dma_start3A_30 : memref<1x80xi32, #tpu.memory_space<vmem>> -> memref<80xi32, #tpu.memory_space<vmem>>
    %dma_start3A_32 = tpu.memref_slice %arg3[%dma_start3A_19, %mul3A_4] : memref<2x320000xi32, #tpu.memory_space<hbm>> -> memref<1x80xi32, #tpu.memory_space<hbm>>
    %dma_start3A_33 = tpu.memref_squeeze %dma_start3A_32 : memref<1x80xi32, #tpu.memory_space<hbm>> -> memref<80xi32, #tpu.memory_space<hbm>>
    tpu.enqueue_dma source(%dma_start3A_33 : memref<80xi32, #tpu.memory_space<hbm>>) target(%dma_start3A_31 : memref<80xi32, #tpu.memory_space<vmem>>) target_semaphore(%dma_start3A_28 : memref<!tpu.dma_semaphore, #tpu.memory_space<semaphore_mem>>)
    %add3A_34 = arith.constant 32 : i32
    %add3A_35 = arith.addi %add3A, %add3A_34 : i32
    %mul3A_36 = arith.constant 80 : i32
    %mul3A_37 = arith.muli %add3A_35, %mul3A_36 : i32
    %dma_start3A_38 = arith.constant 0 : i32
    %dma_start3A_39 = arith.constant 1 : i32
    %dma_start3A_40 = arith.constant 1 : i32
    %dma_start3A_41 = arith.constant 0 : i32
    %dma_start3A_42 = tpu.memref_slice %arg9[%dma_start3A_39, %dma_start3A_41] : memref<3x80xi32, #tpu.memory_space<vmem>> -> memref<1x80xi32, #tpu.memory_space<vmem>>
    %dma_start3A_43 = tpu.memref_squeeze %dma_start3A_42 : memref<1x80xi32, #tpu.memory_space<vmem>> -> memref<80xi32, #tpu.memory_space<vmem>>
    %dma_start3A_44 = tpu.memref_slice %arg3[%dma_start3A_38, %mul3A_37] : memref<2x320000xi32, #tpu.memory_space<hbm>> -> memref<1x80xi32, #tpu.memory_space<hbm>>
    %dma_start3A_45 = tpu.memref_squeeze %dma_start3A_44 : memref<1x80xi32, #tpu.memory_space<hbm>> -> memref<80xi32, #tpu.memory_space<hbm>>
    %dma_start3A_46 = tpu.memref_slice %arg14[%dma_start3A_40] : memref<3x!tpu.dma_semaphore, #tpu.memory_space<semaphore_mem>> -> memref<1x!tpu.dma_semaphore, #tpu.memory_space<semaphore_mem>>
    %dma_start3A_47 = tpu.memref_squeeze %dma_start3A_46 : memref<1x!tpu.dma_semaphore, #tpu.memory_space<semaphore_mem>> -> memref<!tpu.dma_semaphore, #tpu.memory_space<semaphore_mem>>
    %dma_start3A_48 = arith.constant 0 : i32
    %dma_start3A_49 = tpu.memref_slice %arg9[%dma_start3A_39, %dma_start3A_48] : memref<3x80xi32, #tpu.memory_space<vmem>> -> memref<1x80xi32, #tpu.memory_space<vmem>>
    %dma_start3A_50 = tpu.memref_squeeze %dma_start3A_49 : memref<1x80xi32, #tpu.memory_space<vmem>> -> memref<80xi32, #tpu.memory_space<vmem>>
    %dma_start3A_51 = tpu.memref_slice %arg3[%dma_start3A_38, %mul3A_37] : memref<2x320000xi32, #tpu.memory_space<hbm>> -> memref<1x80xi32, #tpu.memory_space<hbm>>
    %dma_start3A_52 = tpu.memref_squeeze %dma_start3A_51 : memref<1x80xi32, #tpu.memory_space<hbm>> -> memref<80xi32, #tpu.memory_space<hbm>>
    tpu.enqueue_dma source(%dma_start3A_52 : memref<80xi32, #tpu.memory_space<hbm>>) target(%dma_start3A_50 : memref<80xi32, #tpu.memory_space<vmem>>) target_semaphore(%dma_start3A_47 : memref<!tpu.dma_semaphore, #tpu.memory_space<semaphore_mem>>)
    %dma_start3A_53 = arith.constant 1 : i32
    %dma_start3A_54 = arith.constant 1 : i32
    %dma_start3A_55 = arith.constant 1 : i32
    %dma_start3A_56 = arith.constant 0 : i32
    %dma_start3A_57 = tpu.memref_slice %arg10[%dma_start3A_54, %dma_start3A_56] : memref<3x80xi32, #tpu.memory_space<vmem>> -> memref<1x80xi32, #tpu.memory_space<vmem>>
    %dma_start3A_58 = tpu.memref_squeeze %dma_start3A_57 : memref<1x80xi32, #tpu.memory_space<vmem>> -> memref<80xi32, #tpu.memory_space<vmem>>
    %dma_start3A_59 = tpu.memref_slice %arg3[%dma_start3A_53, %mul3A_37] : memref<2x320000xi32, #tpu.memory_space<hbm>> -> memref<1x80xi32, #tpu.memory_space<hbm>>
    %dma_start3A_60 = tpu.memref_squeeze %dma_start3A_59 : memref<1x80xi32, #tpu.memory_space<hbm>> -> memref<80xi32, #tpu.memory_space<hbm>>
    %dma_start3A_61 = tpu.memref_slice %arg14[%dma_start3A_55] : memref<3x!tpu.dma_semaphore, #tpu.memory_space<semaphore_mem>> -> memref<1x!tpu.dma_semaphore, #tpu.memory_space<semaphore_mem>>
    %dma_start3A_62 = tpu.memref_squeeze %dma_start3A_61 : memref<1x!tpu.dma_semaphore, #tpu.memory_space<semaphore_mem>> -> memref<!tpu.dma_semaphore, #tpu.memory_space<semaphore_mem>>
    %dma_start3A_63 = arith.constant 0 : i32
    %dma_start3A_64 = tpu.memref_slice %arg10[%dma_start3A_54, %dma_start3A_63] : memref<3x80xi32, #tpu.memory_space<vmem>> -> memref<1x80xi32, #tpu.memory_space<vmem>>
    %dma_start3A_65 = tpu.memref_squeeze %dma_start3A_64 : memref<1x80xi32, #tpu.memory_space<vmem>> -> memref<80xi32, #tpu.memory_space<vmem>>
    %dma_start3A_66 = tpu.memref_slice %arg3[%dma_start3A_53, %mul3A_37] : memref<2x320000xi32, #tpu.memory_space<hbm>> -> memref<1x80xi32, #tpu.memory_space<hbm>>
    %dma_start3A_67 = tpu.memref_squeeze %dma_start3A_66 : memref<1x80xi32, #tpu.memory_space<hbm>> -> memref<80xi32, #tpu.memory_space<hbm>>
    tpu.enqueue_dma source(%dma_start3A_67 : memref<80xi32, #tpu.memory_space<hbm>>) target(%dma_start3A_65 : memref<80xi32, #tpu.memory_space<vmem>>) target_semaphore(%dma_start3A_62 : memref<!tpu.dma_semaphore, #tpu.memory_space<semaphore_mem>>)
    %add3A_68 = arith.constant 64 : i32
    %add3A_69 = arith.addi %add3A, %add3A_68 : i32
    %mul3A_70 = arith.constant 80 : i32
    %mul3A_71 = arith.muli %add3A_69, %mul3A_70 : i32
    %dma_start3A_72 = arith.constant 0 : i32
    %dma_start3A_73 = arith.constant 2 : i32
    %dma_start3A_74 = arith.constant 2 : i32
    %dma_start3A_75 = arith.constant 0 : i32
    %dma_start3A_76 = tpu.memref_slice %arg9[%dma_start3A_73, %dma_start3A_75] : memref<3x80xi32, #tpu.memory_space<vmem>> -> memref<1x80xi32, #tpu.memory_space<vmem>>
    %dma_start3A_77 = tpu.memref_squeeze %dma_start3A_76 : memref<1x80xi32, #tpu.memory_space<vmem>> -> memref<80xi32, #tpu.memory_space<vmem>>
    %dma_start3A_78 = tpu.memref_slice %arg3[%dma_start3A_72, %mul3A_71] : memref<2x320000xi32, #tpu.memory_space<hbm>> -> memref<1x80xi32, #tpu.memory_space<hbm>>
    %dma_start3A_79 = tpu.memref_squeeze %dma_start3A_78 : memref<1x80xi32, #tpu.memory_space<hbm>> -> memref<80xi32, #tpu.memory_space<hbm>>
    %dma_start3A_80 = tpu.memref_slice %arg14[%dma_start3A_74] : memref<3x!tpu.dma_semaphore, #tpu.memory_space<semaphore_mem>> -> memref<1x!tpu.dma_semaphore, #tpu.memory_space<semaphore_mem>>
    %dma_start3A_81 = tpu.memref_squeeze %dma_start3A_80 : memref<1x!tpu.dma_semaphore, #tpu.memory_space<semaphore_mem>> -> memref<!tpu.dma_semaphore, #tpu.memory_space<semaphore_mem>>
    %dma_start3A_82 = arith.constant 0 : i32
    %dma_start3A_83 = tpu.memref_slice %arg9[%dma_start3A_73, %dma_start3A_82] : memref<3x80xi32, #tpu.memory_space<vmem>> -> memref<1x80xi32, #tpu.memory_space<vmem>>
    %dma_start3A_84 = tpu.memref_squeeze %dma_start3A_83 : memref<1x80xi32, #tpu.memory_space<vmem>> -> memref<80xi32, #tpu.memory_space<vmem>>
    %dma_start3A_85 = tpu.memref_slice %arg3[%dma_start3A_72, %mul3A_71] : memref<2x320000xi32, #tpu.memory_space<hbm>> -> memref<1x80xi32, #tpu.memory_space<hbm>>
    %dma_start3A_86 = tpu.memref_squeeze %dma_start3A_85 : memref<1x80xi32, #tpu.memory_space<hbm>> -> memref<80xi32, #tpu.memory_space<hbm>>
    tpu.enqueue_dma source(%dma_start3A_86 : memref<80xi32, #tpu.memory_space<hbm>>) target(%dma_start3A_84 : memref<80xi32, #tpu.memory_space<vmem>>) target_semaphore(%dma_start3A_81 : memref<!tpu.dma_semaphore, #tpu.memory_space<semaphore_mem>>)
    %dma_start3A_87 = arith.constant 1 : i32
    %dma_start3A_88 = arith.constant 2 : i32
    %dma_start3A_89 = arith.constant 2 : i32
    %dma_start3A_90 = arith.constant 0 : i32
    %dma_start3A_91 = tpu.memref_slice %arg10[%dma_start3A_88, %dma_start3A_90] : memref<3x80xi32, #tpu.memory_space<vmem>> -> memref<1x80xi32, #tpu.memory_space<vmem>>
    %dma_start3A_92 = tpu.memref_squeeze %dma_start3A_91 : memref<1x80xi32, #tpu.memory_space<vmem>> -> memref<80xi32, #tpu.memory_space<vmem>>
    %dma_start3A_93 = tpu.memref_slice %arg3[%dma_start3A_87, %mul3A_71] : memref<2x320000xi32, #tpu.memory_space<hbm>> -> memref<1x80xi32, #tpu.memory_space<hbm>>
    %dma_start3A_94 = tpu.memref_squeeze %dma_start3A_93 : memref<1x80xi32, #tpu.memory_space<hbm>> -> memref<80xi32, #tpu.memory_space<hbm>>
    %dma_start3A_95 = tpu.memref_slice %arg14[%dma_start3A_89] : memref<3x!tpu.dma_semaphore, #tpu.memory_space<semaphore_mem>> -> memref<1x!tpu.dma_semaphore, #tpu.memory_space<semaphore_mem>>
    %dma_start3A_96 = tpu.memref_squeeze %dma_start3A_95 : memref<1x!tpu.dma_semaphore, #tpu.memory_space<semaphore_mem>> -> memref<!tpu.dma_semaphore, #tpu.memory_space<semaphore_mem>>
    %dma_start3A_97 = arith.constant 0 : i32
    %dma_start3A_98 = tpu.memref_slice %arg10[%dma_start3A_88, %dma_start3A_97] : memref<3x80xi32, #tpu.memory_space<vmem>> -> memref<1x80xi32, #tpu.memory_space<vmem>>
    %dma_start3A_99 = tpu.memref_squeeze %dma_start3A_98 : memref<1x80xi32, #tpu.memory_space<vmem>> -> memref<80xi32, #tpu.memory_space<vmem>>
    %dma_start3A_100 = tpu.memref_slice %arg3[%dma_start3A_87, %mul3A_71] : memref<2x320000xi32, #tpu.memory_space<hbm>> -> memref<1x80xi32, #tpu.memory_space<hbm>>
    %dma_start3A_101 = tpu.memref_squeeze %dma_start3A_100 : memref<1x80xi32, #tpu.memory_space<hbm>> -> memref<80xi32, #tpu.memory_space<hbm>>
    tpu.enqueue_dma source(%dma_start3A_101 : memref<80xi32, #tpu.memory_space<hbm>>) target(%dma_start3A_99 : memref<80xi32, #tpu.memory_space<vmem>>) target_semaphore(%dma_start3A_96 : memref<!tpu.dma_semaphore, #tpu.memory_space<semaphore_mem>>)
    %mul3A_102 = arith.constant 632 : i32
    %mul3A_103 = arith.muli %arg1, %mul3A_102 : i32
    "tpu.region"() ({
      %run_scoped3A = tpu.sem_alloc : memref<!tpu.dma_semaphore, #tpu.memory_space<semaphore_mem>>
      %dma_start3A_229 = arith.constant 0 : i32
      %dma_start3A_230 = tpu.memref_slice %arg12[%mul3A_103, %dma_start3A_229] : memref<10112x128xf32, #tpu.memory_space<vmem_shared>> -> memref<632x128xf32, #tpu.memory_space<vmem_shared>>
      %dma_start3A_231 = arith.constant 0 : i32
      %dma_start3A_232 = tpu.memref_slice %arg4[%mul3A_103, %dma_start3A_231] : memref<10112x128xf32, #tpu.memory_space<hbm>> -> memref<632x128xf32, #tpu.memory_space<hbm>>
      tpu.enqueue_dma source(%dma_start3A_232 : memref<632x128xf32, #tpu.memory_space<hbm>>) target(%dma_start3A_230 : memref<632x128xf32, #tpu.memory_space<vmem_shared>>) target_semaphore(%run_scoped3A : memref<!tpu.dma_semaphore, #tpu.memory_space<semaphore_mem>>)
      %dma_wait3A_233 = arith.constant 0 : i32
      %dma_wait3A_234 = tpu.memref_slice %arg12[%mul3A_103, %dma_wait3A_233] : memref<10112x128xf32, #tpu.memory_space<vmem_shared>> -> memref<632x128xf32, #tpu.memory_space<vmem_shared>>
      %dma_wait3A_235 = arith.constant 0 : i32
      %dma_wait3A_236 = tpu.memref_slice %arg4[%mul3A_103, %dma_wait3A_235] : memref<10112x128xf32, #tpu.memory_space<hbm>> -> memref<632x128xf32, #tpu.memory_space<hbm>>
      tpu.wait_dma2 semaphore(%run_scoped3A : memref<!tpu.dma_semaphore, #tpu.memory_space<semaphore_mem>>) src(%dma_wait3A_236 : memref<632x128xf32, #tpu.memory_space<hbm>>) dst(%dma_wait3A_234 : memref<632x128xf32, #tpu.memory_space<vmem_shared>>)
      tpu.yield
    }) : () -> ()
    "tpu.region"() ({
      %run_scoped3A = tpu.sem_alloc : memref<!tpu.dma_semaphore, #tpu.memory_space<semaphore_mem>>
      %dma_start3A_229 = arith.constant 0 : i32
      %dma_start3A_230 = tpu.memref_slice %arg17[%mul3A_103, %dma_start3A_229] : memref<10112x16xf32, #tpu.memory_space<vmem_shared>> -> memref<632x16xf32, #tpu.memory_space<vmem_shared>>
      %dma_start3A_231 = arith.constant 0 : i32
      %dma_start3A_232 = tpu.memref_slice %arg5[%mul3A_103, %dma_start3A_231] : memref<10112x16xf32, #tpu.memory_space<hbm>> -> memref<632x16xf32, #tpu.memory_space<hbm>>
      tpu.enqueue_dma source(%dma_start3A_232 : memref<632x16xf32, #tpu.memory_space<hbm>>) target(%dma_start3A_230 : memref<632x16xf32, #tpu.memory_space<vmem_shared>>) target_semaphore(%run_scoped3A : memref<!tpu.dma_semaphore, #tpu.memory_space<semaphore_mem>>)
      %dma_wait3A_233 = arith.constant 0 : i32
      %dma_wait3A_234 = tpu.memref_slice %arg17[%mul3A_103, %dma_wait3A_233] : memref<10112x16xf32, #tpu.memory_space<vmem_shared>> -> memref<632x16xf32, #tpu.memory_space<vmem_shared>>
      %dma_wait3A_235 = arith.constant 0 : i32
      %dma_wait3A_236 = tpu.memref_slice %arg5[%mul3A_103, %dma_wait3A_235] : memref<10112x16xf32, #tpu.memory_space<hbm>> -> memref<632x16xf32, #tpu.memory_space<hbm>>
      tpu.wait_dma2 semaphore(%run_scoped3A : memref<!tpu.dma_semaphore, #tpu.memory_space<semaphore_mem>>) src(%dma_wait3A_236 : memref<632x16xf32, #tpu.memory_space<hbm>>) dst(%dma_wait3A_234 : memref<632x16xf32, #tpu.memory_space<vmem_shared>>)
      tpu.yield
    }) : () -> ()
    "tpu.region"() ({
      %run_scoped3A = tpu.sem_alloc : memref<!tpu.dma_semaphore, #tpu.memory_space<semaphore_mem>>
      tpu.enqueue_dma source(%arg6 : memref<80x16xf32, #tpu.memory_space<hbm>>) target(%arg16 : memref<80x16xf32, #tpu.memory_space<vmem>>) target_semaphore(%run_scoped3A : memref<!tpu.dma_semaphore, #tpu.memory_space<semaphore_mem>>)
      tpu.wait_dma2 semaphore(%run_scoped3A : memref<!tpu.dma_semaphore, #tpu.memory_space<semaphore_mem>>) src(%arg6 : memref<80x16xf32, #tpu.memory_space<hbm>>) dst(%arg16 : memref<80x16xf32, #tpu.memory_space<vmem>>)
      tpu.yield
    }) : () -> ()
    %barrier3A = arith.constant 0 : index
    tpu.barrier barrier_id(%barrier3A)
    %dma_wait3A = arith.constant 0 : i32
    %dma_wait3A_104 = arith.constant 0 : i32
    %dma_wait3A_105 = arith.constant 0 : i32
    %dma_wait3A_106 = arith.constant 0 : i32
    %dma_wait3A_107 = tpu.memref_slice %arg9[%dma_wait3A_104, %dma_wait3A_106] : memref<3x80xi32, #tpu.memory_space<vmem>> -> memref<1x80xi32, #tpu.memory_space<vmem>>
    %dma_wait3A_108 = tpu.memref_squeeze %dma_wait3A_107 : memref<1x80xi32, #tpu.memory_space<vmem>> -> memref<80xi32, #tpu.memory_space<vmem>>
    %dma_wait3A_109 = arith.constant 0 : i32
    %dma_wait3A_110 = tpu.memref_slice %arg3[%dma_wait3A, %dma_wait3A_109] : memref<2x320000xi32, #tpu.memory_space<hbm>> -> memref<1x80xi32, #tpu.memory_space<hbm>>
    %dma_wait3A_111 = tpu.memref_squeeze %dma_wait3A_110 : memref<1x80xi32, #tpu.memory_space<hbm>> -> memref<80xi32, #tpu.memory_space<hbm>>
    %dma_wait3A_112 = tpu.memref_slice %arg14[%dma_wait3A_105] : memref<3x!tpu.dma_semaphore, #tpu.memory_space<semaphore_mem>> -> memref<1x!tpu.dma_semaphore, #tpu.memory_space<semaphore_mem>>
    %dma_wait3A_113 = tpu.memref_squeeze %dma_wait3A_112 : memref<1x!tpu.dma_semaphore, #tpu.memory_space<semaphore_mem>> -> memref<!tpu.dma_semaphore, #tpu.memory_space<semaphore_mem>>
    %dma_wait3A_114 = arith.constant 0 : i32
    %dma_wait3A_115 = tpu.memref_slice %arg9[%dma_wait3A_104, %dma_wait3A_114] : memref<3x80xi32, #tpu.memory_space<vmem>> -> memref<1x80xi32, #tpu.memory_space<vmem>>
    %dma_wait3A_116 = tpu.memref_squeeze %dma_wait3A_115 : memref<1x80xi32, #tpu.memory_space<vmem>> -> memref<80xi32, #tpu.memory_space<vmem>>
    %dma_wait3A_117 = arith.constant 0 : i32
    %dma_wait3A_118 = tpu.memref_slice %arg3[%dma_wait3A, %dma_wait3A_117] : memref<2x320000xi32, #tpu.memory_space<hbm>> -> memref<1x80xi32, #tpu.memory_space<hbm>>
    %dma_wait3A_119 = tpu.memref_squeeze %dma_wait3A_118 : memref<1x80xi32, #tpu.memory_space<hbm>> -> memref<80xi32, #tpu.memory_space<hbm>>
    tpu.wait_dma2 semaphore(%dma_wait3A_113 : memref<!tpu.dma_semaphore, #tpu.memory_space<semaphore_mem>>) src(%dma_wait3A_119 : memref<80xi32, #tpu.memory_space<hbm>>) dst(%dma_wait3A_116 : memref<80xi32, #tpu.memory_space<vmem>>)
    %dma_wait3A_120 = arith.constant 1 : i32
    %dma_wait3A_121 = arith.constant 0 : i32
    %dma_wait3A_122 = arith.constant 0 : i32
    %dma_wait3A_123 = arith.constant 0 : i32
    %dma_wait3A_124 = tpu.memref_slice %arg10[%dma_wait3A_121, %dma_wait3A_123] : memref<3x80xi32, #tpu.memory_space<vmem>> -> memref<1x80xi32, #tpu.memory_space<vmem>>
    %dma_wait3A_125 = tpu.memref_squeeze %dma_wait3A_124 : memref<1x80xi32, #tpu.memory_space<vmem>> -> memref<80xi32, #tpu.memory_space<vmem>>
    %dma_wait3A_126 = arith.constant 0 : i32
    %dma_wait3A_127 = tpu.memref_slice %arg3[%dma_wait3A_120, %dma_wait3A_126] : memref<2x320000xi32, #tpu.memory_space<hbm>> -> memref<1x80xi32, #tpu.memory_space<hbm>>
    %dma_wait3A_128 = tpu.memref_squeeze %dma_wait3A_127 : memref<1x80xi32, #tpu.memory_space<hbm>> -> memref<80xi32, #tpu.memory_space<hbm>>
    %dma_wait3A_129 = tpu.memref_slice %arg14[%dma_wait3A_122] : memref<3x!tpu.dma_semaphore, #tpu.memory_space<semaphore_mem>> -> memref<1x!tpu.dma_semaphore, #tpu.memory_space<semaphore_mem>>
    %dma_wait3A_130 = tpu.memref_squeeze %dma_wait3A_129 : memref<1x!tpu.dma_semaphore, #tpu.memory_space<semaphore_mem>> -> memref<!tpu.dma_semaphore, #tpu.memory_space<semaphore_mem>>
    %dma_wait3A_131 = arith.constant 0 : i32
    %dma_wait3A_132 = tpu.memref_slice %arg10[%dma_wait3A_121, %dma_wait3A_131] : memref<3x80xi32, #tpu.memory_space<vmem>> -> memref<1x80xi32, #tpu.memory_space<vmem>>
    %dma_wait3A_133 = tpu.memref_squeeze %dma_wait3A_132 : memref<1x80xi32, #tpu.memory_space<vmem>> -> memref<80xi32, #tpu.memory_space<vmem>>
    %dma_wait3A_134 = arith.constant 0 : i32
    %dma_wait3A_135 = tpu.memref_slice %arg3[%dma_wait3A_120, %dma_wait3A_134] : memref<2x320000xi32, #tpu.memory_space<hbm>> -> memref<1x80xi32, #tpu.memory_space<hbm>>
    %dma_wait3A_136 = tpu.memref_squeeze %dma_wait3A_135 : memref<1x80xi32, #tpu.memory_space<hbm>> -> memref<80xi32, #tpu.memory_space<hbm>>
    tpu.wait_dma2 semaphore(%dma_wait3A_130 : memref<!tpu.dma_semaphore, #tpu.memory_space<semaphore_mem>>) src(%dma_wait3A_136 : memref<80xi32, #tpu.memory_space<hbm>>) dst(%dma_wait3A_133 : memref<80xi32, #tpu.memory_space<vmem>>)
    %dma_start3A_137 = arith.constant 0 : i32
    %dma_start3A_138 = arith.constant 0 : i32
    %dma_start3A_139 = arith.constant 0 : i32
    %dma_start3A_140 = arith.constant 0 : i32
    %dma_start3A_141 = arith.constant 0 : i32
    %dma_start3A_142 = tpu.memref_slice %arg11[%dma_start3A_138, %dma_start3A_140, %dma_start3A_141] : memref<3x80x128xf32, #tpu.memory_space<vmem>> -> memref<1x80x128xf32, #tpu.memory_space<vmem>>
    %dma_start3A_143 = tpu.memref_squeeze %dma_start3A_142 : memref<1x80x128xf32, #tpu.memory_space<vmem>> -> memref<80x128xf32, #tpu.memory_space<vmem>>
    %dma_start3A_144 = arith.constant 0 : i32
    %dma_start3A_145 = tpu.memref_slice %arg9[%dma_start3A_137, %dma_start3A_144] : memref<3x80xi32, #tpu.memory_space<vmem>> -> memref<1x80xi32, #tpu.memory_space<vmem>>
    %dma_start3A_146 = tpu.memref_squeeze %dma_start3A_145 : memref<1x80xi32, #tpu.memory_space<vmem>> -> memref<80xi32, #tpu.memory_space<vmem>>
    %dma_start3A_147 = arith.constant 0 : i32
    %dma_start3A_148 = arith.constant 0 : i32
    %dma_start3A_149 = tpu.memref_slice %arg2[%dma_start3A_147, %dma_start3A_148] : memref<10000x128xf32, #tpu.memory_space<hbm>> -> memref<10000x128xf32, #tpu.memory_space<hbm>>
    %dma_start3A_150 = tpu.memref_slice %arg13[%dma_start3A_139] : memref<3x!tpu.dma_semaphore, #tpu.memory_space<semaphore_mem>> -> memref<1x!tpu.dma_semaphore, #tpu.memory_space<semaphore_mem>>
    %dma_start3A_151 = tpu.memref_squeeze %dma_start3A_150 : memref<1x!tpu.dma_semaphore, #tpu.memory_space<semaphore_mem>> -> memref<!tpu.dma_semaphore, #tpu.memory_space<semaphore_mem>>
    tpu.enqueue_indirect_dma source(%dma_start3A_149 : memref<10000x128xf32, #tpu.memory_space<hbm>>) target(%dma_start3A_143 : memref<80x128xf32, #tpu.memory_space<vmem>>) offsets(%dma_start3A_146 : memref<80xi32, #tpu.memory_space<vmem>>) semaphore(%dma_start3A_151 : memref<!tpu.dma_semaphore, #tpu.memory_space<semaphore_mem>>)
    %dma_wait3A_152 = arith.constant 0 : i32
    %dma_wait3A_153 = arith.constant 1 : i32
    %dma_wait3A_154 = arith.constant 1 : i32
    %dma_wait3A_155 = arith.constant 0 : i32
    %dma_wait3A_156 = tpu.memref_slice %arg9[%dma_wait3A_153, %dma_wait3A_155] : memref<3x80xi32, #tpu.memory_space<vmem>> -> memref<1x80xi32, #tpu.memory_space<vmem>>
    %dma_wait3A_157 = tpu.memref_squeeze %dma_wait3A_156 : memref<1x80xi32, #tpu.memory_space<vmem>> -> memref<80xi32, #tpu.memory_space<vmem>>
    %dma_wait3A_158 = arith.constant 0 : i32
    %dma_wait3A_159 = tpu.memref_slice %arg3[%dma_wait3A_152, %dma_wait3A_158] : memref<2x320000xi32, #tpu.memory_space<hbm>> -> memref<1x80xi32, #tpu.memory_space<hbm>>
    %dma_wait3A_160 = tpu.memref_squeeze %dma_wait3A_159 : memref<1x80xi32, #tpu.memory_space<hbm>> -> memref<80xi32, #tpu.memory_space<hbm>>
    %dma_wait3A_161 = tpu.memref_slice %arg14[%dma_wait3A_154] : memref<3x!tpu.dma_semaphore, #tpu.memory_space<semaphore_mem>> -> memref<1x!tpu.dma_semaphore, #tpu.memory_space<semaphore_mem>>
    %dma_wait3A_162 = tpu.memref_squeeze %dma_wait3A_161 : memref<1x!tpu.dma_semaphore, #tpu.memory_space<semaphore_mem>> -> memref<!tpu.dma_semaphore, #tpu.memory_space<semaphore_mem>>
    %dma_wait3A_163 = arith.constant 0 : i32
    %dma_wait3A_164 = tpu.memref_slice %arg9[%dma_wait3A_153, %dma_wait3A_163] : memref<3x80xi32, #tpu.memory_space<vmem>> -> memref<1x80xi32, #tpu.memory_space<vmem>>
    %dma_wait3A_165 = tpu.memref_squeeze %dma_wait3A_164 : memref<1x80xi32, #tpu.memory_space<vmem>> -> memref<80xi32, #tpu.memory_space<vmem>>
    %dma_wait3A_166 = arith.constant 0 : i32
    %dma_wait3A_167 = tpu.memref_slice %arg3[%dma_wait3A_152, %dma_wait3A_166] : memref<2x320000xi32, #tpu.memory_space<hbm>> -> memref<1x80xi32, #tpu.memory_space<hbm>>
    %dma_wait3A_168 = tpu.memref_squeeze %dma_wait3A_167 : memref<1x80xi32, #tpu.memory_space<hbm>> -> memref<80xi32, #tpu.memory_space<hbm>>
    tpu.wait_dma2 semaphore(%dma_wait3A_162 : memref<!tpu.dma_semaphore, #tpu.memory_space<semaphore_mem>>) src(%dma_wait3A_168 : memref<80xi32, #tpu.memory_space<hbm>>) dst(%dma_wait3A_165 : memref<80xi32, #tpu.memory_space<vmem>>)
    %dma_wait3A_169 = arith.constant 1 : i32
    %dma_wait3A_170 = arith.constant 1 : i32
    %dma_wait3A_171 = arith.constant 1 : i32
    %dma_wait3A_172 = arith.constant 0 : i32
    %dma_wait3A_173 = tpu.memref_slice %arg10[%dma_wait3A_170, %dma_wait3A_172] : memref<3x80xi32, #tpu.memory_space<vmem>> -> memref<1x80xi32, #tpu.memory_space<vmem>>
    %dma_wait3A_174 = tpu.memref_squeeze %dma_wait3A_173 : memref<1x80xi32, #tpu.memory_space<vmem>> -> memref<80xi32, #tpu.memory_space<vmem>>
    %dma_wait3A_175 = arith.constant 0 : i32
    %dma_wait3A_176 = tpu.memref_slice %arg3[%dma_wait3A_169, %dma_wait3A_175] : memref<2x320000xi32, #tpu.memory_space<hbm>> -> memref<1x80xi32, #tpu.memory_space<hbm>>
    %dma_wait3A_177 = tpu.memref_squeeze %dma_wait3A_176 : memref<1x80xi32, #tpu.memory_space<hbm>> -> memref<80xi32, #tpu.memory_space<hbm>>
    %dma_wait3A_178 = tpu.memref_slice %arg14[%dma_wait3A_171] : memref<3x!tpu.dma_semaphore, #tpu.memory_space<semaphore_mem>> -> memref<1x!tpu.dma_semaphore, #tpu.memory_space<semaphore_mem>>
    %dma_wait3A_179 = tpu.memref_squeeze %dma_wait3A_178 : memref<1x!tpu.dma_semaphore, #tpu.memory_space<semaphore_mem>> -> memref<!tpu.dma_semaphore, #tpu.memory_space<semaphore_mem>>
    %dma_wait3A_180 = arith.constant 0 : i32
    %dma_wait3A_181 = tpu.memref_slice %arg10[%dma_wait3A_170, %dma_wait3A_180] : memref<3x80xi32, #tpu.memory_space<vmem>> -> memref<1x80xi32, #tpu.memory_space<vmem>>
    %dma_wait3A_182 = tpu.memref_squeeze %dma_wait3A_181 : memref<1x80xi32, #tpu.memory_space<vmem>> -> memref<80xi32, #tpu.memory_space<vmem>>
    %dma_wait3A_183 = arith.constant 0 : i32
    %dma_wait3A_184 = tpu.memref_slice %arg3[%dma_wait3A_169, %dma_wait3A_183] : memref<2x320000xi32, #tpu.memory_space<hbm>> -> memref<1x80xi32, #tpu.memory_space<hbm>>
    %dma_wait3A_185 = tpu.memref_squeeze %dma_wait3A_184 : memref<1x80xi32, #tpu.memory_space<hbm>> -> memref<80xi32, #tpu.memory_space<hbm>>
    tpu.wait_dma2 semaphore(%dma_wait3A_179 : memref<!tpu.dma_semaphore, #tpu.memory_space<semaphore_mem>>) src(%dma_wait3A_185 : memref<80xi32, #tpu.memory_space<hbm>>) dst(%dma_wait3A_182 : memref<80xi32, #tpu.memory_space<vmem>>)
    %dma_start3A_186 = arith.constant 1 : i32
    %dma_start3A_187 = arith.constant 1 : i32
    %dma_start3A_188 = arith.constant 1 : i32
    %dma_start3A_189 = arith.constant 0 : i32
    %dma_start3A_190 = arith.constant 0 : i32
    %dma_start3A_191 = tpu.memref_slice %arg11[%dma_start3A_187, %dma_start3A_189, %dma_start3A_190] : memref<3x80x128xf32, #tpu.memory_space<vmem>> -> memref<1x80x128xf32, #tpu.memory_space<vmem>>
    %dma_start3A_192 = tpu.memref_squeeze %dma_start3A_191 : memref<1x80x128xf32, #tpu.memory_space<vmem>> -> memref<80x128xf32, #tpu.memory_space<vmem>>
    %dma_start3A_193 = arith.constant 0 : i32
    %dma_start3A_194 = tpu.memref_slice %arg9[%dma_start3A_186, %dma_start3A_193] : memref<3x80xi32, #tpu.memory_space<vmem>> -> memref<1x80xi32, #tpu.memory_space<vmem>>
    %dma_start3A_195 = tpu.memref_squeeze %dma_start3A_194 : memref<1x80xi32, #tpu.memory_space<vmem>> -> memref<80xi32, #tpu.memory_space<vmem>>
    %dma_start3A_196 = arith.constant 0 : i32
    %dma_start3A_197 = arith.constant 0 : i32
    %dma_start3A_198 = tpu.memref_slice %arg2[%dma_start3A_196, %dma_start3A_197] : memref<10000x128xf32, #tpu.memory_space<hbm>> -> memref<10000x128xf32, #tpu.memory_space<hbm>>
    %dma_start3A_199 = tpu.memref_slice %arg13[%dma_start3A_188] : memref<3x!tpu.dma_semaphore, #tpu.memory_space<semaphore_mem>> -> memref<1x!tpu.dma_semaphore, #tpu.memory_space<semaphore_mem>>
    %dma_start3A_200 = tpu.memref_squeeze %dma_start3A_199 : memref<1x!tpu.dma_semaphore, #tpu.memory_space<semaphore_mem>> -> memref<!tpu.dma_semaphore, #tpu.memory_space<semaphore_mem>>
    tpu.enqueue_indirect_dma source(%dma_start3A_198 : memref<10000x128xf32, #tpu.memory_space<hbm>>) target(%dma_start3A_192 : memref<80x128xf32, #tpu.memory_space<vmem>>) offsets(%dma_start3A_195 : memref<80xi32, #tpu.memory_space<vmem>>) semaphore(%dma_start3A_200 : memref<!tpu.dma_semaphore, #tpu.memory_space<semaphore_mem>>)
    %scan3A = arith.constant 0 : i32
    %scan3A_201 = arith.constant 0 : i32
    %scan3A_202 = arith.constant 125 : i32
    %scan3A_203 = arith.addi %scan3A_201, %scan3A_202 : i32
    %scan3A_204 = arith.constant 1 : i32
    scf.for %scan3A_229 = %scan3A_201 to %scan3A_203 step %scan3A_204  : i32 {
      %rem3A_230 = arith.constant 3 : i32
      %rem3A_231 = arith.remsi %scan3A_229, %rem3A_230 : i32
      %add3A_232 = arith.constant 3 : i32
      %add3A_233 = arith.addi %scan3A_229, %add3A_232 : i32
      %sub3A = arith.constant 1 : i32
      %sub3A_234 = arith.subi %add3A_233, %sub3A : i32
      %rem3A_235 = arith.constant 3 : i32
      %rem3A_236 = arith.remsi %sub3A_234, %rem3A_235 : i32
      %add3A_237 = arith.constant 3 : i32
      %add3A_238 = arith.addi %scan3A_229, %add3A_237 : i32
      %sub3A_239 = arith.constant 2 : i32
      %sub3A_240 = arith.subi %add3A_238, %sub3A_239 : i32
      %rem3A_241 = arith.constant 3 : i32
      %rem3A_242 = arith.remsi %sub3A_240, %rem3A_241 : i32
      %ge3A = arith.constant 1 : i32
      %ge3A_243 = arith.cmpi sge, %scan3A_229, %ge3A : i32
      %convert_element_type3A = arith.extui %ge3A_243 : i1 to i32
      %cond3A = arith.constant 0 : i32
      %cond3A_244 = arith.cmpi ne, %convert_element_type3A, %cond3A : i32
      scf.if %cond3A_244 {
        %dma_wait3A_299 = arith.constant 0 : i32
        %dma_wait3A_300 = arith.constant 0 : i32
        %dma_wait3A_301 = tpu.memref_slice %arg11[%rem3A_236, %dma_wait3A_299, %dma_wait3A_300] : memref<3x80x128xf32, #tpu.memory_space<vmem>> -> memref<1x80x128xf32, #tpu.memory_space<vmem>>
        %dma_wait3A_302 = tpu.memref_squeeze %dma_wait3A_301 : memref<1x80x128xf32, #tpu.memory_space<vmem>> -> memref<80x128xf32, #tpu.memory_space<vmem>>
        %dma_wait3A_303 = arith.constant 0 : i32
        %dma_wait3A_304 = tpu.memref_slice %arg10[%rem3A_236, %dma_wait3A_303] : memref<3x80xi32, #tpu.memory_space<vmem>> -> memref<1x80xi32, #tpu.memory_space<vmem>>
        %dma_wait3A_305 = tpu.memref_squeeze %dma_wait3A_304 : memref<1x80xi32, #tpu.memory_space<vmem>> -> memref<80xi32, #tpu.memory_space<vmem>>
        %dma_wait3A_306 = arith.constant 0 : i32
        %dma_wait3A_307 = arith.constant 0 : i32
        %dma_wait3A_308 = tpu.memref_slice %arg12[%dma_wait3A_306, %dma_wait3A_307] : memref<10112x128xf32, #tpu.memory_space<vmem_shared>> -> memref<10112x128xf32, #tpu.memory_space<vmem_shared>>
        %dma_wait3A_309 = tpu.memref_slice %arg15[%rem3A_236] : memref<3x!tpu.dma_semaphore, #tpu.memory_space<semaphore_mem>> -> memref<1x!tpu.dma_semaphore, #tpu.memory_space<semaphore_mem>>
        %dma_wait3A_310 = tpu.memref_squeeze %dma_wait3A_309 : memref<1x!tpu.dma_semaphore, #tpu.memory_space<semaphore_mem>> -> memref<!tpu.dma_semaphore, #tpu.memory_space<semaphore_mem>>
        tpu.wait_indirect_dma semaphore(%dma_wait3A_310 : memref<!tpu.dma_semaphore, #tpu.memory_space<semaphore_mem>>) src(%dma_wait3A_302 : memref<80x128xf32, #tpu.memory_space<vmem>>) dst(%dma_wait3A_308 : memref<10112x128xf32, #tpu.memory_space<vmem_shared>>)
        %dma_wait3A_311 = arith.constant 0 : i32
        %dma_wait3A_312 = tpu.memref_slice %arg10[%rem3A_236, %dma_wait3A_311] : memref<3x80xi32, #tpu.memory_space<vmem>> -> memref<1x80xi32, #tpu.memory_space<vmem>>
        %dma_wait3A_313 = tpu.memref_squeeze %dma_wait3A_312 : memref<1x80xi32, #tpu.memory_space<vmem>> -> memref<80xi32, #tpu.memory_space<vmem>>
        %dma_wait3A_314 = arith.constant 0 : i32
        %dma_wait3A_315 = arith.constant 0 : i32
        %dma_wait3A_316 = tpu.memref_slice %arg17[%dma_wait3A_314, %dma_wait3A_315] : memref<10112x16xf32, #tpu.memory_space<vmem_shared>> -> memref<10112x16xf32, #tpu.memory_space<vmem_shared>>
        %dma_wait3A_317 = tpu.memref_slice %arg15[%rem3A_236] : memref<3x!tpu.dma_semaphore, #tpu.memory_space<semaphore_mem>> -> memref<1x!tpu.dma_semaphore, #tpu.memory_space<semaphore_mem>>
        %dma_wait3A_318 = tpu.memref_squeeze %dma_wait3A_317 : memref<1x!tpu.dma_semaphore, #tpu.memory_space<semaphore_mem>> -> memref<!tpu.dma_semaphore, #tpu.memory_space<semaphore_mem>>
        tpu.wait_indirect_dma semaphore(%dma_wait3A_318 : memref<!tpu.dma_semaphore, #tpu.memory_space<semaphore_mem>>) src(%arg16 : memref<80x16xf32, #tpu.memory_space<vmem>>) dst(%dma_wait3A_316 : memref<10112x16xf32, #tpu.memory_space<vmem_shared>>)
      } else {
      }
      %ge3A_245 = arith.constant 1 : i32
      %ge3A_246 = arith.cmpi sge, %scan3A_229, %ge3A_245 : i32
      %add3A_247 = arith.constant 3 : i32
      %add3A_248 = arith.addi %scan3A_229, %add3A_247 : i32
      %sub3A_249 = arith.constant 1 : i32
      %sub3A_250 = arith.subi %add3A_248, %sub3A_249 : i32
      %lt3A = arith.constant 125 : i32
      %lt3A_251 = arith.cmpi slt, %sub3A_250, %lt3A : i32
      %and3A = arith.andi %ge3A_246, %lt3A_251 : i1
      %convert_element_type3A_252 = arith.extui %and3A : i1 to i32
      %cond3A_253 = arith.constant 0 : i32
      %cond3A_254 = arith.cmpi ne, %convert_element_type3A_252, %cond3A_253 : i32
      scf.if %cond3A_254 {
        %add3A_299 = arith.constant 3 : i32
        %add3A_300 = arith.addi %scan3A_229, %add3A_299 : i32
        %sub3A_301 = arith.constant 1 : i32
        %sub3A_302 = arith.subi %add3A_300, %sub3A_301 : i32
        %mul3A_303 = arith.constant 32 : i32
        %mul3A_304 = arith.muli %sub3A_302, %mul3A_303 : i32
        %add3A_305 = arith.addi %add3A, %mul3A_304 : i32
        %mul3A_306 = arith.constant 80 : i32
        %mul3A_307 = arith.muli %add3A_305, %mul3A_306 : i32
        %dma_start3A_308 = arith.constant 0 : i32
        %dma_start3A_309 = arith.constant 0 : i32
        %dma_start3A_310 = tpu.memref_slice %arg9[%rem3A_236, %dma_start3A_309] : memref<3x80xi32, #tpu.memory_space<vmem>> -> memref<1x80xi32, #tpu.memory_space<vmem>>
        %dma_start3A_311 = tpu.memref_squeeze %dma_start3A_310 : memref<1x80xi32, #tpu.memory_space<vmem>> -> memref<80xi32, #tpu.memory_space<vmem>>
        %dma_start3A_312 = tpu.memref_slice %arg3[%dma_start3A_308, %mul3A_307] : memref<2x320000xi32, #tpu.memory_space<hbm>> -> memref<1x80xi32, #tpu.memory_space<hbm>>
        %dma_start3A_313 = tpu.memref_squeeze %dma_start3A_312 : memref<1x80xi32, #tpu.memory_space<hbm>> -> memref<80xi32, #tpu.memory_space<hbm>>
        %dma_start3A_314 = tpu.memref_slice %arg14[%rem3A_236] : memref<3x!tpu.dma_semaphore, #tpu.memory_space<semaphore_mem>> -> memref<1x!tpu.dma_semaphore, #tpu.memory_space<semaphore_mem>>
        %dma_start3A_315 = tpu.memref_squeeze %dma_start3A_314 : memref<1x!tpu.dma_semaphore, #tpu.memory_space<semaphore_mem>> -> memref<!tpu.dma_semaphore, #tpu.memory_space<semaphore_mem>>
        %dma_start3A_316 = arith.constant 0 : i32
        %dma_start3A_317 = tpu.memref_slice %arg9[%rem3A_236, %dma_start3A_316] : memref<3x80xi32, #tpu.memory_space<vmem>> -> memref<1x80xi32, #tpu.memory_space<vmem>>
        %dma_start3A_318 = tpu.memref_squeeze %dma_start3A_317 : memref<1x80xi32, #tpu.memory_space<vmem>> -> memref<80xi32, #tpu.memory_space<vmem>>
        %dma_start3A_319 = tpu.memref_slice %arg3[%dma_start3A_308, %mul3A_307] : memref<2x320000xi32, #tpu.memory_space<hbm>> -> memref<1x80xi32, #tpu.memory_space<hbm>>
        %dma_start3A_320 = tpu.memref_squeeze %dma_start3A_319 : memref<1x80xi32, #tpu.memory_space<hbm>> -> memref<80xi32, #tpu.memory_space<hbm>>
        tpu.enqueue_dma source(%dma_start3A_320 : memref<80xi32, #tpu.memory_space<hbm>>) target(%dma_start3A_318 : memref<80xi32, #tpu.memory_space<vmem>>) target_semaphore(%dma_start3A_315 : memref<!tpu.dma_semaphore, #tpu.memory_space<semaphore_mem>>)
        %dma_start3A_321 = arith.constant 1 : i32
        %dma_start3A_322 = arith.constant 0 : i32
        %dma_start3A_323 = tpu.memref_slice %arg10[%rem3A_236, %dma_start3A_322] : memref<3x80xi32, #tpu.memory_space<vmem>> -> memref<1x80xi32, #tpu.memory_space<vmem>>
        %dma_start3A_324 = tpu.memref_squeeze %dma_start3A_323 : memref<1x80xi32, #tpu.memory_space<vmem>> -> memref<80xi32, #tpu.memory_space<vmem>>
        %dma_start3A_325 = tpu.memref_slice %arg3[%dma_start3A_321, %mul3A_307] : memref<2x320000xi32, #tpu.memory_space<hbm>> -> memref<1x80xi32, #tpu.memory_space<hbm>>
        %dma_start3A_326 = tpu.memref_squeeze %dma_start3A_325 : memref<1x80xi32, #tpu.memory_space<hbm>> -> memref<80xi32, #tpu.memory_space<hbm>>
        %dma_start3A_327 = tpu.memref_slice %arg14[%rem3A_236] : memref<3x!tpu.dma_semaphore, #tpu.memory_space<semaphore_mem>> -> memref<1x!tpu.dma_semaphore, #tpu.memory_space<semaphore_mem>>
        %dma_start3A_328 = tpu.memref_squeeze %dma_start3A_327 : memref<1x!tpu.dma_semaphore, #tpu.memory_space<semaphore_mem>> -> memref<!tpu.dma_semaphore, #tpu.memory_space<semaphore_mem>>
        %dma_start3A_329 = arith.constant 0 : i32
        %dma_start3A_330 = tpu.memref_slice %arg10[%rem3A_236, %dma_start3A_329] : memref<3x80xi32, #tpu.memory_space<vmem>> -> memref<1x80xi32, #tpu.memory_space<vmem>>
        %dma_start3A_331 = tpu.memref_squeeze %dma_start3A_330 : memref<1x80xi32, #tpu.memory_space<vmem>> -> memref<80xi32, #tpu.memory_space<vmem>>
        %dma_start3A_332 = tpu.memref_slice %arg3[%dma_start3A_321, %mul3A_307] : memref<2x320000xi32, #tpu.memory_space<hbm>> -> memref<1x80xi32, #tpu.memory_space<hbm>>
        %dma_start3A_333 = tpu.memref_squeeze %dma_start3A_332 : memref<1x80xi32, #tpu.memory_space<hbm>> -> memref<80xi32, #tpu.memory_space<hbm>>
        tpu.enqueue_dma source(%dma_start3A_333 : memref<80xi32, #tpu.memory_space<hbm>>) target(%dma_start3A_331 : memref<80xi32, #tpu.memory_space<vmem>>) target_semaphore(%dma_start3A_328 : memref<!tpu.dma_semaphore, #tpu.memory_space<semaphore_mem>>)
      } else {
      }
      %ge3A_255 = arith.constant 1 : i32
      %ge3A_256 = arith.cmpi sge, %scan3A_229, %ge3A_255 : i32
      %add3A_257 = arith.constant 3 : i32
      %add3A_258 = arith.addi %scan3A_229, %add3A_257 : i32
      %sub3A_259 = arith.constant 2 : i32
      %sub3A_260 = arith.subi %add3A_258, %sub3A_259 : i32
      %lt3A_261 = arith.constant 125 : i32
      %lt3A_262 = arith.cmpi slt, %sub3A_260, %lt3A_261 : i32
      %and3A_263 = arith.andi %ge3A_256, %lt3A_262 : i1
      %convert_element_type3A_264 = arith.extui %and3A_263 : i1 to i32
      %cond3A_265 = arith.constant 0 : i32
      %cond3A_266 = arith.cmpi ne, %convert_element_type3A_264, %cond3A_265 : i32
      scf.if %cond3A_266 {
        %dma_wait3A_299 = arith.constant 0 : i32
        %dma_wait3A_300 = arith.constant 0 : i32
        %dma_wait3A_301 = tpu.memref_slice %arg9[%rem3A_242, %dma_wait3A_300] : memref<3x80xi32, #tpu.memory_space<vmem>> -> memref<1x80xi32, #tpu.memory_space<vmem>>
        %dma_wait3A_302 = tpu.memref_squeeze %dma_wait3A_301 : memref<1x80xi32, #tpu.memory_space<vmem>> -> memref<80xi32, #tpu.memory_space<vmem>>
        %dma_wait3A_303 = arith.constant 0 : i32
        %dma_wait3A_304 = tpu.memref_slice %arg3[%dma_wait3A_299, %dma_wait3A_303] : memref<2x320000xi32, #tpu.memory_space<hbm>> -> memref<1x80xi32, #tpu.memory_space<hbm>>
        %dma_wait3A_305 = tpu.memref_squeeze %dma_wait3A_304 : memref<1x80xi32, #tpu.memory_space<hbm>> -> memref<80xi32, #tpu.memory_space<hbm>>
        %dma_wait3A_306 = tpu.memref_slice %arg14[%rem3A_242] : memref<3x!tpu.dma_semaphore, #tpu.memory_space<semaphore_mem>> -> memref<1x!tpu.dma_semaphore, #tpu.memory_space<semaphore_mem>>
        %dma_wait3A_307 = tpu.memref_squeeze %dma_wait3A_306 : memref<1x!tpu.dma_semaphore, #tpu.memory_space<semaphore_mem>> -> memref<!tpu.dma_semaphore, #tpu.memory_space<semaphore_mem>>
        %dma_wait3A_308 = arith.constant 0 : i32
        %dma_wait3A_309 = tpu.memref_slice %arg9[%rem3A_242, %dma_wait3A_308] : memref<3x80xi32, #tpu.memory_space<vmem>> -> memref<1x80xi32, #tpu.memory_space<vmem>>
        %dma_wait3A_310 = tpu.memref_squeeze %dma_wait3A_309 : memref<1x80xi32, #tpu.memory_space<vmem>> -> memref<80xi32, #tpu.memory_space<vmem>>
        %dma_wait3A_311 = arith.constant 0 : i32
        %dma_wait3A_312 = tpu.memref_slice %arg3[%dma_wait3A_299, %dma_wait3A_311] : memref<2x320000xi32, #tpu.memory_space<hbm>> -> memref<1x80xi32, #tpu.memory_space<hbm>>
        %dma_wait3A_313 = tpu.memref_squeeze %dma_wait3A_312 : memref<1x80xi32, #tpu.memory_space<hbm>> -> memref<80xi32, #tpu.memory_space<hbm>>
        tpu.wait_dma2 semaphore(%dma_wait3A_307 : memref<!tpu.dma_semaphore, #tpu.memory_space<semaphore_mem>>) src(%dma_wait3A_313 : memref<80xi32, #tpu.memory_space<hbm>>) dst(%dma_wait3A_310 : memref<80xi32, #tpu.memory_space<vmem>>)
        %dma_wait3A_314 = arith.constant 1 : i32
        %dma_wait3A_315 = arith.constant 0 : i32
        %dma_wait3A_316 = tpu.memref_slice %arg10[%rem3A_242, %dma_wait3A_315] : memref<3x80xi32, #tpu.memory_space<vmem>> -> memref<1x80xi32, #tpu.memory_space<vmem>>
        %dma_wait3A_317 = tpu.memref_squeeze %dma_wait3A_316 : memref<1x80xi32, #tpu.memory_space<vmem>> -> memref<80xi32, #tpu.memory_space<vmem>>
        %dma_wait3A_318 = arith.constant 0 : i32
        %dma_wait3A_319 = tpu.memref_slice %arg3[%dma_wait3A_314, %dma_wait3A_318] : memref<2x320000xi32, #tpu.memory_space<hbm>> -> memref<1x80xi32, #tpu.memory_space<hbm>>
        %dma_wait3A_320 = tpu.memref_squeeze %dma_wait3A_319 : memref<1x80xi32, #tpu.memory_space<hbm>> -> memref<80xi32, #tpu.memory_space<hbm>>
        %dma_wait3A_321 = tpu.memref_slice %arg14[%rem3A_242] : memref<3x!tpu.dma_semaphore, #tpu.memory_space<semaphore_mem>> -> memref<1x!tpu.dma_semaphore, #tpu.memory_space<semaphore_mem>>
        %dma_wait3A_322 = tpu.memref_squeeze %dma_wait3A_321 : memref<1x!tpu.dma_semaphore, #tpu.memory_space<semaphore_mem>> -> memref<!tpu.dma_semaphore, #tpu.memory_space<semaphore_mem>>
        %dma_wait3A_323 = arith.constant 0 : i32
        %dma_wait3A_324 = tpu.memref_slice %arg10[%rem3A_242, %dma_wait3A_323] : memref<3x80xi32, #tpu.memory_space<vmem>> -> memref<1x80xi32, #tpu.memory_space<vmem>>
        %dma_wait3A_325 = tpu.memref_squeeze %dma_wait3A_324 : memref<1x80xi32, #tpu.memory_space<vmem>> -> memref<80xi32, #tpu.memory_space<vmem>>
        %dma_wait3A_326 = arith.constant 0 : i32
        %dma_wait3A_327 = tpu.memref_slice %arg3[%dma_wait3A_314, %dma_wait3A_326] : memref<2x320000xi32, #tpu.memory_space<hbm>> -> memref<1x80xi32, #tpu.memory_space<hbm>>
        %dma_wait3A_328 = tpu.memref_squeeze %dma_wait3A_327 : memref<1x80xi32, #tpu.memory_space<hbm>> -> memref<80xi32, #tpu.memory_space<hbm>>
        tpu.wait_dma2 semaphore(%dma_wait3A_322 : memref<!tpu.dma_semaphore, #tpu.memory_space<semaphore_mem>>) src(%dma_wait3A_328 : memref<80xi32, #tpu.memory_space<hbm>>) dst(%dma_wait3A_325 : memref<80xi32, #tpu.memory_space<vmem>>)
        %dma_start3A_329 = arith.constant 0 : i32
        %dma_start3A_330 = arith.constant 0 : i32
        %dma_start3A_331 = tpu.memref_slice %arg11[%rem3A_242, %dma_start3A_329, %dma_start3A_330] : memref<3x80x128xf32, #tpu.memory_space<vmem>> -> memref<1x80x128xf32, #tpu.memory_space<vmem>>
        %dma_start3A_332 = tpu.memref_squeeze %dma_start3A_331 : memref<1x80x128xf32, #tpu.memory_space<vmem>> -> memref<80x128xf32, #tpu.memory_space<vmem>>
        %dma_start3A_333 = arith.constant 0 : i32
        %dma_start3A_334 = tpu.memref_slice %arg9[%rem3A_242, %dma_start3A_333] : memref<3x80xi32, #tpu.memory_space<vmem>> -> memref<1x80xi32, #tpu.memory_space<vmem>>
        %dma_start3A_335 = tpu.memref_squeeze %dma_start3A_334 : memref<1x80xi32, #tpu.memory_space<vmem>> -> memref<80xi32, #tpu.memory_space<vmem>>
        %dma_start3A_336 = arith.constant 0 : i32
        %dma_start3A_337 = arith.constant 0 : i32
        %dma_start3A_338 = tpu.memref_slice %arg2[%dma_start3A_336, %dma_start3A_337] : memref<10000x128xf32, #tpu.memory_space<hbm>> -> memref<10000x128xf32, #tpu.memory_space<hbm>>
        %dma_start3A_339 = tpu.memref_slice %arg13[%rem3A_242] : memref<3x!tpu.dma_semaphore, #tpu.memory_space<semaphore_mem>> -> memref<1x!tpu.dma_semaphore, #tpu.memory_space<semaphore_mem>>
        %dma_start3A_340 = tpu.memref_squeeze %dma_start3A_339 : memref<1x!tpu.dma_semaphore, #tpu.memory_space<semaphore_mem>> -> memref<!tpu.dma_semaphore, #tpu.memory_space<semaphore_mem>>
        tpu.enqueue_indirect_dma source(%dma_start3A_338 : memref<10000x128xf32, #tpu.memory_space<hbm>>) target(%dma_start3A_332 : memref<80x128xf32, #tpu.memory_space<vmem>>) offsets(%dma_start3A_335 : memref<80xi32, #tpu.memory_space<vmem>>) semaphore(%dma_start3A_340 : memref<!tpu.dma_semaphore, #tpu.memory_space<semaphore_mem>>)
      } else {
      }
      %dma_wait3A_267 = arith.constant 0 : i32
      %dma_wait3A_268 = arith.constant 0 : i32
      %dma_wait3A_269 = tpu.memref_slice %arg11[%rem3A_231, %dma_wait3A_267, %dma_wait3A_268] : memref<3x80x128xf32, #tpu.memory_space<vmem>> -> memref<1x80x128xf32, #tpu.memory_space<vmem>>
      %dma_wait3A_270 = tpu.memref_squeeze %dma_wait3A_269 : memref<1x80x128xf32, #tpu.memory_space<vmem>> -> memref<80x128xf32, #tpu.memory_space<vmem>>
      %dma_wait3A_271 = arith.constant 0 : i32
      %dma_wait3A_272 = tpu.memref_slice %arg9[%rem3A_231, %dma_wait3A_271] : memref<3x80xi32, #tpu.memory_space<vmem>> -> memref<1x80xi32, #tpu.memory_space<vmem>>
      %dma_wait3A_273 = tpu.memref_squeeze %dma_wait3A_272 : memref<1x80xi32, #tpu.memory_space<vmem>> -> memref<80xi32, #tpu.memory_space<vmem>>
      %dma_wait3A_274 = arith.constant 0 : i32
      %dma_wait3A_275 = arith.constant 0 : i32
      %dma_wait3A_276 = tpu.memref_slice %arg2[%dma_wait3A_274, %dma_wait3A_275] : memref<10000x128xf32, #tpu.memory_space<hbm>> -> memref<10000x128xf32, #tpu.memory_space<hbm>>
      %dma_wait3A_277 = tpu.memref_slice %arg13[%rem3A_231] : memref<3x!tpu.dma_semaphore, #tpu.memory_space<semaphore_mem>> -> memref<1x!tpu.dma_semaphore, #tpu.memory_space<semaphore_mem>>
      %dma_wait3A_278 = tpu.memref_squeeze %dma_wait3A_277 : memref<1x!tpu.dma_semaphore, #tpu.memory_space<semaphore_mem>> -> memref<!tpu.dma_semaphore, #tpu.memory_space<semaphore_mem>>
      tpu.wait_indirect_dma semaphore(%dma_wait3A_278 : memref<!tpu.dma_semaphore, #tpu.memory_space<semaphore_mem>>) src(%dma_wait3A_276 : memref<10000x128xf32, #tpu.memory_space<hbm>>) dst(%dma_wait3A_270 : memref<80x128xf32, #tpu.memory_space<vmem>>)
      %dma_start3A_279 = arith.constant 0 : i32
      %dma_start3A_280 = arith.constant 0 : i32
      %dma_start3A_281 = tpu.memref_slice %arg11[%rem3A_231, %dma_start3A_279, %dma_start3A_280] : memref<3x80x128xf32, #tpu.memory_space<vmem>> -> memref<1x80x128xf32, #tpu.memory_space<vmem>>
      %dma_start3A_282 = tpu.memref_squeeze %dma_start3A_281 : memref<1x80x128xf32, #tpu.memory_space<vmem>> -> memref<80x128xf32, #tpu.memory_space<vmem>>
      %dma_start3A_283 = arith.constant 0 : i32
      %dma_start3A_284 = tpu.memref_slice %arg10[%rem3A_231, %dma_start3A_283] : memref<3x80xi32, #tpu.memory_space<vmem>> -> memref<1x80xi32, #tpu.memory_space<vmem>>
      %dma_start3A_285 = tpu.memref_squeeze %dma_start3A_284 : memref<1x80xi32, #tpu.memory_space<vmem>> -> memref<80xi32, #tpu.memory_space<vmem>>
      %dma_start3A_286 = arith.constant 0 : i32
      %dma_start3A_287 = arith.constant 0 : i32
      %dma_start3A_288 = tpu.memref_slice %arg12[%dma_start3A_286, %dma_start3A_287] : memref<10112x128xf32, #tpu.memory_space<vmem_shared>> -> memref<10112x128xf32, #tpu.memory_space<vmem_shared>>
      %dma_start3A_289 = tpu.memref_slice %arg15[%rem3A_231] : memref<3x!tpu.dma_semaphore, #tpu.memory_space<semaphore_mem>> -> memref<1x!tpu.dma_semaphore, #tpu.memory_space<semaphore_mem>>
      %dma_start3A_290 = tpu.memref_squeeze %dma_start3A_289 : memref<1x!tpu.dma_semaphore, #tpu.memory_space<semaphore_mem>> -> memref<!tpu.dma_semaphore, #tpu.memory_space<semaphore_mem>>
      tpu.enqueue_indirect_dma source(%dma_start3A_282 : memref<80x128xf32, #tpu.memory_space<vmem>>) target(%dma_start3A_288 : memref<10112x128xf32, #tpu.memory_space<vmem_shared>>) offsets(%dma_start3A_285 : memref<80xi32, #tpu.memory_space<vmem>>) semaphore(%dma_start3A_290 : memref<!tpu.dma_semaphore, #tpu.memory_space<semaphore_mem>>) {add = true}
      %dma_start3A_291 = arith.constant 0 : i32
      %dma_start3A_292 = tpu.memref_slice %arg10[%rem3A_231, %dma_start3A_291] : memref<3x80xi32, #tpu.memory_space<vmem>> -> memref<1x80xi32, #tpu.memory_space<vmem>>
      %dma_start3A_293 = tpu.memref_squeeze %dma_start3A_292 : memref<1x80xi32, #tpu.memory_space<vmem>> -> memref<80xi32, #tpu.memory_space<vmem>>
      %dma_start3A_294 = arith.constant 0 : i32
      %dma_start3A_295 = arith.constant 0 : i32
      %dma_start3A_296 = tpu.memref_slice %arg17[%dma_start3A_294, %dma_start3A_295] : memref<10112x16xf32, #tpu.memory_space<vmem_shared>> -> memref<10112x16xf32, #tpu.memory_space<vmem_shared>>
      %dma_start3A_297 = tpu.memref_slice %arg15[%rem3A_231] : memref<3x!tpu.dma_semaphore, #tpu.memory_space<semaphore_mem>> -> memref<1x!tpu.dma_semaphore, #tpu.memory_space<semaphore_mem>>
      %dma_start3A_298 = tpu.memref_squeeze %dma_start3A_297 : memref<1x!tpu.dma_semaphore, #tpu.memory_space<semaphore_mem>> -> memref<!tpu.dma_semaphore, #tpu.memory_space<semaphore_mem>>
      tpu.enqueue_indirect_dma source(%arg16 : memref<80x16xf32, #tpu.memory_space<vmem>>) target(%dma_start3A_296 : memref<10112x16xf32, #tpu.memory_space<vmem_shared>>) offsets(%dma_start3A_293 : memref<80xi32, #tpu.memory_space<vmem>>) semaphore(%dma_start3A_298 : memref<!tpu.dma_semaphore, #tpu.memory_space<semaphore_mem>>) {add = true}
    }
    %scan3A_205 = arith.constant 125 : i32
    %rem3A = arith.constant 124 : i32
    %rem3A_206 = arith.constant 3 : i32
    %rem3A_207 = arith.remsi %rem3A, %rem3A_206 : i32
    %dma_wait3A_208 = arith.constant 0 : i32
    %dma_wait3A_209 = arith.constant 0 : i32
    %dma_wait3A_210 = tpu.memref_slice %arg11[%rem3A_207, %dma_wait3A_208, %dma_wait3A_209] : memref<3x80x128xf32, #tpu.memory_space<vmem>> -> memref<1x80x128xf32, #tpu.memory_space<vmem>>
    %dma_wait3A_211 = tpu.memref_squeeze %dma_wait3A_210 : memref<1x80x128xf32, #tpu.memory_space<vmem>> -> memref<80x128xf32, #tpu.memory_space<vmem>>
    %dma_wait3A_212 = arith.constant 0 : i32
    %dma_wait3A_213 = tpu.memref_slice %arg10[%rem3A_207, %dma_wait3A_212] : memref<3x80xi32, #tpu.memory_space<vmem>> -> memref<1x80xi32, #tpu.memory_space<vmem>>
    %dma_wait3A_214 = tpu.memref_squeeze %dma_wait3A_213 : memref<1x80xi32, #tpu.memory_space<vmem>> -> memref<80xi32, #tpu.memory_space<vmem>>
    %dma_wait3A_215 = arith.constant 0 : i32
    %dma_wait3A_216 = arith.constant 0 : i32
    %dma_wait3A_217 = tpu.memref_slice %arg12[%dma_wait3A_215, %dma_wait3A_216] : memref<10112x128xf32, #tpu.memory_space<vmem_shared>> -> memref<10112x128xf32, #tpu.memory_space<vmem_shared>>
    %dma_wait3A_218 = tpu.memref_slice %arg15[%rem3A_207] : memref<3x!tpu.dma_semaphore, #tpu.memory_space<semaphore_mem>> -> memref<1x!tpu.dma_semaphore, #tpu.memory_space<semaphore_mem>>
    %dma_wait3A_219 = tpu.memref_squeeze %dma_wait3A_218 : memref<1x!tpu.dma_semaphore, #tpu.memory_space<semaphore_mem>> -> memref<!tpu.dma_semaphore, #tpu.memory_space<semaphore_mem>>
    tpu.wait_indirect_dma semaphore(%dma_wait3A_219 : memref<!tpu.dma_semaphore, #tpu.memory_space<semaphore_mem>>) src(%dma_wait3A_211 : memref<80x128xf32, #tpu.memory_space<vmem>>) dst(%dma_wait3A_217 : memref<10112x128xf32, #tpu.memory_space<vmem_shared>>)
    %dma_wait3A_220 = arith.constant 0 : i32
    %dma_wait3A_221 = tpu.memref_slice %arg10[%rem3A_207, %dma_wait3A_220] : memref<3x80xi32, #tpu.memory_space<vmem>> -> memref<1x80xi32, #tpu.memory_space<vmem>>
    %dma_wait3A_222 = tpu.memref_squeeze %dma_wait3A_221 : memref<1x80xi32, #tpu.memory_space<vmem>> -> memref<80xi32, #tpu.memory_space<vmem>>
    %dma_wait3A_223 = arith.constant 0 : i32
    %dma_wait3A_224 = arith.constant 0 : i32
    %dma_wait3A_225 = tpu.memref_slice %arg17[%dma_wait3A_223, %dma_wait3A_224] : memref<10112x16xf32, #tpu.memory_space<vmem_shared>> -> memref<10112x16xf32, #tpu.memory_space<vmem_shared>>
    %dma_wait3A_226 = tpu.memref_slice %arg15[%rem3A_207] : memref<3x!tpu.dma_semaphore, #tpu.memory_space<semaphore_mem>> -> memref<1x!tpu.dma_semaphore, #tpu.memory_space<semaphore_mem>>
    %dma_wait3A_227 = tpu.memref_squeeze %dma_wait3A_226 : memref<1x!tpu.dma_semaphore, #tpu.memory_space<semaphore_mem>> -> memref<!tpu.dma_semaphore, #tpu.memory_space<semaphore_mem>>
    tpu.wait_indirect_dma semaphore(%dma_wait3A_227 : memref<!tpu.dma_semaphore, #tpu.memory_space<semaphore_mem>>) src(%arg16 : memref<80x16xf32, #tpu.memory_space<vmem>>) dst(%dma_wait3A_225 : memref<10112x16xf32, #tpu.memory_space<vmem_shared>>)
    %barrier3A_228 = arith.constant 0 : index
    tpu.barrier barrier_id(%barrier3A_228)
    "tpu.region"() ({
      %run_scoped3A = tpu.sem_alloc : memref<!tpu.dma_semaphore, #tpu.memory_space<semaphore_mem>>
      %dma_start3A_229 = arith.constant 0 : i32
      %dma_start3A_230 = tpu.memref_slice %arg7[%arg0, %mul3A_103, %dma_start3A_229] : memref<2x10112x128xf32, #tpu.memory_space<hbm>> -> memref<1x632x128xf32, #tpu.memory_space<hbm>>
      %dma_start3A_231 = tpu.memref_squeeze %dma_start3A_230 : memref<1x632x128xf32, #tpu.memory_space<hbm>> -> memref<632x128xf32, #tpu.memory_space<hbm>>
      %dma_start3A_232 = arith.constant 0 : i32
      %dma_start3A_233 = tpu.memref_slice %arg12[%mul3A_103, %dma_start3A_232] : memref<10112x128xf32, #tpu.memory_space<vmem_shared>> -> memref<632x128xf32, #tpu.memory_space<vmem_shared>>
      tpu.enqueue_dma source(%dma_start3A_233 : memref<632x128xf32, #tpu.memory_space<vmem_shared>>) target(%dma_start3A_231 : memref<632x128xf32, #tpu.memory_space<hbm>>) target_semaphore(%run_scoped3A : memref<!tpu.dma_semaphore, #tpu.memory_space<semaphore_mem>>)
      %dma_wait3A_234 = arith.constant 0 : i32
      %dma_wait3A_235 = tpu.memref_slice %arg7[%arg0, %mul3A_103, %dma_wait3A_234] : memref<2x10112x128xf32, #tpu.memory_space<hbm>> -> memref<1x632x128xf32, #tpu.memory_space<hbm>>
      %dma_wait3A_236 = tpu.memref_squeeze %dma_wait3A_235 : memref<1x632x128xf32, #tpu.memory_space<hbm>> -> memref<632x128xf32, #tpu.memory_space<hbm>>
      %dma_wait3A_237 = arith.constant 0 : i32
      %dma_wait3A_238 = tpu.memref_slice %arg12[%mul3A_103, %dma_wait3A_237] : memref<10112x128xf32, #tpu.memory_space<vmem_shared>> -> memref<632x128xf32, #tpu.memory_space<vmem_shared>>
      tpu.wait_dma2 semaphore(%run_scoped3A : memref<!tpu.dma_semaphore, #tpu.memory_space<semaphore_mem>>) src(%dma_wait3A_238 : memref<632x128xf32, #tpu.memory_space<vmem_shared>>) dst(%dma_wait3A_236 : memref<632x128xf32, #tpu.memory_space<hbm>>)
      tpu.yield
    }) : () -> ()
    "tpu.region"() ({
      %run_scoped3A = tpu.sem_alloc : memref<!tpu.dma_semaphore, #tpu.memory_space<semaphore_mem>>
      %dma_start3A_229 = arith.constant 0 : i32
      %dma_start3A_230 = tpu.memref_slice %arg8[%arg0, %mul3A_103, %dma_start3A_229] : memref<2x10112x16xf32, #tpu.memory_space<hbm>> -> memref<1x632x16xf32, #tpu.memory_space<hbm>>
      %dma_start3A_231 = tpu.memref_squeeze %dma_start3A_230 : memref<1x632x16xf32, #tpu.memory_space<hbm>> -> memref<632x16xf32, #tpu.memory_space<hbm>>
      %dma_start3A_232 = arith.constant 0 : i32
      %dma_start3A_233 = tpu.memref_slice %arg17[%mul3A_103, %dma_start3A_232] : memref<10112x16xf32, #tpu.memory_space<vmem_shared>> -> memref<632x16xf32, #tpu.memory_space<vmem_shared>>
      tpu.enqueue_dma source(%dma_start3A_233 : memref<632x16xf32, #tpu.memory_space<vmem_shared>>) target(%dma_start3A_231 : memref<632x16xf32, #tpu.memory_space<hbm>>) target_semaphore(%run_scoped3A : memref<!tpu.dma_semaphore, #tpu.memory_space<semaphore_mem>>)
      %dma_wait3A_234 = arith.constant 0 : i32
      %dma_wait3A_235 = tpu.memref_slice %arg8[%arg0, %mul3A_103, %dma_wait3A_234] : memref<2x10112x16xf32, #tpu.memory_space<hbm>> -> memref<1x632x16xf32, #tpu.memory_space<hbm>>
      %dma_wait3A_236 = tpu.memref_squeeze %dma_wait3A_235 : memref<1x632x16xf32, #tpu.memory_space<hbm>> -> memref<632x16xf32, #tpu.memory_space<hbm>>
      %dma_wait3A_237 = arith.constant 0 : i32
      %dma_wait3A_238 = tpu.memref_slice %arg17[%mul3A_103, %dma_wait3A_237] : memref<10112x16xf32, #tpu.memory_space<vmem_shared>> -> memref<632x16xf32, #tpu.memory_space<vmem_shared>>
      tpu.wait_dma2 semaphore(%run_scoped3A : memref<!tpu.dma_semaphore, #tpu.memory_space<semaphore_mem>>) src(%dma_wait3A_238 : memref<632x16xf32, #tpu.memory_space<vmem_shared>>) dst(%dma_wait3A_236 : memref<632x16xf32, #tpu.memory_space<hbm>>)
      tpu.yield
    }) : () -> ()
    return
  }
}

#map = affine_map<(d0, d1) -> (0, 0)>
#map1 = affine_map<(d0, d1) -> (0, 0, 0)>
module attributes {stable_mosaic.version = 14 : i64} {
  func.func @body(%arg0: i32, %arg1: i32, %arg2: memref<10000x64xf32, #tpu.memory_space<hbm>>, %arg3: memref<2x320000xi32, #tpu.memory_space<hbm>>, %arg4: memref<10112x64xf32, #tpu.memory_space<hbm>>, %arg5: memref<2x10112x64xf32, #tpu.memory_space<hbm>>, %arg6: memref<10x128xi32, #tpu.memory_space<vmem>>, %arg7: memref<10x128xi32, #tpu.memory_space<vmem>>, %arg8: memref<10x128x64xf32, #tpu.memory_space<vmem>>, %arg9: memref<10112x64xf32, #tpu.memory_space<vmem_shared>>, %arg10: memref<10x!tpu.dma_semaphore, #tpu.memory_space<semaphore_mem>>, %arg11: memref<10x!tpu.dma_semaphore, #tpu.memory_space<semaphore_mem>>, %arg12: memref<10x!tpu.dma_semaphore, #tpu.memory_space<semaphore_mem>>) attributes {dimension_semantics = [#tpu.dimension_semantics<core_parallel>, #tpu.dimension_semantics<subcore_parallel>], iteration_bounds = array<i64: 2, 16>, scalar_prefetch = 0 : i64, scratch_operands = 7 : i64, tpu.core_type = #tpu.core_type<sc_vector_subcore>, window_params = [{transform_indices = #map}, {transform_indices = #map}, {transform_indices = #map}, {transform_indices = #map1}]} {
    %mul3A = arith.constant 2 : i32
    %mul3A_0 = arith.muli %arg1, %mul3A : i32
    %add3A = arith.addi %mul3A_0, %arg0 : i32
    %lt3A = arith.constant 4 : i32
    %lt3A_1 = arith.cmpi slt, %add3A, %lt3A : i32
    %jit3A = arith.constant 1 : i32
    %jit3A_2 = arith.constant 0 : i32
    %select_n3A = arith.select %lt3A_1, %jit3A, %jit3A_2 : i32
    %add3A_3 = arith.constant 78 : i32
    %add3A_4 = arith.addi %add3A_3, %select_n3A : i32
    %add3A_5 = arith.constant 0 : i32
    %add3A_6 = arith.addi %add3A, %add3A_5 : i32
    %mul3A_7 = arith.constant 128 : i32
    %mul3A_8 = arith.muli %add3A_6, %mul3A_7 : i32
    %dma_start3A = arith.constant 0 : i32
    %dma_start3A_9 = arith.constant 0 : i32
    %dma_start3A_10 = arith.constant 0 : i32
    %dma_start3A_11 = arith.constant 0 : i32
    %dma_start3A_12 = tpu.memref_slice %arg6[%dma_start3A_9, %dma_start3A_11] : memref<10x128xi32, #tpu.memory_space<vmem>> -> memref<1x128xi32, #tpu.memory_space<vmem>>
    %dma_start3A_13 = tpu.memref_squeeze %dma_start3A_12 : memref<1x128xi32, #tpu.memory_space<vmem>> -> memref<128xi32, #tpu.memory_space<vmem>>
    %dma_start3A_14 = tpu.memref_slice %arg3[%dma_start3A, %mul3A_8] : memref<2x320000xi32, #tpu.memory_space<hbm>> -> memref<1x128xi32, #tpu.memory_space<hbm>>
    %dma_start3A_15 = tpu.memref_squeeze %dma_start3A_14 : memref<1x128xi32, #tpu.memory_space<hbm>> -> memref<128xi32, #tpu.memory_space<hbm>>
    %dma_start3A_16 = tpu.memref_slice %arg11[%dma_start3A_10] : memref<10x!tpu.dma_semaphore, #tpu.memory_space<semaphore_mem>> -> memref<1x!tpu.dma_semaphore, #tpu.memory_space<semaphore_mem>>
    %dma_start3A_17 = tpu.memref_squeeze %dma_start3A_16 : memref<1x!tpu.dma_semaphore, #tpu.memory_space<semaphore_mem>> -> memref<!tpu.dma_semaphore, #tpu.memory_space<semaphore_mem>>
    %dma_start3A_18 = arith.constant 0 : i32
    %dma_start3A_19 = tpu.memref_slice %arg6[%dma_start3A_9, %dma_start3A_18] : memref<10x128xi32, #tpu.memory_space<vmem>> -> memref<1x128xi32, #tpu.memory_space<vmem>>
    %dma_start3A_20 = tpu.memref_squeeze %dma_start3A_19 : memref<1x128xi32, #tpu.memory_space<vmem>> -> memref<128xi32, #tpu.memory_space<vmem>>
    %dma_start3A_21 = tpu.memref_slice %arg3[%dma_start3A, %mul3A_8] : memref<2x320000xi32, #tpu.memory_space<hbm>> -> memref<1x128xi32, #tpu.memory_space<hbm>>
    %dma_start3A_22 = tpu.memref_squeeze %dma_start3A_21 : memref<1x128xi32, #tpu.memory_space<hbm>> -> memref<128xi32, #tpu.memory_space<hbm>>
    tpu.enqueue_dma source(%dma_start3A_22 : memref<128xi32, #tpu.memory_space<hbm>>) target(%dma_start3A_20 : memref<128xi32, #tpu.memory_space<vmem>>) target_semaphore(%dma_start3A_17 : memref<!tpu.dma_semaphore, #tpu.memory_space<semaphore_mem>>)
    %dma_start3A_23 = arith.constant 1 : i32
    %dma_start3A_24 = arith.constant 0 : i32
    %dma_start3A_25 = arith.constant 0 : i32
    %dma_start3A_26 = arith.constant 0 : i32
    %dma_start3A_27 = tpu.memref_slice %arg7[%dma_start3A_24, %dma_start3A_26] : memref<10x128xi32, #tpu.memory_space<vmem>> -> memref<1x128xi32, #tpu.memory_space<vmem>>
    %dma_start3A_28 = tpu.memref_squeeze %dma_start3A_27 : memref<1x128xi32, #tpu.memory_space<vmem>> -> memref<128xi32, #tpu.memory_space<vmem>>
    %dma_start3A_29 = tpu.memref_slice %arg3[%dma_start3A_23, %mul3A_8] : memref<2x320000xi32, #tpu.memory_space<hbm>> -> memref<1x128xi32, #tpu.memory_space<hbm>>
    %dma_start3A_30 = tpu.memref_squeeze %dma_start3A_29 : memref<1x128xi32, #tpu.memory_space<hbm>> -> memref<128xi32, #tpu.memory_space<hbm>>
    %dma_start3A_31 = tpu.memref_slice %arg11[%dma_start3A_25] : memref<10x!tpu.dma_semaphore, #tpu.memory_space<semaphore_mem>> -> memref<1x!tpu.dma_semaphore, #tpu.memory_space<semaphore_mem>>
    %dma_start3A_32 = tpu.memref_squeeze %dma_start3A_31 : memref<1x!tpu.dma_semaphore, #tpu.memory_space<semaphore_mem>> -> memref<!tpu.dma_semaphore, #tpu.memory_space<semaphore_mem>>
    %dma_start3A_33 = arith.constant 0 : i32
    %dma_start3A_34 = tpu.memref_slice %arg7[%dma_start3A_24, %dma_start3A_33] : memref<10x128xi32, #tpu.memory_space<vmem>> -> memref<1x128xi32, #tpu.memory_space<vmem>>
    %dma_start3A_35 = tpu.memref_squeeze %dma_start3A_34 : memref<1x128xi32, #tpu.memory_space<vmem>> -> memref<128xi32, #tpu.memory_space<vmem>>
    %dma_start3A_36 = tpu.memref_slice %arg3[%dma_start3A_23, %mul3A_8] : memref<2x320000xi32, #tpu.memory_space<hbm>> -> memref<1x128xi32, #tpu.memory_space<hbm>>
    %dma_start3A_37 = tpu.memref_squeeze %dma_start3A_36 : memref<1x128xi32, #tpu.memory_space<hbm>> -> memref<128xi32, #tpu.memory_space<hbm>>
    tpu.enqueue_dma source(%dma_start3A_37 : memref<128xi32, #tpu.memory_space<hbm>>) target(%dma_start3A_35 : memref<128xi32, #tpu.memory_space<vmem>>) target_semaphore(%dma_start3A_32 : memref<!tpu.dma_semaphore, #tpu.memory_space<semaphore_mem>>)
    %add3A_38 = arith.constant 32 : i32
    %add3A_39 = arith.addi %add3A, %add3A_38 : i32
    %mul3A_40 = arith.constant 128 : i32
    %mul3A_41 = arith.muli %add3A_39, %mul3A_40 : i32
    %dma_start3A_42 = arith.constant 0 : i32
    %dma_start3A_43 = arith.constant 1 : i32
    %dma_start3A_44 = arith.constant 1 : i32
    %dma_start3A_45 = arith.constant 0 : i32
    %dma_start3A_46 = tpu.memref_slice %arg6[%dma_start3A_43, %dma_start3A_45] : memref<10x128xi32, #tpu.memory_space<vmem>> -> memref<1x128xi32, #tpu.memory_space<vmem>>
    %dma_start3A_47 = tpu.memref_squeeze %dma_start3A_46 : memref<1x128xi32, #tpu.memory_space<vmem>> -> memref<128xi32, #tpu.memory_space<vmem>>
    %dma_start3A_48 = tpu.memref_slice %arg3[%dma_start3A_42, %mul3A_41] : memref<2x320000xi32, #tpu.memory_space<hbm>> -> memref<1x128xi32, #tpu.memory_space<hbm>>
    %dma_start3A_49 = tpu.memref_squeeze %dma_start3A_48 : memref<1x128xi32, #tpu.memory_space<hbm>> -> memref<128xi32, #tpu.memory_space<hbm>>
    %dma_start3A_50 = tpu.memref_slice %arg11[%dma_start3A_44] : memref<10x!tpu.dma_semaphore, #tpu.memory_space<semaphore_mem>> -> memref<1x!tpu.dma_semaphore, #tpu.memory_space<semaphore_mem>>
    %dma_start3A_51 = tpu.memref_squeeze %dma_start3A_50 : memref<1x!tpu.dma_semaphore, #tpu.memory_space<semaphore_mem>> -> memref<!tpu.dma_semaphore, #tpu.memory_space<semaphore_mem>>
    %dma_start3A_52 = arith.constant 0 : i32
    %dma_start3A_53 = tpu.memref_slice %arg6[%dma_start3A_43, %dma_start3A_52] : memref<10x128xi32, #tpu.memory_space<vmem>> -> memref<1x128xi32, #tpu.memory_space<vmem>>
    %dma_start3A_54 = tpu.memref_squeeze %dma_start3A_53 : memref<1x128xi32, #tpu.memory_space<vmem>> -> memref<128xi32, #tpu.memory_space<vmem>>
    %dma_start3A_55 = tpu.memref_slice %arg3[%dma_start3A_42, %mul3A_41] : memref<2x320000xi32, #tpu.memory_space<hbm>> -> memref<1x128xi32, #tpu.memory_space<hbm>>
    %dma_start3A_56 = tpu.memref_squeeze %dma_start3A_55 : memref<1x128xi32, #tpu.memory_space<hbm>> -> memref<128xi32, #tpu.memory_space<hbm>>
    tpu.enqueue_dma source(%dma_start3A_56 : memref<128xi32, #tpu.memory_space<hbm>>) target(%dma_start3A_54 : memref<128xi32, #tpu.memory_space<vmem>>) target_semaphore(%dma_start3A_51 : memref<!tpu.dma_semaphore, #tpu.memory_space<semaphore_mem>>)
    %dma_start3A_57 = arith.constant 1 : i32
    %dma_start3A_58 = arith.constant 1 : i32
    %dma_start3A_59 = arith.constant 1 : i32
    %dma_start3A_60 = arith.constant 0 : i32
    %dma_start3A_61 = tpu.memref_slice %arg7[%dma_start3A_58, %dma_start3A_60] : memref<10x128xi32, #tpu.memory_space<vmem>> -> memref<1x128xi32, #tpu.memory_space<vmem>>
    %dma_start3A_62 = tpu.memref_squeeze %dma_start3A_61 : memref<1x128xi32, #tpu.memory_space<vmem>> -> memref<128xi32, #tpu.memory_space<vmem>>
    %dma_start3A_63 = tpu.memref_slice %arg3[%dma_start3A_57, %mul3A_41] : memref<2x320000xi32, #tpu.memory_space<hbm>> -> memref<1x128xi32, #tpu.memory_space<hbm>>
    %dma_start3A_64 = tpu.memref_squeeze %dma_start3A_63 : memref<1x128xi32, #tpu.memory_space<hbm>> -> memref<128xi32, #tpu.memory_space<hbm>>
    %dma_start3A_65 = tpu.memref_slice %arg11[%dma_start3A_59] : memref<10x!tpu.dma_semaphore, #tpu.memory_space<semaphore_mem>> -> memref<1x!tpu.dma_semaphore, #tpu.memory_space<semaphore_mem>>
    %dma_start3A_66 = tpu.memref_squeeze %dma_start3A_65 : memref<1x!tpu.dma_semaphore, #tpu.memory_space<semaphore_mem>> -> memref<!tpu.dma_semaphore, #tpu.memory_space<semaphore_mem>>
    %dma_start3A_67 = arith.constant 0 : i32
    %dma_start3A_68 = tpu.memref_slice %arg7[%dma_start3A_58, %dma_start3A_67] : memref<10x128xi32, #tpu.memory_space<vmem>> -> memref<1x128xi32, #tpu.memory_space<vmem>>
    %dma_start3A_69 = tpu.memref_squeeze %dma_start3A_68 : memref<1x128xi32, #tpu.memory_space<vmem>> -> memref<128xi32, #tpu.memory_space<vmem>>
    %dma_start3A_70 = tpu.memref_slice %arg3[%dma_start3A_57, %mul3A_41] : memref<2x320000xi32, #tpu.memory_space<hbm>> -> memref<1x128xi32, #tpu.memory_space<hbm>>
    %dma_start3A_71 = tpu.memref_squeeze %dma_start3A_70 : memref<1x128xi32, #tpu.memory_space<hbm>> -> memref<128xi32, #tpu.memory_space<hbm>>
    tpu.enqueue_dma source(%dma_start3A_71 : memref<128xi32, #tpu.memory_space<hbm>>) target(%dma_start3A_69 : memref<128xi32, #tpu.memory_space<vmem>>) target_semaphore(%dma_start3A_66 : memref<!tpu.dma_semaphore, #tpu.memory_space<semaphore_mem>>)
    %add3A_72 = arith.constant 64 : i32
    %add3A_73 = arith.addi %add3A, %add3A_72 : i32
    %mul3A_74 = arith.constant 128 : i32
    %mul3A_75 = arith.muli %add3A_73, %mul3A_74 : i32
    %dma_start3A_76 = arith.constant 0 : i32
    %dma_start3A_77 = arith.constant 2 : i32
    %dma_start3A_78 = arith.constant 2 : i32
    %dma_start3A_79 = arith.constant 0 : i32
    %dma_start3A_80 = tpu.memref_slice %arg6[%dma_start3A_77, %dma_start3A_79] : memref<10x128xi32, #tpu.memory_space<vmem>> -> memref<1x128xi32, #tpu.memory_space<vmem>>
    %dma_start3A_81 = tpu.memref_squeeze %dma_start3A_80 : memref<1x128xi32, #tpu.memory_space<vmem>> -> memref<128xi32, #tpu.memory_space<vmem>>
    %dma_start3A_82 = tpu.memref_slice %arg3[%dma_start3A_76, %mul3A_75] : memref<2x320000xi32, #tpu.memory_space<hbm>> -> memref<1x128xi32, #tpu.memory_space<hbm>>
    %dma_start3A_83 = tpu.memref_squeeze %dma_start3A_82 : memref<1x128xi32, #tpu.memory_space<hbm>> -> memref<128xi32, #tpu.memory_space<hbm>>
    %dma_start3A_84 = tpu.memref_slice %arg11[%dma_start3A_78] : memref<10x!tpu.dma_semaphore, #tpu.memory_space<semaphore_mem>> -> memref<1x!tpu.dma_semaphore, #tpu.memory_space<semaphore_mem>>
    %dma_start3A_85 = tpu.memref_squeeze %dma_start3A_84 : memref<1x!tpu.dma_semaphore, #tpu.memory_space<semaphore_mem>> -> memref<!tpu.dma_semaphore, #tpu.memory_space<semaphore_mem>>
    %dma_start3A_86 = arith.constant 0 : i32
    %dma_start3A_87 = tpu.memref_slice %arg6[%dma_start3A_77, %dma_start3A_86] : memref<10x128xi32, #tpu.memory_space<vmem>> -> memref<1x128xi32, #tpu.memory_space<vmem>>
    %dma_start3A_88 = tpu.memref_squeeze %dma_start3A_87 : memref<1x128xi32, #tpu.memory_space<vmem>> -> memref<128xi32, #tpu.memory_space<vmem>>
    %dma_start3A_89 = tpu.memref_slice %arg3[%dma_start3A_76, %mul3A_75] : memref<2x320000xi32, #tpu.memory_space<hbm>> -> memref<1x128xi32, #tpu.memory_space<hbm>>
    %dma_start3A_90 = tpu.memref_squeeze %dma_start3A_89 : memref<1x128xi32, #tpu.memory_space<hbm>> -> memref<128xi32, #tpu.memory_space<hbm>>
    tpu.enqueue_dma source(%dma_start3A_90 : memref<128xi32, #tpu.memory_space<hbm>>) target(%dma_start3A_88 : memref<128xi32, #tpu.memory_space<vmem>>) target_semaphore(%dma_start3A_85 : memref<!tpu.dma_semaphore, #tpu.memory_space<semaphore_mem>>)
    %dma_start3A_91 = arith.constant 1 : i32
    %dma_start3A_92 = arith.constant 2 : i32
    %dma_start3A_93 = arith.constant 2 : i32
    %dma_start3A_94 = arith.constant 0 : i32
    %dma_start3A_95 = tpu.memref_slice %arg7[%dma_start3A_92, %dma_start3A_94] : memref<10x128xi32, #tpu.memory_space<vmem>> -> memref<1x128xi32, #tpu.memory_space<vmem>>
    %dma_start3A_96 = tpu.memref_squeeze %dma_start3A_95 : memref<1x128xi32, #tpu.memory_space<vmem>> -> memref<128xi32, #tpu.memory_space<vmem>>
    %dma_start3A_97 = tpu.memref_slice %arg3[%dma_start3A_91, %mul3A_75] : memref<2x320000xi32, #tpu.memory_space<hbm>> -> memref<1x128xi32, #tpu.memory_space<hbm>>
    %dma_start3A_98 = tpu.memref_squeeze %dma_start3A_97 : memref<1x128xi32, #tpu.memory_space<hbm>> -> memref<128xi32, #tpu.memory_space<hbm>>
    %dma_start3A_99 = tpu.memref_slice %arg11[%dma_start3A_93] : memref<10x!tpu.dma_semaphore, #tpu.memory_space<semaphore_mem>> -> memref<1x!tpu.dma_semaphore, #tpu.memory_space<semaphore_mem>>
    %dma_start3A_100 = tpu.memref_squeeze %dma_start3A_99 : memref<1x!tpu.dma_semaphore, #tpu.memory_space<semaphore_mem>> -> memref<!tpu.dma_semaphore, #tpu.memory_space<semaphore_mem>>
    %dma_start3A_101 = arith.constant 0 : i32
    %dma_start3A_102 = tpu.memref_slice %arg7[%dma_start3A_92, %dma_start3A_101] : memref<10x128xi32, #tpu.memory_space<vmem>> -> memref<1x128xi32, #tpu.memory_space<vmem>>
    %dma_start3A_103 = tpu.memref_squeeze %dma_start3A_102 : memref<1x128xi32, #tpu.memory_space<vmem>> -> memref<128xi32, #tpu.memory_space<vmem>>
    %dma_start3A_104 = tpu.memref_slice %arg3[%dma_start3A_91, %mul3A_75] : memref<2x320000xi32, #tpu.memory_space<hbm>> -> memref<1x128xi32, #tpu.memory_space<hbm>>
    %dma_start3A_105 = tpu.memref_squeeze %dma_start3A_104 : memref<1x128xi32, #tpu.memory_space<hbm>> -> memref<128xi32, #tpu.memory_space<hbm>>
    tpu.enqueue_dma source(%dma_start3A_105 : memref<128xi32, #tpu.memory_space<hbm>>) target(%dma_start3A_103 : memref<128xi32, #tpu.memory_space<vmem>>) target_semaphore(%dma_start3A_100 : memref<!tpu.dma_semaphore, #tpu.memory_space<semaphore_mem>>)
    %add3A_106 = arith.constant 96 : i32
    %add3A_107 = arith.addi %add3A, %add3A_106 : i32
    %mul3A_108 = arith.constant 128 : i32
    %mul3A_109 = arith.muli %add3A_107, %mul3A_108 : i32
    %dma_start3A_110 = arith.constant 0 : i32
    %dma_start3A_111 = arith.constant 3 : i32
    %dma_start3A_112 = arith.constant 3 : i32
    %dma_start3A_113 = arith.constant 0 : i32
    %dma_start3A_114 = tpu.memref_slice %arg6[%dma_start3A_111, %dma_start3A_113] : memref<10x128xi32, #tpu.memory_space<vmem>> -> memref<1x128xi32, #tpu.memory_space<vmem>>
    %dma_start3A_115 = tpu.memref_squeeze %dma_start3A_114 : memref<1x128xi32, #tpu.memory_space<vmem>> -> memref<128xi32, #tpu.memory_space<vmem>>
    %dma_start3A_116 = tpu.memref_slice %arg3[%dma_start3A_110, %mul3A_109] : memref<2x320000xi32, #tpu.memory_space<hbm>> -> memref<1x128xi32, #tpu.memory_space<hbm>>
    %dma_start3A_117 = tpu.memref_squeeze %dma_start3A_116 : memref<1x128xi32, #tpu.memory_space<hbm>> -> memref<128xi32, #tpu.memory_space<hbm>>
    %dma_start3A_118 = tpu.memref_slice %arg11[%dma_start3A_112] : memref<10x!tpu.dma_semaphore, #tpu.memory_space<semaphore_mem>> -> memref<1x!tpu.dma_semaphore, #tpu.memory_space<semaphore_mem>>
    %dma_start3A_119 = tpu.memref_squeeze %dma_start3A_118 : memref<1x!tpu.dma_semaphore, #tpu.memory_space<semaphore_mem>> -> memref<!tpu.dma_semaphore, #tpu.memory_space<semaphore_mem>>
    %dma_start3A_120 = arith.constant 0 : i32
    %dma_start3A_121 = tpu.memref_slice %arg6[%dma_start3A_111, %dma_start3A_120] : memref<10x128xi32, #tpu.memory_space<vmem>> -> memref<1x128xi32, #tpu.memory_space<vmem>>
    %dma_start3A_122 = tpu.memref_squeeze %dma_start3A_121 : memref<1x128xi32, #tpu.memory_space<vmem>> -> memref<128xi32, #tpu.memory_space<vmem>>
    %dma_start3A_123 = tpu.memref_slice %arg3[%dma_start3A_110, %mul3A_109] : memref<2x320000xi32, #tpu.memory_space<hbm>> -> memref<1x128xi32, #tpu.memory_space<hbm>>
    %dma_start3A_124 = tpu.memref_squeeze %dma_start3A_123 : memref<1x128xi32, #tpu.memory_space<hbm>> -> memref<128xi32, #tpu.memory_space<hbm>>
    tpu.enqueue_dma source(%dma_start3A_124 : memref<128xi32, #tpu.memory_space<hbm>>) target(%dma_start3A_122 : memref<128xi32, #tpu.memory_space<vmem>>) target_semaphore(%dma_start3A_119 : memref<!tpu.dma_semaphore, #tpu.memory_space<semaphore_mem>>)
    %dma_start3A_125 = arith.constant 1 : i32
    %dma_start3A_126 = arith.constant 3 : i32
    %dma_start3A_127 = arith.constant 3 : i32
    %dma_start3A_128 = arith.constant 0 : i32
    %dma_start3A_129 = tpu.memref_slice %arg7[%dma_start3A_126, %dma_start3A_128] : memref<10x128xi32, #tpu.memory_space<vmem>> -> memref<1x128xi32, #tpu.memory_space<vmem>>
    %dma_start3A_130 = tpu.memref_squeeze %dma_start3A_129 : memref<1x128xi32, #tpu.memory_space<vmem>> -> memref<128xi32, #tpu.memory_space<vmem>>
    %dma_start3A_131 = tpu.memref_slice %arg3[%dma_start3A_125, %mul3A_109] : memref<2x320000xi32, #tpu.memory_space<hbm>> -> memref<1x128xi32, #tpu.memory_space<hbm>>
    %dma_start3A_132 = tpu.memref_squeeze %dma_start3A_131 : memref<1x128xi32, #tpu.memory_space<hbm>> -> memref<128xi32, #tpu.memory_space<hbm>>
    %dma_start3A_133 = tpu.memref_slice %arg11[%dma_start3A_127] : memref<10x!tpu.dma_semaphore, #tpu.memory_space<semaphore_mem>> -> memref<1x!tpu.dma_semaphore, #tpu.memory_space<semaphore_mem>>
    %dma_start3A_134 = tpu.memref_squeeze %dma_start3A_133 : memref<1x!tpu.dma_semaphore, #tpu.memory_space<semaphore_mem>> -> memref<!tpu.dma_semaphore, #tpu.memory_space<semaphore_mem>>
    %dma_start3A_135 = arith.constant 0 : i32
    %dma_start3A_136 = tpu.memref_slice %arg7[%dma_start3A_126, %dma_start3A_135] : memref<10x128xi32, #tpu.memory_space<vmem>> -> memref<1x128xi32, #tpu.memory_space<vmem>>
    %dma_start3A_137 = tpu.memref_squeeze %dma_start3A_136 : memref<1x128xi32, #tpu.memory_space<vmem>> -> memref<128xi32, #tpu.memory_space<vmem>>
    %dma_start3A_138 = tpu.memref_slice %arg3[%dma_start3A_125, %mul3A_109] : memref<2x320000xi32, #tpu.memory_space<hbm>> -> memref<1x128xi32, #tpu.memory_space<hbm>>
    %dma_start3A_139 = tpu.memref_squeeze %dma_start3A_138 : memref<1x128xi32, #tpu.memory_space<hbm>> -> memref<128xi32, #tpu.memory_space<hbm>>
    tpu.enqueue_dma source(%dma_start3A_139 : memref<128xi32, #tpu.memory_space<hbm>>) target(%dma_start3A_137 : memref<128xi32, #tpu.memory_space<vmem>>) target_semaphore(%dma_start3A_134 : memref<!tpu.dma_semaphore, #tpu.memory_space<semaphore_mem>>)
    %add3A_140 = arith.constant 128 : i32
    %add3A_141 = arith.addi %add3A, %add3A_140 : i32
    %mul3A_142 = arith.constant 128 : i32
    %mul3A_143 = arith.muli %add3A_141, %mul3A_142 : i32
    %dma_start3A_144 = arith.constant 0 : i32
    %dma_start3A_145 = arith.constant 4 : i32
    %dma_start3A_146 = arith.constant 4 : i32
    %dma_start3A_147 = arith.constant 0 : i32
    %dma_start3A_148 = tpu.memref_slice %arg6[%dma_start3A_145, %dma_start3A_147] : memref<10x128xi32, #tpu.memory_space<vmem>> -> memref<1x128xi32, #tpu.memory_space<vmem>>
    %dma_start3A_149 = tpu.memref_squeeze %dma_start3A_148 : memref<1x128xi32, #tpu.memory_space<vmem>> -> memref<128xi32, #tpu.memory_space<vmem>>
    %dma_start3A_150 = tpu.memref_slice %arg3[%dma_start3A_144, %mul3A_143] : memref<2x320000xi32, #tpu.memory_space<hbm>> -> memref<1x128xi32, #tpu.memory_space<hbm>>
    %dma_start3A_151 = tpu.memref_squeeze %dma_start3A_150 : memref<1x128xi32, #tpu.memory_space<hbm>> -> memref<128xi32, #tpu.memory_space<hbm>>
    %dma_start3A_152 = tpu.memref_slice %arg11[%dma_start3A_146] : memref<10x!tpu.dma_semaphore, #tpu.memory_space<semaphore_mem>> -> memref<1x!tpu.dma_semaphore, #tpu.memory_space<semaphore_mem>>
    %dma_start3A_153 = tpu.memref_squeeze %dma_start3A_152 : memref<1x!tpu.dma_semaphore, #tpu.memory_space<semaphore_mem>> -> memref<!tpu.dma_semaphore, #tpu.memory_space<semaphore_mem>>
    %dma_start3A_154 = arith.constant 0 : i32
    %dma_start3A_155 = tpu.memref_slice %arg6[%dma_start3A_145, %dma_start3A_154] : memref<10x128xi32, #tpu.memory_space<vmem>> -> memref<1x128xi32, #tpu.memory_space<vmem>>
    %dma_start3A_156 = tpu.memref_squeeze %dma_start3A_155 : memref<1x128xi32, #tpu.memory_space<vmem>> -> memref<128xi32, #tpu.memory_space<vmem>>
    %dma_start3A_157 = tpu.memref_slice %arg3[%dma_start3A_144, %mul3A_143] : memref<2x320000xi32, #tpu.memory_space<hbm>> -> memref<1x128xi32, #tpu.memory_space<hbm>>
    %dma_start3A_158 = tpu.memref_squeeze %dma_start3A_157 : memref<1x128xi32, #tpu.memory_space<hbm>> -> memref<128xi32, #tpu.memory_space<hbm>>
    tpu.enqueue_dma source(%dma_start3A_158 : memref<128xi32, #tpu.memory_space<hbm>>) target(%dma_start3A_156 : memref<128xi32, #tpu.memory_space<vmem>>) target_semaphore(%dma_start3A_153 : memref<!tpu.dma_semaphore, #tpu.memory_space<semaphore_mem>>)
    %dma_start3A_159 = arith.constant 1 : i32
    %dma_start3A_160 = arith.constant 4 : i32
    %dma_start3A_161 = arith.constant 4 : i32
    %dma_start3A_162 = arith.constant 0 : i32
    %dma_start3A_163 = tpu.memref_slice %arg7[%dma_start3A_160, %dma_start3A_162] : memref<10x128xi32, #tpu.memory_space<vmem>> -> memref<1x128xi32, #tpu.memory_space<vmem>>
    %dma_start3A_164 = tpu.memref_squeeze %dma_start3A_163 : memref<1x128xi32, #tpu.memory_space<vmem>> -> memref<128xi32, #tpu.memory_space<vmem>>
    %dma_start3A_165 = tpu.memref_slice %arg3[%dma_start3A_159, %mul3A_143] : memref<2x320000xi32, #tpu.memory_space<hbm>> -> memref<1x128xi32, #tpu.memory_space<hbm>>
    %dma_start3A_166 = tpu.memref_squeeze %dma_start3A_165 : memref<1x128xi32, #tpu.memory_space<hbm>> -> memref<128xi32, #tpu.memory_space<hbm>>
    %dma_start3A_167 = tpu.memref_slice %arg11[%dma_start3A_161] : memref<10x!tpu.dma_semaphore, #tpu.memory_space<semaphore_mem>> -> memref<1x!tpu.dma_semaphore, #tpu.memory_space<semaphore_mem>>
    %dma_start3A_168 = tpu.memref_squeeze %dma_start3A_167 : memref<1x!tpu.dma_semaphore, #tpu.memory_space<semaphore_mem>> -> memref<!tpu.dma_semaphore, #tpu.memory_space<semaphore_mem>>
    %dma_start3A_169 = arith.constant 0 : i32
    %dma_start3A_170 = tpu.memref_slice %arg7[%dma_start3A_160, %dma_start3A_169] : memref<10x128xi32, #tpu.memory_space<vmem>> -> memref<1x128xi32, #tpu.memory_space<vmem>>
    %dma_start3A_171 = tpu.memref_squeeze %dma_start3A_170 : memref<1x128xi32, #tpu.memory_space<vmem>> -> memref<128xi32, #tpu.memory_space<vmem>>
    %dma_start3A_172 = tpu.memref_slice %arg3[%dma_start3A_159, %mul3A_143] : memref<2x320000xi32, #tpu.memory_space<hbm>> -> memref<1x128xi32, #tpu.memory_space<hbm>>
    %dma_start3A_173 = tpu.memref_squeeze %dma_start3A_172 : memref<1x128xi32, #tpu.memory_space<hbm>> -> memref<128xi32, #tpu.memory_space<hbm>>
    tpu.enqueue_dma source(%dma_start3A_173 : memref<128xi32, #tpu.memory_space<hbm>>) target(%dma_start3A_171 : memref<128xi32, #tpu.memory_space<vmem>>) target_semaphore(%dma_start3A_168 : memref<!tpu.dma_semaphore, #tpu.memory_space<semaphore_mem>>)
    %add3A_174 = arith.constant 160 : i32
    %add3A_175 = arith.addi %add3A, %add3A_174 : i32
    %mul3A_176 = arith.constant 128 : i32
    %mul3A_177 = arith.muli %add3A_175, %mul3A_176 : i32
    %dma_start3A_178 = arith.constant 0 : i32
    %dma_start3A_179 = arith.constant 5 : i32
    %dma_start3A_180 = arith.constant 5 : i32
    %dma_start3A_181 = arith.constant 0 : i32
    %dma_start3A_182 = tpu.memref_slice %arg6[%dma_start3A_179, %dma_start3A_181] : memref<10x128xi32, #tpu.memory_space<vmem>> -> memref<1x128xi32, #tpu.memory_space<vmem>>
    %dma_start3A_183 = tpu.memref_squeeze %dma_start3A_182 : memref<1x128xi32, #tpu.memory_space<vmem>> -> memref<128xi32, #tpu.memory_space<vmem>>
    %dma_start3A_184 = tpu.memref_slice %arg3[%dma_start3A_178, %mul3A_177] : memref<2x320000xi32, #tpu.memory_space<hbm>> -> memref<1x128xi32, #tpu.memory_space<hbm>>
    %dma_start3A_185 = tpu.memref_squeeze %dma_start3A_184 : memref<1x128xi32, #tpu.memory_space<hbm>> -> memref<128xi32, #tpu.memory_space<hbm>>
    %dma_start3A_186 = tpu.memref_slice %arg11[%dma_start3A_180] : memref<10x!tpu.dma_semaphore, #tpu.memory_space<semaphore_mem>> -> memref<1x!tpu.dma_semaphore, #tpu.memory_space<semaphore_mem>>
    %dma_start3A_187 = tpu.memref_squeeze %dma_start3A_186 : memref<1x!tpu.dma_semaphore, #tpu.memory_space<semaphore_mem>> -> memref<!tpu.dma_semaphore, #tpu.memory_space<semaphore_mem>>
    %dma_start3A_188 = arith.constant 0 : i32
    %dma_start3A_189 = tpu.memref_slice %arg6[%dma_start3A_179, %dma_start3A_188] : memref<10x128xi32, #tpu.memory_space<vmem>> -> memref<1x128xi32, #tpu.memory_space<vmem>>
    %dma_start3A_190 = tpu.memref_squeeze %dma_start3A_189 : memref<1x128xi32, #tpu.memory_space<vmem>> -> memref<128xi32, #tpu.memory_space<vmem>>
    %dma_start3A_191 = tpu.memref_slice %arg3[%dma_start3A_178, %mul3A_177] : memref<2x320000xi32, #tpu.memory_space<hbm>> -> memref<1x128xi32, #tpu.memory_space<hbm>>
    %dma_start3A_192 = tpu.memref_squeeze %dma_start3A_191 : memref<1x128xi32, #tpu.memory_space<hbm>> -> memref<128xi32, #tpu.memory_space<hbm>>
    tpu.enqueue_dma source(%dma_start3A_192 : memref<128xi32, #tpu.memory_space<hbm>>) target(%dma_start3A_190 : memref<128xi32, #tpu.memory_space<vmem>>) target_semaphore(%dma_start3A_187 : memref<!tpu.dma_semaphore, #tpu.memory_space<semaphore_mem>>)
    %dma_start3A_193 = arith.constant 1 : i32
    %dma_start3A_194 = arith.constant 5 : i32
    %dma_start3A_195 = arith.constant 5 : i32
    %dma_start3A_196 = arith.constant 0 : i32
    %dma_start3A_197 = tpu.memref_slice %arg7[%dma_start3A_194, %dma_start3A_196] : memref<10x128xi32, #tpu.memory_space<vmem>> -> memref<1x128xi32, #tpu.memory_space<vmem>>
    %dma_start3A_198 = tpu.memref_squeeze %dma_start3A_197 : memref<1x128xi32, #tpu.memory_space<vmem>> -> memref<128xi32, #tpu.memory_space<vmem>>
    %dma_start3A_199 = tpu.memref_slice %arg3[%dma_start3A_193, %mul3A_177] : memref<2x320000xi32, #tpu.memory_space<hbm>> -> memref<1x128xi32, #tpu.memory_space<hbm>>
    %dma_start3A_200 = tpu.memref_squeeze %dma_start3A_199 : memref<1x128xi32, #tpu.memory_space<hbm>> -> memref<128xi32, #tpu.memory_space<hbm>>
    %dma_start3A_201 = tpu.memref_slice %arg11[%dma_start3A_195] : memref<10x!tpu.dma_semaphore, #tpu.memory_space<semaphore_mem>> -> memref<1x!tpu.dma_semaphore, #tpu.memory_space<semaphore_mem>>
    %dma_start3A_202 = tpu.memref_squeeze %dma_start3A_201 : memref<1x!tpu.dma_semaphore, #tpu.memory_space<semaphore_mem>> -> memref<!tpu.dma_semaphore, #tpu.memory_space<semaphore_mem>>
    %dma_start3A_203 = arith.constant 0 : i32
    %dma_start3A_204 = tpu.memref_slice %arg7[%dma_start3A_194, %dma_start3A_203] : memref<10x128xi32, #tpu.memory_space<vmem>> -> memref<1x128xi32, #tpu.memory_space<vmem>>
    %dma_start3A_205 = tpu.memref_squeeze %dma_start3A_204 : memref<1x128xi32, #tpu.memory_space<vmem>> -> memref<128xi32, #tpu.memory_space<vmem>>
    %dma_start3A_206 = tpu.memref_slice %arg3[%dma_start3A_193, %mul3A_177] : memref<2x320000xi32, #tpu.memory_space<hbm>> -> memref<1x128xi32, #tpu.memory_space<hbm>>
    %dma_start3A_207 = tpu.memref_squeeze %dma_start3A_206 : memref<1x128xi32, #tpu.memory_space<hbm>> -> memref<128xi32, #tpu.memory_space<hbm>>
    tpu.enqueue_dma source(%dma_start3A_207 : memref<128xi32, #tpu.memory_space<hbm>>) target(%dma_start3A_205 : memref<128xi32, #tpu.memory_space<vmem>>) target_semaphore(%dma_start3A_202 : memref<!tpu.dma_semaphore, #tpu.memory_space<semaphore_mem>>)
    %add3A_208 = arith.constant 192 : i32
    %add3A_209 = arith.addi %add3A, %add3A_208 : i32
    %mul3A_210 = arith.constant 128 : i32
    %mul3A_211 = arith.muli %add3A_209, %mul3A_210 : i32
    %dma_start3A_212 = arith.constant 0 : i32
    %dma_start3A_213 = arith.constant 6 : i32
    %dma_start3A_214 = arith.constant 6 : i32
    %dma_start3A_215 = arith.constant 0 : i32
    %dma_start3A_216 = tpu.memref_slice %arg6[%dma_start3A_213, %dma_start3A_215] : memref<10x128xi32, #tpu.memory_space<vmem>> -> memref<1x128xi32, #tpu.memory_space<vmem>>
    %dma_start3A_217 = tpu.memref_squeeze %dma_start3A_216 : memref<1x128xi32, #tpu.memory_space<vmem>> -> memref<128xi32, #tpu.memory_space<vmem>>
    %dma_start3A_218 = tpu.memref_slice %arg3[%dma_start3A_212, %mul3A_211] : memref<2x320000xi32, #tpu.memory_space<hbm>> -> memref<1x128xi32, #tpu.memory_space<hbm>>
    %dma_start3A_219 = tpu.memref_squeeze %dma_start3A_218 : memref<1x128xi32, #tpu.memory_space<hbm>> -> memref<128xi32, #tpu.memory_space<hbm>>
    %dma_start3A_220 = tpu.memref_slice %arg11[%dma_start3A_214] : memref<10x!tpu.dma_semaphore, #tpu.memory_space<semaphore_mem>> -> memref<1x!tpu.dma_semaphore, #tpu.memory_space<semaphore_mem>>
    %dma_start3A_221 = tpu.memref_squeeze %dma_start3A_220 : memref<1x!tpu.dma_semaphore, #tpu.memory_space<semaphore_mem>> -> memref<!tpu.dma_semaphore, #tpu.memory_space<semaphore_mem>>
    %dma_start3A_222 = arith.constant 0 : i32
    %dma_start3A_223 = tpu.memref_slice %arg6[%dma_start3A_213, %dma_start3A_222] : memref<10x128xi32, #tpu.memory_space<vmem>> -> memref<1x128xi32, #tpu.memory_space<vmem>>
    %dma_start3A_224 = tpu.memref_squeeze %dma_start3A_223 : memref<1x128xi32, #tpu.memory_space<vmem>> -> memref<128xi32, #tpu.memory_space<vmem>>
    %dma_start3A_225 = tpu.memref_slice %arg3[%dma_start3A_212, %mul3A_211] : memref<2x320000xi32, #tpu.memory_space<hbm>> -> memref<1x128xi32, #tpu.memory_space<hbm>>
    %dma_start3A_226 = tpu.memref_squeeze %dma_start3A_225 : memref<1x128xi32, #tpu.memory_space<hbm>> -> memref<128xi32, #tpu.memory_space<hbm>>
    tpu.enqueue_dma source(%dma_start3A_226 : memref<128xi32, #tpu.memory_space<hbm>>) target(%dma_start3A_224 : memref<128xi32, #tpu.memory_space<vmem>>) target_semaphore(%dma_start3A_221 : memref<!tpu.dma_semaphore, #tpu.memory_space<semaphore_mem>>)
    %dma_start3A_227 = arith.constant 1 : i32
    %dma_start3A_228 = arith.constant 6 : i32
    %dma_start3A_229 = arith.constant 6 : i32
    %dma_start3A_230 = arith.constant 0 : i32
    %dma_start3A_231 = tpu.memref_slice %arg7[%dma_start3A_228, %dma_start3A_230] : memref<10x128xi32, #tpu.memory_space<vmem>> -> memref<1x128xi32, #tpu.memory_space<vmem>>
    %dma_start3A_232 = tpu.memref_squeeze %dma_start3A_231 : memref<1x128xi32, #tpu.memory_space<vmem>> -> memref<128xi32, #tpu.memory_space<vmem>>
    %dma_start3A_233 = tpu.memref_slice %arg3[%dma_start3A_227, %mul3A_211] : memref<2x320000xi32, #tpu.memory_space<hbm>> -> memref<1x128xi32, #tpu.memory_space<hbm>>
    %dma_start3A_234 = tpu.memref_squeeze %dma_start3A_233 : memref<1x128xi32, #tpu.memory_space<hbm>> -> memref<128xi32, #tpu.memory_space<hbm>>
    %dma_start3A_235 = tpu.memref_slice %arg11[%dma_start3A_229] : memref<10x!tpu.dma_semaphore, #tpu.memory_space<semaphore_mem>> -> memref<1x!tpu.dma_semaphore, #tpu.memory_space<semaphore_mem>>
    %dma_start3A_236 = tpu.memref_squeeze %dma_start3A_235 : memref<1x!tpu.dma_semaphore, #tpu.memory_space<semaphore_mem>> -> memref<!tpu.dma_semaphore, #tpu.memory_space<semaphore_mem>>
    %dma_start3A_237 = arith.constant 0 : i32
    %dma_start3A_238 = tpu.memref_slice %arg7[%dma_start3A_228, %dma_start3A_237] : memref<10x128xi32, #tpu.memory_space<vmem>> -> memref<1x128xi32, #tpu.memory_space<vmem>>
    %dma_start3A_239 = tpu.memref_squeeze %dma_start3A_238 : memref<1x128xi32, #tpu.memory_space<vmem>> -> memref<128xi32, #tpu.memory_space<vmem>>
    %dma_start3A_240 = tpu.memref_slice %arg3[%dma_start3A_227, %mul3A_211] : memref<2x320000xi32, #tpu.memory_space<hbm>> -> memref<1x128xi32, #tpu.memory_space<hbm>>
    %dma_start3A_241 = tpu.memref_squeeze %dma_start3A_240 : memref<1x128xi32, #tpu.memory_space<hbm>> -> memref<128xi32, #tpu.memory_space<hbm>>
    tpu.enqueue_dma source(%dma_start3A_241 : memref<128xi32, #tpu.memory_space<hbm>>) target(%dma_start3A_239 : memref<128xi32, #tpu.memory_space<vmem>>) target_semaphore(%dma_start3A_236 : memref<!tpu.dma_semaphore, #tpu.memory_space<semaphore_mem>>)
    %add3A_242 = arith.constant 224 : i32
    %add3A_243 = arith.addi %add3A, %add3A_242 : i32
    %mul3A_244 = arith.constant 128 : i32
    %mul3A_245 = arith.muli %add3A_243, %mul3A_244 : i32
    %dma_start3A_246 = arith.constant 0 : i32
    %dma_start3A_247 = arith.constant 7 : i32
    %dma_start3A_248 = arith.constant 7 : i32
    %dma_start3A_249 = arith.constant 0 : i32
    %dma_start3A_250 = tpu.memref_slice %arg6[%dma_start3A_247, %dma_start3A_249] : memref<10x128xi32, #tpu.memory_space<vmem>> -> memref<1x128xi32, #tpu.memory_space<vmem>>
    %dma_start3A_251 = tpu.memref_squeeze %dma_start3A_250 : memref<1x128xi32, #tpu.memory_space<vmem>> -> memref<128xi32, #tpu.memory_space<vmem>>
    %dma_start3A_252 = tpu.memref_slice %arg3[%dma_start3A_246, %mul3A_245] : memref<2x320000xi32, #tpu.memory_space<hbm>> -> memref<1x128xi32, #tpu.memory_space<hbm>>
    %dma_start3A_253 = tpu.memref_squeeze %dma_start3A_252 : memref<1x128xi32, #tpu.memory_space<hbm>> -> memref<128xi32, #tpu.memory_space<hbm>>
    %dma_start3A_254 = tpu.memref_slice %arg11[%dma_start3A_248] : memref<10x!tpu.dma_semaphore, #tpu.memory_space<semaphore_mem>> -> memref<1x!tpu.dma_semaphore, #tpu.memory_space<semaphore_mem>>
    %dma_start3A_255 = tpu.memref_squeeze %dma_start3A_254 : memref<1x!tpu.dma_semaphore, #tpu.memory_space<semaphore_mem>> -> memref<!tpu.dma_semaphore, #tpu.memory_space<semaphore_mem>>
    %dma_start3A_256 = arith.constant 0 : i32
    %dma_start3A_257 = tpu.memref_slice %arg6[%dma_start3A_247, %dma_start3A_256] : memref<10x128xi32, #tpu.memory_space<vmem>> -> memref<1x128xi32, #tpu.memory_space<vmem>>
    %dma_start3A_258 = tpu.memref_squeeze %dma_start3A_257 : memref<1x128xi32, #tpu.memory_space<vmem>> -> memref<128xi32, #tpu.memory_space<vmem>>
    %dma_start3A_259 = tpu.memref_slice %arg3[%dma_start3A_246, %mul3A_245] : memref<2x320000xi32, #tpu.memory_space<hbm>> -> memref<1x128xi32, #tpu.memory_space<hbm>>
    %dma_start3A_260 = tpu.memref_squeeze %dma_start3A_259 : memref<1x128xi32, #tpu.memory_space<hbm>> -> memref<128xi32, #tpu.memory_space<hbm>>
    tpu.enqueue_dma source(%dma_start3A_260 : memref<128xi32, #tpu.memory_space<hbm>>) target(%dma_start3A_258 : memref<128xi32, #tpu.memory_space<vmem>>) target_semaphore(%dma_start3A_255 : memref<!tpu.dma_semaphore, #tpu.memory_space<semaphore_mem>>)
    %dma_start3A_261 = arith.constant 1 : i32
    %dma_start3A_262 = arith.constant 7 : i32
    %dma_start3A_263 = arith.constant 7 : i32
    %dma_start3A_264 = arith.constant 0 : i32
    %dma_start3A_265 = tpu.memref_slice %arg7[%dma_start3A_262, %dma_start3A_264] : memref<10x128xi32, #tpu.memory_space<vmem>> -> memref<1x128xi32, #tpu.memory_space<vmem>>
    %dma_start3A_266 = tpu.memref_squeeze %dma_start3A_265 : memref<1x128xi32, #tpu.memory_space<vmem>> -> memref<128xi32, #tpu.memory_space<vmem>>
    %dma_start3A_267 = tpu.memref_slice %arg3[%dma_start3A_261, %mul3A_245] : memref<2x320000xi32, #tpu.memory_space<hbm>> -> memref<1x128xi32, #tpu.memory_space<hbm>>
    %dma_start3A_268 = tpu.memref_squeeze %dma_start3A_267 : memref<1x128xi32, #tpu.memory_space<hbm>> -> memref<128xi32, #tpu.memory_space<hbm>>
    %dma_start3A_269 = tpu.memref_slice %arg11[%dma_start3A_263] : memref<10x!tpu.dma_semaphore, #tpu.memory_space<semaphore_mem>> -> memref<1x!tpu.dma_semaphore, #tpu.memory_space<semaphore_mem>>
    %dma_start3A_270 = tpu.memref_squeeze %dma_start3A_269 : memref<1x!tpu.dma_semaphore, #tpu.memory_space<semaphore_mem>> -> memref<!tpu.dma_semaphore, #tpu.memory_space<semaphore_mem>>
    %dma_start3A_271 = arith.constant 0 : i32
    %dma_start3A_272 = tpu.memref_slice %arg7[%dma_start3A_262, %dma_start3A_271] : memref<10x128xi32, #tpu.memory_space<vmem>> -> memref<1x128xi32, #tpu.memory_space<vmem>>
    %dma_start3A_273 = tpu.memref_squeeze %dma_start3A_272 : memref<1x128xi32, #tpu.memory_space<vmem>> -> memref<128xi32, #tpu.memory_space<vmem>>
    %dma_start3A_274 = tpu.memref_slice %arg3[%dma_start3A_261, %mul3A_245] : memref<2x320000xi32, #tpu.memory_space<hbm>> -> memref<1x128xi32, #tpu.memory_space<hbm>>
    %dma_start3A_275 = tpu.memref_squeeze %dma_start3A_274 : memref<1x128xi32, #tpu.memory_space<hbm>> -> memref<128xi32, #tpu.memory_space<hbm>>
    tpu.enqueue_dma source(%dma_start3A_275 : memref<128xi32, #tpu.memory_space<hbm>>) target(%dma_start3A_273 : memref<128xi32, #tpu.memory_space<vmem>>) target_semaphore(%dma_start3A_270 : memref<!tpu.dma_semaphore, #tpu.memory_space<semaphore_mem>>)
    %add3A_276 = arith.constant 256 : i32
    %add3A_277 = arith.addi %add3A, %add3A_276 : i32
    %mul3A_278 = arith.constant 128 : i32
    %mul3A_279 = arith.muli %add3A_277, %mul3A_278 : i32
    %dma_start3A_280 = arith.constant 0 : i32
    %dma_start3A_281 = arith.constant 8 : i32
    %dma_start3A_282 = arith.constant 8 : i32
    %dma_start3A_283 = arith.constant 0 : i32
    %dma_start3A_284 = tpu.memref_slice %arg6[%dma_start3A_281, %dma_start3A_283] : memref<10x128xi32, #tpu.memory_space<vmem>> -> memref<1x128xi32, #tpu.memory_space<vmem>>
    %dma_start3A_285 = tpu.memref_squeeze %dma_start3A_284 : memref<1x128xi32, #tpu.memory_space<vmem>> -> memref<128xi32, #tpu.memory_space<vmem>>
    %dma_start3A_286 = tpu.memref_slice %arg3[%dma_start3A_280, %mul3A_279] : memref<2x320000xi32, #tpu.memory_space<hbm>> -> memref<1x128xi32, #tpu.memory_space<hbm>>
    %dma_start3A_287 = tpu.memref_squeeze %dma_start3A_286 : memref<1x128xi32, #tpu.memory_space<hbm>> -> memref<128xi32, #tpu.memory_space<hbm>>
    %dma_start3A_288 = tpu.memref_slice %arg11[%dma_start3A_282] : memref<10x!tpu.dma_semaphore, #tpu.memory_space<semaphore_mem>> -> memref<1x!tpu.dma_semaphore, #tpu.memory_space<semaphore_mem>>
    %dma_start3A_289 = tpu.memref_squeeze %dma_start3A_288 : memref<1x!tpu.dma_semaphore, #tpu.memory_space<semaphore_mem>> -> memref<!tpu.dma_semaphore, #tpu.memory_space<semaphore_mem>>
    %dma_start3A_290 = arith.constant 0 : i32
    %dma_start3A_291 = tpu.memref_slice %arg6[%dma_start3A_281, %dma_start3A_290] : memref<10x128xi32, #tpu.memory_space<vmem>> -> memref<1x128xi32, #tpu.memory_space<vmem>>
    %dma_start3A_292 = tpu.memref_squeeze %dma_start3A_291 : memref<1x128xi32, #tpu.memory_space<vmem>> -> memref<128xi32, #tpu.memory_space<vmem>>
    %dma_start3A_293 = tpu.memref_slice %arg3[%dma_start3A_280, %mul3A_279] : memref<2x320000xi32, #tpu.memory_space<hbm>> -> memref<1x128xi32, #tpu.memory_space<hbm>>
    %dma_start3A_294 = tpu.memref_squeeze %dma_start3A_293 : memref<1x128xi32, #tpu.memory_space<hbm>> -> memref<128xi32, #tpu.memory_space<hbm>>
    tpu.enqueue_dma source(%dma_start3A_294 : memref<128xi32, #tpu.memory_space<hbm>>) target(%dma_start3A_292 : memref<128xi32, #tpu.memory_space<vmem>>) target_semaphore(%dma_start3A_289 : memref<!tpu.dma_semaphore, #tpu.memory_space<semaphore_mem>>)
    %dma_start3A_295 = arith.constant 1 : i32
    %dma_start3A_296 = arith.constant 8 : i32
    %dma_start3A_297 = arith.constant 8 : i32
    %dma_start3A_298 = arith.constant 0 : i32
    %dma_start3A_299 = tpu.memref_slice %arg7[%dma_start3A_296, %dma_start3A_298] : memref<10x128xi32, #tpu.memory_space<vmem>> -> memref<1x128xi32, #tpu.memory_space<vmem>>
    %dma_start3A_300 = tpu.memref_squeeze %dma_start3A_299 : memref<1x128xi32, #tpu.memory_space<vmem>> -> memref<128xi32, #tpu.memory_space<vmem>>
    %dma_start3A_301 = tpu.memref_slice %arg3[%dma_start3A_295, %mul3A_279] : memref<2x320000xi32, #tpu.memory_space<hbm>> -> memref<1x128xi32, #tpu.memory_space<hbm>>
    %dma_start3A_302 = tpu.memref_squeeze %dma_start3A_301 : memref<1x128xi32, #tpu.memory_space<hbm>> -> memref<128xi32, #tpu.memory_space<hbm>>
    %dma_start3A_303 = tpu.memref_slice %arg11[%dma_start3A_297] : memref<10x!tpu.dma_semaphore, #tpu.memory_space<semaphore_mem>> -> memref<1x!tpu.dma_semaphore, #tpu.memory_space<semaphore_mem>>
    %dma_start3A_304 = tpu.memref_squeeze %dma_start3A_303 : memref<1x!tpu.dma_semaphore, #tpu.memory_space<semaphore_mem>> -> memref<!tpu.dma_semaphore, #tpu.memory_space<semaphore_mem>>
    %dma_start3A_305 = arith.constant 0 : i32
    %dma_start3A_306 = tpu.memref_slice %arg7[%dma_start3A_296, %dma_start3A_305] : memref<10x128xi32, #tpu.memory_space<vmem>> -> memref<1x128xi32, #tpu.memory_space<vmem>>
    %dma_start3A_307 = tpu.memref_squeeze %dma_start3A_306 : memref<1x128xi32, #tpu.memory_space<vmem>> -> memref<128xi32, #tpu.memory_space<vmem>>
    %dma_start3A_308 = tpu.memref_slice %arg3[%dma_start3A_295, %mul3A_279] : memref<2x320000xi32, #tpu.memory_space<hbm>> -> memref<1x128xi32, #tpu.memory_space<hbm>>
    %dma_start3A_309 = tpu.memref_squeeze %dma_start3A_308 : memref<1x128xi32, #tpu.memory_space<hbm>> -> memref<128xi32, #tpu.memory_space<hbm>>
    tpu.enqueue_dma source(%dma_start3A_309 : memref<128xi32, #tpu.memory_space<hbm>>) target(%dma_start3A_307 : memref<128xi32, #tpu.memory_space<vmem>>) target_semaphore(%dma_start3A_304 : memref<!tpu.dma_semaphore, #tpu.memory_space<semaphore_mem>>)
    %add3A_310 = arith.constant 288 : i32
    %add3A_311 = arith.addi %add3A, %add3A_310 : i32
    %mul3A_312 = arith.constant 128 : i32
    %mul3A_313 = arith.muli %add3A_311, %mul3A_312 : i32
    %dma_start3A_314 = arith.constant 0 : i32
    %dma_start3A_315 = arith.constant 9 : i32
    %dma_start3A_316 = arith.constant 9 : i32
    %dma_start3A_317 = arith.constant 0 : i32
    %dma_start3A_318 = tpu.memref_slice %arg6[%dma_start3A_315, %dma_start3A_317] : memref<10x128xi32, #tpu.memory_space<vmem>> -> memref<1x128xi32, #tpu.memory_space<vmem>>
    %dma_start3A_319 = tpu.memref_squeeze %dma_start3A_318 : memref<1x128xi32, #tpu.memory_space<vmem>> -> memref<128xi32, #tpu.memory_space<vmem>>
    %dma_start3A_320 = tpu.memref_slice %arg3[%dma_start3A_314, %mul3A_313] : memref<2x320000xi32, #tpu.memory_space<hbm>> -> memref<1x128xi32, #tpu.memory_space<hbm>>
    %dma_start3A_321 = tpu.memref_squeeze %dma_start3A_320 : memref<1x128xi32, #tpu.memory_space<hbm>> -> memref<128xi32, #tpu.memory_space<hbm>>
    %dma_start3A_322 = tpu.memref_slice %arg11[%dma_start3A_316] : memref<10x!tpu.dma_semaphore, #tpu.memory_space<semaphore_mem>> -> memref<1x!tpu.dma_semaphore, #tpu.memory_space<semaphore_mem>>
    %dma_start3A_323 = tpu.memref_squeeze %dma_start3A_322 : memref<1x!tpu.dma_semaphore, #tpu.memory_space<semaphore_mem>> -> memref<!tpu.dma_semaphore, #tpu.memory_space<semaphore_mem>>
    %dma_start3A_324 = arith.constant 0 : i32
    %dma_start3A_325 = tpu.memref_slice %arg6[%dma_start3A_315, %dma_start3A_324] : memref<10x128xi32, #tpu.memory_space<vmem>> -> memref<1x128xi32, #tpu.memory_space<vmem>>
    %dma_start3A_326 = tpu.memref_squeeze %dma_start3A_325 : memref<1x128xi32, #tpu.memory_space<vmem>> -> memref<128xi32, #tpu.memory_space<vmem>>
    %dma_start3A_327 = tpu.memref_slice %arg3[%dma_start3A_314, %mul3A_313] : memref<2x320000xi32, #tpu.memory_space<hbm>> -> memref<1x128xi32, #tpu.memory_space<hbm>>
    %dma_start3A_328 = tpu.memref_squeeze %dma_start3A_327 : memref<1x128xi32, #tpu.memory_space<hbm>> -> memref<128xi32, #tpu.memory_space<hbm>>
    tpu.enqueue_dma source(%dma_start3A_328 : memref<128xi32, #tpu.memory_space<hbm>>) target(%dma_start3A_326 : memref<128xi32, #tpu.memory_space<vmem>>) target_semaphore(%dma_start3A_323 : memref<!tpu.dma_semaphore, #tpu.memory_space<semaphore_mem>>)
    %dma_start3A_329 = arith.constant 1 : i32
    %dma_start3A_330 = arith.constant 9 : i32
    %dma_start3A_331 = arith.constant 9 : i32
    %dma_start3A_332 = arith.constant 0 : i32
    %dma_start3A_333 = tpu.memref_slice %arg7[%dma_start3A_330, %dma_start3A_332] : memref<10x128xi32, #tpu.memory_space<vmem>> -> memref<1x128xi32, #tpu.memory_space<vmem>>
    %dma_start3A_334 = tpu.memref_squeeze %dma_start3A_333 : memref<1x128xi32, #tpu.memory_space<vmem>> -> memref<128xi32, #tpu.memory_space<vmem>>
    %dma_start3A_335 = tpu.memref_slice %arg3[%dma_start3A_329, %mul3A_313] : memref<2x320000xi32, #tpu.memory_space<hbm>> -> memref<1x128xi32, #tpu.memory_space<hbm>>
    %dma_start3A_336 = tpu.memref_squeeze %dma_start3A_335 : memref<1x128xi32, #tpu.memory_space<hbm>> -> memref<128xi32, #tpu.memory_space<hbm>>
    %dma_start3A_337 = tpu.memref_slice %arg11[%dma_start3A_331] : memref<10x!tpu.dma_semaphore, #tpu.memory_space<semaphore_mem>> -> memref<1x!tpu.dma_semaphore, #tpu.memory_space<semaphore_mem>>
    %dma_start3A_338 = tpu.memref_squeeze %dma_start3A_337 : memref<1x!tpu.dma_semaphore, #tpu.memory_space<semaphore_mem>> -> memref<!tpu.dma_semaphore, #tpu.memory_space<semaphore_mem>>
    %dma_start3A_339 = arith.constant 0 : i32
    %dma_start3A_340 = tpu.memref_slice %arg7[%dma_start3A_330, %dma_start3A_339] : memref<10x128xi32, #tpu.memory_space<vmem>> -> memref<1x128xi32, #tpu.memory_space<vmem>>
    %dma_start3A_341 = tpu.memref_squeeze %dma_start3A_340 : memref<1x128xi32, #tpu.memory_space<vmem>> -> memref<128xi32, #tpu.memory_space<vmem>>
    %dma_start3A_342 = tpu.memref_slice %arg3[%dma_start3A_329, %mul3A_313] : memref<2x320000xi32, #tpu.memory_space<hbm>> -> memref<1x128xi32, #tpu.memory_space<hbm>>
    %dma_start3A_343 = tpu.memref_squeeze %dma_start3A_342 : memref<1x128xi32, #tpu.memory_space<hbm>> -> memref<128xi32, #tpu.memory_space<hbm>>
    tpu.enqueue_dma source(%dma_start3A_343 : memref<128xi32, #tpu.memory_space<hbm>>) target(%dma_start3A_341 : memref<128xi32, #tpu.memory_space<vmem>>) target_semaphore(%dma_start3A_338 : memref<!tpu.dma_semaphore, #tpu.memory_space<semaphore_mem>>)
    %mul3A_344 = arith.constant 632 : i32
    %mul3A_345 = arith.muli %arg1, %mul3A_344 : i32
    "tpu.region"() ({
      %run_scoped3A = tpu.sem_alloc : memref<!tpu.dma_semaphore, #tpu.memory_space<semaphore_mem>>
      %dma_start3A_810 = arith.constant 0 : i32
      %dma_start3A_811 = tpu.memref_slice %arg9[%mul3A_345, %dma_start3A_810] : memref<10112x64xf32, #tpu.memory_space<vmem_shared>> -> memref<632x64xf32, #tpu.memory_space<vmem_shared>>
      %dma_start3A_812 = arith.constant 0 : i32
      %dma_start3A_813 = tpu.memref_slice %arg4[%mul3A_345, %dma_start3A_812] : memref<10112x64xf32, #tpu.memory_space<hbm>> -> memref<632x64xf32, #tpu.memory_space<hbm>>
      tpu.enqueue_dma source(%dma_start3A_813 : memref<632x64xf32, #tpu.memory_space<hbm>>) target(%dma_start3A_811 : memref<632x64xf32, #tpu.memory_space<vmem_shared>>) target_semaphore(%run_scoped3A : memref<!tpu.dma_semaphore, #tpu.memory_space<semaphore_mem>>)
      %dma_wait3A_814 = arith.constant 0 : i32
      %dma_wait3A_815 = tpu.memref_slice %arg9[%mul3A_345, %dma_wait3A_814] : memref<10112x64xf32, #tpu.memory_space<vmem_shared>> -> memref<632x64xf32, #tpu.memory_space<vmem_shared>>
      %dma_wait3A_816 = arith.constant 0 : i32
      %dma_wait3A_817 = tpu.memref_slice %arg4[%mul3A_345, %dma_wait3A_816] : memref<10112x64xf32, #tpu.memory_space<hbm>> -> memref<632x64xf32, #tpu.memory_space<hbm>>
      tpu.wait_dma2 semaphore(%run_scoped3A : memref<!tpu.dma_semaphore, #tpu.memory_space<semaphore_mem>>) src(%dma_wait3A_817 : memref<632x64xf32, #tpu.memory_space<hbm>>) dst(%dma_wait3A_815 : memref<632x64xf32, #tpu.memory_space<vmem_shared>>)
      tpu.yield
    }) : () -> ()
    %barrier3A = arith.constant 0 : index
    tpu.barrier barrier_id(%barrier3A)
    %dma_wait3A = arith.constant 0 : i32
    %dma_wait3A_346 = arith.constant 0 : i32
    %dma_wait3A_347 = arith.constant 0 : i32
    %dma_wait3A_348 = arith.constant 0 : i32
    %dma_wait3A_349 = tpu.memref_slice %arg6[%dma_wait3A_346, %dma_wait3A_348] : memref<10x128xi32, #tpu.memory_space<vmem>> -> memref<1x128xi32, #tpu.memory_space<vmem>>
    %dma_wait3A_350 = tpu.memref_squeeze %dma_wait3A_349 : memref<1x128xi32, #tpu.memory_space<vmem>> -> memref<128xi32, #tpu.memory_space<vmem>>
    %dma_wait3A_351 = arith.constant 0 : i32
    %dma_wait3A_352 = tpu.memref_slice %arg3[%dma_wait3A, %dma_wait3A_351] : memref<2x320000xi32, #tpu.memory_space<hbm>> -> memref<1x128xi32, #tpu.memory_space<hbm>>
    %dma_wait3A_353 = tpu.memref_squeeze %dma_wait3A_352 : memref<1x128xi32, #tpu.memory_space<hbm>> -> memref<128xi32, #tpu.memory_space<hbm>>
    %dma_wait3A_354 = tpu.memref_slice %arg11[%dma_wait3A_347] : memref<10x!tpu.dma_semaphore, #tpu.memory_space<semaphore_mem>> -> memref<1x!tpu.dma_semaphore, #tpu.memory_space<semaphore_mem>>
    %dma_wait3A_355 = tpu.memref_squeeze %dma_wait3A_354 : memref<1x!tpu.dma_semaphore, #tpu.memory_space<semaphore_mem>> -> memref<!tpu.dma_semaphore, #tpu.memory_space<semaphore_mem>>
    %dma_wait3A_356 = arith.constant 0 : i32
    %dma_wait3A_357 = tpu.memref_slice %arg6[%dma_wait3A_346, %dma_wait3A_356] : memref<10x128xi32, #tpu.memory_space<vmem>> -> memref<1x128xi32, #tpu.memory_space<vmem>>
    %dma_wait3A_358 = tpu.memref_squeeze %dma_wait3A_357 : memref<1x128xi32, #tpu.memory_space<vmem>> -> memref<128xi32, #tpu.memory_space<vmem>>
    %dma_wait3A_359 = arith.constant 0 : i32
    %dma_wait3A_360 = tpu.memref_slice %arg3[%dma_wait3A, %dma_wait3A_359] : memref<2x320000xi32, #tpu.memory_space<hbm>> -> memref<1x128xi32, #tpu.memory_space<hbm>>
    %dma_wait3A_361 = tpu.memref_squeeze %dma_wait3A_360 : memref<1x128xi32, #tpu.memory_space<hbm>> -> memref<128xi32, #tpu.memory_space<hbm>>
    tpu.wait_dma2 semaphore(%dma_wait3A_355 : memref<!tpu.dma_semaphore, #tpu.memory_space<semaphore_mem>>) src(%dma_wait3A_361 : memref<128xi32, #tpu.memory_space<hbm>>) dst(%dma_wait3A_358 : memref<128xi32, #tpu.memory_space<vmem>>)
    %dma_wait3A_362 = arith.constant 1 : i32
    %dma_wait3A_363 = arith.constant 0 : i32
    %dma_wait3A_364 = arith.constant 0 : i32
    %dma_wait3A_365 = arith.constant 0 : i32
    %dma_wait3A_366 = tpu.memref_slice %arg7[%dma_wait3A_363, %dma_wait3A_365] : memref<10x128xi32, #tpu.memory_space<vmem>> -> memref<1x128xi32, #tpu.memory_space<vmem>>
    %dma_wait3A_367 = tpu.memref_squeeze %dma_wait3A_366 : memref<1x128xi32, #tpu.memory_space<vmem>> -> memref<128xi32, #tpu.memory_space<vmem>>
    %dma_wait3A_368 = arith.constant 0 : i32
    %dma_wait3A_369 = tpu.memref_slice %arg3[%dma_wait3A_362, %dma_wait3A_368] : memref<2x320000xi32, #tpu.memory_space<hbm>> -> memref<1x128xi32, #tpu.memory_space<hbm>>
    %dma_wait3A_370 = tpu.memref_squeeze %dma_wait3A_369 : memref<1x128xi32, #tpu.memory_space<hbm>> -> memref<128xi32, #tpu.memory_space<hbm>>
    %dma_wait3A_371 = tpu.memref_slice %arg11[%dma_wait3A_364] : memref<10x!tpu.dma_semaphore, #tpu.memory_space<semaphore_mem>> -> memref<1x!tpu.dma_semaphore, #tpu.memory_space<semaphore_mem>>
    %dma_wait3A_372 = tpu.memref_squeeze %dma_wait3A_371 : memref<1x!tpu.dma_semaphore, #tpu.memory_space<semaphore_mem>> -> memref<!tpu.dma_semaphore, #tpu.memory_space<semaphore_mem>>
    %dma_wait3A_373 = arith.constant 0 : i32
    %dma_wait3A_374 = tpu.memref_slice %arg7[%dma_wait3A_363, %dma_wait3A_373] : memref<10x128xi32, #tpu.memory_space<vmem>> -> memref<1x128xi32, #tpu.memory_space<vmem>>
    %dma_wait3A_375 = tpu.memref_squeeze %dma_wait3A_374 : memref<1x128xi32, #tpu.memory_space<vmem>> -> memref<128xi32, #tpu.memory_space<vmem>>
    %dma_wait3A_376 = arith.constant 0 : i32
    %dma_wait3A_377 = tpu.memref_slice %arg3[%dma_wait3A_362, %dma_wait3A_376] : memref<2x320000xi32, #tpu.memory_space<hbm>> -> memref<1x128xi32, #tpu.memory_space<hbm>>
    %dma_wait3A_378 = tpu.memref_squeeze %dma_wait3A_377 : memref<1x128xi32, #tpu.memory_space<hbm>> -> memref<128xi32, #tpu.memory_space<hbm>>
    tpu.wait_dma2 semaphore(%dma_wait3A_372 : memref<!tpu.dma_semaphore, #tpu.memory_space<semaphore_mem>>) src(%dma_wait3A_378 : memref<128xi32, #tpu.memory_space<hbm>>) dst(%dma_wait3A_375 : memref<128xi32, #tpu.memory_space<vmem>>)
    %dma_start3A_379 = arith.constant 0 : i32
    %dma_start3A_380 = arith.constant 0 : i32
    %dma_start3A_381 = arith.constant 0 : i32
    %dma_start3A_382 = arith.constant 0 : i32
    %dma_start3A_383 = arith.constant 0 : i32
    %dma_start3A_384 = tpu.memref_slice %arg8[%dma_start3A_380, %dma_start3A_382, %dma_start3A_383] : memref<10x128x64xf32, #tpu.memory_space<vmem>> -> memref<1x128x64xf32, #tpu.memory_space<vmem>>
    %dma_start3A_385 = tpu.memref_squeeze %dma_start3A_384 : memref<1x128x64xf32, #tpu.memory_space<vmem>> -> memref<128x64xf32, #tpu.memory_space<vmem>>
    %dma_start3A_386 = arith.constant 0 : i32
    %dma_start3A_387 = tpu.memref_slice %arg6[%dma_start3A_379, %dma_start3A_386] : memref<10x128xi32, #tpu.memory_space<vmem>> -> memref<1x128xi32, #tpu.memory_space<vmem>>
    %dma_start3A_388 = tpu.memref_squeeze %dma_start3A_387 : memref<1x128xi32, #tpu.memory_space<vmem>> -> memref<128xi32, #tpu.memory_space<vmem>>
    %dma_start3A_389 = arith.constant 0 : i32
    %dma_start3A_390 = arith.constant 0 : i32
    %dma_start3A_391 = tpu.memref_slice %arg2[%dma_start3A_389, %dma_start3A_390] : memref<10000x64xf32, #tpu.memory_space<hbm>> -> memref<10000x64xf32, #tpu.memory_space<hbm>>
    %dma_start3A_392 = tpu.memref_slice %arg10[%dma_start3A_381] : memref<10x!tpu.dma_semaphore, #tpu.memory_space<semaphore_mem>> -> memref<1x!tpu.dma_semaphore, #tpu.memory_space<semaphore_mem>>
    %dma_start3A_393 = tpu.memref_squeeze %dma_start3A_392 : memref<1x!tpu.dma_semaphore, #tpu.memory_space<semaphore_mem>> -> memref<!tpu.dma_semaphore, #tpu.memory_space<semaphore_mem>>
    tpu.enqueue_indirect_dma source(%dma_start3A_391 : memref<10000x64xf32, #tpu.memory_space<hbm>>) target(%dma_start3A_385 : memref<128x64xf32, #tpu.memory_space<vmem>>) offsets(%dma_start3A_388 : memref<128xi32, #tpu.memory_space<vmem>>) semaphore(%dma_start3A_393 : memref<!tpu.dma_semaphore, #tpu.memory_space<semaphore_mem>>)
    %dma_wait3A_394 = arith.constant 0 : i32
    %dma_wait3A_395 = arith.constant 1 : i32
    %dma_wait3A_396 = arith.constant 1 : i32
    %dma_wait3A_397 = arith.constant 0 : i32
    %dma_wait3A_398 = tpu.memref_slice %arg6[%dma_wait3A_395, %dma_wait3A_397] : memref<10x128xi32, #tpu.memory_space<vmem>> -> memref<1x128xi32, #tpu.memory_space<vmem>>
    %dma_wait3A_399 = tpu.memref_squeeze %dma_wait3A_398 : memref<1x128xi32, #tpu.memory_space<vmem>> -> memref<128xi32, #tpu.memory_space<vmem>>
    %dma_wait3A_400 = arith.constant 0 : i32
    %dma_wait3A_401 = tpu.memref_slice %arg3[%dma_wait3A_394, %dma_wait3A_400] : memref<2x320000xi32, #tpu.memory_space<hbm>> -> memref<1x128xi32, #tpu.memory_space<hbm>>
    %dma_wait3A_402 = tpu.memref_squeeze %dma_wait3A_401 : memref<1x128xi32, #tpu.memory_space<hbm>> -> memref<128xi32, #tpu.memory_space<hbm>>
    %dma_wait3A_403 = tpu.memref_slice %arg11[%dma_wait3A_396] : memref<10x!tpu.dma_semaphore, #tpu.memory_space<semaphore_mem>> -> memref<1x!tpu.dma_semaphore, #tpu.memory_space<semaphore_mem>>
    %dma_wait3A_404 = tpu.memref_squeeze %dma_wait3A_403 : memref<1x!tpu.dma_semaphore, #tpu.memory_space<semaphore_mem>> -> memref<!tpu.dma_semaphore, #tpu.memory_space<semaphore_mem>>
    %dma_wait3A_405 = arith.constant 0 : i32
    %dma_wait3A_406 = tpu.memref_slice %arg6[%dma_wait3A_395, %dma_wait3A_405] : memref<10x128xi32, #tpu.memory_space<vmem>> -> memref<1x128xi32, #tpu.memory_space<vmem>>
    %dma_wait3A_407 = tpu.memref_squeeze %dma_wait3A_406 : memref<1x128xi32, #tpu.memory_space<vmem>> -> memref<128xi32, #tpu.memory_space<vmem>>
    %dma_wait3A_408 = arith.constant 0 : i32
    %dma_wait3A_409 = tpu.memref_slice %arg3[%dma_wait3A_394, %dma_wait3A_408] : memref<2x320000xi32, #tpu.memory_space<hbm>> -> memref<1x128xi32, #tpu.memory_space<hbm>>
    %dma_wait3A_410 = tpu.memref_squeeze %dma_wait3A_409 : memref<1x128xi32, #tpu.memory_space<hbm>> -> memref<128xi32, #tpu.memory_space<hbm>>
    tpu.wait_dma2 semaphore(%dma_wait3A_404 : memref<!tpu.dma_semaphore, #tpu.memory_space<semaphore_mem>>) src(%dma_wait3A_410 : memref<128xi32, #tpu.memory_space<hbm>>) dst(%dma_wait3A_407 : memref<128xi32, #tpu.memory_space<vmem>>)
    %dma_wait3A_411 = arith.constant 1 : i32
    %dma_wait3A_412 = arith.constant 1 : i32
    %dma_wait3A_413 = arith.constant 1 : i32
    %dma_wait3A_414 = arith.constant 0 : i32
    %dma_wait3A_415 = tpu.memref_slice %arg7[%dma_wait3A_412, %dma_wait3A_414] : memref<10x128xi32, #tpu.memory_space<vmem>> -> memref<1x128xi32, #tpu.memory_space<vmem>>
    %dma_wait3A_416 = tpu.memref_squeeze %dma_wait3A_415 : memref<1x128xi32, #tpu.memory_space<vmem>> -> memref<128xi32, #tpu.memory_space<vmem>>
    %dma_wait3A_417 = arith.constant 0 : i32
    %dma_wait3A_418 = tpu.memref_slice %arg3[%dma_wait3A_411, %dma_wait3A_417] : memref<2x320000xi32, #tpu.memory_space<hbm>> -> memref<1x128xi32, #tpu.memory_space<hbm>>
    %dma_wait3A_419 = tpu.memref_squeeze %dma_wait3A_418 : memref<1x128xi32, #tpu.memory_space<hbm>> -> memref<128xi32, #tpu.memory_space<hbm>>
    %dma_wait3A_420 = tpu.memref_slice %arg11[%dma_wait3A_413] : memref<10x!tpu.dma_semaphore, #tpu.memory_space<semaphore_mem>> -> memref<1x!tpu.dma_semaphore, #tpu.memory_space<semaphore_mem>>
    %dma_wait3A_421 = tpu.memref_squeeze %dma_wait3A_420 : memref<1x!tpu.dma_semaphore, #tpu.memory_space<semaphore_mem>> -> memref<!tpu.dma_semaphore, #tpu.memory_space<semaphore_mem>>
    %dma_wait3A_422 = arith.constant 0 : i32
    %dma_wait3A_423 = tpu.memref_slice %arg7[%dma_wait3A_412, %dma_wait3A_422] : memref<10x128xi32, #tpu.memory_space<vmem>> -> memref<1x128xi32, #tpu.memory_space<vmem>>
    %dma_wait3A_424 = tpu.memref_squeeze %dma_wait3A_423 : memref<1x128xi32, #tpu.memory_space<vmem>> -> memref<128xi32, #tpu.memory_space<vmem>>
    %dma_wait3A_425 = arith.constant 0 : i32
    %dma_wait3A_426 = tpu.memref_slice %arg3[%dma_wait3A_411, %dma_wait3A_425] : memref<2x320000xi32, #tpu.memory_space<hbm>> -> memref<1x128xi32, #tpu.memory_space<hbm>>
    %dma_wait3A_427 = tpu.memref_squeeze %dma_wait3A_426 : memref<1x128xi32, #tpu.memory_space<hbm>> -> memref<128xi32, #tpu.memory_space<hbm>>
    tpu.wait_dma2 semaphore(%dma_wait3A_421 : memref<!tpu.dma_semaphore, #tpu.memory_space<semaphore_mem>>) src(%dma_wait3A_427 : memref<128xi32, #tpu.memory_space<hbm>>) dst(%dma_wait3A_424 : memref<128xi32, #tpu.memory_space<vmem>>)
    %dma_start3A_428 = arith.constant 1 : i32
    %dma_start3A_429 = arith.constant 1 : i32
    %dma_start3A_430 = arith.constant 1 : i32
    %dma_start3A_431 = arith.constant 0 : i32
    %dma_start3A_432 = arith.constant 0 : i32
    %dma_start3A_433 = tpu.memref_slice %arg8[%dma_start3A_429, %dma_start3A_431, %dma_start3A_432] : memref<10x128x64xf32, #tpu.memory_space<vmem>> -> memref<1x128x64xf32, #tpu.memory_space<vmem>>
    %dma_start3A_434 = tpu.memref_squeeze %dma_start3A_433 : memref<1x128x64xf32, #tpu.memory_space<vmem>> -> memref<128x64xf32, #tpu.memory_space<vmem>>
    %dma_start3A_435 = arith.constant 0 : i32
    %dma_start3A_436 = tpu.memref_slice %arg6[%dma_start3A_428, %dma_start3A_435] : memref<10x128xi32, #tpu.memory_space<vmem>> -> memref<1x128xi32, #tpu.memory_space<vmem>>
    %dma_start3A_437 = tpu.memref_squeeze %dma_start3A_436 : memref<1x128xi32, #tpu.memory_space<vmem>> -> memref<128xi32, #tpu.memory_space<vmem>>
    %dma_start3A_438 = arith.constant 0 : i32
    %dma_start3A_439 = arith.constant 0 : i32
    %dma_start3A_440 = tpu.memref_slice %arg2[%dma_start3A_438, %dma_start3A_439] : memref<10000x64xf32, #tpu.memory_space<hbm>> -> memref<10000x64xf32, #tpu.memory_space<hbm>>
    %dma_start3A_441 = tpu.memref_slice %arg10[%dma_start3A_430] : memref<10x!tpu.dma_semaphore, #tpu.memory_space<semaphore_mem>> -> memref<1x!tpu.dma_semaphore, #tpu.memory_space<semaphore_mem>>
    %dma_start3A_442 = tpu.memref_squeeze %dma_start3A_441 : memref<1x!tpu.dma_semaphore, #tpu.memory_space<semaphore_mem>> -> memref<!tpu.dma_semaphore, #tpu.memory_space<semaphore_mem>>
    tpu.enqueue_indirect_dma source(%dma_start3A_440 : memref<10000x64xf32, #tpu.memory_space<hbm>>) target(%dma_start3A_434 : memref<128x64xf32, #tpu.memory_space<vmem>>) offsets(%dma_start3A_437 : memref<128xi32, #tpu.memory_space<vmem>>) semaphore(%dma_start3A_442 : memref<!tpu.dma_semaphore, #tpu.memory_space<semaphore_mem>>)
    %dma_wait3A_443 = arith.constant 0 : i32
    %dma_wait3A_444 = arith.constant 2 : i32
    %dma_wait3A_445 = arith.constant 2 : i32
    %dma_wait3A_446 = arith.constant 0 : i32
    %dma_wait3A_447 = tpu.memref_slice %arg6[%dma_wait3A_444, %dma_wait3A_446] : memref<10x128xi32, #tpu.memory_space<vmem>> -> memref<1x128xi32, #tpu.memory_space<vmem>>
    %dma_wait3A_448 = tpu.memref_squeeze %dma_wait3A_447 : memref<1x128xi32, #tpu.memory_space<vmem>> -> memref<128xi32, #tpu.memory_space<vmem>>
    %dma_wait3A_449 = arith.constant 0 : i32
    %dma_wait3A_450 = tpu.memref_slice %arg3[%dma_wait3A_443, %dma_wait3A_449] : memref<2x320000xi32, #tpu.memory_space<hbm>> -> memref<1x128xi32, #tpu.memory_space<hbm>>
    %dma_wait3A_451 = tpu.memref_squeeze %dma_wait3A_450 : memref<1x128xi32, #tpu.memory_space<hbm>> -> memref<128xi32, #tpu.memory_space<hbm>>
    %dma_wait3A_452 = tpu.memref_slice %arg11[%dma_wait3A_445] : memref<10x!tpu.dma_semaphore, #tpu.memory_space<semaphore_mem>> -> memref<1x!tpu.dma_semaphore, #tpu.memory_space<semaphore_mem>>
    %dma_wait3A_453 = tpu.memref_squeeze %dma_wait3A_452 : memref<1x!tpu.dma_semaphore, #tpu.memory_space<semaphore_mem>> -> memref<!tpu.dma_semaphore, #tpu.memory_space<semaphore_mem>>
    %dma_wait3A_454 = arith.constant 0 : i32
    %dma_wait3A_455 = tpu.memref_slice %arg6[%dma_wait3A_444, %dma_wait3A_454] : memref<10x128xi32, #tpu.memory_space<vmem>> -> memref<1x128xi32, #tpu.memory_space<vmem>>
    %dma_wait3A_456 = tpu.memref_squeeze %dma_wait3A_455 : memref<1x128xi32, #tpu.memory_space<vmem>> -> memref<128xi32, #tpu.memory_space<vmem>>
    %dma_wait3A_457 = arith.constant 0 : i32
    %dma_wait3A_458 = tpu.memref_slice %arg3[%dma_wait3A_443, %dma_wait3A_457] : memref<2x320000xi32, #tpu.memory_space<hbm>> -> memref<1x128xi32, #tpu.memory_space<hbm>>
    %dma_wait3A_459 = tpu.memref_squeeze %dma_wait3A_458 : memref<1x128xi32, #tpu.memory_space<hbm>> -> memref<128xi32, #tpu.memory_space<hbm>>
    tpu.wait_dma2 semaphore(%dma_wait3A_453 : memref<!tpu.dma_semaphore, #tpu.memory_space<semaphore_mem>>) src(%dma_wait3A_459 : memref<128xi32, #tpu.memory_space<hbm>>) dst(%dma_wait3A_456 : memref<128xi32, #tpu.memory_space<vmem>>)
    %dma_wait3A_460 = arith.constant 1 : i32
    %dma_wait3A_461 = arith.constant 2 : i32
    %dma_wait3A_462 = arith.constant 2 : i32
    %dma_wait3A_463 = arith.constant 0 : i32
    %dma_wait3A_464 = tpu.memref_slice %arg7[%dma_wait3A_461, %dma_wait3A_463] : memref<10x128xi32, #tpu.memory_space<vmem>> -> memref<1x128xi32, #tpu.memory_space<vmem>>
    %dma_wait3A_465 = tpu.memref_squeeze %dma_wait3A_464 : memref<1x128xi32, #tpu.memory_space<vmem>> -> memref<128xi32, #tpu.memory_space<vmem>>
    %dma_wait3A_466 = arith.constant 0 : i32
    %dma_wait3A_467 = tpu.memref_slice %arg3[%dma_wait3A_460, %dma_wait3A_466] : memref<2x320000xi32, #tpu.memory_space<hbm>> -> memref<1x128xi32, #tpu.memory_space<hbm>>
    %dma_wait3A_468 = tpu.memref_squeeze %dma_wait3A_467 : memref<1x128xi32, #tpu.memory_space<hbm>> -> memref<128xi32, #tpu.memory_space<hbm>>
    %dma_wait3A_469 = tpu.memref_slice %arg11[%dma_wait3A_462] : memref<10x!tpu.dma_semaphore, #tpu.memory_space<semaphore_mem>> -> memref<1x!tpu.dma_semaphore, #tpu.memory_space<semaphore_mem>>
    %dma_wait3A_470 = tpu.memref_squeeze %dma_wait3A_469 : memref<1x!tpu.dma_semaphore, #tpu.memory_space<semaphore_mem>> -> memref<!tpu.dma_semaphore, #tpu.memory_space<semaphore_mem>>
    %dma_wait3A_471 = arith.constant 0 : i32
    %dma_wait3A_472 = tpu.memref_slice %arg7[%dma_wait3A_461, %dma_wait3A_471] : memref<10x128xi32, #tpu.memory_space<vmem>> -> memref<1x128xi32, #tpu.memory_space<vmem>>
    %dma_wait3A_473 = tpu.memref_squeeze %dma_wait3A_472 : memref<1x128xi32, #tpu.memory_space<vmem>> -> memref<128xi32, #tpu.memory_space<vmem>>
    %dma_wait3A_474 = arith.constant 0 : i32
    %dma_wait3A_475 = tpu.memref_slice %arg3[%dma_wait3A_460, %dma_wait3A_474] : memref<2x320000xi32, #tpu.memory_space<hbm>> -> memref<1x128xi32, #tpu.memory_space<hbm>>
    %dma_wait3A_476 = tpu.memref_squeeze %dma_wait3A_475 : memref<1x128xi32, #tpu.memory_space<hbm>> -> memref<128xi32, #tpu.memory_space<hbm>>
    tpu.wait_dma2 semaphore(%dma_wait3A_470 : memref<!tpu.dma_semaphore, #tpu.memory_space<semaphore_mem>>) src(%dma_wait3A_476 : memref<128xi32, #tpu.memory_space<hbm>>) dst(%dma_wait3A_473 : memref<128xi32, #tpu.memory_space<vmem>>)
    %dma_start3A_477 = arith.constant 2 : i32
    %dma_start3A_478 = arith.constant 2 : i32
    %dma_start3A_479 = arith.constant 2 : i32
    %dma_start3A_480 = arith.constant 0 : i32
    %dma_start3A_481 = arith.constant 0 : i32
    %dma_start3A_482 = tpu.memref_slice %arg8[%dma_start3A_478, %dma_start3A_480, %dma_start3A_481] : memref<10x128x64xf32, #tpu.memory_space<vmem>> -> memref<1x128x64xf32, #tpu.memory_space<vmem>>
    %dma_start3A_483 = tpu.memref_squeeze %dma_start3A_482 : memref<1x128x64xf32, #tpu.memory_space<vmem>> -> memref<128x64xf32, #tpu.memory_space<vmem>>
    %dma_start3A_484 = arith.constant 0 : i32
    %dma_start3A_485 = tpu.memref_slice %arg6[%dma_start3A_477, %dma_start3A_484] : memref<10x128xi32, #tpu.memory_space<vmem>> -> memref<1x128xi32, #tpu.memory_space<vmem>>
    %dma_start3A_486 = tpu.memref_squeeze %dma_start3A_485 : memref<1x128xi32, #tpu.memory_space<vmem>> -> memref<128xi32, #tpu.memory_space<vmem>>
    %dma_start3A_487 = arith.constant 0 : i32
    %dma_start3A_488 = arith.constant 0 : i32
    %dma_start3A_489 = tpu.memref_slice %arg2[%dma_start3A_487, %dma_start3A_488] : memref<10000x64xf32, #tpu.memory_space<hbm>> -> memref<10000x64xf32, #tpu.memory_space<hbm>>
    %dma_start3A_490 = tpu.memref_slice %arg10[%dma_start3A_479] : memref<10x!tpu.dma_semaphore, #tpu.memory_space<semaphore_mem>> -> memref<1x!tpu.dma_semaphore, #tpu.memory_space<semaphore_mem>>
    %dma_start3A_491 = tpu.memref_squeeze %dma_start3A_490 : memref<1x!tpu.dma_semaphore, #tpu.memory_space<semaphore_mem>> -> memref<!tpu.dma_semaphore, #tpu.memory_space<semaphore_mem>>
    tpu.enqueue_indirect_dma source(%dma_start3A_489 : memref<10000x64xf32, #tpu.memory_space<hbm>>) target(%dma_start3A_483 : memref<128x64xf32, #tpu.memory_space<vmem>>) offsets(%dma_start3A_486 : memref<128xi32, #tpu.memory_space<vmem>>) semaphore(%dma_start3A_491 : memref<!tpu.dma_semaphore, #tpu.memory_space<semaphore_mem>>)
    %dma_wait3A_492 = arith.constant 0 : i32
    %dma_wait3A_493 = arith.constant 3 : i32
    %dma_wait3A_494 = arith.constant 3 : i32
    %dma_wait3A_495 = arith.constant 0 : i32
    %dma_wait3A_496 = tpu.memref_slice %arg6[%dma_wait3A_493, %dma_wait3A_495] : memref<10x128xi32, #tpu.memory_space<vmem>> -> memref<1x128xi32, #tpu.memory_space<vmem>>
    %dma_wait3A_497 = tpu.memref_squeeze %dma_wait3A_496 : memref<1x128xi32, #tpu.memory_space<vmem>> -> memref<128xi32, #tpu.memory_space<vmem>>
    %dma_wait3A_498 = arith.constant 0 : i32
    %dma_wait3A_499 = tpu.memref_slice %arg3[%dma_wait3A_492, %dma_wait3A_498] : memref<2x320000xi32, #tpu.memory_space<hbm>> -> memref<1x128xi32, #tpu.memory_space<hbm>>
    %dma_wait3A_500 = tpu.memref_squeeze %dma_wait3A_499 : memref<1x128xi32, #tpu.memory_space<hbm>> -> memref<128xi32, #tpu.memory_space<hbm>>
    %dma_wait3A_501 = tpu.memref_slice %arg11[%dma_wait3A_494] : memref<10x!tpu.dma_semaphore, #tpu.memory_space<semaphore_mem>> -> memref<1x!tpu.dma_semaphore, #tpu.memory_space<semaphore_mem>>
    %dma_wait3A_502 = tpu.memref_squeeze %dma_wait3A_501 : memref<1x!tpu.dma_semaphore, #tpu.memory_space<semaphore_mem>> -> memref<!tpu.dma_semaphore, #tpu.memory_space<semaphore_mem>>
    %dma_wait3A_503 = arith.constant 0 : i32
    %dma_wait3A_504 = tpu.memref_slice %arg6[%dma_wait3A_493, %dma_wait3A_503] : memref<10x128xi32, #tpu.memory_space<vmem>> -> memref<1x128xi32, #tpu.memory_space<vmem>>
    %dma_wait3A_505 = tpu.memref_squeeze %dma_wait3A_504 : memref<1x128xi32, #tpu.memory_space<vmem>> -> memref<128xi32, #tpu.memory_space<vmem>>
    %dma_wait3A_506 = arith.constant 0 : i32
    %dma_wait3A_507 = tpu.memref_slice %arg3[%dma_wait3A_492, %dma_wait3A_506] : memref<2x320000xi32, #tpu.memory_space<hbm>> -> memref<1x128xi32, #tpu.memory_space<hbm>>
    %dma_wait3A_508 = tpu.memref_squeeze %dma_wait3A_507 : memref<1x128xi32, #tpu.memory_space<hbm>> -> memref<128xi32, #tpu.memory_space<hbm>>
    tpu.wait_dma2 semaphore(%dma_wait3A_502 : memref<!tpu.dma_semaphore, #tpu.memory_space<semaphore_mem>>) src(%dma_wait3A_508 : memref<128xi32, #tpu.memory_space<hbm>>) dst(%dma_wait3A_505 : memref<128xi32, #tpu.memory_space<vmem>>)
    %dma_wait3A_509 = arith.constant 1 : i32
    %dma_wait3A_510 = arith.constant 3 : i32
    %dma_wait3A_511 = arith.constant 3 : i32
    %dma_wait3A_512 = arith.constant 0 : i32
    %dma_wait3A_513 = tpu.memref_slice %arg7[%dma_wait3A_510, %dma_wait3A_512] : memref<10x128xi32, #tpu.memory_space<vmem>> -> memref<1x128xi32, #tpu.memory_space<vmem>>
    %dma_wait3A_514 = tpu.memref_squeeze %dma_wait3A_513 : memref<1x128xi32, #tpu.memory_space<vmem>> -> memref<128xi32, #tpu.memory_space<vmem>>
    %dma_wait3A_515 = arith.constant 0 : i32
    %dma_wait3A_516 = tpu.memref_slice %arg3[%dma_wait3A_509, %dma_wait3A_515] : memref<2x320000xi32, #tpu.memory_space<hbm>> -> memref<1x128xi32, #tpu.memory_space<hbm>>
    %dma_wait3A_517 = tpu.memref_squeeze %dma_wait3A_516 : memref<1x128xi32, #tpu.memory_space<hbm>> -> memref<128xi32, #tpu.memory_space<hbm>>
    %dma_wait3A_518 = tpu.memref_slice %arg11[%dma_wait3A_511] : memref<10x!tpu.dma_semaphore, #tpu.memory_space<semaphore_mem>> -> memref<1x!tpu.dma_semaphore, #tpu.memory_space<semaphore_mem>>
    %dma_wait3A_519 = tpu.memref_squeeze %dma_wait3A_518 : memref<1x!tpu.dma_semaphore, #tpu.memory_space<semaphore_mem>> -> memref<!tpu.dma_semaphore, #tpu.memory_space<semaphore_mem>>
    %dma_wait3A_520 = arith.constant 0 : i32
    %dma_wait3A_521 = tpu.memref_slice %arg7[%dma_wait3A_510, %dma_wait3A_520] : memref<10x128xi32, #tpu.memory_space<vmem>> -> memref<1x128xi32, #tpu.memory_space<vmem>>
    %dma_wait3A_522 = tpu.memref_squeeze %dma_wait3A_521 : memref<1x128xi32, #tpu.memory_space<vmem>> -> memref<128xi32, #tpu.memory_space<vmem>>
    %dma_wait3A_523 = arith.constant 0 : i32
    %dma_wait3A_524 = tpu.memref_slice %arg3[%dma_wait3A_509, %dma_wait3A_523] : memref<2x320000xi32, #tpu.memory_space<hbm>> -> memref<1x128xi32, #tpu.memory_space<hbm>>
    %dma_wait3A_525 = tpu.memref_squeeze %dma_wait3A_524 : memref<1x128xi32, #tpu.memory_space<hbm>> -> memref<128xi32, #tpu.memory_space<hbm>>
    tpu.wait_dma2 semaphore(%dma_wait3A_519 : memref<!tpu.dma_semaphore, #tpu.memory_space<semaphore_mem>>) src(%dma_wait3A_525 : memref<128xi32, #tpu.memory_space<hbm>>) dst(%dma_wait3A_522 : memref<128xi32, #tpu.memory_space<vmem>>)
    %dma_start3A_526 = arith.constant 3 : i32
    %dma_start3A_527 = arith.constant 3 : i32
    %dma_start3A_528 = arith.constant 3 : i32
    %dma_start3A_529 = arith.constant 0 : i32
    %dma_start3A_530 = arith.constant 0 : i32
    %dma_start3A_531 = tpu.memref_slice %arg8[%dma_start3A_527, %dma_start3A_529, %dma_start3A_530] : memref<10x128x64xf32, #tpu.memory_space<vmem>> -> memref<1x128x64xf32, #tpu.memory_space<vmem>>
    %dma_start3A_532 = tpu.memref_squeeze %dma_start3A_531 : memref<1x128x64xf32, #tpu.memory_space<vmem>> -> memref<128x64xf32, #tpu.memory_space<vmem>>
    %dma_start3A_533 = arith.constant 0 : i32
    %dma_start3A_534 = tpu.memref_slice %arg6[%dma_start3A_526, %dma_start3A_533] : memref<10x128xi32, #tpu.memory_space<vmem>> -> memref<1x128xi32, #tpu.memory_space<vmem>>
    %dma_start3A_535 = tpu.memref_squeeze %dma_start3A_534 : memref<1x128xi32, #tpu.memory_space<vmem>> -> memref<128xi32, #tpu.memory_space<vmem>>
    %dma_start3A_536 = arith.constant 0 : i32
    %dma_start3A_537 = arith.constant 0 : i32
    %dma_start3A_538 = tpu.memref_slice %arg2[%dma_start3A_536, %dma_start3A_537] : memref<10000x64xf32, #tpu.memory_space<hbm>> -> memref<10000x64xf32, #tpu.memory_space<hbm>>
    %dma_start3A_539 = tpu.memref_slice %arg10[%dma_start3A_528] : memref<10x!tpu.dma_semaphore, #tpu.memory_space<semaphore_mem>> -> memref<1x!tpu.dma_semaphore, #tpu.memory_space<semaphore_mem>>
    %dma_start3A_540 = tpu.memref_squeeze %dma_start3A_539 : memref<1x!tpu.dma_semaphore, #tpu.memory_space<semaphore_mem>> -> memref<!tpu.dma_semaphore, #tpu.memory_space<semaphore_mem>>
    tpu.enqueue_indirect_dma source(%dma_start3A_538 : memref<10000x64xf32, #tpu.memory_space<hbm>>) target(%dma_start3A_532 : memref<128x64xf32, #tpu.memory_space<vmem>>) offsets(%dma_start3A_535 : memref<128xi32, #tpu.memory_space<vmem>>) semaphore(%dma_start3A_540 : memref<!tpu.dma_semaphore, #tpu.memory_space<semaphore_mem>>)
    %dma_wait3A_541 = arith.constant 0 : i32
    %dma_wait3A_542 = arith.constant 4 : i32
    %dma_wait3A_543 = arith.constant 4 : i32
    %dma_wait3A_544 = arith.constant 0 : i32
    %dma_wait3A_545 = tpu.memref_slice %arg6[%dma_wait3A_542, %dma_wait3A_544] : memref<10x128xi32, #tpu.memory_space<vmem>> -> memref<1x128xi32, #tpu.memory_space<vmem>>
    %dma_wait3A_546 = tpu.memref_squeeze %dma_wait3A_545 : memref<1x128xi32, #tpu.memory_space<vmem>> -> memref<128xi32, #tpu.memory_space<vmem>>
    %dma_wait3A_547 = arith.constant 0 : i32
    %dma_wait3A_548 = tpu.memref_slice %arg3[%dma_wait3A_541, %dma_wait3A_547] : memref<2x320000xi32, #tpu.memory_space<hbm>> -> memref<1x128xi32, #tpu.memory_space<hbm>>
    %dma_wait3A_549 = tpu.memref_squeeze %dma_wait3A_548 : memref<1x128xi32, #tpu.memory_space<hbm>> -> memref<128xi32, #tpu.memory_space<hbm>>
    %dma_wait3A_550 = tpu.memref_slice %arg11[%dma_wait3A_543] : memref<10x!tpu.dma_semaphore, #tpu.memory_space<semaphore_mem>> -> memref<1x!tpu.dma_semaphore, #tpu.memory_space<semaphore_mem>>
    %dma_wait3A_551 = tpu.memref_squeeze %dma_wait3A_550 : memref<1x!tpu.dma_semaphore, #tpu.memory_space<semaphore_mem>> -> memref<!tpu.dma_semaphore, #tpu.memory_space<semaphore_mem>>
    %dma_wait3A_552 = arith.constant 0 : i32
    %dma_wait3A_553 = tpu.memref_slice %arg6[%dma_wait3A_542, %dma_wait3A_552] : memref<10x128xi32, #tpu.memory_space<vmem>> -> memref<1x128xi32, #tpu.memory_space<vmem>>
    %dma_wait3A_554 = tpu.memref_squeeze %dma_wait3A_553 : memref<1x128xi32, #tpu.memory_space<vmem>> -> memref<128xi32, #tpu.memory_space<vmem>>
    %dma_wait3A_555 = arith.constant 0 : i32
    %dma_wait3A_556 = tpu.memref_slice %arg3[%dma_wait3A_541, %dma_wait3A_555] : memref<2x320000xi32, #tpu.memory_space<hbm>> -> memref<1x128xi32, #tpu.memory_space<hbm>>
    %dma_wait3A_557 = tpu.memref_squeeze %dma_wait3A_556 : memref<1x128xi32, #tpu.memory_space<hbm>> -> memref<128xi32, #tpu.memory_space<hbm>>
    tpu.wait_dma2 semaphore(%dma_wait3A_551 : memref<!tpu.dma_semaphore, #tpu.memory_space<semaphore_mem>>) src(%dma_wait3A_557 : memref<128xi32, #tpu.memory_space<hbm>>) dst(%dma_wait3A_554 : memref<128xi32, #tpu.memory_space<vmem>>)
    %dma_wait3A_558 = arith.constant 1 : i32
    %dma_wait3A_559 = arith.constant 4 : i32
    %dma_wait3A_560 = arith.constant 4 : i32
    %dma_wait3A_561 = arith.constant 0 : i32
    %dma_wait3A_562 = tpu.memref_slice %arg7[%dma_wait3A_559, %dma_wait3A_561] : memref<10x128xi32, #tpu.memory_space<vmem>> -> memref<1x128xi32, #tpu.memory_space<vmem>>
    %dma_wait3A_563 = tpu.memref_squeeze %dma_wait3A_562 : memref<1x128xi32, #tpu.memory_space<vmem>> -> memref<128xi32, #tpu.memory_space<vmem>>
    %dma_wait3A_564 = arith.constant 0 : i32
    %dma_wait3A_565 = tpu.memref_slice %arg3[%dma_wait3A_558, %dma_wait3A_564] : memref<2x320000xi32, #tpu.memory_space<hbm>> -> memref<1x128xi32, #tpu.memory_space<hbm>>
    %dma_wait3A_566 = tpu.memref_squeeze %dma_wait3A_565 : memref<1x128xi32, #tpu.memory_space<hbm>> -> memref<128xi32, #tpu.memory_space<hbm>>
    %dma_wait3A_567 = tpu.memref_slice %arg11[%dma_wait3A_560] : memref<10x!tpu.dma_semaphore, #tpu.memory_space<semaphore_mem>> -> memref<1x!tpu.dma_semaphore, #tpu.memory_space<semaphore_mem>>
    %dma_wait3A_568 = tpu.memref_squeeze %dma_wait3A_567 : memref<1x!tpu.dma_semaphore, #tpu.memory_space<semaphore_mem>> -> memref<!tpu.dma_semaphore, #tpu.memory_space<semaphore_mem>>
    %dma_wait3A_569 = arith.constant 0 : i32
    %dma_wait3A_570 = tpu.memref_slice %arg7[%dma_wait3A_559, %dma_wait3A_569] : memref<10x128xi32, #tpu.memory_space<vmem>> -> memref<1x128xi32, #tpu.memory_space<vmem>>
    %dma_wait3A_571 = tpu.memref_squeeze %dma_wait3A_570 : memref<1x128xi32, #tpu.memory_space<vmem>> -> memref<128xi32, #tpu.memory_space<vmem>>
    %dma_wait3A_572 = arith.constant 0 : i32
    %dma_wait3A_573 = tpu.memref_slice %arg3[%dma_wait3A_558, %dma_wait3A_572] : memref<2x320000xi32, #tpu.memory_space<hbm>> -> memref<1x128xi32, #tpu.memory_space<hbm>>
    %dma_wait3A_574 = tpu.memref_squeeze %dma_wait3A_573 : memref<1x128xi32, #tpu.memory_space<hbm>> -> memref<128xi32, #tpu.memory_space<hbm>>
    tpu.wait_dma2 semaphore(%dma_wait3A_568 : memref<!tpu.dma_semaphore, #tpu.memory_space<semaphore_mem>>) src(%dma_wait3A_574 : memref<128xi32, #tpu.memory_space<hbm>>) dst(%dma_wait3A_571 : memref<128xi32, #tpu.memory_space<vmem>>)
    %dma_start3A_575 = arith.constant 4 : i32
    %dma_start3A_576 = arith.constant 4 : i32
    %dma_start3A_577 = arith.constant 4 : i32
    %dma_start3A_578 = arith.constant 0 : i32
    %dma_start3A_579 = arith.constant 0 : i32
    %dma_start3A_580 = tpu.memref_slice %arg8[%dma_start3A_576, %dma_start3A_578, %dma_start3A_579] : memref<10x128x64xf32, #tpu.memory_space<vmem>> -> memref<1x128x64xf32, #tpu.memory_space<vmem>>
    %dma_start3A_581 = tpu.memref_squeeze %dma_start3A_580 : memref<1x128x64xf32, #tpu.memory_space<vmem>> -> memref<128x64xf32, #tpu.memory_space<vmem>>
    %dma_start3A_582 = arith.constant 0 : i32
    %dma_start3A_583 = tpu.memref_slice %arg6[%dma_start3A_575, %dma_start3A_582] : memref<10x128xi32, #tpu.memory_space<vmem>> -> memref<1x128xi32, #tpu.memory_space<vmem>>
    %dma_start3A_584 = tpu.memref_squeeze %dma_start3A_583 : memref<1x128xi32, #tpu.memory_space<vmem>> -> memref<128xi32, #tpu.memory_space<vmem>>
    %dma_start3A_585 = arith.constant 0 : i32
    %dma_start3A_586 = arith.constant 0 : i32
    %dma_start3A_587 = tpu.memref_slice %arg2[%dma_start3A_585, %dma_start3A_586] : memref<10000x64xf32, #tpu.memory_space<hbm>> -> memref<10000x64xf32, #tpu.memory_space<hbm>>
    %dma_start3A_588 = tpu.memref_slice %arg10[%dma_start3A_577] : memref<10x!tpu.dma_semaphore, #tpu.memory_space<semaphore_mem>> -> memref<1x!tpu.dma_semaphore, #tpu.memory_space<semaphore_mem>>
    %dma_start3A_589 = tpu.memref_squeeze %dma_start3A_588 : memref<1x!tpu.dma_semaphore, #tpu.memory_space<semaphore_mem>> -> memref<!tpu.dma_semaphore, #tpu.memory_space<semaphore_mem>>
    tpu.enqueue_indirect_dma source(%dma_start3A_587 : memref<10000x64xf32, #tpu.memory_space<hbm>>) target(%dma_start3A_581 : memref<128x64xf32, #tpu.memory_space<vmem>>) offsets(%dma_start3A_584 : memref<128xi32, #tpu.memory_space<vmem>>) semaphore(%dma_start3A_589 : memref<!tpu.dma_semaphore, #tpu.memory_space<semaphore_mem>>)
    %dma_wait3A_590 = arith.constant 0 : i32
    %dma_wait3A_591 = arith.constant 5 : i32
    %dma_wait3A_592 = arith.constant 5 : i32
    %dma_wait3A_593 = arith.constant 0 : i32
    %dma_wait3A_594 = tpu.memref_slice %arg6[%dma_wait3A_591, %dma_wait3A_593] : memref<10x128xi32, #tpu.memory_space<vmem>> -> memref<1x128xi32, #tpu.memory_space<vmem>>
    %dma_wait3A_595 = tpu.memref_squeeze %dma_wait3A_594 : memref<1x128xi32, #tpu.memory_space<vmem>> -> memref<128xi32, #tpu.memory_space<vmem>>
    %dma_wait3A_596 = arith.constant 0 : i32
    %dma_wait3A_597 = tpu.memref_slice %arg3[%dma_wait3A_590, %dma_wait3A_596] : memref<2x320000xi32, #tpu.memory_space<hbm>> -> memref<1x128xi32, #tpu.memory_space<hbm>>
    %dma_wait3A_598 = tpu.memref_squeeze %dma_wait3A_597 : memref<1x128xi32, #tpu.memory_space<hbm>> -> memref<128xi32, #tpu.memory_space<hbm>>
    %dma_wait3A_599 = tpu.memref_slice %arg11[%dma_wait3A_592] : memref<10x!tpu.dma_semaphore, #tpu.memory_space<semaphore_mem>> -> memref<1x!tpu.dma_semaphore, #tpu.memory_space<semaphore_mem>>
    %dma_wait3A_600 = tpu.memref_squeeze %dma_wait3A_599 : memref<1x!tpu.dma_semaphore, #tpu.memory_space<semaphore_mem>> -> memref<!tpu.dma_semaphore, #tpu.memory_space<semaphore_mem>>
    %dma_wait3A_601 = arith.constant 0 : i32
    %dma_wait3A_602 = tpu.memref_slice %arg6[%dma_wait3A_591, %dma_wait3A_601] : memref<10x128xi32, #tpu.memory_space<vmem>> -> memref<1x128xi32, #tpu.memory_space<vmem>>
    %dma_wait3A_603 = tpu.memref_squeeze %dma_wait3A_602 : memref<1x128xi32, #tpu.memory_space<vmem>> -> memref<128xi32, #tpu.memory_space<vmem>>
    %dma_wait3A_604 = arith.constant 0 : i32
    %dma_wait3A_605 = tpu.memref_slice %arg3[%dma_wait3A_590, %dma_wait3A_604] : memref<2x320000xi32, #tpu.memory_space<hbm>> -> memref<1x128xi32, #tpu.memory_space<hbm>>
    %dma_wait3A_606 = tpu.memref_squeeze %dma_wait3A_605 : memref<1x128xi32, #tpu.memory_space<hbm>> -> memref<128xi32, #tpu.memory_space<hbm>>
    tpu.wait_dma2 semaphore(%dma_wait3A_600 : memref<!tpu.dma_semaphore, #tpu.memory_space<semaphore_mem>>) src(%dma_wait3A_606 : memref<128xi32, #tpu.memory_space<hbm>>) dst(%dma_wait3A_603 : memref<128xi32, #tpu.memory_space<vmem>>)
    %dma_wait3A_607 = arith.constant 1 : i32
    %dma_wait3A_608 = arith.constant 5 : i32
    %dma_wait3A_609 = arith.constant 5 : i32
    %dma_wait3A_610 = arith.constant 0 : i32
    %dma_wait3A_611 = tpu.memref_slice %arg7[%dma_wait3A_608, %dma_wait3A_610] : memref<10x128xi32, #tpu.memory_space<vmem>> -> memref<1x128xi32, #tpu.memory_space<vmem>>
    %dma_wait3A_612 = tpu.memref_squeeze %dma_wait3A_611 : memref<1x128xi32, #tpu.memory_space<vmem>> -> memref<128xi32, #tpu.memory_space<vmem>>
    %dma_wait3A_613 = arith.constant 0 : i32
    %dma_wait3A_614 = tpu.memref_slice %arg3[%dma_wait3A_607, %dma_wait3A_613] : memref<2x320000xi32, #tpu.memory_space<hbm>> -> memref<1x128xi32, #tpu.memory_space<hbm>>
    %dma_wait3A_615 = tpu.memref_squeeze %dma_wait3A_614 : memref<1x128xi32, #tpu.memory_space<hbm>> -> memref<128xi32, #tpu.memory_space<hbm>>
    %dma_wait3A_616 = tpu.memref_slice %arg11[%dma_wait3A_609] : memref<10x!tpu.dma_semaphore, #tpu.memory_space<semaphore_mem>> -> memref<1x!tpu.dma_semaphore, #tpu.memory_space<semaphore_mem>>
    %dma_wait3A_617 = tpu.memref_squeeze %dma_wait3A_616 : memref<1x!tpu.dma_semaphore, #tpu.memory_space<semaphore_mem>> -> memref<!tpu.dma_semaphore, #tpu.memory_space<semaphore_mem>>
    %dma_wait3A_618 = arith.constant 0 : i32
    %dma_wait3A_619 = tpu.memref_slice %arg7[%dma_wait3A_608, %dma_wait3A_618] : memref<10x128xi32, #tpu.memory_space<vmem>> -> memref<1x128xi32, #tpu.memory_space<vmem>>
    %dma_wait3A_620 = tpu.memref_squeeze %dma_wait3A_619 : memref<1x128xi32, #tpu.memory_space<vmem>> -> memref<128xi32, #tpu.memory_space<vmem>>
    %dma_wait3A_621 = arith.constant 0 : i32
    %dma_wait3A_622 = tpu.memref_slice %arg3[%dma_wait3A_607, %dma_wait3A_621] : memref<2x320000xi32, #tpu.memory_space<hbm>> -> memref<1x128xi32, #tpu.memory_space<hbm>>
    %dma_wait3A_623 = tpu.memref_squeeze %dma_wait3A_622 : memref<1x128xi32, #tpu.memory_space<hbm>> -> memref<128xi32, #tpu.memory_space<hbm>>
    tpu.wait_dma2 semaphore(%dma_wait3A_617 : memref<!tpu.dma_semaphore, #tpu.memory_space<semaphore_mem>>) src(%dma_wait3A_623 : memref<128xi32, #tpu.memory_space<hbm>>) dst(%dma_wait3A_620 : memref<128xi32, #tpu.memory_space<vmem>>)
    %dma_start3A_624 = arith.constant 5 : i32
    %dma_start3A_625 = arith.constant 5 : i32
    %dma_start3A_626 = arith.constant 5 : i32
    %dma_start3A_627 = arith.constant 0 : i32
    %dma_start3A_628 = arith.constant 0 : i32
    %dma_start3A_629 = tpu.memref_slice %arg8[%dma_start3A_625, %dma_start3A_627, %dma_start3A_628] : memref<10x128x64xf32, #tpu.memory_space<vmem>> -> memref<1x128x64xf32, #tpu.memory_space<vmem>>
    %dma_start3A_630 = tpu.memref_squeeze %dma_start3A_629 : memref<1x128x64xf32, #tpu.memory_space<vmem>> -> memref<128x64xf32, #tpu.memory_space<vmem>>
    %dma_start3A_631 = arith.constant 0 : i32
    %dma_start3A_632 = tpu.memref_slice %arg6[%dma_start3A_624, %dma_start3A_631] : memref<10x128xi32, #tpu.memory_space<vmem>> -> memref<1x128xi32, #tpu.memory_space<vmem>>
    %dma_start3A_633 = tpu.memref_squeeze %dma_start3A_632 : memref<1x128xi32, #tpu.memory_space<vmem>> -> memref<128xi32, #tpu.memory_space<vmem>>
    %dma_start3A_634 = arith.constant 0 : i32
    %dma_start3A_635 = arith.constant 0 : i32
    %dma_start3A_636 = tpu.memref_slice %arg2[%dma_start3A_634, %dma_start3A_635] : memref<10000x64xf32, #tpu.memory_space<hbm>> -> memref<10000x64xf32, #tpu.memory_space<hbm>>
    %dma_start3A_637 = tpu.memref_slice %arg10[%dma_start3A_626] : memref<10x!tpu.dma_semaphore, #tpu.memory_space<semaphore_mem>> -> memref<1x!tpu.dma_semaphore, #tpu.memory_space<semaphore_mem>>
    %dma_start3A_638 = tpu.memref_squeeze %dma_start3A_637 : memref<1x!tpu.dma_semaphore, #tpu.memory_space<semaphore_mem>> -> memref<!tpu.dma_semaphore, #tpu.memory_space<semaphore_mem>>
    tpu.enqueue_indirect_dma source(%dma_start3A_636 : memref<10000x64xf32, #tpu.memory_space<hbm>>) target(%dma_start3A_630 : memref<128x64xf32, #tpu.memory_space<vmem>>) offsets(%dma_start3A_633 : memref<128xi32, #tpu.memory_space<vmem>>) semaphore(%dma_start3A_638 : memref<!tpu.dma_semaphore, #tpu.memory_space<semaphore_mem>>)
    %dma_wait3A_639 = arith.constant 0 : i32
    %dma_wait3A_640 = arith.constant 6 : i32
    %dma_wait3A_641 = arith.constant 6 : i32
    %dma_wait3A_642 = arith.constant 0 : i32
    %dma_wait3A_643 = tpu.memref_slice %arg6[%dma_wait3A_640, %dma_wait3A_642] : memref<10x128xi32, #tpu.memory_space<vmem>> -> memref<1x128xi32, #tpu.memory_space<vmem>>
    %dma_wait3A_644 = tpu.memref_squeeze %dma_wait3A_643 : memref<1x128xi32, #tpu.memory_space<vmem>> -> memref<128xi32, #tpu.memory_space<vmem>>
    %dma_wait3A_645 = arith.constant 0 : i32
    %dma_wait3A_646 = tpu.memref_slice %arg3[%dma_wait3A_639, %dma_wait3A_645] : memref<2x320000xi32, #tpu.memory_space<hbm>> -> memref<1x128xi32, #tpu.memory_space<hbm>>
    %dma_wait3A_647 = tpu.memref_squeeze %dma_wait3A_646 : memref<1x128xi32, #tpu.memory_space<hbm>> -> memref<128xi32, #tpu.memory_space<hbm>>
    %dma_wait3A_648 = tpu.memref_slice %arg11[%dma_wait3A_641] : memref<10x!tpu.dma_semaphore, #tpu.memory_space<semaphore_mem>> -> memref<1x!tpu.dma_semaphore, #tpu.memory_space<semaphore_mem>>
    %dma_wait3A_649 = tpu.memref_squeeze %dma_wait3A_648 : memref<1x!tpu.dma_semaphore, #tpu.memory_space<semaphore_mem>> -> memref<!tpu.dma_semaphore, #tpu.memory_space<semaphore_mem>>
    %dma_wait3A_650 = arith.constant 0 : i32
    %dma_wait3A_651 = tpu.memref_slice %arg6[%dma_wait3A_640, %dma_wait3A_650] : memref<10x128xi32, #tpu.memory_space<vmem>> -> memref<1x128xi32, #tpu.memory_space<vmem>>
    %dma_wait3A_652 = tpu.memref_squeeze %dma_wait3A_651 : memref<1x128xi32, #tpu.memory_space<vmem>> -> memref<128xi32, #tpu.memory_space<vmem>>
    %dma_wait3A_653 = arith.constant 0 : i32
    %dma_wait3A_654 = tpu.memref_slice %arg3[%dma_wait3A_639, %dma_wait3A_653] : memref<2x320000xi32, #tpu.memory_space<hbm>> -> memref<1x128xi32, #tpu.memory_space<hbm>>
    %dma_wait3A_655 = tpu.memref_squeeze %dma_wait3A_654 : memref<1x128xi32, #tpu.memory_space<hbm>> -> memref<128xi32, #tpu.memory_space<hbm>>
    tpu.wait_dma2 semaphore(%dma_wait3A_649 : memref<!tpu.dma_semaphore, #tpu.memory_space<semaphore_mem>>) src(%dma_wait3A_655 : memref<128xi32, #tpu.memory_space<hbm>>) dst(%dma_wait3A_652 : memref<128xi32, #tpu.memory_space<vmem>>)
    %dma_wait3A_656 = arith.constant 1 : i32
    %dma_wait3A_657 = arith.constant 6 : i32
    %dma_wait3A_658 = arith.constant 6 : i32
    %dma_wait3A_659 = arith.constant 0 : i32
    %dma_wait3A_660 = tpu.memref_slice %arg7[%dma_wait3A_657, %dma_wait3A_659] : memref<10x128xi32, #tpu.memory_space<vmem>> -> memref<1x128xi32, #tpu.memory_space<vmem>>
    %dma_wait3A_661 = tpu.memref_squeeze %dma_wait3A_660 : memref<1x128xi32, #tpu.memory_space<vmem>> -> memref<128xi32, #tpu.memory_space<vmem>>
    %dma_wait3A_662 = arith.constant 0 : i32
    %dma_wait3A_663 = tpu.memref_slice %arg3[%dma_wait3A_656, %dma_wait3A_662] : memref<2x320000xi32, #tpu.memory_space<hbm>> -> memref<1x128xi32, #tpu.memory_space<hbm>>
    %dma_wait3A_664 = tpu.memref_squeeze %dma_wait3A_663 : memref<1x128xi32, #tpu.memory_space<hbm>> -> memref<128xi32, #tpu.memory_space<hbm>>
    %dma_wait3A_665 = tpu.memref_slice %arg11[%dma_wait3A_658] : memref<10x!tpu.dma_semaphore, #tpu.memory_space<semaphore_mem>> -> memref<1x!tpu.dma_semaphore, #tpu.memory_space<semaphore_mem>>
    %dma_wait3A_666 = tpu.memref_squeeze %dma_wait3A_665 : memref<1x!tpu.dma_semaphore, #tpu.memory_space<semaphore_mem>> -> memref<!tpu.dma_semaphore, #tpu.memory_space<semaphore_mem>>
    %dma_wait3A_667 = arith.constant 0 : i32
    %dma_wait3A_668 = tpu.memref_slice %arg7[%dma_wait3A_657, %dma_wait3A_667] : memref<10x128xi32, #tpu.memory_space<vmem>> -> memref<1x128xi32, #tpu.memory_space<vmem>>
    %dma_wait3A_669 = tpu.memref_squeeze %dma_wait3A_668 : memref<1x128xi32, #tpu.memory_space<vmem>> -> memref<128xi32, #tpu.memory_space<vmem>>
    %dma_wait3A_670 = arith.constant 0 : i32
    %dma_wait3A_671 = tpu.memref_slice %arg3[%dma_wait3A_656, %dma_wait3A_670] : memref<2x320000xi32, #tpu.memory_space<hbm>> -> memref<1x128xi32, #tpu.memory_space<hbm>>
    %dma_wait3A_672 = tpu.memref_squeeze %dma_wait3A_671 : memref<1x128xi32, #tpu.memory_space<hbm>> -> memref<128xi32, #tpu.memory_space<hbm>>
    tpu.wait_dma2 semaphore(%dma_wait3A_666 : memref<!tpu.dma_semaphore, #tpu.memory_space<semaphore_mem>>) src(%dma_wait3A_672 : memref<128xi32, #tpu.memory_space<hbm>>) dst(%dma_wait3A_669 : memref<128xi32, #tpu.memory_space<vmem>>)
    %dma_start3A_673 = arith.constant 6 : i32
    %dma_start3A_674 = arith.constant 6 : i32
    %dma_start3A_675 = arith.constant 6 : i32
    %dma_start3A_676 = arith.constant 0 : i32
    %dma_start3A_677 = arith.constant 0 : i32
    %dma_start3A_678 = tpu.memref_slice %arg8[%dma_start3A_674, %dma_start3A_676, %dma_start3A_677] : memref<10x128x64xf32, #tpu.memory_space<vmem>> -> memref<1x128x64xf32, #tpu.memory_space<vmem>>
    %dma_start3A_679 = tpu.memref_squeeze %dma_start3A_678 : memref<1x128x64xf32, #tpu.memory_space<vmem>> -> memref<128x64xf32, #tpu.memory_space<vmem>>
    %dma_start3A_680 = arith.constant 0 : i32
    %dma_start3A_681 = tpu.memref_slice %arg6[%dma_start3A_673, %dma_start3A_680] : memref<10x128xi32, #tpu.memory_space<vmem>> -> memref<1x128xi32, #tpu.memory_space<vmem>>
    %dma_start3A_682 = tpu.memref_squeeze %dma_start3A_681 : memref<1x128xi32, #tpu.memory_space<vmem>> -> memref<128xi32, #tpu.memory_space<vmem>>
    %dma_start3A_683 = arith.constant 0 : i32
    %dma_start3A_684 = arith.constant 0 : i32
    %dma_start3A_685 = tpu.memref_slice %arg2[%dma_start3A_683, %dma_start3A_684] : memref<10000x64xf32, #tpu.memory_space<hbm>> -> memref<10000x64xf32, #tpu.memory_space<hbm>>
    %dma_start3A_686 = tpu.memref_slice %arg10[%dma_start3A_675] : memref<10x!tpu.dma_semaphore, #tpu.memory_space<semaphore_mem>> -> memref<1x!tpu.dma_semaphore, #tpu.memory_space<semaphore_mem>>
    %dma_start3A_687 = tpu.memref_squeeze %dma_start3A_686 : memref<1x!tpu.dma_semaphore, #tpu.memory_space<semaphore_mem>> -> memref<!tpu.dma_semaphore, #tpu.memory_space<semaphore_mem>>
    tpu.enqueue_indirect_dma source(%dma_start3A_685 : memref<10000x64xf32, #tpu.memory_space<hbm>>) target(%dma_start3A_679 : memref<128x64xf32, #tpu.memory_space<vmem>>) offsets(%dma_start3A_682 : memref<128xi32, #tpu.memory_space<vmem>>) semaphore(%dma_start3A_687 : memref<!tpu.dma_semaphore, #tpu.memory_space<semaphore_mem>>)
    %dma_wait3A_688 = arith.constant 0 : i32
    %dma_wait3A_689 = arith.constant 7 : i32
    %dma_wait3A_690 = arith.constant 7 : i32
    %dma_wait3A_691 = arith.constant 0 : i32
    %dma_wait3A_692 = tpu.memref_slice %arg6[%dma_wait3A_689, %dma_wait3A_691] : memref<10x128xi32, #tpu.memory_space<vmem>> -> memref<1x128xi32, #tpu.memory_space<vmem>>
    %dma_wait3A_693 = tpu.memref_squeeze %dma_wait3A_692 : memref<1x128xi32, #tpu.memory_space<vmem>> -> memref<128xi32, #tpu.memory_space<vmem>>
    %dma_wait3A_694 = arith.constant 0 : i32
    %dma_wait3A_695 = tpu.memref_slice %arg3[%dma_wait3A_688, %dma_wait3A_694] : memref<2x320000xi32, #tpu.memory_space<hbm>> -> memref<1x128xi32, #tpu.memory_space<hbm>>
    %dma_wait3A_696 = tpu.memref_squeeze %dma_wait3A_695 : memref<1x128xi32, #tpu.memory_space<hbm>> -> memref<128xi32, #tpu.memory_space<hbm>>
    %dma_wait3A_697 = tpu.memref_slice %arg11[%dma_wait3A_690] : memref<10x!tpu.dma_semaphore, #tpu.memory_space<semaphore_mem>> -> memref<1x!tpu.dma_semaphore, #tpu.memory_space<semaphore_mem>>
    %dma_wait3A_698 = tpu.memref_squeeze %dma_wait3A_697 : memref<1x!tpu.dma_semaphore, #tpu.memory_space<semaphore_mem>> -> memref<!tpu.dma_semaphore, #tpu.memory_space<semaphore_mem>>
    %dma_wait3A_699 = arith.constant 0 : i32
    %dma_wait3A_700 = tpu.memref_slice %arg6[%dma_wait3A_689, %dma_wait3A_699] : memref<10x128xi32, #tpu.memory_space<vmem>> -> memref<1x128xi32, #tpu.memory_space<vmem>>
    %dma_wait3A_701 = tpu.memref_squeeze %dma_wait3A_700 : memref<1x128xi32, #tpu.memory_space<vmem>> -> memref<128xi32, #tpu.memory_space<vmem>>
    %dma_wait3A_702 = arith.constant 0 : i32
    %dma_wait3A_703 = tpu.memref_slice %arg3[%dma_wait3A_688, %dma_wait3A_702] : memref<2x320000xi32, #tpu.memory_space<hbm>> -> memref<1x128xi32, #tpu.memory_space<hbm>>
    %dma_wait3A_704 = tpu.memref_squeeze %dma_wait3A_703 : memref<1x128xi32, #tpu.memory_space<hbm>> -> memref<128xi32, #tpu.memory_space<hbm>>
    tpu.wait_dma2 semaphore(%dma_wait3A_698 : memref<!tpu.dma_semaphore, #tpu.memory_space<semaphore_mem>>) src(%dma_wait3A_704 : memref<128xi32, #tpu.memory_space<hbm>>) dst(%dma_wait3A_701 : memref<128xi32, #tpu.memory_space<vmem>>)
    %dma_wait3A_705 = arith.constant 1 : i32
    %dma_wait3A_706 = arith.constant 7 : i32
    %dma_wait3A_707 = arith.constant 7 : i32
    %dma_wait3A_708 = arith.constant 0 : i32
    %dma_wait3A_709 = tpu.memref_slice %arg7[%dma_wait3A_706, %dma_wait3A_708] : memref<10x128xi32, #tpu.memory_space<vmem>> -> memref<1x128xi32, #tpu.memory_space<vmem>>
    %dma_wait3A_710 = tpu.memref_squeeze %dma_wait3A_709 : memref<1x128xi32, #tpu.memory_space<vmem>> -> memref<128xi32, #tpu.memory_space<vmem>>
    %dma_wait3A_711 = arith.constant 0 : i32
    %dma_wait3A_712 = tpu.memref_slice %arg3[%dma_wait3A_705, %dma_wait3A_711] : memref<2x320000xi32, #tpu.memory_space<hbm>> -> memref<1x128xi32, #tpu.memory_space<hbm>>
    %dma_wait3A_713 = tpu.memref_squeeze %dma_wait3A_712 : memref<1x128xi32, #tpu.memory_space<hbm>> -> memref<128xi32, #tpu.memory_space<hbm>>
    %dma_wait3A_714 = tpu.memref_slice %arg11[%dma_wait3A_707] : memref<10x!tpu.dma_semaphore, #tpu.memory_space<semaphore_mem>> -> memref<1x!tpu.dma_semaphore, #tpu.memory_space<semaphore_mem>>
    %dma_wait3A_715 = tpu.memref_squeeze %dma_wait3A_714 : memref<1x!tpu.dma_semaphore, #tpu.memory_space<semaphore_mem>> -> memref<!tpu.dma_semaphore, #tpu.memory_space<semaphore_mem>>
    %dma_wait3A_716 = arith.constant 0 : i32
    %dma_wait3A_717 = tpu.memref_slice %arg7[%dma_wait3A_706, %dma_wait3A_716] : memref<10x128xi32, #tpu.memory_space<vmem>> -> memref<1x128xi32, #tpu.memory_space<vmem>>
    %dma_wait3A_718 = tpu.memref_squeeze %dma_wait3A_717 : memref<1x128xi32, #tpu.memory_space<vmem>> -> memref<128xi32, #tpu.memory_space<vmem>>
    %dma_wait3A_719 = arith.constant 0 : i32
    %dma_wait3A_720 = tpu.memref_slice %arg3[%dma_wait3A_705, %dma_wait3A_719] : memref<2x320000xi32, #tpu.memory_space<hbm>> -> memref<1x128xi32, #tpu.memory_space<hbm>>
    %dma_wait3A_721 = tpu.memref_squeeze %dma_wait3A_720 : memref<1x128xi32, #tpu.memory_space<hbm>> -> memref<128xi32, #tpu.memory_space<hbm>>
    tpu.wait_dma2 semaphore(%dma_wait3A_715 : memref<!tpu.dma_semaphore, #tpu.memory_space<semaphore_mem>>) src(%dma_wait3A_721 : memref<128xi32, #tpu.memory_space<hbm>>) dst(%dma_wait3A_718 : memref<128xi32, #tpu.memory_space<vmem>>)
    %dma_start3A_722 = arith.constant 7 : i32
    %dma_start3A_723 = arith.constant 7 : i32
    %dma_start3A_724 = arith.constant 7 : i32
    %dma_start3A_725 = arith.constant 0 : i32
    %dma_start3A_726 = arith.constant 0 : i32
    %dma_start3A_727 = tpu.memref_slice %arg8[%dma_start3A_723, %dma_start3A_725, %dma_start3A_726] : memref<10x128x64xf32, #tpu.memory_space<vmem>> -> memref<1x128x64xf32, #tpu.memory_space<vmem>>
    %dma_start3A_728 = tpu.memref_squeeze %dma_start3A_727 : memref<1x128x64xf32, #tpu.memory_space<vmem>> -> memref<128x64xf32, #tpu.memory_space<vmem>>
    %dma_start3A_729 = arith.constant 0 : i32
    %dma_start3A_730 = tpu.memref_slice %arg6[%dma_start3A_722, %dma_start3A_729] : memref<10x128xi32, #tpu.memory_space<vmem>> -> memref<1x128xi32, #tpu.memory_space<vmem>>
    %dma_start3A_731 = tpu.memref_squeeze %dma_start3A_730 : memref<1x128xi32, #tpu.memory_space<vmem>> -> memref<128xi32, #tpu.memory_space<vmem>>
    %dma_start3A_732 = arith.constant 0 : i32
    %dma_start3A_733 = arith.constant 0 : i32
    %dma_start3A_734 = tpu.memref_slice %arg2[%dma_start3A_732, %dma_start3A_733] : memref<10000x64xf32, #tpu.memory_space<hbm>> -> memref<10000x64xf32, #tpu.memory_space<hbm>>
    %dma_start3A_735 = tpu.memref_slice %arg10[%dma_start3A_724] : memref<10x!tpu.dma_semaphore, #tpu.memory_space<semaphore_mem>> -> memref<1x!tpu.dma_semaphore, #tpu.memory_space<semaphore_mem>>
    %dma_start3A_736 = tpu.memref_squeeze %dma_start3A_735 : memref<1x!tpu.dma_semaphore, #tpu.memory_space<semaphore_mem>> -> memref<!tpu.dma_semaphore, #tpu.memory_space<semaphore_mem>>
    tpu.enqueue_indirect_dma source(%dma_start3A_734 : memref<10000x64xf32, #tpu.memory_space<hbm>>) target(%dma_start3A_728 : memref<128x64xf32, #tpu.memory_space<vmem>>) offsets(%dma_start3A_731 : memref<128xi32, #tpu.memory_space<vmem>>) semaphore(%dma_start3A_736 : memref<!tpu.dma_semaphore, #tpu.memory_space<semaphore_mem>>)
    %dma_wait3A_737 = arith.constant 0 : i32
    %dma_wait3A_738 = arith.constant 8 : i32
    %dma_wait3A_739 = arith.constant 8 : i32
    %dma_wait3A_740 = arith.constant 0 : i32
    %dma_wait3A_741 = tpu.memref_slice %arg6[%dma_wait3A_738, %dma_wait3A_740] : memref<10x128xi32, #tpu.memory_space<vmem>> -> memref<1x128xi32, #tpu.memory_space<vmem>>
    %dma_wait3A_742 = tpu.memref_squeeze %dma_wait3A_741 : memref<1x128xi32, #tpu.memory_space<vmem>> -> memref<128xi32, #tpu.memory_space<vmem>>
    %dma_wait3A_743 = arith.constant 0 : i32
    %dma_wait3A_744 = tpu.memref_slice %arg3[%dma_wait3A_737, %dma_wait3A_743] : memref<2x320000xi32, #tpu.memory_space<hbm>> -> memref<1x128xi32, #tpu.memory_space<hbm>>
    %dma_wait3A_745 = tpu.memref_squeeze %dma_wait3A_744 : memref<1x128xi32, #tpu.memory_space<hbm>> -> memref<128xi32, #tpu.memory_space<hbm>>
    %dma_wait3A_746 = tpu.memref_slice %arg11[%dma_wait3A_739] : memref<10x!tpu.dma_semaphore, #tpu.memory_space<semaphore_mem>> -> memref<1x!tpu.dma_semaphore, #tpu.memory_space<semaphore_mem>>
    %dma_wait3A_747 = tpu.memref_squeeze %dma_wait3A_746 : memref<1x!tpu.dma_semaphore, #tpu.memory_space<semaphore_mem>> -> memref<!tpu.dma_semaphore, #tpu.memory_space<semaphore_mem>>
    %dma_wait3A_748 = arith.constant 0 : i32
    %dma_wait3A_749 = tpu.memref_slice %arg6[%dma_wait3A_738, %dma_wait3A_748] : memref<10x128xi32, #tpu.memory_space<vmem>> -> memref<1x128xi32, #tpu.memory_space<vmem>>
    %dma_wait3A_750 = tpu.memref_squeeze %dma_wait3A_749 : memref<1x128xi32, #tpu.memory_space<vmem>> -> memref<128xi32, #tpu.memory_space<vmem>>
    %dma_wait3A_751 = arith.constant 0 : i32
    %dma_wait3A_752 = tpu.memref_slice %arg3[%dma_wait3A_737, %dma_wait3A_751] : memref<2x320000xi32, #tpu.memory_space<hbm>> -> memref<1x128xi32, #tpu.memory_space<hbm>>
    %dma_wait3A_753 = tpu.memref_squeeze %dma_wait3A_752 : memref<1x128xi32, #tpu.memory_space<hbm>> -> memref<128xi32, #tpu.memory_space<hbm>>
    tpu.wait_dma2 semaphore(%dma_wait3A_747 : memref<!tpu.dma_semaphore, #tpu.memory_space<semaphore_mem>>) src(%dma_wait3A_753 : memref<128xi32, #tpu.memory_space<hbm>>) dst(%dma_wait3A_750 : memref<128xi32, #tpu.memory_space<vmem>>)
    %dma_wait3A_754 = arith.constant 1 : i32
    %dma_wait3A_755 = arith.constant 8 : i32
    %dma_wait3A_756 = arith.constant 8 : i32
    %dma_wait3A_757 = arith.constant 0 : i32
    %dma_wait3A_758 = tpu.memref_slice %arg7[%dma_wait3A_755, %dma_wait3A_757] : memref<10x128xi32, #tpu.memory_space<vmem>> -> memref<1x128xi32, #tpu.memory_space<vmem>>
    %dma_wait3A_759 = tpu.memref_squeeze %dma_wait3A_758 : memref<1x128xi32, #tpu.memory_space<vmem>> -> memref<128xi32, #tpu.memory_space<vmem>>
    %dma_wait3A_760 = arith.constant 0 : i32
    %dma_wait3A_761 = tpu.memref_slice %arg3[%dma_wait3A_754, %dma_wait3A_760] : memref<2x320000xi32, #tpu.memory_space<hbm>> -> memref<1x128xi32, #tpu.memory_space<hbm>>
    %dma_wait3A_762 = tpu.memref_squeeze %dma_wait3A_761 : memref<1x128xi32, #tpu.memory_space<hbm>> -> memref<128xi32, #tpu.memory_space<hbm>>
    %dma_wait3A_763 = tpu.memref_slice %arg11[%dma_wait3A_756] : memref<10x!tpu.dma_semaphore, #tpu.memory_space<semaphore_mem>> -> memref<1x!tpu.dma_semaphore, #tpu.memory_space<semaphore_mem>>
    %dma_wait3A_764 = tpu.memref_squeeze %dma_wait3A_763 : memref<1x!tpu.dma_semaphore, #tpu.memory_space<semaphore_mem>> -> memref<!tpu.dma_semaphore, #tpu.memory_space<semaphore_mem>>
    %dma_wait3A_765 = arith.constant 0 : i32
    %dma_wait3A_766 = tpu.memref_slice %arg7[%dma_wait3A_755, %dma_wait3A_765] : memref<10x128xi32, #tpu.memory_space<vmem>> -> memref<1x128xi32, #tpu.memory_space<vmem>>
    %dma_wait3A_767 = tpu.memref_squeeze %dma_wait3A_766 : memref<1x128xi32, #tpu.memory_space<vmem>> -> memref<128xi32, #tpu.memory_space<vmem>>
    %dma_wait3A_768 = arith.constant 0 : i32
    %dma_wait3A_769 = tpu.memref_slice %arg3[%dma_wait3A_754, %dma_wait3A_768] : memref<2x320000xi32, #tpu.memory_space<hbm>> -> memref<1x128xi32, #tpu.memory_space<hbm>>
    %dma_wait3A_770 = tpu.memref_squeeze %dma_wait3A_769 : memref<1x128xi32, #tpu.memory_space<hbm>> -> memref<128xi32, #tpu.memory_space<hbm>>
    tpu.wait_dma2 semaphore(%dma_wait3A_764 : memref<!tpu.dma_semaphore, #tpu.memory_space<semaphore_mem>>) src(%dma_wait3A_770 : memref<128xi32, #tpu.memory_space<hbm>>) dst(%dma_wait3A_767 : memref<128xi32, #tpu.memory_space<vmem>>)
    %dma_start3A_771 = arith.constant 8 : i32
    %dma_start3A_772 = arith.constant 8 : i32
    %dma_start3A_773 = arith.constant 8 : i32
    %dma_start3A_774 = arith.constant 0 : i32
    %dma_start3A_775 = arith.constant 0 : i32
    %dma_start3A_776 = tpu.memref_slice %arg8[%dma_start3A_772, %dma_start3A_774, %dma_start3A_775] : memref<10x128x64xf32, #tpu.memory_space<vmem>> -> memref<1x128x64xf32, #tpu.memory_space<vmem>>
    %dma_start3A_777 = tpu.memref_squeeze %dma_start3A_776 : memref<1x128x64xf32, #tpu.memory_space<vmem>> -> memref<128x64xf32, #tpu.memory_space<vmem>>
    %dma_start3A_778 = arith.constant 0 : i32
    %dma_start3A_779 = tpu.memref_slice %arg6[%dma_start3A_771, %dma_start3A_778] : memref<10x128xi32, #tpu.memory_space<vmem>> -> memref<1x128xi32, #tpu.memory_space<vmem>>
    %dma_start3A_780 = tpu.memref_squeeze %dma_start3A_779 : memref<1x128xi32, #tpu.memory_space<vmem>> -> memref<128xi32, #tpu.memory_space<vmem>>
    %dma_start3A_781 = arith.constant 0 : i32
    %dma_start3A_782 = arith.constant 0 : i32
    %dma_start3A_783 = tpu.memref_slice %arg2[%dma_start3A_781, %dma_start3A_782] : memref<10000x64xf32, #tpu.memory_space<hbm>> -> memref<10000x64xf32, #tpu.memory_space<hbm>>
    %dma_start3A_784 = tpu.memref_slice %arg10[%dma_start3A_773] : memref<10x!tpu.dma_semaphore, #tpu.memory_space<semaphore_mem>> -> memref<1x!tpu.dma_semaphore, #tpu.memory_space<semaphore_mem>>
    %dma_start3A_785 = tpu.memref_squeeze %dma_start3A_784 : memref<1x!tpu.dma_semaphore, #tpu.memory_space<semaphore_mem>> -> memref<!tpu.dma_semaphore, #tpu.memory_space<semaphore_mem>>
    tpu.enqueue_indirect_dma source(%dma_start3A_783 : memref<10000x64xf32, #tpu.memory_space<hbm>>) target(%dma_start3A_777 : memref<128x64xf32, #tpu.memory_space<vmem>>) offsets(%dma_start3A_780 : memref<128xi32, #tpu.memory_space<vmem>>) semaphore(%dma_start3A_785 : memref<!tpu.dma_semaphore, #tpu.memory_space<semaphore_mem>>)
    %while3A = arith.constant 0 : i32
    %while3A_786 = arith.constant 0 : i32
    %while3A_787 = arith.subi %add3A_4, %while3A_786 : i32
    %while3A_788 = arith.addi %while3A_786, %while3A_787 : i32
    %while3A_789 = arith.constant 1 : i32
    %while3A_790 = arith.divsi %while3A_787, %while3A_789 : i32
    %while3A_791 = arith.muli %while3A_790, %while3A_789 : i32
    %while3A_792 = arith.addi %while3A_786, %while3A_791 : i32
    %while3A_793 = arith.constant 1 : i32
    scf.for %while3A_810 = %while3A_786 to %while3A_792 step %while3A_793  : i32 {
      %rem3A_811 = arith.constant 10 : i32
      %rem3A_812 = arith.remsi %while3A_810, %rem3A_811 : i32
      %add3A_813 = arith.constant 10 : i32
      %add3A_814 = arith.addi %while3A_810, %add3A_813 : i32
      %sub3A_815 = arith.constant 1 : i32
      %sub3A_816 = arith.subi %add3A_814, %sub3A_815 : i32
      %rem3A_817 = arith.constant 10 : i32
      %rem3A_818 = arith.remsi %sub3A_816, %rem3A_817 : i32
      %add3A_819 = arith.constant 10 : i32
      %add3A_820 = arith.addi %while3A_810, %add3A_819 : i32
      %sub3A_821 = arith.constant 2 : i32
      %sub3A_822 = arith.subi %add3A_820, %sub3A_821 : i32
      %rem3A_823 = arith.constant 10 : i32
      %rem3A_824 = arith.remsi %sub3A_822, %rem3A_823 : i32
      %ge3A = arith.constant 1 : i32
      %ge3A_825 = arith.cmpi sge, %while3A_810, %ge3A : i32
      %convert_element_type3A = arith.extui %ge3A_825 : i1 to i32
      %cond3A = arith.constant 0 : i32
      %cond3A_826 = arith.cmpi ne, %convert_element_type3A, %cond3A : i32
      scf.if %cond3A_826 {
        %dma_wait3A_872 = arith.constant 0 : i32
        %dma_wait3A_873 = arith.constant 0 : i32
        %dma_wait3A_874 = tpu.memref_slice %arg8[%rem3A_818, %dma_wait3A_872, %dma_wait3A_873] : memref<10x128x64xf32, #tpu.memory_space<vmem>> -> memref<1x128x64xf32, #tpu.memory_space<vmem>>
        %dma_wait3A_875 = tpu.memref_squeeze %dma_wait3A_874 : memref<1x128x64xf32, #tpu.memory_space<vmem>> -> memref<128x64xf32, #tpu.memory_space<vmem>>
        %dma_wait3A_876 = arith.constant 0 : i32
        %dma_wait3A_877 = tpu.memref_slice %arg7[%rem3A_818, %dma_wait3A_876] : memref<10x128xi32, #tpu.memory_space<vmem>> -> memref<1x128xi32, #tpu.memory_space<vmem>>
        %dma_wait3A_878 = tpu.memref_squeeze %dma_wait3A_877 : memref<1x128xi32, #tpu.memory_space<vmem>> -> memref<128xi32, #tpu.memory_space<vmem>>
        %dma_wait3A_879 = arith.constant 0 : i32
        %dma_wait3A_880 = arith.constant 0 : i32
        %dma_wait3A_881 = tpu.memref_slice %arg9[%dma_wait3A_879, %dma_wait3A_880] : memref<10112x64xf32, #tpu.memory_space<vmem_shared>> -> memref<10112x64xf32, #tpu.memory_space<vmem_shared>>
        %dma_wait3A_882 = tpu.memref_slice %arg12[%rem3A_818] : memref<10x!tpu.dma_semaphore, #tpu.memory_space<semaphore_mem>> -> memref<1x!tpu.dma_semaphore, #tpu.memory_space<semaphore_mem>>
        %dma_wait3A_883 = tpu.memref_squeeze %dma_wait3A_882 : memref<1x!tpu.dma_semaphore, #tpu.memory_space<semaphore_mem>> -> memref<!tpu.dma_semaphore, #tpu.memory_space<semaphore_mem>>
        tpu.wait_indirect_dma semaphore(%dma_wait3A_883 : memref<!tpu.dma_semaphore, #tpu.memory_space<semaphore_mem>>) src(%dma_wait3A_875 : memref<128x64xf32, #tpu.memory_space<vmem>>) dst(%dma_wait3A_881 : memref<10112x64xf32, #tpu.memory_space<vmem_shared>>)
      } else {
      }
      %ge3A_827 = arith.constant 1 : i32
      %ge3A_828 = arith.cmpi sge, %while3A_810, %ge3A_827 : i32
      %add3A_829 = arith.constant 10 : i32
      %add3A_830 = arith.addi %while3A_810, %add3A_829 : i32
      %sub3A_831 = arith.constant 1 : i32
      %sub3A_832 = arith.subi %add3A_830, %sub3A_831 : i32
      %lt3A_833 = arith.cmpi slt, %sub3A_832, %add3A_4 : i32
      %and3A = arith.andi %ge3A_828, %lt3A_833 : i1
      %convert_element_type3A_834 = arith.extui %and3A : i1 to i32
      %cond3A_835 = arith.constant 0 : i32
      %cond3A_836 = arith.cmpi ne, %convert_element_type3A_834, %cond3A_835 : i32
      scf.if %cond3A_836 {
        %add3A_872 = arith.constant 10 : i32
        %add3A_873 = arith.addi %while3A_810, %add3A_872 : i32
        %sub3A_874 = arith.constant 1 : i32
        %sub3A_875 = arith.subi %add3A_873, %sub3A_874 : i32
        %mul3A_876 = arith.constant 32 : i32
        %mul3A_877 = arith.muli %sub3A_875, %mul3A_876 : i32
        %add3A_878 = arith.addi %add3A, %mul3A_877 : i32
        %mul3A_879 = arith.constant 128 : i32
        %mul3A_880 = arith.muli %add3A_878, %mul3A_879 : i32
        %dma_start3A_881 = arith.constant 0 : i32
        %dma_start3A_882 = arith.constant 0 : i32
        %dma_start3A_883 = tpu.memref_slice %arg6[%rem3A_818, %dma_start3A_882] : memref<10x128xi32, #tpu.memory_space<vmem>> -> memref<1x128xi32, #tpu.memory_space<vmem>>
        %dma_start3A_884 = tpu.memref_squeeze %dma_start3A_883 : memref<1x128xi32, #tpu.memory_space<vmem>> -> memref<128xi32, #tpu.memory_space<vmem>>
        %dma_start3A_885 = tpu.memref_slice %arg3[%dma_start3A_881, %mul3A_880] : memref<2x320000xi32, #tpu.memory_space<hbm>> -> memref<1x128xi32, #tpu.memory_space<hbm>>
        %dma_start3A_886 = tpu.memref_squeeze %dma_start3A_885 : memref<1x128xi32, #tpu.memory_space<hbm>> -> memref<128xi32, #tpu.memory_space<hbm>>
        %dma_start3A_887 = tpu.memref_slice %arg11[%rem3A_818] : memref<10x!tpu.dma_semaphore, #tpu.memory_space<semaphore_mem>> -> memref<1x!tpu.dma_semaphore, #tpu.memory_space<semaphore_mem>>
        %dma_start3A_888 = tpu.memref_squeeze %dma_start3A_887 : memref<1x!tpu.dma_semaphore, #tpu.memory_space<semaphore_mem>> -> memref<!tpu.dma_semaphore, #tpu.memory_space<semaphore_mem>>
        %dma_start3A_889 = arith.constant 0 : i32
        %dma_start3A_890 = tpu.memref_slice %arg6[%rem3A_818, %dma_start3A_889] : memref<10x128xi32, #tpu.memory_space<vmem>> -> memref<1x128xi32, #tpu.memory_space<vmem>>
        %dma_start3A_891 = tpu.memref_squeeze %dma_start3A_890 : memref<1x128xi32, #tpu.memory_space<vmem>> -> memref<128xi32, #tpu.memory_space<vmem>>
        %dma_start3A_892 = tpu.memref_slice %arg3[%dma_start3A_881, %mul3A_880] : memref<2x320000xi32, #tpu.memory_space<hbm>> -> memref<1x128xi32, #tpu.memory_space<hbm>>
        %dma_start3A_893 = tpu.memref_squeeze %dma_start3A_892 : memref<1x128xi32, #tpu.memory_space<hbm>> -> memref<128xi32, #tpu.memory_space<hbm>>
        tpu.enqueue_dma source(%dma_start3A_893 : memref<128xi32, #tpu.memory_space<hbm>>) target(%dma_start3A_891 : memref<128xi32, #tpu.memory_space<vmem>>) target_semaphore(%dma_start3A_888 : memref<!tpu.dma_semaphore, #tpu.memory_space<semaphore_mem>>)
        %dma_start3A_894 = arith.constant 1 : i32
        %dma_start3A_895 = arith.constant 0 : i32
        %dma_start3A_896 = tpu.memref_slice %arg7[%rem3A_818, %dma_start3A_895] : memref<10x128xi32, #tpu.memory_space<vmem>> -> memref<1x128xi32, #tpu.memory_space<vmem>>
        %dma_start3A_897 = tpu.memref_squeeze %dma_start3A_896 : memref<1x128xi32, #tpu.memory_space<vmem>> -> memref<128xi32, #tpu.memory_space<vmem>>
        %dma_start3A_898 = tpu.memref_slice %arg3[%dma_start3A_894, %mul3A_880] : memref<2x320000xi32, #tpu.memory_space<hbm>> -> memref<1x128xi32, #tpu.memory_space<hbm>>
        %dma_start3A_899 = tpu.memref_squeeze %dma_start3A_898 : memref<1x128xi32, #tpu.memory_space<hbm>> -> memref<128xi32, #tpu.memory_space<hbm>>
        %dma_start3A_900 = tpu.memref_slice %arg11[%rem3A_818] : memref<10x!tpu.dma_semaphore, #tpu.memory_space<semaphore_mem>> -> memref<1x!tpu.dma_semaphore, #tpu.memory_space<semaphore_mem>>
        %dma_start3A_901 = tpu.memref_squeeze %dma_start3A_900 : memref<1x!tpu.dma_semaphore, #tpu.memory_space<semaphore_mem>> -> memref<!tpu.dma_semaphore, #tpu.memory_space<semaphore_mem>>
        %dma_start3A_902 = arith.constant 0 : i32
        %dma_start3A_903 = tpu.memref_slice %arg7[%rem3A_818, %dma_start3A_902] : memref<10x128xi32, #tpu.memory_space<vmem>> -> memref<1x128xi32, #tpu.memory_space<vmem>>
        %dma_start3A_904 = tpu.memref_squeeze %dma_start3A_903 : memref<1x128xi32, #tpu.memory_space<vmem>> -> memref<128xi32, #tpu.memory_space<vmem>>
        %dma_start3A_905 = tpu.memref_slice %arg3[%dma_start3A_894, %mul3A_880] : memref<2x320000xi32, #tpu.memory_space<hbm>> -> memref<1x128xi32, #tpu.memory_space<hbm>>
        %dma_start3A_906 = tpu.memref_squeeze %dma_start3A_905 : memref<1x128xi32, #tpu.memory_space<hbm>> -> memref<128xi32, #tpu.memory_space<hbm>>
        tpu.enqueue_dma source(%dma_start3A_906 : memref<128xi32, #tpu.memory_space<hbm>>) target(%dma_start3A_904 : memref<128xi32, #tpu.memory_space<vmem>>) target_semaphore(%dma_start3A_901 : memref<!tpu.dma_semaphore, #tpu.memory_space<semaphore_mem>>)
      } else {
      }
      %ge3A_837 = arith.constant 1 : i32
      %ge3A_838 = arith.cmpi sge, %while3A_810, %ge3A_837 : i32
      %add3A_839 = arith.constant 10 : i32
      %add3A_840 = arith.addi %while3A_810, %add3A_839 : i32
      %sub3A_841 = arith.constant 2 : i32
      %sub3A_842 = arith.subi %add3A_840, %sub3A_841 : i32
      %lt3A_843 = arith.cmpi slt, %sub3A_842, %add3A_4 : i32
      %and3A_844 = arith.andi %ge3A_838, %lt3A_843 : i1
      %convert_element_type3A_845 = arith.extui %and3A_844 : i1 to i32
      %cond3A_846 = arith.constant 0 : i32
      %cond3A_847 = arith.cmpi ne, %convert_element_type3A_845, %cond3A_846 : i32
      scf.if %cond3A_847 {
        %dma_wait3A_872 = arith.constant 0 : i32
        %dma_wait3A_873 = arith.constant 0 : i32
        %dma_wait3A_874 = tpu.memref_slice %arg6[%rem3A_824, %dma_wait3A_873] : memref<10x128xi32, #tpu.memory_space<vmem>> -> memref<1x128xi32, #tpu.memory_space<vmem>>
        %dma_wait3A_875 = tpu.memref_squeeze %dma_wait3A_874 : memref<1x128xi32, #tpu.memory_space<vmem>> -> memref<128xi32, #tpu.memory_space<vmem>>
        %dma_wait3A_876 = arith.constant 0 : i32
        %dma_wait3A_877 = tpu.memref_slice %arg3[%dma_wait3A_872, %dma_wait3A_876] : memref<2x320000xi32, #tpu.memory_space<hbm>> -> memref<1x128xi32, #tpu.memory_space<hbm>>
        %dma_wait3A_878 = tpu.memref_squeeze %dma_wait3A_877 : memref<1x128xi32, #tpu.memory_space<hbm>> -> memref<128xi32, #tpu.memory_space<hbm>>
        %dma_wait3A_879 = tpu.memref_slice %arg11[%rem3A_824] : memref<10x!tpu.dma_semaphore, #tpu.memory_space<semaphore_mem>> -> memref<1x!tpu.dma_semaphore, #tpu.memory_space<semaphore_mem>>
        %dma_wait3A_880 = tpu.memref_squeeze %dma_wait3A_879 : memref<1x!tpu.dma_semaphore, #tpu.memory_space<semaphore_mem>> -> memref<!tpu.dma_semaphore, #tpu.memory_space<semaphore_mem>>
        %dma_wait3A_881 = arith.constant 0 : i32
        %dma_wait3A_882 = tpu.memref_slice %arg6[%rem3A_824, %dma_wait3A_881] : memref<10x128xi32, #tpu.memory_space<vmem>> -> memref<1x128xi32, #tpu.memory_space<vmem>>
        %dma_wait3A_883 = tpu.memref_squeeze %dma_wait3A_882 : memref<1x128xi32, #tpu.memory_space<vmem>> -> memref<128xi32, #tpu.memory_space<vmem>>
        %dma_wait3A_884 = arith.constant 0 : i32
        %dma_wait3A_885 = tpu.memref_slice %arg3[%dma_wait3A_872, %dma_wait3A_884] : memref<2x320000xi32, #tpu.memory_space<hbm>> -> memref<1x128xi32, #tpu.memory_space<hbm>>
        %dma_wait3A_886 = tpu.memref_squeeze %dma_wait3A_885 : memref<1x128xi32, #tpu.memory_space<hbm>> -> memref<128xi32, #tpu.memory_space<hbm>>
        tpu.wait_dma2 semaphore(%dma_wait3A_880 : memref<!tpu.dma_semaphore, #tpu.memory_space<semaphore_mem>>) src(%dma_wait3A_886 : memref<128xi32, #tpu.memory_space<hbm>>) dst(%dma_wait3A_883 : memref<128xi32, #tpu.memory_space<vmem>>)
        %dma_wait3A_887 = arith.constant 1 : i32
        %dma_wait3A_888 = arith.constant 0 : i32
        %dma_wait3A_889 = tpu.memref_slice %arg7[%rem3A_824, %dma_wait3A_888] : memref<10x128xi32, #tpu.memory_space<vmem>> -> memref<1x128xi32, #tpu.memory_space<vmem>>
        %dma_wait3A_890 = tpu.memref_squeeze %dma_wait3A_889 : memref<1x128xi32, #tpu.memory_space<vmem>> -> memref<128xi32, #tpu.memory_space<vmem>>
        %dma_wait3A_891 = arith.constant 0 : i32
        %dma_wait3A_892 = tpu.memref_slice %arg3[%dma_wait3A_887, %dma_wait3A_891] : memref<2x320000xi32, #tpu.memory_space<hbm>> -> memref<1x128xi32, #tpu.memory_space<hbm>>
        %dma_wait3A_893 = tpu.memref_squeeze %dma_wait3A_892 : memref<1x128xi32, #tpu.memory_space<hbm>> -> memref<128xi32, #tpu.memory_space<hbm>>
        %dma_wait3A_894 = tpu.memref_slice %arg11[%rem3A_824] : memref<10x!tpu.dma_semaphore, #tpu.memory_space<semaphore_mem>> -> memref<1x!tpu.dma_semaphore, #tpu.memory_space<semaphore_mem>>
        %dma_wait3A_895 = tpu.memref_squeeze %dma_wait3A_894 : memref<1x!tpu.dma_semaphore, #tpu.memory_space<semaphore_mem>> -> memref<!tpu.dma_semaphore, #tpu.memory_space<semaphore_mem>>
        %dma_wait3A_896 = arith.constant 0 : i32
        %dma_wait3A_897 = tpu.memref_slice %arg7[%rem3A_824, %dma_wait3A_896] : memref<10x128xi32, #tpu.memory_space<vmem>> -> memref<1x128xi32, #tpu.memory_space<vmem>>
        %dma_wait3A_898 = tpu.memref_squeeze %dma_wait3A_897 : memref<1x128xi32, #tpu.memory_space<vmem>> -> memref<128xi32, #tpu.memory_space<vmem>>
        %dma_wait3A_899 = arith.constant 0 : i32
        %dma_wait3A_900 = tpu.memref_slice %arg3[%dma_wait3A_887, %dma_wait3A_899] : memref<2x320000xi32, #tpu.memory_space<hbm>> -> memref<1x128xi32, #tpu.memory_space<hbm>>
        %dma_wait3A_901 = tpu.memref_squeeze %dma_wait3A_900 : memref<1x128xi32, #tpu.memory_space<hbm>> -> memref<128xi32, #tpu.memory_space<hbm>>
        tpu.wait_dma2 semaphore(%dma_wait3A_895 : memref<!tpu.dma_semaphore, #tpu.memory_space<semaphore_mem>>) src(%dma_wait3A_901 : memref<128xi32, #tpu.memory_space<hbm>>) dst(%dma_wait3A_898 : memref<128xi32, #tpu.memory_space<vmem>>)
        %dma_start3A_902 = arith.constant 0 : i32
        %dma_start3A_903 = arith.constant 0 : i32
        %dma_start3A_904 = tpu.memref_slice %arg8[%rem3A_824, %dma_start3A_902, %dma_start3A_903] : memref<10x128x64xf32, #tpu.memory_space<vmem>> -> memref<1x128x64xf32, #tpu.memory_space<vmem>>
        %dma_start3A_905 = tpu.memref_squeeze %dma_start3A_904 : memref<1x128x64xf32, #tpu.memory_space<vmem>> -> memref<128x64xf32, #tpu.memory_space<vmem>>
        %dma_start3A_906 = arith.constant 0 : i32
        %dma_start3A_907 = tpu.memref_slice %arg6[%rem3A_824, %dma_start3A_906] : memref<10x128xi32, #tpu.memory_space<vmem>> -> memref<1x128xi32, #tpu.memory_space<vmem>>
        %dma_start3A_908 = tpu.memref_squeeze %dma_start3A_907 : memref<1x128xi32, #tpu.memory_space<vmem>> -> memref<128xi32, #tpu.memory_space<vmem>>
        %dma_start3A_909 = arith.constant 0 : i32
        %dma_start3A_910 = arith.constant 0 : i32
        %dma_start3A_911 = tpu.memref_slice %arg2[%dma_start3A_909, %dma_start3A_910] : memref<10000x64xf32, #tpu.memory_space<hbm>> -> memref<10000x64xf32, #tpu.memory_space<hbm>>
        %dma_start3A_912 = tpu.memref_slice %arg10[%rem3A_824] : memref<10x!tpu.dma_semaphore, #tpu.memory_space<semaphore_mem>> -> memref<1x!tpu.dma_semaphore, #tpu.memory_space<semaphore_mem>>
        %dma_start3A_913 = tpu.memref_squeeze %dma_start3A_912 : memref<1x!tpu.dma_semaphore, #tpu.memory_space<semaphore_mem>> -> memref<!tpu.dma_semaphore, #tpu.memory_space<semaphore_mem>>
        tpu.enqueue_indirect_dma source(%dma_start3A_911 : memref<10000x64xf32, #tpu.memory_space<hbm>>) target(%dma_start3A_905 : memref<128x64xf32, #tpu.memory_space<vmem>>) offsets(%dma_start3A_908 : memref<128xi32, #tpu.memory_space<vmem>>) semaphore(%dma_start3A_913 : memref<!tpu.dma_semaphore, #tpu.memory_space<semaphore_mem>>)
      } else {
      }
      %dma_wait3A_848 = arith.constant 0 : i32
      %dma_wait3A_849 = arith.constant 0 : i32
      %dma_wait3A_850 = tpu.memref_slice %arg8[%rem3A_812, %dma_wait3A_848, %dma_wait3A_849] : memref<10x128x64xf32, #tpu.memory_space<vmem>> -> memref<1x128x64xf32, #tpu.memory_space<vmem>>
      %dma_wait3A_851 = tpu.memref_squeeze %dma_wait3A_850 : memref<1x128x64xf32, #tpu.memory_space<vmem>> -> memref<128x64xf32, #tpu.memory_space<vmem>>
      %dma_wait3A_852 = arith.constant 0 : i32
      %dma_wait3A_853 = tpu.memref_slice %arg6[%rem3A_812, %dma_wait3A_852] : memref<10x128xi32, #tpu.memory_space<vmem>> -> memref<1x128xi32, #tpu.memory_space<vmem>>
      %dma_wait3A_854 = tpu.memref_squeeze %dma_wait3A_853 : memref<1x128xi32, #tpu.memory_space<vmem>> -> memref<128xi32, #tpu.memory_space<vmem>>
      %dma_wait3A_855 = arith.constant 0 : i32
      %dma_wait3A_856 = arith.constant 0 : i32
      %dma_wait3A_857 = tpu.memref_slice %arg2[%dma_wait3A_855, %dma_wait3A_856] : memref<10000x64xf32, #tpu.memory_space<hbm>> -> memref<10000x64xf32, #tpu.memory_space<hbm>>
      %dma_wait3A_858 = tpu.memref_slice %arg10[%rem3A_812] : memref<10x!tpu.dma_semaphore, #tpu.memory_space<semaphore_mem>> -> memref<1x!tpu.dma_semaphore, #tpu.memory_space<semaphore_mem>>
      %dma_wait3A_859 = tpu.memref_squeeze %dma_wait3A_858 : memref<1x!tpu.dma_semaphore, #tpu.memory_space<semaphore_mem>> -> memref<!tpu.dma_semaphore, #tpu.memory_space<semaphore_mem>>
      tpu.wait_indirect_dma semaphore(%dma_wait3A_859 : memref<!tpu.dma_semaphore, #tpu.memory_space<semaphore_mem>>) src(%dma_wait3A_857 : memref<10000x64xf32, #tpu.memory_space<hbm>>) dst(%dma_wait3A_851 : memref<128x64xf32, #tpu.memory_space<vmem>>)
      %dma_start3A_860 = arith.constant 0 : i32
      %dma_start3A_861 = arith.constant 0 : i32
      %dma_start3A_862 = tpu.memref_slice %arg8[%rem3A_812, %dma_start3A_860, %dma_start3A_861] : memref<10x128x64xf32, #tpu.memory_space<vmem>> -> memref<1x128x64xf32, #tpu.memory_space<vmem>>
      %dma_start3A_863 = tpu.memref_squeeze %dma_start3A_862 : memref<1x128x64xf32, #tpu.memory_space<vmem>> -> memref<128x64xf32, #tpu.memory_space<vmem>>
      %dma_start3A_864 = arith.constant 0 : i32
      %dma_start3A_865 = tpu.memref_slice %arg7[%rem3A_812, %dma_start3A_864] : memref<10x128xi32, #tpu.memory_space<vmem>> -> memref<1x128xi32, #tpu.memory_space<vmem>>
      %dma_start3A_866 = tpu.memref_squeeze %dma_start3A_865 : memref<1x128xi32, #tpu.memory_space<vmem>> -> memref<128xi32, #tpu.memory_space<vmem>>
      %dma_start3A_867 = arith.constant 0 : i32
      %dma_start3A_868 = arith.constant 0 : i32
      %dma_start3A_869 = tpu.memref_slice %arg9[%dma_start3A_867, %dma_start3A_868] : memref<10112x64xf32, #tpu.memory_space<vmem_shared>> -> memref<10112x64xf32, #tpu.memory_space<vmem_shared>>
      %dma_start3A_870 = tpu.memref_slice %arg12[%rem3A_812] : memref<10x!tpu.dma_semaphore, #tpu.memory_space<semaphore_mem>> -> memref<1x!tpu.dma_semaphore, #tpu.memory_space<semaphore_mem>>
      %dma_start3A_871 = tpu.memref_squeeze %dma_start3A_870 : memref<1x!tpu.dma_semaphore, #tpu.memory_space<semaphore_mem>> -> memref<!tpu.dma_semaphore, #tpu.memory_space<semaphore_mem>>
      tpu.enqueue_indirect_dma source(%dma_start3A_863 : memref<128x64xf32, #tpu.memory_space<vmem>>) target(%dma_start3A_869 : memref<10112x64xf32, #tpu.memory_space<vmem_shared>>) offsets(%dma_start3A_866 : memref<128xi32, #tpu.memory_space<vmem>>) semaphore(%dma_start3A_871 : memref<!tpu.dma_semaphore, #tpu.memory_space<semaphore_mem>>) {add = true}
    }
    %while3A_794 = arith.constant 1 : i32
    scf.for %while3A_810 = %while3A_792 to %while3A_788 step %while3A_794  : i32 {
      %rem3A_811 = arith.constant 10 : i32
      %rem3A_812 = arith.remsi %while3A_810, %rem3A_811 : i32
      %add3A_813 = arith.constant 10 : i32
      %add3A_814 = arith.addi %while3A_810, %add3A_813 : i32
      %sub3A_815 = arith.constant 1 : i32
      %sub3A_816 = arith.subi %add3A_814, %sub3A_815 : i32
      %rem3A_817 = arith.constant 10 : i32
      %rem3A_818 = arith.remsi %sub3A_816, %rem3A_817 : i32
      %add3A_819 = arith.constant 10 : i32
      %add3A_820 = arith.addi %while3A_810, %add3A_819 : i32
      %sub3A_821 = arith.constant 2 : i32
      %sub3A_822 = arith.subi %add3A_820, %sub3A_821 : i32
      %rem3A_823 = arith.constant 10 : i32
      %rem3A_824 = arith.remsi %sub3A_822, %rem3A_823 : i32
      %ge3A = arith.constant 1 : i32
      %ge3A_825 = arith.cmpi sge, %while3A_810, %ge3A : i32
      %convert_element_type3A = arith.extui %ge3A_825 : i1 to i32
      %cond3A = arith.constant 0 : i32
      %cond3A_826 = arith.cmpi ne, %convert_element_type3A, %cond3A : i32
      scf.if %cond3A_826 {
        %dma_wait3A_872 = arith.constant 0 : i32
        %dma_wait3A_873 = arith.constant 0 : i32
        %dma_wait3A_874 = tpu.memref_slice %arg8[%rem3A_818, %dma_wait3A_872, %dma_wait3A_873] : memref<10x128x64xf32, #tpu.memory_space<vmem>> -> memref<1x128x64xf32, #tpu.memory_space<vmem>>
        %dma_wait3A_875 = tpu.memref_squeeze %dma_wait3A_874 : memref<1x128x64xf32, #tpu.memory_space<vmem>> -> memref<128x64xf32, #tpu.memory_space<vmem>>
        %dma_wait3A_876 = arith.constant 0 : i32
        %dma_wait3A_877 = tpu.memref_slice %arg7[%rem3A_818, %dma_wait3A_876] : memref<10x128xi32, #tpu.memory_space<vmem>> -> memref<1x128xi32, #tpu.memory_space<vmem>>
        %dma_wait3A_878 = tpu.memref_squeeze %dma_wait3A_877 : memref<1x128xi32, #tpu.memory_space<vmem>> -> memref<128xi32, #tpu.memory_space<vmem>>
        %dma_wait3A_879 = arith.constant 0 : i32
        %dma_wait3A_880 = arith.constant 0 : i32
        %dma_wait3A_881 = tpu.memref_slice %arg9[%dma_wait3A_879, %dma_wait3A_880] : memref<10112x64xf32, #tpu.memory_space<vmem_shared>> -> memref<10112x64xf32, #tpu.memory_space<vmem_shared>>
        %dma_wait3A_882 = tpu.memref_slice %arg12[%rem3A_818] : memref<10x!tpu.dma_semaphore, #tpu.memory_space<semaphore_mem>> -> memref<1x!tpu.dma_semaphore, #tpu.memory_space<semaphore_mem>>
        %dma_wait3A_883 = tpu.memref_squeeze %dma_wait3A_882 : memref<1x!tpu.dma_semaphore, #tpu.memory_space<semaphore_mem>> -> memref<!tpu.dma_semaphore, #tpu.memory_space<semaphore_mem>>
        tpu.wait_indirect_dma semaphore(%dma_wait3A_883 : memref<!tpu.dma_semaphore, #tpu.memory_space<semaphore_mem>>) src(%dma_wait3A_875 : memref<128x64xf32, #tpu.memory_space<vmem>>) dst(%dma_wait3A_881 : memref<10112x64xf32, #tpu.memory_space<vmem_shared>>)
      } else {
      }
      %ge3A_827 = arith.constant 1 : i32
      %ge3A_828 = arith.cmpi sge, %while3A_810, %ge3A_827 : i32
      %add3A_829 = arith.constant 10 : i32
      %add3A_830 = arith.addi %while3A_810, %add3A_829 : i32
      %sub3A_831 = arith.constant 1 : i32
      %sub3A_832 = arith.subi %add3A_830, %sub3A_831 : i32
      %lt3A_833 = arith.cmpi slt, %sub3A_832, %add3A_4 : i32
      %and3A = arith.andi %ge3A_828, %lt3A_833 : i1
      %convert_element_type3A_834 = arith.extui %and3A : i1 to i32
      %cond3A_835 = arith.constant 0 : i32
      %cond3A_836 = arith.cmpi ne, %convert_element_type3A_834, %cond3A_835 : i32
      scf.if %cond3A_836 {
        %add3A_872 = arith.constant 10 : i32
        %add3A_873 = arith.addi %while3A_810, %add3A_872 : i32
        %sub3A_874 = arith.constant 1 : i32
        %sub3A_875 = arith.subi %add3A_873, %sub3A_874 : i32
        %mul3A_876 = arith.constant 32 : i32
        %mul3A_877 = arith.muli %sub3A_875, %mul3A_876 : i32
        %add3A_878 = arith.addi %add3A, %mul3A_877 : i32
        %mul3A_879 = arith.constant 128 : i32
        %mul3A_880 = arith.muli %add3A_878, %mul3A_879 : i32
        %dma_start3A_881 = arith.constant 0 : i32
        %dma_start3A_882 = arith.constant 0 : i32
        %dma_start3A_883 = tpu.memref_slice %arg6[%rem3A_818, %dma_start3A_882] : memref<10x128xi32, #tpu.memory_space<vmem>> -> memref<1x128xi32, #tpu.memory_space<vmem>>
        %dma_start3A_884 = tpu.memref_squeeze %dma_start3A_883 : memref<1x128xi32, #tpu.memory_space<vmem>> -> memref<128xi32, #tpu.memory_space<vmem>>
        %dma_start3A_885 = tpu.memref_slice %arg3[%dma_start3A_881, %mul3A_880] : memref<2x320000xi32, #tpu.memory_space<hbm>> -> memref<1x128xi32, #tpu.memory_space<hbm>>
        %dma_start3A_886 = tpu.memref_squeeze %dma_start3A_885 : memref<1x128xi32, #tpu.memory_space<hbm>> -> memref<128xi32, #tpu.memory_space<hbm>>
        %dma_start3A_887 = tpu.memref_slice %arg11[%rem3A_818] : memref<10x!tpu.dma_semaphore, #tpu.memory_space<semaphore_mem>> -> memref<1x!tpu.dma_semaphore, #tpu.memory_space<semaphore_mem>>
        %dma_start3A_888 = tpu.memref_squeeze %dma_start3A_887 : memref<1x!tpu.dma_semaphore, #tpu.memory_space<semaphore_mem>> -> memref<!tpu.dma_semaphore, #tpu.memory_space<semaphore_mem>>
        %dma_start3A_889 = arith.constant 0 : i32
        %dma_start3A_890 = tpu.memref_slice %arg6[%rem3A_818, %dma_start3A_889] : memref<10x128xi32, #tpu.memory_space<vmem>> -> memref<1x128xi32, #tpu.memory_space<vmem>>
        %dma_start3A_891 = tpu.memref_squeeze %dma_start3A_890 : memref<1x128xi32, #tpu.memory_space<vmem>> -> memref<128xi32, #tpu.memory_space<vmem>>
        %dma_start3A_892 = tpu.memref_slice %arg3[%dma_start3A_881, %mul3A_880] : memref<2x320000xi32, #tpu.memory_space<hbm>> -> memref<1x128xi32, #tpu.memory_space<hbm>>
        %dma_start3A_893 = tpu.memref_squeeze %dma_start3A_892 : memref<1x128xi32, #tpu.memory_space<hbm>> -> memref<128xi32, #tpu.memory_space<hbm>>
        tpu.enqueue_dma source(%dma_start3A_893 : memref<128xi32, #tpu.memory_space<hbm>>) target(%dma_start3A_891 : memref<128xi32, #tpu.memory_space<vmem>>) target_semaphore(%dma_start3A_888 : memref<!tpu.dma_semaphore, #tpu.memory_space<semaphore_mem>>)
        %dma_start3A_894 = arith.constant 1 : i32
        %dma_start3A_895 = arith.constant 0 : i32
        %dma_start3A_896 = tpu.memref_slice %arg7[%rem3A_818, %dma_start3A_895] : memref<10x128xi32, #tpu.memory_space<vmem>> -> memref<1x128xi32, #tpu.memory_space<vmem>>
        %dma_start3A_897 = tpu.memref_squeeze %dma_start3A_896 : memref<1x128xi32, #tpu.memory_space<vmem>> -> memref<128xi32, #tpu.memory_space<vmem>>
        %dma_start3A_898 = tpu.memref_slice %arg3[%dma_start3A_894, %mul3A_880] : memref<2x320000xi32, #tpu.memory_space<hbm>> -> memref<1x128xi32, #tpu.memory_space<hbm>>
        %dma_start3A_899 = tpu.memref_squeeze %dma_start3A_898 : memref<1x128xi32, #tpu.memory_space<hbm>> -> memref<128xi32, #tpu.memory_space<hbm>>
        %dma_start3A_900 = tpu.memref_slice %arg11[%rem3A_818] : memref<10x!tpu.dma_semaphore, #tpu.memory_space<semaphore_mem>> -> memref<1x!tpu.dma_semaphore, #tpu.memory_space<semaphore_mem>>
        %dma_start3A_901 = tpu.memref_squeeze %dma_start3A_900 : memref<1x!tpu.dma_semaphore, #tpu.memory_space<semaphore_mem>> -> memref<!tpu.dma_semaphore, #tpu.memory_space<semaphore_mem>>
        %dma_start3A_902 = arith.constant 0 : i32
        %dma_start3A_903 = tpu.memref_slice %arg7[%rem3A_818, %dma_start3A_902] : memref<10x128xi32, #tpu.memory_space<vmem>> -> memref<1x128xi32, #tpu.memory_space<vmem>>
        %dma_start3A_904 = tpu.memref_squeeze %dma_start3A_903 : memref<1x128xi32, #tpu.memory_space<vmem>> -> memref<128xi32, #tpu.memory_space<vmem>>
        %dma_start3A_905 = tpu.memref_slice %arg3[%dma_start3A_894, %mul3A_880] : memref<2x320000xi32, #tpu.memory_space<hbm>> -> memref<1x128xi32, #tpu.memory_space<hbm>>
        %dma_start3A_906 = tpu.memref_squeeze %dma_start3A_905 : memref<1x128xi32, #tpu.memory_space<hbm>> -> memref<128xi32, #tpu.memory_space<hbm>>
        tpu.enqueue_dma source(%dma_start3A_906 : memref<128xi32, #tpu.memory_space<hbm>>) target(%dma_start3A_904 : memref<128xi32, #tpu.memory_space<vmem>>) target_semaphore(%dma_start3A_901 : memref<!tpu.dma_semaphore, #tpu.memory_space<semaphore_mem>>)
      } else {
      }
      %ge3A_837 = arith.constant 1 : i32
      %ge3A_838 = arith.cmpi sge, %while3A_810, %ge3A_837 : i32
      %add3A_839 = arith.constant 10 : i32
      %add3A_840 = arith.addi %while3A_810, %add3A_839 : i32
      %sub3A_841 = arith.constant 2 : i32
      %sub3A_842 = arith.subi %add3A_840, %sub3A_841 : i32
      %lt3A_843 = arith.cmpi slt, %sub3A_842, %add3A_4 : i32
      %and3A_844 = arith.andi %ge3A_838, %lt3A_843 : i1
      %convert_element_type3A_845 = arith.extui %and3A_844 : i1 to i32
      %cond3A_846 = arith.constant 0 : i32
      %cond3A_847 = arith.cmpi ne, %convert_element_type3A_845, %cond3A_846 : i32
      scf.if %cond3A_847 {
        %dma_wait3A_872 = arith.constant 0 : i32
        %dma_wait3A_873 = arith.constant 0 : i32
        %dma_wait3A_874 = tpu.memref_slice %arg6[%rem3A_824, %dma_wait3A_873] : memref<10x128xi32, #tpu.memory_space<vmem>> -> memref<1x128xi32, #tpu.memory_space<vmem>>
        %dma_wait3A_875 = tpu.memref_squeeze %dma_wait3A_874 : memref<1x128xi32, #tpu.memory_space<vmem>> -> memref<128xi32, #tpu.memory_space<vmem>>
        %dma_wait3A_876 = arith.constant 0 : i32
        %dma_wait3A_877 = tpu.memref_slice %arg3[%dma_wait3A_872, %dma_wait3A_876] : memref<2x320000xi32, #tpu.memory_space<hbm>> -> memref<1x128xi32, #tpu.memory_space<hbm>>
        %dma_wait3A_878 = tpu.memref_squeeze %dma_wait3A_877 : memref<1x128xi32, #tpu.memory_space<hbm>> -> memref<128xi32, #tpu.memory_space<hbm>>
        %dma_wait3A_879 = tpu.memref_slice %arg11[%rem3A_824] : memref<10x!tpu.dma_semaphore, #tpu.memory_space<semaphore_mem>> -> memref<1x!tpu.dma_semaphore, #tpu.memory_space<semaphore_mem>>
        %dma_wait3A_880 = tpu.memref_squeeze %dma_wait3A_879 : memref<1x!tpu.dma_semaphore, #tpu.memory_space<semaphore_mem>> -> memref<!tpu.dma_semaphore, #tpu.memory_space<semaphore_mem>>
        %dma_wait3A_881 = arith.constant 0 : i32
        %dma_wait3A_882 = tpu.memref_slice %arg6[%rem3A_824, %dma_wait3A_881] : memref<10x128xi32, #tpu.memory_space<vmem>> -> memref<1x128xi32, #tpu.memory_space<vmem>>
        %dma_wait3A_883 = tpu.memref_squeeze %dma_wait3A_882 : memref<1x128xi32, #tpu.memory_space<vmem>> -> memref<128xi32, #tpu.memory_space<vmem>>
        %dma_wait3A_884 = arith.constant 0 : i32
        %dma_wait3A_885 = tpu.memref_slice %arg3[%dma_wait3A_872, %dma_wait3A_884] : memref<2x320000xi32, #tpu.memory_space<hbm>> -> memref<1x128xi32, #tpu.memory_space<hbm>>
        %dma_wait3A_886 = tpu.memref_squeeze %dma_wait3A_885 : memref<1x128xi32, #tpu.memory_space<hbm>> -> memref<128xi32, #tpu.memory_space<hbm>>
        tpu.wait_dma2 semaphore(%dma_wait3A_880 : memref<!tpu.dma_semaphore, #tpu.memory_space<semaphore_mem>>) src(%dma_wait3A_886 : memref<128xi32, #tpu.memory_space<hbm>>) dst(%dma_wait3A_883 : memref<128xi32, #tpu.memory_space<vmem>>)
        %dma_wait3A_887 = arith.constant 1 : i32
        %dma_wait3A_888 = arith.constant 0 : i32
        %dma_wait3A_889 = tpu.memref_slice %arg7[%rem3A_824, %dma_wait3A_888] : memref<10x128xi32, #tpu.memory_space<vmem>> -> memref<1x128xi32, #tpu.memory_space<vmem>>
        %dma_wait3A_890 = tpu.memref_squeeze %dma_wait3A_889 : memref<1x128xi32, #tpu.memory_space<vmem>> -> memref<128xi32, #tpu.memory_space<vmem>>
        %dma_wait3A_891 = arith.constant 0 : i32
        %dma_wait3A_892 = tpu.memref_slice %arg3[%dma_wait3A_887, %dma_wait3A_891] : memref<2x320000xi32, #tpu.memory_space<hbm>> -> memref<1x128xi32, #tpu.memory_space<hbm>>
        %dma_wait3A_893 = tpu.memref_squeeze %dma_wait3A_892 : memref<1x128xi32, #tpu.memory_space<hbm>> -> memref<128xi32, #tpu.memory_space<hbm>>
        %dma_wait3A_894 = tpu.memref_slice %arg11[%rem3A_824] : memref<10x!tpu.dma_semaphore, #tpu.memory_space<semaphore_mem>> -> memref<1x!tpu.dma_semaphore, #tpu.memory_space<semaphore_mem>>
        %dma_wait3A_895 = tpu.memref_squeeze %dma_wait3A_894 : memref<1x!tpu.dma_semaphore, #tpu.memory_space<semaphore_mem>> -> memref<!tpu.dma_semaphore, #tpu.memory_space<semaphore_mem>>
        %dma_wait3A_896 = arith.constant 0 : i32
        %dma_wait3A_897 = tpu.memref_slice %arg7[%rem3A_824, %dma_wait3A_896] : memref<10x128xi32, #tpu.memory_space<vmem>> -> memref<1x128xi32, #tpu.memory_space<vmem>>
        %dma_wait3A_898 = tpu.memref_squeeze %dma_wait3A_897 : memref<1x128xi32, #tpu.memory_space<vmem>> -> memref<128xi32, #tpu.memory_space<vmem>>
        %dma_wait3A_899 = arith.constant 0 : i32
        %dma_wait3A_900 = tpu.memref_slice %arg3[%dma_wait3A_887, %dma_wait3A_899] : memref<2x320000xi32, #tpu.memory_space<hbm>> -> memref<1x128xi32, #tpu.memory_space<hbm>>
        %dma_wait3A_901 = tpu.memref_squeeze %dma_wait3A_900 : memref<1x128xi32, #tpu.memory_space<hbm>> -> memref<128xi32, #tpu.memory_space<hbm>>
        tpu.wait_dma2 semaphore(%dma_wait3A_895 : memref<!tpu.dma_semaphore, #tpu.memory_space<semaphore_mem>>) src(%dma_wait3A_901 : memref<128xi32, #tpu.memory_space<hbm>>) dst(%dma_wait3A_898 : memref<128xi32, #tpu.memory_space<vmem>>)
        %dma_start3A_902 = arith.constant 0 : i32
        %dma_start3A_903 = arith.constant 0 : i32
        %dma_start3A_904 = tpu.memref_slice %arg8[%rem3A_824, %dma_start3A_902, %dma_start3A_903] : memref<10x128x64xf32, #tpu.memory_space<vmem>> -> memref<1x128x64xf32, #tpu.memory_space<vmem>>
        %dma_start3A_905 = tpu.memref_squeeze %dma_start3A_904 : memref<1x128x64xf32, #tpu.memory_space<vmem>> -> memref<128x64xf32, #tpu.memory_space<vmem>>
        %dma_start3A_906 = arith.constant 0 : i32
        %dma_start3A_907 = tpu.memref_slice %arg6[%rem3A_824, %dma_start3A_906] : memref<10x128xi32, #tpu.memory_space<vmem>> -> memref<1x128xi32, #tpu.memory_space<vmem>>
        %dma_start3A_908 = tpu.memref_squeeze %dma_start3A_907 : memref<1x128xi32, #tpu.memory_space<vmem>> -> memref<128xi32, #tpu.memory_space<vmem>>
        %dma_start3A_909 = arith.constant 0 : i32
        %dma_start3A_910 = arith.constant 0 : i32
        %dma_start3A_911 = tpu.memref_slice %arg2[%dma_start3A_909, %dma_start3A_910] : memref<10000x64xf32, #tpu.memory_space<hbm>> -> memref<10000x64xf32, #tpu.memory_space<hbm>>
        %dma_start3A_912 = tpu.memref_slice %arg10[%rem3A_824] : memref<10x!tpu.dma_semaphore, #tpu.memory_space<semaphore_mem>> -> memref<1x!tpu.dma_semaphore, #tpu.memory_space<semaphore_mem>>
        %dma_start3A_913 = tpu.memref_squeeze %dma_start3A_912 : memref<1x!tpu.dma_semaphore, #tpu.memory_space<semaphore_mem>> -> memref<!tpu.dma_semaphore, #tpu.memory_space<semaphore_mem>>
        tpu.enqueue_indirect_dma source(%dma_start3A_911 : memref<10000x64xf32, #tpu.memory_space<hbm>>) target(%dma_start3A_905 : memref<128x64xf32, #tpu.memory_space<vmem>>) offsets(%dma_start3A_908 : memref<128xi32, #tpu.memory_space<vmem>>) semaphore(%dma_start3A_913 : memref<!tpu.dma_semaphore, #tpu.memory_space<semaphore_mem>>)
      } else {
      }
      %dma_wait3A_848 = arith.constant 0 : i32
      %dma_wait3A_849 = arith.constant 0 : i32
      %dma_wait3A_850 = tpu.memref_slice %arg8[%rem3A_812, %dma_wait3A_848, %dma_wait3A_849] : memref<10x128x64xf32, #tpu.memory_space<vmem>> -> memref<1x128x64xf32, #tpu.memory_space<vmem>>
      %dma_wait3A_851 = tpu.memref_squeeze %dma_wait3A_850 : memref<1x128x64xf32, #tpu.memory_space<vmem>> -> memref<128x64xf32, #tpu.memory_space<vmem>>
      %dma_wait3A_852 = arith.constant 0 : i32
      %dma_wait3A_853 = tpu.memref_slice %arg6[%rem3A_812, %dma_wait3A_852] : memref<10x128xi32, #tpu.memory_space<vmem>> -> memref<1x128xi32, #tpu.memory_space<vmem>>
      %dma_wait3A_854 = tpu.memref_squeeze %dma_wait3A_853 : memref<1x128xi32, #tpu.memory_space<vmem>> -> memref<128xi32, #tpu.memory_space<vmem>>
      %dma_wait3A_855 = arith.constant 0 : i32
      %dma_wait3A_856 = arith.constant 0 : i32
      %dma_wait3A_857 = tpu.memref_slice %arg2[%dma_wait3A_855, %dma_wait3A_856] : memref<10000x64xf32, #tpu.memory_space<hbm>> -> memref<10000x64xf32, #tpu.memory_space<hbm>>
      %dma_wait3A_858 = tpu.memref_slice %arg10[%rem3A_812] : memref<10x!tpu.dma_semaphore, #tpu.memory_space<semaphore_mem>> -> memref<1x!tpu.dma_semaphore, #tpu.memory_space<semaphore_mem>>
      %dma_wait3A_859 = tpu.memref_squeeze %dma_wait3A_858 : memref<1x!tpu.dma_semaphore, #tpu.memory_space<semaphore_mem>> -> memref<!tpu.dma_semaphore, #tpu.memory_space<semaphore_mem>>
      tpu.wait_indirect_dma semaphore(%dma_wait3A_859 : memref<!tpu.dma_semaphore, #tpu.memory_space<semaphore_mem>>) src(%dma_wait3A_857 : memref<10000x64xf32, #tpu.memory_space<hbm>>) dst(%dma_wait3A_851 : memref<128x64xf32, #tpu.memory_space<vmem>>)
      %dma_start3A_860 = arith.constant 0 : i32
      %dma_start3A_861 = arith.constant 0 : i32
      %dma_start3A_862 = tpu.memref_slice %arg8[%rem3A_812, %dma_start3A_860, %dma_start3A_861] : memref<10x128x64xf32, #tpu.memory_space<vmem>> -> memref<1x128x64xf32, #tpu.memory_space<vmem>>
      %dma_start3A_863 = tpu.memref_squeeze %dma_start3A_862 : memref<1x128x64xf32, #tpu.memory_space<vmem>> -> memref<128x64xf32, #tpu.memory_space<vmem>>
      %dma_start3A_864 = arith.constant 0 : i32
      %dma_start3A_865 = tpu.memref_slice %arg7[%rem3A_812, %dma_start3A_864] : memref<10x128xi32, #tpu.memory_space<vmem>> -> memref<1x128xi32, #tpu.memory_space<vmem>>
      %dma_start3A_866 = tpu.memref_squeeze %dma_start3A_865 : memref<1x128xi32, #tpu.memory_space<vmem>> -> memref<128xi32, #tpu.memory_space<vmem>>
      %dma_start3A_867 = arith.constant 0 : i32
      %dma_start3A_868 = arith.constant 0 : i32
      %dma_start3A_869 = tpu.memref_slice %arg9[%dma_start3A_867, %dma_start3A_868] : memref<10112x64xf32, #tpu.memory_space<vmem_shared>> -> memref<10112x64xf32, #tpu.memory_space<vmem_shared>>
      %dma_start3A_870 = tpu.memref_slice %arg12[%rem3A_812] : memref<10x!tpu.dma_semaphore, #tpu.memory_space<semaphore_mem>> -> memref<1x!tpu.dma_semaphore, #tpu.memory_space<semaphore_mem>>
      %dma_start3A_871 = tpu.memref_squeeze %dma_start3A_870 : memref<1x!tpu.dma_semaphore, #tpu.memory_space<semaphore_mem>> -> memref<!tpu.dma_semaphore, #tpu.memory_space<semaphore_mem>>
      tpu.enqueue_indirect_dma source(%dma_start3A_863 : memref<128x64xf32, #tpu.memory_space<vmem>>) target(%dma_start3A_869 : memref<10112x64xf32, #tpu.memory_space<vmem_shared>>) offsets(%dma_start3A_866 : memref<128xi32, #tpu.memory_space<vmem>>) semaphore(%dma_start3A_871 : memref<!tpu.dma_semaphore, #tpu.memory_space<semaphore_mem>>) {add = true}
    }
    %sub3A = arith.constant 1 : i32
    %sub3A_795 = arith.subi %add3A_4, %sub3A : i32
    %rem3A = arith.constant 10 : i32
    %rem3A_796 = arith.remsi %sub3A_795, %rem3A : i32
    %dma_wait3A_797 = arith.constant 0 : i32
    %dma_wait3A_798 = arith.constant 0 : i32
    %dma_wait3A_799 = tpu.memref_slice %arg8[%rem3A_796, %dma_wait3A_797, %dma_wait3A_798] : memref<10x128x64xf32, #tpu.memory_space<vmem>> -> memref<1x128x64xf32, #tpu.memory_space<vmem>>
    %dma_wait3A_800 = tpu.memref_squeeze %dma_wait3A_799 : memref<1x128x64xf32, #tpu.memory_space<vmem>> -> memref<128x64xf32, #tpu.memory_space<vmem>>
    %dma_wait3A_801 = arith.constant 0 : i32
    %dma_wait3A_802 = tpu.memref_slice %arg7[%rem3A_796, %dma_wait3A_801] : memref<10x128xi32, #tpu.memory_space<vmem>> -> memref<1x128xi32, #tpu.memory_space<vmem>>
    %dma_wait3A_803 = tpu.memref_squeeze %dma_wait3A_802 : memref<1x128xi32, #tpu.memory_space<vmem>> -> memref<128xi32, #tpu.memory_space<vmem>>
    %dma_wait3A_804 = arith.constant 0 : i32
    %dma_wait3A_805 = arith.constant 0 : i32
    %dma_wait3A_806 = tpu.memref_slice %arg9[%dma_wait3A_804, %dma_wait3A_805] : memref<10112x64xf32, #tpu.memory_space<vmem_shared>> -> memref<10112x64xf32, #tpu.memory_space<vmem_shared>>
    %dma_wait3A_807 = tpu.memref_slice %arg12[%rem3A_796] : memref<10x!tpu.dma_semaphore, #tpu.memory_space<semaphore_mem>> -> memref<1x!tpu.dma_semaphore, #tpu.memory_space<semaphore_mem>>
    %dma_wait3A_808 = tpu.memref_squeeze %dma_wait3A_807 : memref<1x!tpu.dma_semaphore, #tpu.memory_space<semaphore_mem>> -> memref<!tpu.dma_semaphore, #tpu.memory_space<semaphore_mem>>
    tpu.wait_indirect_dma semaphore(%dma_wait3A_808 : memref<!tpu.dma_semaphore, #tpu.memory_space<semaphore_mem>>) src(%dma_wait3A_800 : memref<128x64xf32, #tpu.memory_space<vmem>>) dst(%dma_wait3A_806 : memref<10112x64xf32, #tpu.memory_space<vmem_shared>>)
    %barrier3A_809 = arith.constant 0 : index
    tpu.barrier barrier_id(%barrier3A_809)
    "tpu.region"() ({
      %run_scoped3A = tpu.sem_alloc : memref<!tpu.dma_semaphore, #tpu.memory_space<semaphore_mem>>
      %dma_start3A_810 = arith.constant 0 : i32
      %dma_start3A_811 = tpu.memref_slice %arg5[%arg0, %mul3A_345, %dma_start3A_810] : memref<2x10112x64xf32, #tpu.memory_space<hbm>> -> memref<1x632x64xf32, #tpu.memory_space<hbm>>
      %dma_start3A_812 = tpu.memref_squeeze %dma_start3A_811 : memref<1x632x64xf32, #tpu.memory_space<hbm>> -> memref<632x64xf32, #tpu.memory_space<hbm>>
      %dma_start3A_813 = arith.constant 0 : i32
      %dma_start3A_814 = tpu.memref_slice %arg9[%mul3A_345, %dma_start3A_813] : memref<10112x64xf32, #tpu.memory_space<vmem_shared>> -> memref<632x64xf32, #tpu.memory_space<vmem_shared>>
      tpu.enqueue_dma source(%dma_start3A_814 : memref<632x64xf32, #tpu.memory_space<vmem_shared>>) target(%dma_start3A_812 : memref<632x64xf32, #tpu.memory_space<hbm>>) target_semaphore(%run_scoped3A : memref<!tpu.dma_semaphore, #tpu.memory_space<semaphore_mem>>)
      %dma_wait3A_815 = arith.constant 0 : i32
      %dma_wait3A_816 = tpu.memref_slice %arg5[%arg0, %mul3A_345, %dma_wait3A_815] : memref<2x10112x64xf32, #tpu.memory_space<hbm>> -> memref<1x632x64xf32, #tpu.memory_space<hbm>>
      %dma_wait3A_817 = tpu.memref_squeeze %dma_wait3A_816 : memref<1x632x64xf32, #tpu.memory_space<hbm>> -> memref<632x64xf32, #tpu.memory_space<hbm>>
      %dma_wait3A_818 = arith.constant 0 : i32
      %dma_wait3A_819 = tpu.memref_slice %arg9[%mul3A_345, %dma_wait3A_818] : memref<10112x64xf32, #tpu.memory_space<vmem_shared>> -> memref<632x64xf32, #tpu.memory_space<vmem_shared>>
      tpu.wait_dma2 semaphore(%run_scoped3A : memref<!tpu.dma_semaphore, #tpu.memory_space<semaphore_mem>>) src(%dma_wait3A_819 : memref<632x64xf32, #tpu.memory_space<vmem_shared>>) dst(%dma_wait3A_817 : memref<632x64xf32, #tpu.memory_space<hbm>>)
      tpu.yield
    }) : () -> ()
    return
  }
}

#map = affine_map<(d0, d1) -> (0, 0)>
#map1 = affine_map<(d0, d1) -> (0, 0, 0)>
module attributes {stable_mosaic.version = 14 : i64} {
  func.func @body(%arg0: i32, %arg1: i32, %arg2: memref<10000x128xf32, #tpu.memory_space<hbm>>, %arg3: memref<2x320000xi32, #tpu.memory_space<hbm>>, %arg4: memref<10112x128xf32, #tpu.memory_space<hbm>>, %arg5: memref<2x10112x128xf32, #tpu.memory_space<hbm>>, %arg6: memref<4x80xi32, #tpu.memory_space<vmem>>, %arg7: memref<4x80xi32, #tpu.memory_space<vmem>>, %arg8: memref<4x80x128xf32, #tpu.memory_space<vmem>>, %arg9: memref<10112x128xf32, #tpu.memory_space<vmem_shared>>, %arg10: memref<4x!tpu.dma_semaphore, #tpu.memory_space<semaphore_mem>>, %arg11: memref<4x!tpu.dma_semaphore, #tpu.memory_space<semaphore_mem>>, %arg12: memref<4x!tpu.dma_semaphore, #tpu.memory_space<semaphore_mem>>) attributes {dimension_semantics = [#tpu.dimension_semantics<core_parallel>, #tpu.dimension_semantics<subcore_parallel>], iteration_bounds = array<i64: 2, 16>, scalar_prefetch = 0 : i64, scratch_operands = 7 : i64, tpu.core_type = #tpu.core_type<sc_vector_subcore>, window_params = [{transform_indices = #map}, {transform_indices = #map}, {transform_indices = #map}, {transform_indices = #map1}]} {
    %mul3A = arith.constant 2 : i32
    %mul3A_0 = arith.muli %arg1, %mul3A : i32
    %add3A = arith.addi %mul3A_0, %arg0 : i32
    %add3A_1 = arith.constant 0 : i32
    %add3A_2 = arith.addi %add3A, %add3A_1 : i32
    %mul3A_3 = arith.constant 80 : i32
    %mul3A_4 = arith.muli %add3A_2, %mul3A_3 : i32
    %dma_start3A = arith.constant 0 : i32
    %dma_start3A_5 = arith.constant 0 : i32
    %dma_start3A_6 = arith.constant 0 : i32
    %dma_start3A_7 = arith.constant 0 : i32
    %dma_start3A_8 = tpu.memref_slice %arg6[%dma_start3A_5, %dma_start3A_7] : memref<4x80xi32, #tpu.memory_space<vmem>> -> memref<1x80xi32, #tpu.memory_space<vmem>>
    %dma_start3A_9 = tpu.memref_squeeze %dma_start3A_8 : memref<1x80xi32, #tpu.memory_space<vmem>> -> memref<80xi32, #tpu.memory_space<vmem>>
    %dma_start3A_10 = tpu.memref_slice %arg3[%dma_start3A, %mul3A_4] : memref<2x320000xi32, #tpu.memory_space<hbm>> -> memref<1x80xi32, #tpu.memory_space<hbm>>
    %dma_start3A_11 = tpu.memref_squeeze %dma_start3A_10 : memref<1x80xi32, #tpu.memory_space<hbm>> -> memref<80xi32, #tpu.memory_space<hbm>>
    %dma_start3A_12 = tpu.memref_slice %arg11[%dma_start3A_6] : memref<4x!tpu.dma_semaphore, #tpu.memory_space<semaphore_mem>> -> memref<1x!tpu.dma_semaphore, #tpu.memory_space<semaphore_mem>>
    %dma_start3A_13 = tpu.memref_squeeze %dma_start3A_12 : memref<1x!tpu.dma_semaphore, #tpu.memory_space<semaphore_mem>> -> memref<!tpu.dma_semaphore, #tpu.memory_space<semaphore_mem>>
    %dma_start3A_14 = arith.constant 0 : i32
    %dma_start3A_15 = tpu.memref_slice %arg6[%dma_start3A_5, %dma_start3A_14] : memref<4x80xi32, #tpu.memory_space<vmem>> -> memref<1x80xi32, #tpu.memory_space<vmem>>
    %dma_start3A_16 = tpu.memref_squeeze %dma_start3A_15 : memref<1x80xi32, #tpu.memory_space<vmem>> -> memref<80xi32, #tpu.memory_space<vmem>>
    %dma_start3A_17 = tpu.memref_slice %arg3[%dma_start3A, %mul3A_4] : memref<2x320000xi32, #tpu.memory_space<hbm>> -> memref<1x80xi32, #tpu.memory_space<hbm>>
    %dma_start3A_18 = tpu.memref_squeeze %dma_start3A_17 : memref<1x80xi32, #tpu.memory_space<hbm>> -> memref<80xi32, #tpu.memory_space<hbm>>
    tpu.enqueue_dma source(%dma_start3A_18 : memref<80xi32, #tpu.memory_space<hbm>>) target(%dma_start3A_16 : memref<80xi32, #tpu.memory_space<vmem>>) target_semaphore(%dma_start3A_13 : memref<!tpu.dma_semaphore, #tpu.memory_space<semaphore_mem>>)
    %dma_start3A_19 = arith.constant 1 : i32
    %dma_start3A_20 = arith.constant 0 : i32
    %dma_start3A_21 = arith.constant 0 : i32
    %dma_start3A_22 = arith.constant 0 : i32
    %dma_start3A_23 = tpu.memref_slice %arg7[%dma_start3A_20, %dma_start3A_22] : memref<4x80xi32, #tpu.memory_space<vmem>> -> memref<1x80xi32, #tpu.memory_space<vmem>>
    %dma_start3A_24 = tpu.memref_squeeze %dma_start3A_23 : memref<1x80xi32, #tpu.memory_space<vmem>> -> memref<80xi32, #tpu.memory_space<vmem>>
    %dma_start3A_25 = tpu.memref_slice %arg3[%dma_start3A_19, %mul3A_4] : memref<2x320000xi32, #tpu.memory_space<hbm>> -> memref<1x80xi32, #tpu.memory_space<hbm>>
    %dma_start3A_26 = tpu.memref_squeeze %dma_start3A_25 : memref<1x80xi32, #tpu.memory_space<hbm>> -> memref<80xi32, #tpu.memory_space<hbm>>
    %dma_start3A_27 = tpu.memref_slice %arg11[%dma_start3A_21] : memref<4x!tpu.dma_semaphore, #tpu.memory_space<semaphore_mem>> -> memref<1x!tpu.dma_semaphore, #tpu.memory_space<semaphore_mem>>
    %dma_start3A_28 = tpu.memref_squeeze %dma_start3A_27 : memref<1x!tpu.dma_semaphore, #tpu.memory_space<semaphore_mem>> -> memref<!tpu.dma_semaphore, #tpu.memory_space<semaphore_mem>>
    %dma_start3A_29 = arith.constant 0 : i32
    %dma_start3A_30 = tpu.memref_slice %arg7[%dma_start3A_20, %dma_start3A_29] : memref<4x80xi32, #tpu.memory_space<vmem>> -> memref<1x80xi32, #tpu.memory_space<vmem>>
    %dma_start3A_31 = tpu.memref_squeeze %dma_start3A_30 : memref<1x80xi32, #tpu.memory_space<vmem>> -> memref<80xi32, #tpu.memory_space<vmem>>
    %dma_start3A_32 = tpu.memref_slice %arg3[%dma_start3A_19, %mul3A_4] : memref<2x320000xi32, #tpu.memory_space<hbm>> -> memref<1x80xi32, #tpu.memory_space<hbm>>
    %dma_start3A_33 = tpu.memref_squeeze %dma_start3A_32 : memref<1x80xi32, #tpu.memory_space<hbm>> -> memref<80xi32, #tpu.memory_space<hbm>>
    tpu.enqueue_dma source(%dma_start3A_33 : memref<80xi32, #tpu.memory_space<hbm>>) target(%dma_start3A_31 : memref<80xi32, #tpu.memory_space<vmem>>) target_semaphore(%dma_start3A_28 : memref<!tpu.dma_semaphore, #tpu.memory_space<semaphore_mem>>)
    %add3A_34 = arith.constant 32 : i32
    %add3A_35 = arith.addi %add3A, %add3A_34 : i32
    %mul3A_36 = arith.constant 80 : i32
    %mul3A_37 = arith.muli %add3A_35, %mul3A_36 : i32
    %dma_start3A_38 = arith.constant 0 : i32
    %dma_start3A_39 = arith.constant 1 : i32
    %dma_start3A_40 = arith.constant 1 : i32
    %dma_start3A_41 = arith.constant 0 : i32
    %dma_start3A_42 = tpu.memref_slice %arg6[%dma_start3A_39, %dma_start3A_41] : memref<4x80xi32, #tpu.memory_space<vmem>> -> memref<1x80xi32, #tpu.memory_space<vmem>>
    %dma_start3A_43 = tpu.memref_squeeze %dma_start3A_42 : memref<1x80xi32, #tpu.memory_space<vmem>> -> memref<80xi32, #tpu.memory_space<vmem>>
    %dma_start3A_44 = tpu.memref_slice %arg3[%dma_start3A_38, %mul3A_37] : memref<2x320000xi32, #tpu.memory_space<hbm>> -> memref<1x80xi32, #tpu.memory_space<hbm>>
    %dma_start3A_45 = tpu.memref_squeeze %dma_start3A_44 : memref<1x80xi32, #tpu.memory_space<hbm>> -> memref<80xi32, #tpu.memory_space<hbm>>
    %dma_start3A_46 = tpu.memref_slice %arg11[%dma_start3A_40] : memref<4x!tpu.dma_semaphore, #tpu.memory_space<semaphore_mem>> -> memref<1x!tpu.dma_semaphore, #tpu.memory_space<semaphore_mem>>
    %dma_start3A_47 = tpu.memref_squeeze %dma_start3A_46 : memref<1x!tpu.dma_semaphore, #tpu.memory_space<semaphore_mem>> -> memref<!tpu.dma_semaphore, #tpu.memory_space<semaphore_mem>>
    %dma_start3A_48 = arith.constant 0 : i32
    %dma_start3A_49 = tpu.memref_slice %arg6[%dma_start3A_39, %dma_start3A_48] : memref<4x80xi32, #tpu.memory_space<vmem>> -> memref<1x80xi32, #tpu.memory_space<vmem>>
    %dma_start3A_50 = tpu.memref_squeeze %dma_start3A_49 : memref<1x80xi32, #tpu.memory_space<vmem>> -> memref<80xi32, #tpu.memory_space<vmem>>
    %dma_start3A_51 = tpu.memref_slice %arg3[%dma_start3A_38, %mul3A_37] : memref<2x320000xi32, #tpu.memory_space<hbm>> -> memref<1x80xi32, #tpu.memory_space<hbm>>
    %dma_start3A_52 = tpu.memref_squeeze %dma_start3A_51 : memref<1x80xi32, #tpu.memory_space<hbm>> -> memref<80xi32, #tpu.memory_space<hbm>>
    tpu.enqueue_dma source(%dma_start3A_52 : memref<80xi32, #tpu.memory_space<hbm>>) target(%dma_start3A_50 : memref<80xi32, #tpu.memory_space<vmem>>) target_semaphore(%dma_start3A_47 : memref<!tpu.dma_semaphore, #tpu.memory_space<semaphore_mem>>)
    %dma_start3A_53 = arith.constant 1 : i32
    %dma_start3A_54 = arith.constant 1 : i32
    %dma_start3A_55 = arith.constant 1 : i32
    %dma_start3A_56 = arith.constant 0 : i32
    %dma_start3A_57 = tpu.memref_slice %arg7[%dma_start3A_54, %dma_start3A_56] : memref<4x80xi32, #tpu.memory_space<vmem>> -> memref<1x80xi32, #tpu.memory_space<vmem>>
    %dma_start3A_58 = tpu.memref_squeeze %dma_start3A_57 : memref<1x80xi32, #tpu.memory_space<vmem>> -> memref<80xi32, #tpu.memory_space<vmem>>
    %dma_start3A_59 = tpu.memref_slice %arg3[%dma_start3A_53, %mul3A_37] : memref<2x320000xi32, #tpu.memory_space<hbm>> -> memref<1x80xi32, #tpu.memory_space<hbm>>
    %dma_start3A_60 = tpu.memref_squeeze %dma_start3A_59 : memref<1x80xi32, #tpu.memory_space<hbm>> -> memref<80xi32, #tpu.memory_space<hbm>>
    %dma_start3A_61 = tpu.memref_slice %arg11[%dma_start3A_55] : memref<4x!tpu.dma_semaphore, #tpu.memory_space<semaphore_mem>> -> memref<1x!tpu.dma_semaphore, #tpu.memory_space<semaphore_mem>>
    %dma_start3A_62 = tpu.memref_squeeze %dma_start3A_61 : memref<1x!tpu.dma_semaphore, #tpu.memory_space<semaphore_mem>> -> memref<!tpu.dma_semaphore, #tpu.memory_space<semaphore_mem>>
    %dma_start3A_63 = arith.constant 0 : i32
    %dma_start3A_64 = tpu.memref_slice %arg7[%dma_start3A_54, %dma_start3A_63] : memref<4x80xi32, #tpu.memory_space<vmem>> -> memref<1x80xi32, #tpu.memory_space<vmem>>
    %dma_start3A_65 = tpu.memref_squeeze %dma_start3A_64 : memref<1x80xi32, #tpu.memory_space<vmem>> -> memref<80xi32, #tpu.memory_space<vmem>>
    %dma_start3A_66 = tpu.memref_slice %arg3[%dma_start3A_53, %mul3A_37] : memref<2x320000xi32, #tpu.memory_space<hbm>> -> memref<1x80xi32, #tpu.memory_space<hbm>>
    %dma_start3A_67 = tpu.memref_squeeze %dma_start3A_66 : memref<1x80xi32, #tpu.memory_space<hbm>> -> memref<80xi32, #tpu.memory_space<hbm>>
    tpu.enqueue_dma source(%dma_start3A_67 : memref<80xi32, #tpu.memory_space<hbm>>) target(%dma_start3A_65 : memref<80xi32, #tpu.memory_space<vmem>>) target_semaphore(%dma_start3A_62 : memref<!tpu.dma_semaphore, #tpu.memory_space<semaphore_mem>>)
    %add3A_68 = arith.constant 64 : i32
    %add3A_69 = arith.addi %add3A, %add3A_68 : i32
    %mul3A_70 = arith.constant 80 : i32
    %mul3A_71 = arith.muli %add3A_69, %mul3A_70 : i32
    %dma_start3A_72 = arith.constant 0 : i32
    %dma_start3A_73 = arith.constant 2 : i32
    %dma_start3A_74 = arith.constant 2 : i32
    %dma_start3A_75 = arith.constant 0 : i32
    %dma_start3A_76 = tpu.memref_slice %arg6[%dma_start3A_73, %dma_start3A_75] : memref<4x80xi32, #tpu.memory_space<vmem>> -> memref<1x80xi32, #tpu.memory_space<vmem>>
    %dma_start3A_77 = tpu.memref_squeeze %dma_start3A_76 : memref<1x80xi32, #tpu.memory_space<vmem>> -> memref<80xi32, #tpu.memory_space<vmem>>
    %dma_start3A_78 = tpu.memref_slice %arg3[%dma_start3A_72, %mul3A_71] : memref<2x320000xi32, #tpu.memory_space<hbm>> -> memref<1x80xi32, #tpu.memory_space<hbm>>
    %dma_start3A_79 = tpu.memref_squeeze %dma_start3A_78 : memref<1x80xi32, #tpu.memory_space<hbm>> -> memref<80xi32, #tpu.memory_space<hbm>>
    %dma_start3A_80 = tpu.memref_slice %arg11[%dma_start3A_74] : memref<4x!tpu.dma_semaphore, #tpu.memory_space<semaphore_mem>> -> memref<1x!tpu.dma_semaphore, #tpu.memory_space<semaphore_mem>>
    %dma_start3A_81 = tpu.memref_squeeze %dma_start3A_80 : memref<1x!tpu.dma_semaphore, #tpu.memory_space<semaphore_mem>> -> memref<!tpu.dma_semaphore, #tpu.memory_space<semaphore_mem>>
    %dma_start3A_82 = arith.constant 0 : i32
    %dma_start3A_83 = tpu.memref_slice %arg6[%dma_start3A_73, %dma_start3A_82] : memref<4x80xi32, #tpu.memory_space<vmem>> -> memref<1x80xi32, #tpu.memory_space<vmem>>
    %dma_start3A_84 = tpu.memref_squeeze %dma_start3A_83 : memref<1x80xi32, #tpu.memory_space<vmem>> -> memref<80xi32, #tpu.memory_space<vmem>>
    %dma_start3A_85 = tpu.memref_slice %arg3[%dma_start3A_72, %mul3A_71] : memref<2x320000xi32, #tpu.memory_space<hbm>> -> memref<1x80xi32, #tpu.memory_space<hbm>>
    %dma_start3A_86 = tpu.memref_squeeze %dma_start3A_85 : memref<1x80xi32, #tpu.memory_space<hbm>> -> memref<80xi32, #tpu.memory_space<hbm>>
    tpu.enqueue_dma source(%dma_start3A_86 : memref<80xi32, #tpu.memory_space<hbm>>) target(%dma_start3A_84 : memref<80xi32, #tpu.memory_space<vmem>>) target_semaphore(%dma_start3A_81 : memref<!tpu.dma_semaphore, #tpu.memory_space<semaphore_mem>>)
    %dma_start3A_87 = arith.constant 1 : i32
    %dma_start3A_88 = arith.constant 2 : i32
    %dma_start3A_89 = arith.constant 2 : i32
    %dma_start3A_90 = arith.constant 0 : i32
    %dma_start3A_91 = tpu.memref_slice %arg7[%dma_start3A_88, %dma_start3A_90] : memref<4x80xi32, #tpu.memory_space<vmem>> -> memref<1x80xi32, #tpu.memory_space<vmem>>
    %dma_start3A_92 = tpu.memref_squeeze %dma_start3A_91 : memref<1x80xi32, #tpu.memory_space<vmem>> -> memref<80xi32, #tpu.memory_space<vmem>>
    %dma_start3A_93 = tpu.memref_slice %arg3[%dma_start3A_87, %mul3A_71] : memref<2x320000xi32, #tpu.memory_space<hbm>> -> memref<1x80xi32, #tpu.memory_space<hbm>>
    %dma_start3A_94 = tpu.memref_squeeze %dma_start3A_93 : memref<1x80xi32, #tpu.memory_space<hbm>> -> memref<80xi32, #tpu.memory_space<hbm>>
    %dma_start3A_95 = tpu.memref_slice %arg11[%dma_start3A_89] : memref<4x!tpu.dma_semaphore, #tpu.memory_space<semaphore_mem>> -> memref<1x!tpu.dma_semaphore, #tpu.memory_space<semaphore_mem>>
    %dma_start3A_96 = tpu.memref_squeeze %dma_start3A_95 : memref<1x!tpu.dma_semaphore, #tpu.memory_space<semaphore_mem>> -> memref<!tpu.dma_semaphore, #tpu.memory_space<semaphore_mem>>
    %dma_start3A_97 = arith.constant 0 : i32
    %dma_start3A_98 = tpu.memref_slice %arg7[%dma_start3A_88, %dma_start3A_97] : memref<4x80xi32, #tpu.memory_space<vmem>> -> memref<1x80xi32, #tpu.memory_space<vmem>>
    %dma_start3A_99 = tpu.memref_squeeze %dma_start3A_98 : memref<1x80xi32, #tpu.memory_space<vmem>> -> memref<80xi32, #tpu.memory_space<vmem>>
    %dma_start3A_100 = tpu.memref_slice %arg3[%dma_start3A_87, %mul3A_71] : memref<2x320000xi32, #tpu.memory_space<hbm>> -> memref<1x80xi32, #tpu.memory_space<hbm>>
    %dma_start3A_101 = tpu.memref_squeeze %dma_start3A_100 : memref<1x80xi32, #tpu.memory_space<hbm>> -> memref<80xi32, #tpu.memory_space<hbm>>
    tpu.enqueue_dma source(%dma_start3A_101 : memref<80xi32, #tpu.memory_space<hbm>>) target(%dma_start3A_99 : memref<80xi32, #tpu.memory_space<vmem>>) target_semaphore(%dma_start3A_96 : memref<!tpu.dma_semaphore, #tpu.memory_space<semaphore_mem>>)
    %add3A_102 = arith.constant 96 : i32
    %add3A_103 = arith.addi %add3A, %add3A_102 : i32
    %mul3A_104 = arith.constant 80 : i32
    %mul3A_105 = arith.muli %add3A_103, %mul3A_104 : i32
    %dma_start3A_106 = arith.constant 0 : i32
    %dma_start3A_107 = arith.constant 3 : i32
    %dma_start3A_108 = arith.constant 3 : i32
    %dma_start3A_109 = arith.constant 0 : i32
    %dma_start3A_110 = tpu.memref_slice %arg6[%dma_start3A_107, %dma_start3A_109] : memref<4x80xi32, #tpu.memory_space<vmem>> -> memref<1x80xi32, #tpu.memory_space<vmem>>
    %dma_start3A_111 = tpu.memref_squeeze %dma_start3A_110 : memref<1x80xi32, #tpu.memory_space<vmem>> -> memref<80xi32, #tpu.memory_space<vmem>>
    %dma_start3A_112 = tpu.memref_slice %arg3[%dma_start3A_106, %mul3A_105] : memref<2x320000xi32, #tpu.memory_space<hbm>> -> memref<1x80xi32, #tpu.memory_space<hbm>>
    %dma_start3A_113 = tpu.memref_squeeze %dma_start3A_112 : memref<1x80xi32, #tpu.memory_space<hbm>> -> memref<80xi32, #tpu.memory_space<hbm>>
    %dma_start3A_114 = tpu.memref_slice %arg11[%dma_start3A_108] : memref<4x!tpu.dma_semaphore, #tpu.memory_space<semaphore_mem>> -> memref<1x!tpu.dma_semaphore, #tpu.memory_space<semaphore_mem>>
    %dma_start3A_115 = tpu.memref_squeeze %dma_start3A_114 : memref<1x!tpu.dma_semaphore, #tpu.memory_space<semaphore_mem>> -> memref<!tpu.dma_semaphore, #tpu.memory_space<semaphore_mem>>
    %dma_start3A_116 = arith.constant 0 : i32
    %dma_start3A_117 = tpu.memref_slice %arg6[%dma_start3A_107, %dma_start3A_116] : memref<4x80xi32, #tpu.memory_space<vmem>> -> memref<1x80xi32, #tpu.memory_space<vmem>>
    %dma_start3A_118 = tpu.memref_squeeze %dma_start3A_117 : memref<1x80xi32, #tpu.memory_space<vmem>> -> memref<80xi32, #tpu.memory_space<vmem>>
    %dma_start3A_119 = tpu.memref_slice %arg3[%dma_start3A_106, %mul3A_105] : memref<2x320000xi32, #tpu.memory_space<hbm>> -> memref<1x80xi32, #tpu.memory_space<hbm>>
    %dma_start3A_120 = tpu.memref_squeeze %dma_start3A_119 : memref<1x80xi32, #tpu.memory_space<hbm>> -> memref<80xi32, #tpu.memory_space<hbm>>
    tpu.enqueue_dma source(%dma_start3A_120 : memref<80xi32, #tpu.memory_space<hbm>>) target(%dma_start3A_118 : memref<80xi32, #tpu.memory_space<vmem>>) target_semaphore(%dma_start3A_115 : memref<!tpu.dma_semaphore, #tpu.memory_space<semaphore_mem>>)
    %dma_start3A_121 = arith.constant 1 : i32
    %dma_start3A_122 = arith.constant 3 : i32
    %dma_start3A_123 = arith.constant 3 : i32
    %dma_start3A_124 = arith.constant 0 : i32
    %dma_start3A_125 = tpu.memref_slice %arg7[%dma_start3A_122, %dma_start3A_124] : memref<4x80xi32, #tpu.memory_space<vmem>> -> memref<1x80xi32, #tpu.memory_space<vmem>>
    %dma_start3A_126 = tpu.memref_squeeze %dma_start3A_125 : memref<1x80xi32, #tpu.memory_space<vmem>> -> memref<80xi32, #tpu.memory_space<vmem>>
    %dma_start3A_127 = tpu.memref_slice %arg3[%dma_start3A_121, %mul3A_105] : memref<2x320000xi32, #tpu.memory_space<hbm>> -> memref<1x80xi32, #tpu.memory_space<hbm>>
    %dma_start3A_128 = tpu.memref_squeeze %dma_start3A_127 : memref<1x80xi32, #tpu.memory_space<hbm>> -> memref<80xi32, #tpu.memory_space<hbm>>
    %dma_start3A_129 = tpu.memref_slice %arg11[%dma_start3A_123] : memref<4x!tpu.dma_semaphore, #tpu.memory_space<semaphore_mem>> -> memref<1x!tpu.dma_semaphore, #tpu.memory_space<semaphore_mem>>
    %dma_start3A_130 = tpu.memref_squeeze %dma_start3A_129 : memref<1x!tpu.dma_semaphore, #tpu.memory_space<semaphore_mem>> -> memref<!tpu.dma_semaphore, #tpu.memory_space<semaphore_mem>>
    %dma_start3A_131 = arith.constant 0 : i32
    %dma_start3A_132 = tpu.memref_slice %arg7[%dma_start3A_122, %dma_start3A_131] : memref<4x80xi32, #tpu.memory_space<vmem>> -> memref<1x80xi32, #tpu.memory_space<vmem>>
    %dma_start3A_133 = tpu.memref_squeeze %dma_start3A_132 : memref<1x80xi32, #tpu.memory_space<vmem>> -> memref<80xi32, #tpu.memory_space<vmem>>
    %dma_start3A_134 = tpu.memref_slice %arg3[%dma_start3A_121, %mul3A_105] : memref<2x320000xi32, #tpu.memory_space<hbm>> -> memref<1x80xi32, #tpu.memory_space<hbm>>
    %dma_start3A_135 = tpu.memref_squeeze %dma_start3A_134 : memref<1x80xi32, #tpu.memory_space<hbm>> -> memref<80xi32, #tpu.memory_space<hbm>>
    tpu.enqueue_dma source(%dma_start3A_135 : memref<80xi32, #tpu.memory_space<hbm>>) target(%dma_start3A_133 : memref<80xi32, #tpu.memory_space<vmem>>) target_semaphore(%dma_start3A_130 : memref<!tpu.dma_semaphore, #tpu.memory_space<semaphore_mem>>)
    %mul3A_136 = arith.constant 632 : i32
    %mul3A_137 = arith.muli %arg1, %mul3A_136 : i32
    "tpu.region"() ({
      %run_scoped3A = tpu.sem_alloc : memref<!tpu.dma_semaphore, #tpu.memory_space<semaphore_mem>>
      %dma_start3A_304 = arith.constant 0 : i32
      %dma_start3A_305 = tpu.memref_slice %arg9[%mul3A_137, %dma_start3A_304] : memref<10112x128xf32, #tpu.memory_space<vmem_shared>> -> memref<632x128xf32, #tpu.memory_space<vmem_shared>>
      %dma_start3A_306 = arith.constant 0 : i32
      %dma_start3A_307 = tpu.memref_slice %arg4[%mul3A_137, %dma_start3A_306] : memref<10112x128xf32, #tpu.memory_space<hbm>> -> memref<632x128xf32, #tpu.memory_space<hbm>>
      tpu.enqueue_dma source(%dma_start3A_307 : memref<632x128xf32, #tpu.memory_space<hbm>>) target(%dma_start3A_305 : memref<632x128xf32, #tpu.memory_space<vmem_shared>>) target_semaphore(%run_scoped3A : memref<!tpu.dma_semaphore, #tpu.memory_space<semaphore_mem>>)
      %dma_wait3A_308 = arith.constant 0 : i32
      %dma_wait3A_309 = tpu.memref_slice %arg9[%mul3A_137, %dma_wait3A_308] : memref<10112x128xf32, #tpu.memory_space<vmem_shared>> -> memref<632x128xf32, #tpu.memory_space<vmem_shared>>
      %dma_wait3A_310 = arith.constant 0 : i32
      %dma_wait3A_311 = tpu.memref_slice %arg4[%mul3A_137, %dma_wait3A_310] : memref<10112x128xf32, #tpu.memory_space<hbm>> -> memref<632x128xf32, #tpu.memory_space<hbm>>
      tpu.wait_dma2 semaphore(%run_scoped3A : memref<!tpu.dma_semaphore, #tpu.memory_space<semaphore_mem>>) src(%dma_wait3A_311 : memref<632x128xf32, #tpu.memory_space<hbm>>) dst(%dma_wait3A_309 : memref<632x128xf32, #tpu.memory_space<vmem_shared>>)
      tpu.yield
    }) : () -> ()
    %barrier3A = arith.constant 0 : index
    tpu.barrier barrier_id(%barrier3A)
    %dma_wait3A = arith.constant 0 : i32
    %dma_wait3A_138 = arith.constant 0 : i32
    %dma_wait3A_139 = arith.constant 0 : i32
    %dma_wait3A_140 = arith.constant 0 : i32
    %dma_wait3A_141 = tpu.memref_slice %arg6[%dma_wait3A_138, %dma_wait3A_140] : memref<4x80xi32, #tpu.memory_space<vmem>> -> memref<1x80xi32, #tpu.memory_space<vmem>>
    %dma_wait3A_142 = tpu.memref_squeeze %dma_wait3A_141 : memref<1x80xi32, #tpu.memory_space<vmem>> -> memref<80xi32, #tpu.memory_space<vmem>>
    %dma_wait3A_143 = arith.constant 0 : i32
    %dma_wait3A_144 = tpu.memref_slice %arg3[%dma_wait3A, %dma_wait3A_143] : memref<2x320000xi32, #tpu.memory_space<hbm>> -> memref<1x80xi32, #tpu.memory_space<hbm>>
    %dma_wait3A_145 = tpu.memref_squeeze %dma_wait3A_144 : memref<1x80xi32, #tpu.memory_space<hbm>> -> memref<80xi32, #tpu.memory_space<hbm>>
    %dma_wait3A_146 = tpu.memref_slice %arg11[%dma_wait3A_139] : memref<4x!tpu.dma_semaphore, #tpu.memory_space<semaphore_mem>> -> memref<1x!tpu.dma_semaphore, #tpu.memory_space<semaphore_mem>>
    %dma_wait3A_147 = tpu.memref_squeeze %dma_wait3A_146 : memref<1x!tpu.dma_semaphore, #tpu.memory_space<semaphore_mem>> -> memref<!tpu.dma_semaphore, #tpu.memory_space<semaphore_mem>>
    %dma_wait3A_148 = arith.constant 0 : i32
    %dma_wait3A_149 = tpu.memref_slice %arg6[%dma_wait3A_138, %dma_wait3A_148] : memref<4x80xi32, #tpu.memory_space<vmem>> -> memref<1x80xi32, #tpu.memory_space<vmem>>
    %dma_wait3A_150 = tpu.memref_squeeze %dma_wait3A_149 : memref<1x80xi32, #tpu.memory_space<vmem>> -> memref<80xi32, #tpu.memory_space<vmem>>
    %dma_wait3A_151 = arith.constant 0 : i32
    %dma_wait3A_152 = tpu.memref_slice %arg3[%dma_wait3A, %dma_wait3A_151] : memref<2x320000xi32, #tpu.memory_space<hbm>> -> memref<1x80xi32, #tpu.memory_space<hbm>>
    %dma_wait3A_153 = tpu.memref_squeeze %dma_wait3A_152 : memref<1x80xi32, #tpu.memory_space<hbm>> -> memref<80xi32, #tpu.memory_space<hbm>>
    tpu.wait_dma2 semaphore(%dma_wait3A_147 : memref<!tpu.dma_semaphore, #tpu.memory_space<semaphore_mem>>) src(%dma_wait3A_153 : memref<80xi32, #tpu.memory_space<hbm>>) dst(%dma_wait3A_150 : memref<80xi32, #tpu.memory_space<vmem>>)
    %dma_wait3A_154 = arith.constant 1 : i32
    %dma_wait3A_155 = arith.constant 0 : i32
    %dma_wait3A_156 = arith.constant 0 : i32
    %dma_wait3A_157 = arith.constant 0 : i32
    %dma_wait3A_158 = tpu.memref_slice %arg7[%dma_wait3A_155, %dma_wait3A_157] : memref<4x80xi32, #tpu.memory_space<vmem>> -> memref<1x80xi32, #tpu.memory_space<vmem>>
    %dma_wait3A_159 = tpu.memref_squeeze %dma_wait3A_158 : memref<1x80xi32, #tpu.memory_space<vmem>> -> memref<80xi32, #tpu.memory_space<vmem>>
    %dma_wait3A_160 = arith.constant 0 : i32
    %dma_wait3A_161 = tpu.memref_slice %arg3[%dma_wait3A_154, %dma_wait3A_160] : memref<2x320000xi32, #tpu.memory_space<hbm>> -> memref<1x80xi32, #tpu.memory_space<hbm>>
    %dma_wait3A_162 = tpu.memref_squeeze %dma_wait3A_161 : memref<1x80xi32, #tpu.memory_space<hbm>> -> memref<80xi32, #tpu.memory_space<hbm>>
    %dma_wait3A_163 = tpu.memref_slice %arg11[%dma_wait3A_156] : memref<4x!tpu.dma_semaphore, #tpu.memory_space<semaphore_mem>> -> memref<1x!tpu.dma_semaphore, #tpu.memory_space<semaphore_mem>>
    %dma_wait3A_164 = tpu.memref_squeeze %dma_wait3A_163 : memref<1x!tpu.dma_semaphore, #tpu.memory_space<semaphore_mem>> -> memref<!tpu.dma_semaphore, #tpu.memory_space<semaphore_mem>>
    %dma_wait3A_165 = arith.constant 0 : i32
    %dma_wait3A_166 = tpu.memref_slice %arg7[%dma_wait3A_155, %dma_wait3A_165] : memref<4x80xi32, #tpu.memory_space<vmem>> -> memref<1x80xi32, #tpu.memory_space<vmem>>
    %dma_wait3A_167 = tpu.memref_squeeze %dma_wait3A_166 : memref<1x80xi32, #tpu.memory_space<vmem>> -> memref<80xi32, #tpu.memory_space<vmem>>
    %dma_wait3A_168 = arith.constant 0 : i32
    %dma_wait3A_169 = tpu.memref_slice %arg3[%dma_wait3A_154, %dma_wait3A_168] : memref<2x320000xi32, #tpu.memory_space<hbm>> -> memref<1x80xi32, #tpu.memory_space<hbm>>
    %dma_wait3A_170 = tpu.memref_squeeze %dma_wait3A_169 : memref<1x80xi32, #tpu.memory_space<hbm>> -> memref<80xi32, #tpu.memory_space<hbm>>
    tpu.wait_dma2 semaphore(%dma_wait3A_164 : memref<!tpu.dma_semaphore, #tpu.memory_space<semaphore_mem>>) src(%dma_wait3A_170 : memref<80xi32, #tpu.memory_space<hbm>>) dst(%dma_wait3A_167 : memref<80xi32, #tpu.memory_space<vmem>>)
    %dma_start3A_171 = arith.constant 0 : i32
    %dma_start3A_172 = arith.constant 0 : i32
    %dma_start3A_173 = arith.constant 0 : i32
    %dma_start3A_174 = arith.constant 0 : i32
    %dma_start3A_175 = arith.constant 0 : i32
    %dma_start3A_176 = tpu.memref_slice %arg8[%dma_start3A_172, %dma_start3A_174, %dma_start3A_175] : memref<4x80x128xf32, #tpu.memory_space<vmem>> -> memref<1x80x128xf32, #tpu.memory_space<vmem>>
    %dma_start3A_177 = tpu.memref_squeeze %dma_start3A_176 : memref<1x80x128xf32, #tpu.memory_space<vmem>> -> memref<80x128xf32, #tpu.memory_space<vmem>>
    %dma_start3A_178 = arith.constant 0 : i32
    %dma_start3A_179 = tpu.memref_slice %arg6[%dma_start3A_171, %dma_start3A_178] : memref<4x80xi32, #tpu.memory_space<vmem>> -> memref<1x80xi32, #tpu.memory_space<vmem>>
    %dma_start3A_180 = tpu.memref_squeeze %dma_start3A_179 : memref<1x80xi32, #tpu.memory_space<vmem>> -> memref<80xi32, #tpu.memory_space<vmem>>
    %dma_start3A_181 = arith.constant 0 : i32
    %dma_start3A_182 = arith.constant 0 : i32
    %dma_start3A_183 = tpu.memref_slice %arg2[%dma_start3A_181, %dma_start3A_182] : memref<10000x128xf32, #tpu.memory_space<hbm>> -> memref<10000x128xf32, #tpu.memory_space<hbm>>
    %dma_start3A_184 = tpu.memref_slice %arg10[%dma_start3A_173] : memref<4x!tpu.dma_semaphore, #tpu.memory_space<semaphore_mem>> -> memref<1x!tpu.dma_semaphore, #tpu.memory_space<semaphore_mem>>
    %dma_start3A_185 = tpu.memref_squeeze %dma_start3A_184 : memref<1x!tpu.dma_semaphore, #tpu.memory_space<semaphore_mem>> -> memref<!tpu.dma_semaphore, #tpu.memory_space<semaphore_mem>>
    tpu.enqueue_indirect_dma source(%dma_start3A_183 : memref<10000x128xf32, #tpu.memory_space<hbm>>) target(%dma_start3A_177 : memref<80x128xf32, #tpu.memory_space<vmem>>) offsets(%dma_start3A_180 : memref<80xi32, #tpu.memory_space<vmem>>) semaphore(%dma_start3A_185 : memref<!tpu.dma_semaphore, #tpu.memory_space<semaphore_mem>>)
    %dma_wait3A_186 = arith.constant 0 : i32
    %dma_wait3A_187 = arith.constant 1 : i32
    %dma_wait3A_188 = arith.constant 1 : i32
    %dma_wait3A_189 = arith.constant 0 : i32
    %dma_wait3A_190 = tpu.memref_slice %arg6[%dma_wait3A_187, %dma_wait3A_189] : memref<4x80xi32, #tpu.memory_space<vmem>> -> memref<1x80xi32, #tpu.memory_space<vmem>>
    %dma_wait3A_191 = tpu.memref_squeeze %dma_wait3A_190 : memref<1x80xi32, #tpu.memory_space<vmem>> -> memref<80xi32, #tpu.memory_space<vmem>>
    %dma_wait3A_192 = arith.constant 0 : i32
    %dma_wait3A_193 = tpu.memref_slice %arg3[%dma_wait3A_186, %dma_wait3A_192] : memref<2x320000xi32, #tpu.memory_space<hbm>> -> memref<1x80xi32, #tpu.memory_space<hbm>>
    %dma_wait3A_194 = tpu.memref_squeeze %dma_wait3A_193 : memref<1x80xi32, #tpu.memory_space<hbm>> -> memref<80xi32, #tpu.memory_space<hbm>>
    %dma_wait3A_195 = tpu.memref_slice %arg11[%dma_wait3A_188] : memref<4x!tpu.dma_semaphore, #tpu.memory_space<semaphore_mem>> -> memref<1x!tpu.dma_semaphore, #tpu.memory_space<semaphore_mem>>
    %dma_wait3A_196 = tpu.memref_squeeze %dma_wait3A_195 : memref<1x!tpu.dma_semaphore, #tpu.memory_space<semaphore_mem>> -> memref<!tpu.dma_semaphore, #tpu.memory_space<semaphore_mem>>
    %dma_wait3A_197 = arith.constant 0 : i32
    %dma_wait3A_198 = tpu.memref_slice %arg6[%dma_wait3A_187, %dma_wait3A_197] : memref<4x80xi32, #tpu.memory_space<vmem>> -> memref<1x80xi32, #tpu.memory_space<vmem>>
    %dma_wait3A_199 = tpu.memref_squeeze %dma_wait3A_198 : memref<1x80xi32, #tpu.memory_space<vmem>> -> memref<80xi32, #tpu.memory_space<vmem>>
    %dma_wait3A_200 = arith.constant 0 : i32
    %dma_wait3A_201 = tpu.memref_slice %arg3[%dma_wait3A_186, %dma_wait3A_200] : memref<2x320000xi32, #tpu.memory_space<hbm>> -> memref<1x80xi32, #tpu.memory_space<hbm>>
    %dma_wait3A_202 = tpu.memref_squeeze %dma_wait3A_201 : memref<1x80xi32, #tpu.memory_space<hbm>> -> memref<80xi32, #tpu.memory_space<hbm>>
    tpu.wait_dma2 semaphore(%dma_wait3A_196 : memref<!tpu.dma_semaphore, #tpu.memory_space<semaphore_mem>>) src(%dma_wait3A_202 : memref<80xi32, #tpu.memory_space<hbm>>) dst(%dma_wait3A_199 : memref<80xi32, #tpu.memory_space<vmem>>)
    %dma_wait3A_203 = arith.constant 1 : i32
    %dma_wait3A_204 = arith.constant 1 : i32
    %dma_wait3A_205 = arith.constant 1 : i32
    %dma_wait3A_206 = arith.constant 0 : i32
    %dma_wait3A_207 = tpu.memref_slice %arg7[%dma_wait3A_204, %dma_wait3A_206] : memref<4x80xi32, #tpu.memory_space<vmem>> -> memref<1x80xi32, #tpu.memory_space<vmem>>
    %dma_wait3A_208 = tpu.memref_squeeze %dma_wait3A_207 : memref<1x80xi32, #tpu.memory_space<vmem>> -> memref<80xi32, #tpu.memory_space<vmem>>
    %dma_wait3A_209 = arith.constant 0 : i32
    %dma_wait3A_210 = tpu.memref_slice %arg3[%dma_wait3A_203, %dma_wait3A_209] : memref<2x320000xi32, #tpu.memory_space<hbm>> -> memref<1x80xi32, #tpu.memory_space<hbm>>
    %dma_wait3A_211 = tpu.memref_squeeze %dma_wait3A_210 : memref<1x80xi32, #tpu.memory_space<hbm>> -> memref<80xi32, #tpu.memory_space<hbm>>
    %dma_wait3A_212 = tpu.memref_slice %arg11[%dma_wait3A_205] : memref<4x!tpu.dma_semaphore, #tpu.memory_space<semaphore_mem>> -> memref<1x!tpu.dma_semaphore, #tpu.memory_space<semaphore_mem>>
    %dma_wait3A_213 = tpu.memref_squeeze %dma_wait3A_212 : memref<1x!tpu.dma_semaphore, #tpu.memory_space<semaphore_mem>> -> memref<!tpu.dma_semaphore, #tpu.memory_space<semaphore_mem>>
    %dma_wait3A_214 = arith.constant 0 : i32
    %dma_wait3A_215 = tpu.memref_slice %arg7[%dma_wait3A_204, %dma_wait3A_214] : memref<4x80xi32, #tpu.memory_space<vmem>> -> memref<1x80xi32, #tpu.memory_space<vmem>>
    %dma_wait3A_216 = tpu.memref_squeeze %dma_wait3A_215 : memref<1x80xi32, #tpu.memory_space<vmem>> -> memref<80xi32, #tpu.memory_space<vmem>>
    %dma_wait3A_217 = arith.constant 0 : i32
    %dma_wait3A_218 = tpu.memref_slice %arg3[%dma_wait3A_203, %dma_wait3A_217] : memref<2x320000xi32, #tpu.memory_space<hbm>> -> memref<1x80xi32, #tpu.memory_space<hbm>>
    %dma_wait3A_219 = tpu.memref_squeeze %dma_wait3A_218 : memref<1x80xi32, #tpu.memory_space<hbm>> -> memref<80xi32, #tpu.memory_space<hbm>>
    tpu.wait_dma2 semaphore(%dma_wait3A_213 : memref<!tpu.dma_semaphore, #tpu.memory_space<semaphore_mem>>) src(%dma_wait3A_219 : memref<80xi32, #tpu.memory_space<hbm>>) dst(%dma_wait3A_216 : memref<80xi32, #tpu.memory_space<vmem>>)
    %dma_start3A_220 = arith.constant 1 : i32
    %dma_start3A_221 = arith.constant 1 : i32
    %dma_start3A_222 = arith.constant 1 : i32
    %dma_start3A_223 = arith.constant 0 : i32
    %dma_start3A_224 = arith.constant 0 : i32
    %dma_start3A_225 = tpu.memref_slice %arg8[%dma_start3A_221, %dma_start3A_223, %dma_start3A_224] : memref<4x80x128xf32, #tpu.memory_space<vmem>> -> memref<1x80x128xf32, #tpu.memory_space<vmem>>
    %dma_start3A_226 = tpu.memref_squeeze %dma_start3A_225 : memref<1x80x128xf32, #tpu.memory_space<vmem>> -> memref<80x128xf32, #tpu.memory_space<vmem>>
    %dma_start3A_227 = arith.constant 0 : i32
    %dma_start3A_228 = tpu.memref_slice %arg6[%dma_start3A_220, %dma_start3A_227] : memref<4x80xi32, #tpu.memory_space<vmem>> -> memref<1x80xi32, #tpu.memory_space<vmem>>
    %dma_start3A_229 = tpu.memref_squeeze %dma_start3A_228 : memref<1x80xi32, #tpu.memory_space<vmem>> -> memref<80xi32, #tpu.memory_space<vmem>>
    %dma_start3A_230 = arith.constant 0 : i32
    %dma_start3A_231 = arith.constant 0 : i32
    %dma_start3A_232 = tpu.memref_slice %arg2[%dma_start3A_230, %dma_start3A_231] : memref<10000x128xf32, #tpu.memory_space<hbm>> -> memref<10000x128xf32, #tpu.memory_space<hbm>>
    %dma_start3A_233 = tpu.memref_slice %arg10[%dma_start3A_222] : memref<4x!tpu.dma_semaphore, #tpu.memory_space<semaphore_mem>> -> memref<1x!tpu.dma_semaphore, #tpu.memory_space<semaphore_mem>>
    %dma_start3A_234 = tpu.memref_squeeze %dma_start3A_233 : memref<1x!tpu.dma_semaphore, #tpu.memory_space<semaphore_mem>> -> memref<!tpu.dma_semaphore, #tpu.memory_space<semaphore_mem>>
    tpu.enqueue_indirect_dma source(%dma_start3A_232 : memref<10000x128xf32, #tpu.memory_space<hbm>>) target(%dma_start3A_226 : memref<80x128xf32, #tpu.memory_space<vmem>>) offsets(%dma_start3A_229 : memref<80xi32, #tpu.memory_space<vmem>>) semaphore(%dma_start3A_234 : memref<!tpu.dma_semaphore, #tpu.memory_space<semaphore_mem>>)
    %dma_wait3A_235 = arith.constant 0 : i32
    %dma_wait3A_236 = arith.constant 2 : i32
    %dma_wait3A_237 = arith.constant 2 : i32
    %dma_wait3A_238 = arith.constant 0 : i32
    %dma_wait3A_239 = tpu.memref_slice %arg6[%dma_wait3A_236, %dma_wait3A_238] : memref<4x80xi32, #tpu.memory_space<vmem>> -> memref<1x80xi32, #tpu.memory_space<vmem>>
    %dma_wait3A_240 = tpu.memref_squeeze %dma_wait3A_239 : memref<1x80xi32, #tpu.memory_space<vmem>> -> memref<80xi32, #tpu.memory_space<vmem>>
    %dma_wait3A_241 = arith.constant 0 : i32
    %dma_wait3A_242 = tpu.memref_slice %arg3[%dma_wait3A_235, %dma_wait3A_241] : memref<2x320000xi32, #tpu.memory_space<hbm>> -> memref<1x80xi32, #tpu.memory_space<hbm>>
    %dma_wait3A_243 = tpu.memref_squeeze %dma_wait3A_242 : memref<1x80xi32, #tpu.memory_space<hbm>> -> memref<80xi32, #tpu.memory_space<hbm>>
    %dma_wait3A_244 = tpu.memref_slice %arg11[%dma_wait3A_237] : memref<4x!tpu.dma_semaphore, #tpu.memory_space<semaphore_mem>> -> memref<1x!tpu.dma_semaphore, #tpu.memory_space<semaphore_mem>>
    %dma_wait3A_245 = tpu.memref_squeeze %dma_wait3A_244 : memref<1x!tpu.dma_semaphore, #tpu.memory_space<semaphore_mem>> -> memref<!tpu.dma_semaphore, #tpu.memory_space<semaphore_mem>>
    %dma_wait3A_246 = arith.constant 0 : i32
    %dma_wait3A_247 = tpu.memref_slice %arg6[%dma_wait3A_236, %dma_wait3A_246] : memref<4x80xi32, #tpu.memory_space<vmem>> -> memref<1x80xi32, #tpu.memory_space<vmem>>
    %dma_wait3A_248 = tpu.memref_squeeze %dma_wait3A_247 : memref<1x80xi32, #tpu.memory_space<vmem>> -> memref<80xi32, #tpu.memory_space<vmem>>
    %dma_wait3A_249 = arith.constant 0 : i32
    %dma_wait3A_250 = tpu.memref_slice %arg3[%dma_wait3A_235, %dma_wait3A_249] : memref<2x320000xi32, #tpu.memory_space<hbm>> -> memref<1x80xi32, #tpu.memory_space<hbm>>
    %dma_wait3A_251 = tpu.memref_squeeze %dma_wait3A_250 : memref<1x80xi32, #tpu.memory_space<hbm>> -> memref<80xi32, #tpu.memory_space<hbm>>
    tpu.wait_dma2 semaphore(%dma_wait3A_245 : memref<!tpu.dma_semaphore, #tpu.memory_space<semaphore_mem>>) src(%dma_wait3A_251 : memref<80xi32, #tpu.memory_space<hbm>>) dst(%dma_wait3A_248 : memref<80xi32, #tpu.memory_space<vmem>>)
    %dma_wait3A_252 = arith.constant 1 : i32
    %dma_wait3A_253 = arith.constant 2 : i32
    %dma_wait3A_254 = arith.constant 2 : i32
    %dma_wait3A_255 = arith.constant 0 : i32
    %dma_wait3A_256 = tpu.memref_slice %arg7[%dma_wait3A_253, %dma_wait3A_255] : memref<4x80xi32, #tpu.memory_space<vmem>> -> memref<1x80xi32, #tpu.memory_space<vmem>>
    %dma_wait3A_257 = tpu.memref_squeeze %dma_wait3A_256 : memref<1x80xi32, #tpu.memory_space<vmem>> -> memref<80xi32, #tpu.memory_space<vmem>>
    %dma_wait3A_258 = arith.constant 0 : i32
    %dma_wait3A_259 = tpu.memref_slice %arg3[%dma_wait3A_252, %dma_wait3A_258] : memref<2x320000xi32, #tpu.memory_space<hbm>> -> memref<1x80xi32, #tpu.memory_space<hbm>>
    %dma_wait3A_260 = tpu.memref_squeeze %dma_wait3A_259 : memref<1x80xi32, #tpu.memory_space<hbm>> -> memref<80xi32, #tpu.memory_space<hbm>>
    %dma_wait3A_261 = tpu.memref_slice %arg11[%dma_wait3A_254] : memref<4x!tpu.dma_semaphore, #tpu.memory_space<semaphore_mem>> -> memref<1x!tpu.dma_semaphore, #tpu.memory_space<semaphore_mem>>
    %dma_wait3A_262 = tpu.memref_squeeze %dma_wait3A_261 : memref<1x!tpu.dma_semaphore, #tpu.memory_space<semaphore_mem>> -> memref<!tpu.dma_semaphore, #tpu.memory_space<semaphore_mem>>
    %dma_wait3A_263 = arith.constant 0 : i32
    %dma_wait3A_264 = tpu.memref_slice %arg7[%dma_wait3A_253, %dma_wait3A_263] : memref<4x80xi32, #tpu.memory_space<vmem>> -> memref<1x80xi32, #tpu.memory_space<vmem>>
    %dma_wait3A_265 = tpu.memref_squeeze %dma_wait3A_264 : memref<1x80xi32, #tpu.memory_space<vmem>> -> memref<80xi32, #tpu.memory_space<vmem>>
    %dma_wait3A_266 = arith.constant 0 : i32
    %dma_wait3A_267 = tpu.memref_slice %arg3[%dma_wait3A_252, %dma_wait3A_266] : memref<2x320000xi32, #tpu.memory_space<hbm>> -> memref<1x80xi32, #tpu.memory_space<hbm>>
    %dma_wait3A_268 = tpu.memref_squeeze %dma_wait3A_267 : memref<1x80xi32, #tpu.memory_space<hbm>> -> memref<80xi32, #tpu.memory_space<hbm>>
    tpu.wait_dma2 semaphore(%dma_wait3A_262 : memref<!tpu.dma_semaphore, #tpu.memory_space<semaphore_mem>>) src(%dma_wait3A_268 : memref<80xi32, #tpu.memory_space<hbm>>) dst(%dma_wait3A_265 : memref<80xi32, #tpu.memory_space<vmem>>)
    %dma_start3A_269 = arith.constant 2 : i32
    %dma_start3A_270 = arith.constant 2 : i32
    %dma_start3A_271 = arith.constant 2 : i32
    %dma_start3A_272 = arith.constant 0 : i32
    %dma_start3A_273 = arith.constant 0 : i32
    %dma_start3A_274 = tpu.memref_slice %arg8[%dma_start3A_270, %dma_start3A_272, %dma_start3A_273] : memref<4x80x128xf32, #tpu.memory_space<vmem>> -> memref<1x80x128xf32, #tpu.memory_space<vmem>>
    %dma_start3A_275 = tpu.memref_squeeze %dma_start3A_274 : memref<1x80x128xf32, #tpu.memory_space<vmem>> -> memref<80x128xf32, #tpu.memory_space<vmem>>
    %dma_start3A_276 = arith.constant 0 : i32
    %dma_start3A_277 = tpu.memref_slice %arg6[%dma_start3A_269, %dma_start3A_276] : memref<4x80xi32, #tpu.memory_space<vmem>> -> memref<1x80xi32, #tpu.memory_space<vmem>>
    %dma_start3A_278 = tpu.memref_squeeze %dma_start3A_277 : memref<1x80xi32, #tpu.memory_space<vmem>> -> memref<80xi32, #tpu.memory_space<vmem>>
    %dma_start3A_279 = arith.constant 0 : i32
    %dma_start3A_280 = arith.constant 0 : i32
    %dma_start3A_281 = tpu.memref_slice %arg2[%dma_start3A_279, %dma_start3A_280] : memref<10000x128xf32, #tpu.memory_space<hbm>> -> memref<10000x128xf32, #tpu.memory_space<hbm>>
    %dma_start3A_282 = tpu.memref_slice %arg10[%dma_start3A_271] : memref<4x!tpu.dma_semaphore, #tpu.memory_space<semaphore_mem>> -> memref<1x!tpu.dma_semaphore, #tpu.memory_space<semaphore_mem>>
    %dma_start3A_283 = tpu.memref_squeeze %dma_start3A_282 : memref<1x!tpu.dma_semaphore, #tpu.memory_space<semaphore_mem>> -> memref<!tpu.dma_semaphore, #tpu.memory_space<semaphore_mem>>
    tpu.enqueue_indirect_dma source(%dma_start3A_281 : memref<10000x128xf32, #tpu.memory_space<hbm>>) target(%dma_start3A_275 : memref<80x128xf32, #tpu.memory_space<vmem>>) offsets(%dma_start3A_278 : memref<80xi32, #tpu.memory_space<vmem>>) semaphore(%dma_start3A_283 : memref<!tpu.dma_semaphore, #tpu.memory_space<semaphore_mem>>)
    %scan3A = arith.constant 0 : i32
    %scan3A_284 = arith.constant 0 : i32
    %scan3A_285 = arith.constant 125 : i32
    %scan3A_286 = arith.addi %scan3A_284, %scan3A_285 : i32
    %scan3A_287 = arith.constant 1 : i32
    scf.for %scan3A_304 = %scan3A_284 to %scan3A_286 step %scan3A_287  : i32 {
      %rem3A_305 = arith.constant 4 : i32
      %rem3A_306 = arith.remsi %scan3A_304, %rem3A_305 : i32
      %add3A_307 = arith.constant 4 : i32
      %add3A_308 = arith.addi %scan3A_304, %add3A_307 : i32
      %sub3A = arith.constant 1 : i32
      %sub3A_309 = arith.subi %add3A_308, %sub3A : i32
      %rem3A_310 = arith.constant 4 : i32
      %rem3A_311 = arith.remsi %sub3A_309, %rem3A_310 : i32
      %add3A_312 = arith.constant 4 : i32
      %add3A_313 = arith.addi %scan3A_304, %add3A_312 : i32
      %sub3A_314 = arith.constant 2 : i32
      %sub3A_315 = arith.subi %add3A_313, %sub3A_314 : i32
      %rem3A_316 = arith.constant 4 : i32
      %rem3A_317 = arith.remsi %sub3A_315, %rem3A_316 : i32
      %ge3A = arith.constant 1 : i32
      %ge3A_318 = arith.cmpi sge, %scan3A_304, %ge3A : i32
      %convert_element_type3A = arith.extui %ge3A_318 : i1 to i32
      %cond3A = arith.constant 0 : i32
      %cond3A_319 = arith.cmpi ne, %convert_element_type3A, %cond3A : i32
      scf.if %cond3A_319 {
        %dma_wait3A_366 = arith.constant 0 : i32
        %dma_wait3A_367 = arith.constant 0 : i32
        %dma_wait3A_368 = tpu.memref_slice %arg8[%rem3A_311, %dma_wait3A_366, %dma_wait3A_367] : memref<4x80x128xf32, #tpu.memory_space<vmem>> -> memref<1x80x128xf32, #tpu.memory_space<vmem>>
        %dma_wait3A_369 = tpu.memref_squeeze %dma_wait3A_368 : memref<1x80x128xf32, #tpu.memory_space<vmem>> -> memref<80x128xf32, #tpu.memory_space<vmem>>
        %dma_wait3A_370 = arith.constant 0 : i32
        %dma_wait3A_371 = tpu.memref_slice %arg7[%rem3A_311, %dma_wait3A_370] : memref<4x80xi32, #tpu.memory_space<vmem>> -> memref<1x80xi32, #tpu.memory_space<vmem>>
        %dma_wait3A_372 = tpu.memref_squeeze %dma_wait3A_371 : memref<1x80xi32, #tpu.memory_space<vmem>> -> memref<80xi32, #tpu.memory_space<vmem>>
        %dma_wait3A_373 = arith.constant 0 : i32
        %dma_wait3A_374 = arith.constant 0 : i32
        %dma_wait3A_375 = tpu.memref_slice %arg9[%dma_wait3A_373, %dma_wait3A_374] : memref<10112x128xf32, #tpu.memory_space<vmem_shared>> -> memref<10112x128xf32, #tpu.memory_space<vmem_shared>>
        %dma_wait3A_376 = tpu.memref_slice %arg12[%rem3A_311] : memref<4x!tpu.dma_semaphore, #tpu.memory_space<semaphore_mem>> -> memref<1x!tpu.dma_semaphore, #tpu.memory_space<semaphore_mem>>
        %dma_wait3A_377 = tpu.memref_squeeze %dma_wait3A_376 : memref<1x!tpu.dma_semaphore, #tpu.memory_space<semaphore_mem>> -> memref<!tpu.dma_semaphore, #tpu.memory_space<semaphore_mem>>
        tpu.wait_indirect_dma semaphore(%dma_wait3A_377 : memref<!tpu.dma_semaphore, #tpu.memory_space<semaphore_mem>>) src(%dma_wait3A_369 : memref<80x128xf32, #tpu.memory_space<vmem>>) dst(%dma_wait3A_375 : memref<10112x128xf32, #tpu.memory_space<vmem_shared>>)
      } else {
      }
      %ge3A_320 = arith.constant 1 : i32
      %ge3A_321 = arith.cmpi sge, %scan3A_304, %ge3A_320 : i32
      %add3A_322 = arith.constant 4 : i32
      %add3A_323 = arith.addi %scan3A_304, %add3A_322 : i32
      %sub3A_324 = arith.constant 1 : i32
      %sub3A_325 = arith.subi %add3A_323, %sub3A_324 : i32
      %lt3A = arith.constant 125 : i32
      %lt3A_326 = arith.cmpi slt, %sub3A_325, %lt3A : i32
      %and3A = arith.andi %ge3A_321, %lt3A_326 : i1
      %convert_element_type3A_327 = arith.extui %and3A : i1 to i32
      %cond3A_328 = arith.constant 0 : i32
      %cond3A_329 = arith.cmpi ne, %convert_element_type3A_327, %cond3A_328 : i32
      scf.if %cond3A_329 {
        %add3A_366 = arith.constant 4 : i32
        %add3A_367 = arith.addi %scan3A_304, %add3A_366 : i32
        %sub3A_368 = arith.constant 1 : i32
        %sub3A_369 = arith.subi %add3A_367, %sub3A_368 : i32
        %mul3A_370 = arith.constant 32 : i32
        %mul3A_371 = arith.muli %sub3A_369, %mul3A_370 : i32
        %add3A_372 = arith.addi %add3A, %mul3A_371 : i32
        %mul3A_373 = arith.constant 80 : i32
        %mul3A_374 = arith.muli %add3A_372, %mul3A_373 : i32
        %dma_start3A_375 = arith.constant 0 : i32
        %dma_start3A_376 = arith.constant 0 : i32
        %dma_start3A_377 = tpu.memref_slice %arg6[%rem3A_311, %dma_start3A_376] : memref<4x80xi32, #tpu.memory_space<vmem>> -> memref<1x80xi32, #tpu.memory_space<vmem>>
        %dma_start3A_378 = tpu.memref_squeeze %dma_start3A_377 : memref<1x80xi32, #tpu.memory_space<vmem>> -> memref<80xi32, #tpu.memory_space<vmem>>
        %dma_start3A_379 = tpu.memref_slice %arg3[%dma_start3A_375, %mul3A_374] : memref<2x320000xi32, #tpu.memory_space<hbm>> -> memref<1x80xi32, #tpu.memory_space<hbm>>
        %dma_start3A_380 = tpu.memref_squeeze %dma_start3A_379 : memref<1x80xi32, #tpu.memory_space<hbm>> -> memref<80xi32, #tpu.memory_space<hbm>>
        %dma_start3A_381 = tpu.memref_slice %arg11[%rem3A_311] : memref<4x!tpu.dma_semaphore, #tpu.memory_space<semaphore_mem>> -> memref<1x!tpu.dma_semaphore, #tpu.memory_space<semaphore_mem>>
        %dma_start3A_382 = tpu.memref_squeeze %dma_start3A_381 : memref<1x!tpu.dma_semaphore, #tpu.memory_space<semaphore_mem>> -> memref<!tpu.dma_semaphore, #tpu.memory_space<semaphore_mem>>
        %dma_start3A_383 = arith.constant 0 : i32
        %dma_start3A_384 = tpu.memref_slice %arg6[%rem3A_311, %dma_start3A_383] : memref<4x80xi32, #tpu.memory_space<vmem>> -> memref<1x80xi32, #tpu.memory_space<vmem>>
        %dma_start3A_385 = tpu.memref_squeeze %dma_start3A_384 : memref<1x80xi32, #tpu.memory_space<vmem>> -> memref<80xi32, #tpu.memory_space<vmem>>
        %dma_start3A_386 = tpu.memref_slice %arg3[%dma_start3A_375, %mul3A_374] : memref<2x320000xi32, #tpu.memory_space<hbm>> -> memref<1x80xi32, #tpu.memory_space<hbm>>
        %dma_start3A_387 = tpu.memref_squeeze %dma_start3A_386 : memref<1x80xi32, #tpu.memory_space<hbm>> -> memref<80xi32, #tpu.memory_space<hbm>>
        tpu.enqueue_dma source(%dma_start3A_387 : memref<80xi32, #tpu.memory_space<hbm>>) target(%dma_start3A_385 : memref<80xi32, #tpu.memory_space<vmem>>) target_semaphore(%dma_start3A_382 : memref<!tpu.dma_semaphore, #tpu.memory_space<semaphore_mem>>)
        %dma_start3A_388 = arith.constant 1 : i32
        %dma_start3A_389 = arith.constant 0 : i32
        %dma_start3A_390 = tpu.memref_slice %arg7[%rem3A_311, %dma_start3A_389] : memref<4x80xi32, #tpu.memory_space<vmem>> -> memref<1x80xi32, #tpu.memory_space<vmem>>
        %dma_start3A_391 = tpu.memref_squeeze %dma_start3A_390 : memref<1x80xi32, #tpu.memory_space<vmem>> -> memref<80xi32, #tpu.memory_space<vmem>>
        %dma_start3A_392 = tpu.memref_slice %arg3[%dma_start3A_388, %mul3A_374] : memref<2x320000xi32, #tpu.memory_space<hbm>> -> memref<1x80xi32, #tpu.memory_space<hbm>>
        %dma_start3A_393 = tpu.memref_squeeze %dma_start3A_392 : memref<1x80xi32, #tpu.memory_space<hbm>> -> memref<80xi32, #tpu.memory_space<hbm>>
        %dma_start3A_394 = tpu.memref_slice %arg11[%rem3A_311] : memref<4x!tpu.dma_semaphore, #tpu.memory_space<semaphore_mem>> -> memref<1x!tpu.dma_semaphore, #tpu.memory_space<semaphore_mem>>
        %dma_start3A_395 = tpu.memref_squeeze %dma_start3A_394 : memref<1x!tpu.dma_semaphore, #tpu.memory_space<semaphore_mem>> -> memref<!tpu.dma_semaphore, #tpu.memory_space<semaphore_mem>>
        %dma_start3A_396 = arith.constant 0 : i32
        %dma_start3A_397 = tpu.memref_slice %arg7[%rem3A_311, %dma_start3A_396] : memref<4x80xi32, #tpu.memory_space<vmem>> -> memref<1x80xi32, #tpu.memory_space<vmem>>
        %dma_start3A_398 = tpu.memref_squeeze %dma_start3A_397 : memref<1x80xi32, #tpu.memory_space<vmem>> -> memref<80xi32, #tpu.memory_space<vmem>>
        %dma_start3A_399 = tpu.memref_slice %arg3[%dma_start3A_388, %mul3A_374] : memref<2x320000xi32, #tpu.memory_space<hbm>> -> memref<1x80xi32, #tpu.memory_space<hbm>>
        %dma_start3A_400 = tpu.memref_squeeze %dma_start3A_399 : memref<1x80xi32, #tpu.memory_space<hbm>> -> memref<80xi32, #tpu.memory_space<hbm>>
        tpu.enqueue_dma source(%dma_start3A_400 : memref<80xi32, #tpu.memory_space<hbm>>) target(%dma_start3A_398 : memref<80xi32, #tpu.memory_space<vmem>>) target_semaphore(%dma_start3A_395 : memref<!tpu.dma_semaphore, #tpu.memory_space<semaphore_mem>>)
      } else {
      }
      %ge3A_330 = arith.constant 1 : i32
      %ge3A_331 = arith.cmpi sge, %scan3A_304, %ge3A_330 : i32
      %add3A_332 = arith.constant 4 : i32
      %add3A_333 = arith.addi %scan3A_304, %add3A_332 : i32
      %sub3A_334 = arith.constant 2 : i32
      %sub3A_335 = arith.subi %add3A_333, %sub3A_334 : i32
      %lt3A_336 = arith.constant 125 : i32
      %lt3A_337 = arith.cmpi slt, %sub3A_335, %lt3A_336 : i32
      %and3A_338 = arith.andi %ge3A_331, %lt3A_337 : i1
      %convert_element_type3A_339 = arith.extui %and3A_338 : i1 to i32
      %cond3A_340 = arith.constant 0 : i32
      %cond3A_341 = arith.cmpi ne, %convert_element_type3A_339, %cond3A_340 : i32
      scf.if %cond3A_341 {
        %dma_wait3A_366 = arith.constant 0 : i32
        %dma_wait3A_367 = arith.constant 0 : i32
        %dma_wait3A_368 = tpu.memref_slice %arg6[%rem3A_317, %dma_wait3A_367] : memref<4x80xi32, #tpu.memory_space<vmem>> -> memref<1x80xi32, #tpu.memory_space<vmem>>
        %dma_wait3A_369 = tpu.memref_squeeze %dma_wait3A_368 : memref<1x80xi32, #tpu.memory_space<vmem>> -> memref<80xi32, #tpu.memory_space<vmem>>
        %dma_wait3A_370 = arith.constant 0 : i32
        %dma_wait3A_371 = tpu.memref_slice %arg3[%dma_wait3A_366, %dma_wait3A_370] : memref<2x320000xi32, #tpu.memory_space<hbm>> -> memref<1x80xi32, #tpu.memory_space<hbm>>
        %dma_wait3A_372 = tpu.memref_squeeze %dma_wait3A_371 : memref<1x80xi32, #tpu.memory_space<hbm>> -> memref<80xi32, #tpu.memory_space<hbm>>
        %dma_wait3A_373 = tpu.memref_slice %arg11[%rem3A_317] : memref<4x!tpu.dma_semaphore, #tpu.memory_space<semaphore_mem>> -> memref<1x!tpu.dma_semaphore, #tpu.memory_space<semaphore_mem>>
        %dma_wait3A_374 = tpu.memref_squeeze %dma_wait3A_373 : memref<1x!tpu.dma_semaphore, #tpu.memory_space<semaphore_mem>> -> memref<!tpu.dma_semaphore, #tpu.memory_space<semaphore_mem>>
        %dma_wait3A_375 = arith.constant 0 : i32
        %dma_wait3A_376 = tpu.memref_slice %arg6[%rem3A_317, %dma_wait3A_375] : memref<4x80xi32, #tpu.memory_space<vmem>> -> memref<1x80xi32, #tpu.memory_space<vmem>>
        %dma_wait3A_377 = tpu.memref_squeeze %dma_wait3A_376 : memref<1x80xi32, #tpu.memory_space<vmem>> -> memref<80xi32, #tpu.memory_space<vmem>>
        %dma_wait3A_378 = arith.constant 0 : i32
        %dma_wait3A_379 = tpu.memref_slice %arg3[%dma_wait3A_366, %dma_wait3A_378] : memref<2x320000xi32, #tpu.memory_space<hbm>> -> memref<1x80xi32, #tpu.memory_space<hbm>>
        %dma_wait3A_380 = tpu.memref_squeeze %dma_wait3A_379 : memref<1x80xi32, #tpu.memory_space<hbm>> -> memref<80xi32, #tpu.memory_space<hbm>>
        tpu.wait_dma2 semaphore(%dma_wait3A_374 : memref<!tpu.dma_semaphore, #tpu.memory_space<semaphore_mem>>) src(%dma_wait3A_380 : memref<80xi32, #tpu.memory_space<hbm>>) dst(%dma_wait3A_377 : memref<80xi32, #tpu.memory_space<vmem>>)
        %dma_wait3A_381 = arith.constant 1 : i32
        %dma_wait3A_382 = arith.constant 0 : i32
        %dma_wait3A_383 = tpu.memref_slice %arg7[%rem3A_317, %dma_wait3A_382] : memref<4x80xi32, #tpu.memory_space<vmem>> -> memref<1x80xi32, #tpu.memory_space<vmem>>
        %dma_wait3A_384 = tpu.memref_squeeze %dma_wait3A_383 : memref<1x80xi32, #tpu.memory_space<vmem>> -> memref<80xi32, #tpu.memory_space<vmem>>
        %dma_wait3A_385 = arith.constant 0 : i32
        %dma_wait3A_386 = tpu.memref_slice %arg3[%dma_wait3A_381, %dma_wait3A_385] : memref<2x320000xi32, #tpu.memory_space<hbm>> -> memref<1x80xi32, #tpu.memory_space<hbm>>
        %dma_wait3A_387 = tpu.memref_squeeze %dma_wait3A_386 : memref<1x80xi32, #tpu.memory_space<hbm>> -> memref<80xi32, #tpu.memory_space<hbm>>
        %dma_wait3A_388 = tpu.memref_slice %arg11[%rem3A_317] : memref<4x!tpu.dma_semaphore, #tpu.memory_space<semaphore_mem>> -> memref<1x!tpu.dma_semaphore, #tpu.memory_space<semaphore_mem>>
        %dma_wait3A_389 = tpu.memref_squeeze %dma_wait3A_388 : memref<1x!tpu.dma_semaphore, #tpu.memory_space<semaphore_mem>> -> memref<!tpu.dma_semaphore, #tpu.memory_space<semaphore_mem>>
        %dma_wait3A_390 = arith.constant 0 : i32
        %dma_wait3A_391 = tpu.memref_slice %arg7[%rem3A_317, %dma_wait3A_390] : memref<4x80xi32, #tpu.memory_space<vmem>> -> memref<1x80xi32, #tpu.memory_space<vmem>>
        %dma_wait3A_392 = tpu.memref_squeeze %dma_wait3A_391 : memref<1x80xi32, #tpu.memory_space<vmem>> -> memref<80xi32, #tpu.memory_space<vmem>>
        %dma_wait3A_393 = arith.constant 0 : i32
        %dma_wait3A_394 = tpu.memref_slice %arg3[%dma_wait3A_381, %dma_wait3A_393] : memref<2x320000xi32, #tpu.memory_space<hbm>> -> memref<1x80xi32, #tpu.memory_space<hbm>>
        %dma_wait3A_395 = tpu.memref_squeeze %dma_wait3A_394 : memref<1x80xi32, #tpu.memory_space<hbm>> -> memref<80xi32, #tpu.memory_space<hbm>>
        tpu.wait_dma2 semaphore(%dma_wait3A_389 : memref<!tpu.dma_semaphore, #tpu.memory_space<semaphore_mem>>) src(%dma_wait3A_395 : memref<80xi32, #tpu.memory_space<hbm>>) dst(%dma_wait3A_392 : memref<80xi32, #tpu.memory_space<vmem>>)
        %dma_start3A_396 = arith.constant 0 : i32
        %dma_start3A_397 = arith.constant 0 : i32
        %dma_start3A_398 = tpu.memref_slice %arg8[%rem3A_317, %dma_start3A_396, %dma_start3A_397] : memref<4x80x128xf32, #tpu.memory_space<vmem>> -> memref<1x80x128xf32, #tpu.memory_space<vmem>>
        %dma_start3A_399 = tpu.memref_squeeze %dma_start3A_398 : memref<1x80x128xf32, #tpu.memory_space<vmem>> -> memref<80x128xf32, #tpu.memory_space<vmem>>
        %dma_start3A_400 = arith.constant 0 : i32
        %dma_start3A_401 = tpu.memref_slice %arg6[%rem3A_317, %dma_start3A_400] : memref<4x80xi32, #tpu.memory_space<vmem>> -> memref<1x80xi32, #tpu.memory_space<vmem>>
        %dma_start3A_402 = tpu.memref_squeeze %dma_start3A_401 : memref<1x80xi32, #tpu.memory_space<vmem>> -> memref<80xi32, #tpu.memory_space<vmem>>
        %dma_start3A_403 = arith.constant 0 : i32
        %dma_start3A_404 = arith.constant 0 : i32
        %dma_start3A_405 = tpu.memref_slice %arg2[%dma_start3A_403, %dma_start3A_404] : memref<10000x128xf32, #tpu.memory_space<hbm>> -> memref<10000x128xf32, #tpu.memory_space<hbm>>
        %dma_start3A_406 = tpu.memref_slice %arg10[%rem3A_317] : memref<4x!tpu.dma_semaphore, #tpu.memory_space<semaphore_mem>> -> memref<1x!tpu.dma_semaphore, #tpu.memory_space<semaphore_mem>>
        %dma_start3A_407 = tpu.memref_squeeze %dma_start3A_406 : memref<1x!tpu.dma_semaphore, #tpu.memory_space<semaphore_mem>> -> memref<!tpu.dma_semaphore, #tpu.memory_space<semaphore_mem>>
        tpu.enqueue_indirect_dma source(%dma_start3A_405 : memref<10000x128xf32, #tpu.memory_space<hbm>>) target(%dma_start3A_399 : memref<80x128xf32, #tpu.memory_space<vmem>>) offsets(%dma_start3A_402 : memref<80xi32, #tpu.memory_space<vmem>>) semaphore(%dma_start3A_407 : memref<!tpu.dma_semaphore, #tpu.memory_space<semaphore_mem>>)
      } else {
      }
      %dma_wait3A_342 = arith.constant 0 : i32
      %dma_wait3A_343 = arith.constant 0 : i32
      %dma_wait3A_344 = tpu.memref_slice %arg8[%rem3A_306, %dma_wait3A_342, %dma_wait3A_343] : memref<4x80x128xf32, #tpu.memory_space<vmem>> -> memref<1x80x128xf32, #tpu.memory_space<vmem>>
      %dma_wait3A_345 = tpu.memref_squeeze %dma_wait3A_344 : memref<1x80x128xf32, #tpu.memory_space<vmem>> -> memref<80x128xf32, #tpu.memory_space<vmem>>
      %dma_wait3A_346 = arith.constant 0 : i32
      %dma_wait3A_347 = tpu.memref_slice %arg6[%rem3A_306, %dma_wait3A_346] : memref<4x80xi32, #tpu.memory_space<vmem>> -> memref<1x80xi32, #tpu.memory_space<vmem>>
      %dma_wait3A_348 = tpu.memref_squeeze %dma_wait3A_347 : memref<1x80xi32, #tpu.memory_space<vmem>> -> memref<80xi32, #tpu.memory_space<vmem>>
      %dma_wait3A_349 = arith.constant 0 : i32
      %dma_wait3A_350 = arith.constant 0 : i32
      %dma_wait3A_351 = tpu.memref_slice %arg2[%dma_wait3A_349, %dma_wait3A_350] : memref<10000x128xf32, #tpu.memory_space<hbm>> -> memref<10000x128xf32, #tpu.memory_space<hbm>>
      %dma_wait3A_352 = tpu.memref_slice %arg10[%rem3A_306] : memref<4x!tpu.dma_semaphore, #tpu.memory_space<semaphore_mem>> -> memref<1x!tpu.dma_semaphore, #tpu.memory_space<semaphore_mem>>
      %dma_wait3A_353 = tpu.memref_squeeze %dma_wait3A_352 : memref<1x!tpu.dma_semaphore, #tpu.memory_space<semaphore_mem>> -> memref<!tpu.dma_semaphore, #tpu.memory_space<semaphore_mem>>
      tpu.wait_indirect_dma semaphore(%dma_wait3A_353 : memref<!tpu.dma_semaphore, #tpu.memory_space<semaphore_mem>>) src(%dma_wait3A_351 : memref<10000x128xf32, #tpu.memory_space<hbm>>) dst(%dma_wait3A_345 : memref<80x128xf32, #tpu.memory_space<vmem>>)
      %dma_start3A_354 = arith.constant 0 : i32
      %dma_start3A_355 = arith.constant 0 : i32
      %dma_start3A_356 = tpu.memref_slice %arg8[%rem3A_306, %dma_start3A_354, %dma_start3A_355] : memref<4x80x128xf32, #tpu.memory_space<vmem>> -> memref<1x80x128xf32, #tpu.memory_space<vmem>>
      %dma_start3A_357 = tpu.memref_squeeze %dma_start3A_356 : memref<1x80x128xf32, #tpu.memory_space<vmem>> -> memref<80x128xf32, #tpu.memory_space<vmem>>
      %dma_start3A_358 = arith.constant 0 : i32
      %dma_start3A_359 = tpu.memref_slice %arg7[%rem3A_306, %dma_start3A_358] : memref<4x80xi32, #tpu.memory_space<vmem>> -> memref<1x80xi32, #tpu.memory_space<vmem>>
      %dma_start3A_360 = tpu.memref_squeeze %dma_start3A_359 : memref<1x80xi32, #tpu.memory_space<vmem>> -> memref<80xi32, #tpu.memory_space<vmem>>
      %dma_start3A_361 = arith.constant 0 : i32
      %dma_start3A_362 = arith.constant 0 : i32
      %dma_start3A_363 = tpu.memref_slice %arg9[%dma_start3A_361, %dma_start3A_362] : memref<10112x128xf32, #tpu.memory_space<vmem_shared>> -> memref<10112x128xf32, #tpu.memory_space<vmem_shared>>
      %dma_start3A_364 = tpu.memref_slice %arg12[%rem3A_306] : memref<4x!tpu.dma_semaphore, #tpu.memory_space<semaphore_mem>> -> memref<1x!tpu.dma_semaphore, #tpu.memory_space<semaphore_mem>>
      %dma_start3A_365 = tpu.memref_squeeze %dma_start3A_364 : memref<1x!tpu.dma_semaphore, #tpu.memory_space<semaphore_mem>> -> memref<!tpu.dma_semaphore, #tpu.memory_space<semaphore_mem>>
      tpu.enqueue_indirect_dma source(%dma_start3A_357 : memref<80x128xf32, #tpu.memory_space<vmem>>) target(%dma_start3A_363 : memref<10112x128xf32, #tpu.memory_space<vmem_shared>>) offsets(%dma_start3A_360 : memref<80xi32, #tpu.memory_space<vmem>>) semaphore(%dma_start3A_365 : memref<!tpu.dma_semaphore, #tpu.memory_space<semaphore_mem>>) {add = true}
    }
    %scan3A_288 = arith.constant 125 : i32
    %rem3A = arith.constant 124 : i32
    %rem3A_289 = arith.constant 4 : i32
    %rem3A_290 = arith.remsi %rem3A, %rem3A_289 : i32
    %dma_wait3A_291 = arith.constant 0 : i32
    %dma_wait3A_292 = arith.constant 0 : i32
    %dma_wait3A_293 = tpu.memref_slice %arg8[%rem3A_290, %dma_wait3A_291, %dma_wait3A_292] : memref<4x80x128xf32, #tpu.memory_space<vmem>> -> memref<1x80x128xf32, #tpu.memory_space<vmem>>
    %dma_wait3A_294 = tpu.memref_squeeze %dma_wait3A_293 : memref<1x80x128xf32, #tpu.memory_space<vmem>> -> memref<80x128xf32, #tpu.memory_space<vmem>>
    %dma_wait3A_295 = arith.constant 0 : i32
    %dma_wait3A_296 = tpu.memref_slice %arg7[%rem3A_290, %dma_wait3A_295] : memref<4x80xi32, #tpu.memory_space<vmem>> -> memref<1x80xi32, #tpu.memory_space<vmem>>
    %dma_wait3A_297 = tpu.memref_squeeze %dma_wait3A_296 : memref<1x80xi32, #tpu.memory_space<vmem>> -> memref<80xi32, #tpu.memory_space<vmem>>
    %dma_wait3A_298 = arith.constant 0 : i32
    %dma_wait3A_299 = arith.constant 0 : i32
    %dma_wait3A_300 = tpu.memref_slice %arg9[%dma_wait3A_298, %dma_wait3A_299] : memref<10112x128xf32, #tpu.memory_space<vmem_shared>> -> memref<10112x128xf32, #tpu.memory_space<vmem_shared>>
    %dma_wait3A_301 = tpu.memref_slice %arg12[%rem3A_290] : memref<4x!tpu.dma_semaphore, #tpu.memory_space<semaphore_mem>> -> memref<1x!tpu.dma_semaphore, #tpu.memory_space<semaphore_mem>>
    %dma_wait3A_302 = tpu.memref_squeeze %dma_wait3A_301 : memref<1x!tpu.dma_semaphore, #tpu.memory_space<semaphore_mem>> -> memref<!tpu.dma_semaphore, #tpu.memory_space<semaphore_mem>>
    tpu.wait_indirect_dma semaphore(%dma_wait3A_302 : memref<!tpu.dma_semaphore, #tpu.memory_space<semaphore_mem>>) src(%dma_wait3A_294 : memref<80x128xf32, #tpu.memory_space<vmem>>) dst(%dma_wait3A_300 : memref<10112x128xf32, #tpu.memory_space<vmem_shared>>)
    %barrier3A_303 = arith.constant 0 : index
    tpu.barrier barrier_id(%barrier3A_303)
    "tpu.region"() ({
      %run_scoped3A = tpu.sem_alloc : memref<!tpu.dma_semaphore, #tpu.memory_space<semaphore_mem>>
      %dma_start3A_304 = arith.constant 0 : i32
      %dma_start3A_305 = tpu.memref_slice %arg5[%arg0, %mul3A_137, %dma_start3A_304] : memref<2x10112x128xf32, #tpu.memory_space<hbm>> -> memref<1x632x128xf32, #tpu.memory_space<hbm>>
      %dma_start3A_306 = tpu.memref_squeeze %dma_start3A_305 : memref<1x632x128xf32, #tpu.memory_space<hbm>> -> memref<632x128xf32, #tpu.memory_space<hbm>>
      %dma_start3A_307 = arith.constant 0 : i32
      %dma_start3A_308 = tpu.memref_slice %arg9[%mul3A_137, %dma_start3A_307] : memref<10112x128xf32, #tpu.memory_space<vmem_shared>> -> memref<632x128xf32, #tpu.memory_space<vmem_shared>>
      tpu.enqueue_dma source(%dma_start3A_308 : memref<632x128xf32, #tpu.memory_space<vmem_shared>>) target(%dma_start3A_306 : memref<632x128xf32, #tpu.memory_space<hbm>>) target_semaphore(%run_scoped3A : memref<!tpu.dma_semaphore, #tpu.memory_space<semaphore_mem>>)
      %dma_wait3A_309 = arith.constant 0 : i32
      %dma_wait3A_310 = tpu.memref_slice %arg5[%arg0, %mul3A_137, %dma_wait3A_309] : memref<2x10112x128xf32, #tpu.memory_space<hbm>> -> memref<1x632x128xf32, #tpu.memory_space<hbm>>
      %dma_wait3A_311 = tpu.memref_squeeze %dma_wait3A_310 : memref<1x632x128xf32, #tpu.memory_space<hbm>> -> memref<632x128xf32, #tpu.memory_space<hbm>>
      %dma_wait3A_312 = arith.constant 0 : i32
      %dma_wait3A_313 = tpu.memref_slice %arg9[%mul3A_137, %dma_wait3A_312] : memref<10112x128xf32, #tpu.memory_space<vmem_shared>> -> memref<632x128xf32, #tpu.memory_space<vmem_shared>>
      tpu.wait_dma2 semaphore(%run_scoped3A : memref<!tpu.dma_semaphore, #tpu.memory_space<semaphore_mem>>) src(%dma_wait3A_313 : memref<632x128xf32, #tpu.memory_space<vmem_shared>>) dst(%dma_wait3A_311 : memref<632x128xf32, #tpu.memory_space<hbm>>)
      tpu.yield
    }) : () -> ()
    return
  }
}

module attributes {stable_mosaic.version = 14 : i64} {
  func.func @body(%arg0: i32, %arg1: memref<2000x128xf32, #tpu.memory_space<vmem>>, %arg2: memref<128x128xf32, #tpu.memory_space<vmem>>, %arg3: memref<128x128xf32, #tpu.memory_space<vmem>>, %arg4: memref<1x128xf32, #tpu.memory_space<vmem>>, %arg5: memref<2000x128xf32, #tpu.memory_space<vmem>>, %arg6: memref<2000x128xf32, #tpu.memory_space<vmem>>) attributes {dimension_semantics = [#tpu.dimension_semantics<arbitrary>], iteration_bounds = array<i64: 5>, scalar_prefetch = 0 : i64, scratch_operands = 0 : i64, tpu.core_type = #tpu.core_type<tc>, window_params = [{transform_indices = @transform_0, window_bounds = array<i64: 2000, 128>}, {pipeline_mode = #tpu.pipeline_mode<synchronous>, transform_indices = @transform_1, window_bounds = array<i64: 128, 128>}, {pipeline_mode = #tpu.pipeline_mode<synchronous>, transform_indices = @transform_2, window_bounds = array<i64: 128, 128>}, {pipeline_mode = #tpu.pipeline_mode<synchronous>, transform_indices = @transform_3, window_bounds = array<i64: 1, 128>}, {transform_indices = @transform_4, window_bounds = array<i64: 2000, 128>}, {transform_indices = @transform_5, window_bounds = array<i64: 2000, 128>}]} {
    %get3A = arith.constant 0 : index
    %get3A_0 = arith.constant 0 : index
    %get3A_1 = vector.load %arg1[%get3A, %get3A_0] : memref<2000x128xf32, #tpu.memory_space<vmem>>, vector<2000x128xf32>
    %get3A_2 = arith.constant 0 : index
    %get3A_3 = arith.constant 0 : index
    %get3A_4 = vector.load %arg2[%get3A_2, %get3A_3] : memref<128x128xf32, #tpu.memory_space<vmem>>, vector<128x128xf32>
    %dot_general3A = arith.constant dense<0.000000e+00> : vector<2000x128xf32>
    %dot_general3A_5 = tpu.matmul %get3A_1, %get3A_4, %dot_general3A {dimension_numbers = #tpu.dot_dimension_numbers<[1], [0], [0], [1], [0, 0, 1, 1], [], []>, transpose_lhs_hint = false} : vector<2000x128xf32>, vector<128x128xf32>, vector<2000x128xf32> -> vector<2000x128xf32>
    %get3A_6 = arith.constant 0 : index
    %get3A_7 = arith.constant 0 : index
    %get3A_8 = vector.load %arg4[%get3A_6, %get3A_7] : memref<1x128xf32, #tpu.memory_space<vmem>>, vector<1x128xf32>
    %add3A = vector.broadcast %get3A_8 : vector<1x128xf32> to vector<2000x128xf32>
    %add3A_9 = arith.addf %dot_general3A_5, %add3A : vector<2000x128xf32>
    %swap3A = arith.constant 0 : index
    %swap3A_10 = arith.constant 0 : index
    %swap3A_11 = vector.load %arg5[%swap3A, %swap3A_10] : memref<2000x128xf32, #tpu.memory_space<vmem>>, vector<2000x128xf32>
    tpu.vector_store %arg5[%swap3A, %swap3A_10], %add3A_9 {strides = array<i32>} : memref<2000x128xf32, #tpu.memory_space<vmem>>, vector<2000x128xf32>,
    %get3A_12 = arith.constant 0 : index
    %get3A_13 = arith.constant 0 : index
    %get3A_14 = vector.load %arg3[%get3A_12, %get3A_13] : memref<128x128xf32, #tpu.memory_space<vmem>>, vector<128x128xf32>
    %dot_general3A_15 = arith.constant dense<0.000000e+00> : vector<2000x128xf32>
    %dot_general3A_16 = tpu.matmul %get3A_1, %get3A_14, %dot_general3A_15 {dimension_numbers = #tpu.dot_dimension_numbers<[1], [0], [0], [1], [0, 0, 1, 1], [], []>, transpose_lhs_hint = false} : vector<2000x128xf32>, vector<128x128xf32>, vector<2000x128xf32> -> vector<2000x128xf32>
    %swap3A_17 = arith.constant 0 : index
    %swap3A_18 = arith.constant 0 : index
    %swap3A_19 = vector.load %arg6[%swap3A_17, %swap3A_18] : memref<2000x128xf32, #tpu.memory_space<vmem>>, vector<2000x128xf32>
    tpu.vector_store %arg6[%swap3A_17, %swap3A_18], %dot_general3A_16 {strides = array<i32>} : memref<2000x128xf32, #tpu.memory_space<vmem>>, vector<2000x128xf32>,
    return
  }
  func.func @transform_0(%arg0: i32) -> (i32, i32) {
    %c0_i32 = arith.constant 0 : i32
    %c0_i32_0 = arith.constant 0 : i32
    return %arg0, %c0_i32 : i32, i32
  }
  func.func @transform_1(%arg0: i32) -> (i32, i32) {
    %c0_i32 = arith.constant 0 : i32
    %c0_i32_0 = arith.constant 0 : i32
    %c0_i32_1 = arith.constant 0 : i32
    return %c0_i32, %c0_i32_0 : i32, i32
  }
  func.func @transform_2(%arg0: i32) -> (i32, i32) {
    %c0_i32 = arith.constant 0 : i32
    %c0_i32_0 = arith.constant 0 : i32
    %c0_i32_1 = arith.constant 0 : i32
    return %c0_i32, %c0_i32_0 : i32, i32
  }
  func.func @transform_3(%arg0: i32) -> (i32, i32) {
    %c0_i32 = arith.constant 0 : i32
    %c0_i32_0 = arith.constant 0 : i32
    %c0_i32_1 = arith.constant 0 : i32
    return %c0_i32, %c0_i32_0 : i32, i32
  }
  func.func @transform_4(%arg0: i32) -> (i32, i32) {
    %c0_i32 = arith.constant 0 : i32
    %c0_i32_0 = arith.constant 0 : i32
    return %arg0, %c0_i32 : i32, i32
  }
  func.func @transform_5(%arg0: i32) -> (i32, i32) {
    %c0_i32 = arith.constant 0 : i32
    %c0_i32_0 = arith.constant 0 : i32
    return %arg0, %c0_i32 : i32, i32
  }
}

module attributes {stable_mosaic.version = 14 : i64} {
  func.func @body(%arg0: i32, %arg1: memref<2000x128xf32, #tpu.memory_space<vmem>>, %arg2: memref<1x2000x128xf32, #tpu.memory_space<vmem>>, %arg3: memref<1x2000x128xf32, #tpu.memory_space<vmem>>, %arg4: memref<1x2000x16xf32, #tpu.memory_space<vmem>>, %arg5: memref<1x2000x16xf32, #tpu.memory_space<vmem>>, %arg6: memref<128x128xf32, #tpu.memory_space<vmem>>, %arg7: memref<128x128xf32, #tpu.memory_space<vmem>>, %arg8: memref<1x128xf32, #tpu.memory_space<vmem>>, %arg9: memref<2000x128xf32, #tpu.memory_space<vmem>>, %arg10: memref<2000x128xf32, #tpu.memory_space<vmem>>) attributes {dimension_semantics = [#tpu.dimension_semantics<arbitrary>], iteration_bounds = array<i64: 5>, scalar_prefetch = 0 : i64, scratch_operands = 0 : i64, tpu.core_type = #tpu.core_type<tc>, window_params = [{transform_indices = @transform_0, window_bounds = array<i64: 2000, 128>}, {transform_indices = @transform_1, window_bounds = array<i64: 1, 2000, 128>}, {transform_indices = @transform_2, window_bounds = array<i64: 1, 2000, 128>}, {transform_indices = @transform_3, window_bounds = array<i64: 1, 2000, 16>}, {transform_indices = @transform_4, window_bounds = array<i64: 1, 2000, 16>}, {pipeline_mode = #tpu.pipeline_mode<synchronous>, transform_indices = @transform_5, window_bounds = array<i64: 128, 128>}, {pipeline_mode = #tpu.pipeline_mode<synchronous>, transform_indices = @transform_6, window_bounds = array<i64: 128, 128>}, {pipeline_mode = #tpu.pipeline_mode<synchronous>, transform_indices = @transform_7, window_bounds = array<i64: 1, 128>}, {transform_indices = @transform_8, window_bounds = array<i64: 2000, 128>}, {transform_indices = @transform_9, window_bounds = array<i64: 2000, 128>}]} {
    %get3A = arith.constant 0 : index
    %get3A_0 = arith.constant 0 : index
    %get3A_1 = arith.constant 0 : index
    %get3A_2 = vector.load %arg4[%get3A, %get3A_0, %get3A_1] : memref<1x2000x16xf32, #tpu.memory_space<vmem>>, vector<1x2000x16xf32>
    %get3A_3 = vector.shape_cast %get3A_2 : vector<1x2000x16xf32> to vector<2000x16xf32>
    %slice3A = vector.extract_strided_slice %get3A_3 {offsets = [0, 0], sizes = [2000, 1], strides = [1, 1]} : vector<2000x16xf32> to vector<2000x1xf32>
    %get3A_4 = arith.constant 0 : index
    %get3A_5 = arith.constant 0 : index
    %get3A_6 = arith.constant 0 : index
    %get3A_7 = vector.load %arg5[%get3A_4, %get3A_5, %get3A_6] : memref<1x2000x16xf32, #tpu.memory_space<vmem>>, vector<1x2000x16xf32>
    %get3A_8 = vector.shape_cast %get3A_7 : vector<1x2000x16xf32> to vector<2000x16xf32>
    %slice3A_9 = vector.extract_strided_slice %get3A_8 {offsets = [0, 0], sizes = [2000, 1], strides = [1, 1]} : vector<2000x16xf32> to vector<2000x1xf32>
    %add3A = arith.addf %slice3A, %slice3A_9 : vector<2000x1xf32>
    %max3A = arith.constant 1.000000e+00 : f32
    %max3A_10 = vector.broadcast %max3A : f32 to vector<2000x1xf32>
    %max3A_11 = arith.maximumf %add3A, %max3A_10 : vector<2000x1xf32>
    %div3A = arith.constant 1.000000e+00 : f32
    %div3A_12 = vector.broadcast %div3A : f32 to vector<2000x1xf32>
    %div3A_13 = arith.divf %div3A_12, %max3A_11 : vector<2000x1xf32>
    %get3A_14 = arith.constant 0 : index
    %get3A_15 = arith.constant 0 : index
    %get3A_16 = vector.load %arg1[%get3A_14, %get3A_15] : memref<2000x128xf32, #tpu.memory_space<vmem>>, vector<2000x128xf32>
    %get3A_17 = arith.constant 0 : index
    %get3A_18 = arith.constant 0 : index
    %get3A_19 = arith.constant 0 : index
    %get3A_20 = vector.load %arg2[%get3A_17, %get3A_18, %get3A_19] : memref<1x2000x128xf32, #tpu.memory_space<vmem>>, vector<1x2000x128xf32>
    %get3A_21 = vector.shape_cast %get3A_20 : vector<1x2000x128xf32> to vector<2000x128xf32>
    %get3A_22 = arith.constant 0 : index
    %get3A_23 = arith.constant 0 : index
    %get3A_24 = arith.constant 0 : index
    %get3A_25 = vector.load %arg3[%get3A_22, %get3A_23, %get3A_24] : memref<1x2000x128xf32, #tpu.memory_space<vmem>>, vector<1x2000x128xf32>
    %get3A_26 = vector.shape_cast %get3A_25 : vector<1x2000x128xf32> to vector<2000x128xf32>
    %add3A_27 = arith.addf %get3A_21, %get3A_26 : vector<2000x128xf32>
    %mul3A = vector.broadcast %div3A_13 : vector<2000x1xf32> to vector<2000x128xf32>
    %mul3A_28 = arith.mulf %add3A_27, %mul3A : vector<2000x128xf32>
    %add3A_29 = arith.addf %get3A_16, %mul3A_28 : vector<2000x128xf32>
    %max3A_30 = arith.constant 0.000000e+00 : f32
    %max3A_31 = vector.broadcast %max3A_30 : f32 to vector<2000x128xf32>
    %max3A_32 = arith.maximumf %add3A_29, %max3A_31 : vector<2000x128xf32>
    %get3A_33 = arith.constant 0 : index
    %get3A_34 = arith.constant 0 : index
    %get3A_35 = vector.load %arg6[%get3A_33, %get3A_34] : memref<128x128xf32, #tpu.memory_space<vmem>>, vector<128x128xf32>
    %dot_general3A = arith.constant dense<0.000000e+00> : vector<2000x128xf32>
    %dot_general3A_36 = tpu.matmul %max3A_32, %get3A_35, %dot_general3A {dimension_numbers = #tpu.dot_dimension_numbers<[1], [0], [0], [1], [0, 0, 1, 1], [], []>, transpose_lhs_hint = false} : vector<2000x128xf32>, vector<128x128xf32>, vector<2000x128xf32> -> vector<2000x128xf32>
    %get3A_37 = arith.constant 0 : index
    %get3A_38 = arith.constant 0 : index
    %get3A_39 = vector.load %arg8[%get3A_37, %get3A_38] : memref<1x128xf32, #tpu.memory_space<vmem>>, vector<1x128xf32>
    %add3A_40 = vector.broadcast %get3A_39 : vector<1x128xf32> to vector<2000x128xf32>
    %add3A_41 = arith.addf %dot_general3A_36, %add3A_40 : vector<2000x128xf32>
    %swap3A = arith.constant 0 : index
    %swap3A_42 = arith.constant 0 : index
    %swap3A_43 = vector.load %arg9[%swap3A, %swap3A_42] : memref<2000x128xf32, #tpu.memory_space<vmem>>, vector<2000x128xf32>
    tpu.vector_store %arg9[%swap3A, %swap3A_42], %add3A_41 {strides = array<i32>} : memref<2000x128xf32, #tpu.memory_space<vmem>>, vector<2000x128xf32>,
    %get3A_44 = arith.constant 0 : index
    %get3A_45 = arith.constant 0 : index
    %get3A_46 = vector.load %arg7[%get3A_44, %get3A_45] : memref<128x128xf32, #tpu.memory_space<vmem>>, vector<128x128xf32>
    %dot_general3A_47 = arith.constant dense<0.000000e+00> : vector<2000x128xf32>
    %dot_general3A_48 = tpu.matmul %max3A_32, %get3A_46, %dot_general3A_47 {dimension_numbers = #tpu.dot_dimension_numbers<[1], [0], [0], [1], [0, 0, 1, 1], [], []>, transpose_lhs_hint = false} : vector<2000x128xf32>, vector<128x128xf32>, vector<2000x128xf32> -> vector<2000x128xf32>
    %swap3A_49 = arith.constant 0 : index
    %swap3A_50 = arith.constant 0 : index
    %swap3A_51 = vector.load %arg10[%swap3A_49, %swap3A_50] : memref<2000x128xf32, #tpu.memory_space<vmem>>, vector<2000x128xf32>
    tpu.vector_store %arg10[%swap3A_49, %swap3A_50], %dot_general3A_48 {strides = array<i32>} : memref<2000x128xf32, #tpu.memory_space<vmem>>, vector<2000x128xf32>,
    return
  }
  func.func @transform_0(%arg0: i32) -> (i32, i32) {
    %c0_i32 = arith.constant 0 : i32
    %c0_i32_0 = arith.constant 0 : i32
    return %arg0, %c0_i32 : i32, i32
  }
  func.func @transform_1(%arg0: i32) -> (i32, i32, i32) {
    %c0_i32 = arith.constant 0 : i32
    %c0_i32_0 = arith.constant 0 : i32
    %c0_i32_1 = arith.constant 0 : i32
    return %c0_i32, %arg0, %c0_i32_0 : i32, i32, i32
  }
  func.func @transform_2(%arg0: i32) -> (i32, i32, i32) {
    %c1_i32 = arith.constant 1 : i32
    %c0_i32 = arith.constant 0 : i32
    %c0_i32_0 = arith.constant 0 : i32
    return %c1_i32, %arg0, %c0_i32 : i32, i32, i32
  }
  func.func @transform_3(%arg0: i32) -> (i32, i32, i32) {
    %c0_i32 = arith.constant 0 : i32
    %c0_i32_0 = arith.constant 0 : i32
    %c0_i32_1 = arith.constant 0 : i32
    return %c0_i32, %arg0, %c0_i32_0 : i32, i32, i32
  }
  func.func @transform_4(%arg0: i32) -> (i32, i32, i32) {
    %c1_i32 = arith.constant 1 : i32
    %c0_i32 = arith.constant 0 : i32
    %c0_i32_0 = arith.constant 0 : i32
    return %c1_i32, %arg0, %c0_i32 : i32, i32, i32
  }
  func.func @transform_5(%arg0: i32) -> (i32, i32) {
    %c0_i32 = arith.constant 0 : i32
    %c0_i32_0 = arith.constant 0 : i32
    %c0_i32_1 = arith.constant 0 : i32
    return %c0_i32, %c0_i32_0 : i32, i32
  }
  func.func @transform_6(%arg0: i32) -> (i32, i32) {
    %c0_i32 = arith.constant 0 : i32
    %c0_i32_0 = arith.constant 0 : i32
    %c0_i32_1 = arith.constant 0 : i32
    return %c0_i32, %c0_i32_0 : i32, i32
  }
  func.func @transform_7(%arg0: i32) -> (i32, i32) {
    %c0_i32 = arith.constant 0 : i32
    %c0_i32_0 = arith.constant 0 : i32
    %c0_i32_1 = arith.constant 0 : i32
    return %c0_i32, %c0_i32_0 : i32, i32
  }
  func.func @transform_8(%arg0: i32) -> (i32, i32) {
    %c0_i32 = arith.constant 0 : i32
    %c0_i32_0 = arith.constant 0 : i32
    return %arg0, %c0_i32 : i32, i32
  }
  func.func @transform_9(%arg0: i32) -> (i32, i32) {
    %c0_i32 = arith.constant 0 : i32
    %c0_i32_0 = arith.constant 0 : i32
    return %arg0, %c0_i32 : i32, i32
  }
}

module attributes {stable_mosaic.version = 14 : i64} {
  func.func @body(%arg0: i32, %arg1: memref<2000x128xf32, #tpu.memory_space<vmem>>, %arg2: memref<1x2000x128xf32, #tpu.memory_space<vmem>>, %arg3: memref<1x2000x128xf32, #tpu.memory_space<vmem>>, %arg4: memref<1x2000x16xf32, #tpu.memory_space<vmem>>, %arg5: memref<1x2000x16xf32, #tpu.memory_space<vmem>>, %arg6: memref<128x64xf32, #tpu.memory_space<vmem>>, %arg7: memref<128x64xf32, #tpu.memory_space<vmem>>, %arg8: memref<1x64xf32, #tpu.memory_space<vmem>>, %arg9: memref<2000x64xf32, #tpu.memory_space<vmem>>, %arg10: memref<2000x64xf32, #tpu.memory_space<vmem>>) attributes {dimension_semantics = [#tpu.dimension_semantics<arbitrary>], iteration_bounds = array<i64: 5>, scalar_prefetch = 0 : i64, scratch_operands = 0 : i64, tpu.core_type = #tpu.core_type<tc>, window_params = [{transform_indices = @transform_0, window_bounds = array<i64: 2000, 128>}, {transform_indices = @transform_1, window_bounds = array<i64: 1, 2000, 128>}, {transform_indices = @transform_2, window_bounds = array<i64: 1, 2000, 128>}, {transform_indices = @transform_3, window_bounds = array<i64: 1, 2000, 16>}, {transform_indices = @transform_4, window_bounds = array<i64: 1, 2000, 16>}, {pipeline_mode = #tpu.pipeline_mode<synchronous>, transform_indices = @transform_5, window_bounds = array<i64: 128, 64>}, {pipeline_mode = #tpu.pipeline_mode<synchronous>, transform_indices = @transform_6, window_bounds = array<i64: 128, 64>}, {pipeline_mode = #tpu.pipeline_mode<synchronous>, transform_indices = @transform_7, window_bounds = array<i64: 1, 64>}, {transform_indices = @transform_8, window_bounds = array<i64: 2000, 64>}, {transform_indices = @transform_9, window_bounds = array<i64: 2000, 64>}]} {
    %get3A = arith.constant 0 : index
    %get3A_0 = arith.constant 0 : index
    %get3A_1 = arith.constant 0 : index
    %get3A_2 = vector.load %arg4[%get3A, %get3A_0, %get3A_1] : memref<1x2000x16xf32, #tpu.memory_space<vmem>>, vector<1x2000x16xf32>
    %get3A_3 = vector.shape_cast %get3A_2 : vector<1x2000x16xf32> to vector<2000x16xf32>
    %slice3A = vector.extract_strided_slice %get3A_3 {offsets = [0, 0], sizes = [2000, 1], strides = [1, 1]} : vector<2000x16xf32> to vector<2000x1xf32>
    %get3A_4 = arith.constant 0 : index
    %get3A_5 = arith.constant 0 : index
    %get3A_6 = arith.constant 0 : index
    %get3A_7 = vector.load %arg5[%get3A_4, %get3A_5, %get3A_6] : memref<1x2000x16xf32, #tpu.memory_space<vmem>>, vector<1x2000x16xf32>
    %get3A_8 = vector.shape_cast %get3A_7 : vector<1x2000x16xf32> to vector<2000x16xf32>
    %slice3A_9 = vector.extract_strided_slice %get3A_8 {offsets = [0, 0], sizes = [2000, 1], strides = [1, 1]} : vector<2000x16xf32> to vector<2000x1xf32>
    %add3A = arith.addf %slice3A, %slice3A_9 : vector<2000x1xf32>
    %max3A = arith.constant 1.000000e+00 : f32
    %max3A_10 = vector.broadcast %max3A : f32 to vector<2000x1xf32>
    %max3A_11 = arith.maximumf %add3A, %max3A_10 : vector<2000x1xf32>
    %div3A = arith.constant 1.000000e+00 : f32
    %div3A_12 = vector.broadcast %div3A : f32 to vector<2000x1xf32>
    %div3A_13 = arith.divf %div3A_12, %max3A_11 : vector<2000x1xf32>
    %get3A_14 = arith.constant 0 : index
    %get3A_15 = arith.constant 0 : index
    %get3A_16 = vector.load %arg1[%get3A_14, %get3A_15] : memref<2000x128xf32, #tpu.memory_space<vmem>>, vector<2000x128xf32>
    %get3A_17 = arith.constant 0 : index
    %get3A_18 = arith.constant 0 : index
    %get3A_19 = arith.constant 0 : index
    %get3A_20 = vector.load %arg2[%get3A_17, %get3A_18, %get3A_19] : memref<1x2000x128xf32, #tpu.memory_space<vmem>>, vector<1x2000x128xf32>
    %get3A_21 = vector.shape_cast %get3A_20 : vector<1x2000x128xf32> to vector<2000x128xf32>
    %get3A_22 = arith.constant 0 : index
    %get3A_23 = arith.constant 0 : index
    %get3A_24 = arith.constant 0 : index
    %get3A_25 = vector.load %arg3[%get3A_22, %get3A_23, %get3A_24] : memref<1x2000x128xf32, #tpu.memory_space<vmem>>, vector<1x2000x128xf32>
    %get3A_26 = vector.shape_cast %get3A_25 : vector<1x2000x128xf32> to vector<2000x128xf32>
    %add3A_27 = arith.addf %get3A_21, %get3A_26 : vector<2000x128xf32>
    %mul3A = vector.broadcast %div3A_13 : vector<2000x1xf32> to vector<2000x128xf32>
    %mul3A_28 = arith.mulf %add3A_27, %mul3A : vector<2000x128xf32>
    %add3A_29 = arith.addf %get3A_16, %mul3A_28 : vector<2000x128xf32>
    %max3A_30 = arith.constant 0.000000e+00 : f32
    %max3A_31 = vector.broadcast %max3A_30 : f32 to vector<2000x128xf32>
    %max3A_32 = arith.maximumf %add3A_29, %max3A_31 : vector<2000x128xf32>
    %get3A_33 = arith.constant 0 : index
    %get3A_34 = arith.constant 0 : index
    %get3A_35 = vector.load %arg6[%get3A_33, %get3A_34] : memref<128x64xf32, #tpu.memory_space<vmem>>, vector<128x64xf32>
    %dot_general3A = arith.constant dense<0.000000e+00> : vector<2000x64xf32>
    %dot_general3A_36 = tpu.matmul %max3A_32, %get3A_35, %dot_general3A {dimension_numbers = #tpu.dot_dimension_numbers<[1], [0], [0], [1], [0, 0, 1, 1], [], []>, transpose_lhs_hint = false} : vector<2000x128xf32>, vector<128x64xf32>, vector<2000x64xf32> -> vector<2000x64xf32>
    %get3A_37 = arith.constant 0 : index
    %get3A_38 = arith.constant 0 : index
    %get3A_39 = vector.load %arg8[%get3A_37, %get3A_38] : memref<1x64xf32, #tpu.memory_space<vmem>>, vector<1x64xf32>
    %add3A_40 = vector.broadcast %get3A_39 : vector<1x64xf32> to vector<2000x64xf32>
    %add3A_41 = arith.addf %dot_general3A_36, %add3A_40 : vector<2000x64xf32>
    %swap3A = arith.constant 0 : index
    %swap3A_42 = arith.constant 0 : index
    %swap3A_43 = vector.load %arg9[%swap3A, %swap3A_42] : memref<2000x64xf32, #tpu.memory_space<vmem>>, vector<2000x64xf32>
    tpu.vector_store %arg9[%swap3A, %swap3A_42], %add3A_41 {strides = array<i32>} : memref<2000x64xf32, #tpu.memory_space<vmem>>, vector<2000x64xf32>,
    %get3A_44 = arith.constant 0 : index
    %get3A_45 = arith.constant 0 : index
    %get3A_46 = vector.load %arg7[%get3A_44, %get3A_45] : memref<128x64xf32, #tpu.memory_space<vmem>>, vector<128x64xf32>
    %dot_general3A_47 = arith.constant dense<0.000000e+00> : vector<2000x64xf32>
    %dot_general3A_48 = tpu.matmul %max3A_32, %get3A_46, %dot_general3A_47 {dimension_numbers = #tpu.dot_dimension_numbers<[1], [0], [0], [1], [0, 0, 1, 1], [], []>, transpose_lhs_hint = false} : vector<2000x128xf32>, vector<128x64xf32>, vector<2000x64xf32> -> vector<2000x64xf32>
    %swap3A_49 = arith.constant 0 : index
    %swap3A_50 = arith.constant 0 : index
    %swap3A_51 = vector.load %arg10[%swap3A_49, %swap3A_50] : memref<2000x64xf32, #tpu.memory_space<vmem>>, vector<2000x64xf32>
    tpu.vector_store %arg10[%swap3A_49, %swap3A_50], %dot_general3A_48 {strides = array<i32>} : memref<2000x64xf32, #tpu.memory_space<vmem>>, vector<2000x64xf32>,
    return
  }
  func.func @transform_0(%arg0: i32) -> (i32, i32) {
    %c0_i32 = arith.constant 0 : i32
    %c0_i32_0 = arith.constant 0 : i32
    return %arg0, %c0_i32 : i32, i32
  }
  func.func @transform_1(%arg0: i32) -> (i32, i32, i32) {
    %c0_i32 = arith.constant 0 : i32
    %c0_i32_0 = arith.constant 0 : i32
    %c0_i32_1 = arith.constant 0 : i32
    return %c0_i32, %arg0, %c0_i32_0 : i32, i32, i32
  }
  func.func @transform_2(%arg0: i32) -> (i32, i32, i32) {
    %c1_i32 = arith.constant 1 : i32
    %c0_i32 = arith.constant 0 : i32
    %c0_i32_0 = arith.constant 0 : i32
    return %c1_i32, %arg0, %c0_i32 : i32, i32, i32
  }
  func.func @transform_3(%arg0: i32) -> (i32, i32, i32) {
    %c0_i32 = arith.constant 0 : i32
    %c0_i32_0 = arith.constant 0 : i32
    %c0_i32_1 = arith.constant 0 : i32
    return %c0_i32, %arg0, %c0_i32_0 : i32, i32, i32
  }
  func.func @transform_4(%arg0: i32) -> (i32, i32, i32) {
    %c1_i32 = arith.constant 1 : i32
    %c0_i32 = arith.constant 0 : i32
    %c0_i32_0 = arith.constant 0 : i32
    return %c1_i32, %arg0, %c0_i32 : i32, i32, i32
  }
  func.func @transform_5(%arg0: i32) -> (i32, i32) {
    %c0_i32 = arith.constant 0 : i32
    %c0_i32_0 = arith.constant 0 : i32
    %c0_i32_1 = arith.constant 0 : i32
    return %c0_i32, %c0_i32_0 : i32, i32
  }
  func.func @transform_6(%arg0: i32) -> (i32, i32) {
    %c0_i32 = arith.constant 0 : i32
    %c0_i32_0 = arith.constant 0 : i32
    %c0_i32_1 = arith.constant 0 : i32
    return %c0_i32, %c0_i32_0 : i32, i32
  }
  func.func @transform_7(%arg0: i32) -> (i32, i32) {
    %c0_i32 = arith.constant 0 : i32
    %c0_i32_0 = arith.constant 0 : i32
    %c0_i32_1 = arith.constant 0 : i32
    return %c0_i32, %c0_i32_0 : i32, i32
  }
  func.func @transform_8(%arg0: i32) -> (i32, i32) {
    %c0_i32 = arith.constant 0 : i32
    %c0_i32_0 = arith.constant 0 : i32
    return %arg0, %c0_i32 : i32, i32
  }
  func.func @transform_9(%arg0: i32) -> (i32, i32) {
    %c0_i32 = arith.constant 0 : i32
    %c0_i32_0 = arith.constant 0 : i32
    return %arg0, %c0_i32 : i32, i32
  }
}

module attributes {stable_mosaic.version = 14 : i64} {
  func.func @body(%arg0: i32, %arg1: memref<2000x64xf32, #tpu.memory_space<vmem>>, %arg2: memref<1x2000x64xf32, #tpu.memory_space<vmem>>, %arg3: memref<1x2000x64xf32, #tpu.memory_space<vmem>>, %arg4: memref<1x2000x16xf32, #tpu.memory_space<vmem>>, %arg5: memref<1x2000x16xf32, #tpu.memory_space<vmem>>, %arg6: memref<2000x40xf32, #tpu.memory_space<vmem>>) attributes {dimension_semantics = [#tpu.dimension_semantics<arbitrary>], iteration_bounds = array<i64: 5>, scalar_prefetch = 0 : i64, scratch_operands = 0 : i64, tpu.core_type = #tpu.core_type<tc>, window_params = [{transform_indices = @transform_0, window_bounds = array<i64: 2000, 64>}, {transform_indices = @transform_1, window_bounds = array<i64: 1, 2000, 64>}, {transform_indices = @transform_2, window_bounds = array<i64: 1, 2000, 64>}, {transform_indices = @transform_3, window_bounds = array<i64: 1, 2000, 16>}, {transform_indices = @transform_4, window_bounds = array<i64: 1, 2000, 16>}, {transform_indices = @transform_5, window_bounds = array<i64: 2000, 40>}]} {
    %get3A = arith.constant 0 : index
    %get3A_0 = arith.constant 0 : index
    %get3A_1 = arith.constant 0 : index
    %get3A_2 = vector.load %arg4[%get3A, %get3A_0, %get3A_1] : memref<1x2000x16xf32, #tpu.memory_space<vmem>>, vector<1x2000x16xf32>
    %get3A_3 = vector.shape_cast %get3A_2 : vector<1x2000x16xf32> to vector<2000x16xf32>
    %slice3A = vector.extract_strided_slice %get3A_3 {offsets = [0, 0], sizes = [2000, 1], strides = [1, 1]} : vector<2000x16xf32> to vector<2000x1xf32>
    %get3A_4 = arith.constant 0 : index
    %get3A_5 = arith.constant 0 : index
    %get3A_6 = arith.constant 0 : index
    %get3A_7 = vector.load %arg5[%get3A_4, %get3A_5, %get3A_6] : memref<1x2000x16xf32, #tpu.memory_space<vmem>>, vector<1x2000x16xf32>
    %get3A_8 = vector.shape_cast %get3A_7 : vector<1x2000x16xf32> to vector<2000x16xf32>
    %slice3A_9 = vector.extract_strided_slice %get3A_8 {offsets = [0, 0], sizes = [2000, 1], strides = [1, 1]} : vector<2000x16xf32> to vector<2000x1xf32>
    %add3A = arith.addf %slice3A, %slice3A_9 : vector<2000x1xf32>
    %max3A = arith.constant 1.000000e+00 : f32
    %max3A_10 = vector.broadcast %max3A : f32 to vector<2000x1xf32>
    %max3A_11 = arith.maximumf %add3A, %max3A_10 : vector<2000x1xf32>
    %div3A = arith.constant 1.000000e+00 : f32
    %div3A_12 = vector.broadcast %div3A : f32 to vector<2000x1xf32>
    %div3A_13 = arith.divf %div3A_12, %max3A_11 : vector<2000x1xf32>
    %get3A_14 = arith.constant 0 : index
    %get3A_15 = arith.constant 0 : index
    %get3A_16 = vector.load %arg1[%get3A_14, %get3A_15] : memref<2000x64xf32, #tpu.memory_space<vmem>>, vector<2000x64xf32>
    %get3A_17 = arith.constant 0 : index
    %get3A_18 = arith.constant 0 : index
    %get3A_19 = arith.constant 0 : index
    %get3A_20 = vector.load %arg2[%get3A_17, %get3A_18, %get3A_19] : memref<1x2000x64xf32, #tpu.memory_space<vmem>>, vector<1x2000x64xf32>
    %get3A_21 = vector.shape_cast %get3A_20 : vector<1x2000x64xf32> to vector<2000x64xf32>
    %get3A_22 = arith.constant 0 : index
    %get3A_23 = arith.constant 0 : index
    %get3A_24 = arith.constant 0 : index
    %get3A_25 = vector.load %arg3[%get3A_22, %get3A_23, %get3A_24] : memref<1x2000x64xf32, #tpu.memory_space<vmem>>, vector<1x2000x64xf32>
    %get3A_26 = vector.shape_cast %get3A_25 : vector<1x2000x64xf32> to vector<2000x64xf32>
    %add3A_27 = arith.addf %get3A_21, %get3A_26 : vector<2000x64xf32>
    %mul3A = vector.broadcast %div3A_13 : vector<2000x1xf32> to vector<2000x64xf32>
    %mul3A_28 = arith.mulf %add3A_27, %mul3A : vector<2000x64xf32>
    %add3A_29 = arith.addf %get3A_16, %mul3A_28 : vector<2000x64xf32>
    %slice3A_30 = vector.extract_strided_slice %add3A_29 {offsets = [0, 0], sizes = [2000, 40], strides = [1, 1]} : vector<2000x64xf32> to vector<2000x40xf32>
    %swap3A = arith.constant 0 : index
    %swap3A_31 = arith.constant 0 : index
    %swap3A_32 = vector.load %arg6[%swap3A, %swap3A_31] : memref<2000x40xf32, #tpu.memory_space<vmem>>, vector<2000x40xf32>
    tpu.vector_store %arg6[%swap3A, %swap3A_31], %slice3A_30 {strides = array<i32>} : memref<2000x40xf32, #tpu.memory_space<vmem>>, vector<2000x40xf32>,
    return
  }
  func.func @transform_0(%arg0: i32) -> (i32, i32) {
    %c0_i32 = arith.constant 0 : i32
    %c0_i32_0 = arith.constant 0 : i32
    return %arg0, %c0_i32 : i32, i32
  }
  func.func @transform_1(%arg0: i32) -> (i32, i32, i32) {
    %c0_i32 = arith.constant 0 : i32
    %c0_i32_0 = arith.constant 0 : i32
    %c0_i32_1 = arith.constant 0 : i32
    return %c0_i32, %arg0, %c0_i32_0 : i32, i32, i32
  }
  func.func @transform_2(%arg0: i32) -> (i32, i32, i32) {
    %c1_i32 = arith.constant 1 : i32
    %c0_i32 = arith.constant 0 : i32
    %c0_i32_0 = arith.constant 0 : i32
    return %c1_i32, %arg0, %c0_i32 : i32, i32, i32
  }
  func.func @transform_3(%arg0: i32) -> (i32, i32, i32) {
    %c0_i32 = arith.constant 0 : i32
    %c0_i32_0 = arith.constant 0 : i32
    %c0_i32_1 = arith.constant 0 : i32
    return %c0_i32, %arg0, %c0_i32_0 : i32, i32, i32
  }
  func.func @transform_4(%arg0: i32) -> (i32, i32, i32) {
    %c1_i32 = arith.constant 1 : i32
    %c0_i32 = arith.constant 0 : i32
    %c0_i32_0 = arith.constant 0 : i32
    return %c1_i32, %arg0, %c0_i32 : i32, i32, i32
  }
  func.func @transform_5(%arg0: i32) -> (i32, i32) {
    %c0_i32 = arith.constant 0 : i32
    %c0_i32_0 = arith.constant 0 : i32
    return %arg0, %c0_i32 : i32, i32
  }
}

</mosaic_0001>

<sc_bundles>
// kernel: kernel.12.cloned.1.call-start
scs
__scs_entry_jumppad:
0x0: {  	(pc) =	sbr.rel $0x88, $3  }
0x1: {  	(tag) =	ssettag $0x0;
	lr =	simm.s32 $0x1  }
0x2: {  	[smem:$0x3F96] =	sst lr;
	_ =	strace $0xD0000000  }
0x3: {  	_ = 	snop  }
0x4: {  	_ = 	snop  }
0x5: {  	_ = 	snop  }
0x6: {  	_ = 	snop  }
0x7: {  	_ = 	snop  }
__scs_overlays_trampoline_lowered:
0x8: {  	[smem:$0x3FA5] =	sst s0  }
0x9: {  	[smem:$0x3FA6] =	sst s1  }
0xa: {  	[smem:$0x3FA7] =	sst s2  }
0xb: {  	[smem:$0x3FA8] =	sst s3  }
0xc: {  	[smem:$0x3FA9] =	sst s4  }
0xd: {  	[smem:$0x3FAA] =	sst s5  }
0xe: {  	[smem:$0x3FAB] =	sst s6  }
0xf: {  	[smem:$0x3FAC] =	sst s7  }
0x10: {  	[smem:$0x3FAD] =	sst s8  }
0x11: {  	[smem:$0x3FAE] =	sst s9;
	s0 =	simm.s32 @!p0 $0x0  }
0x12: {  	s1 =	sld [smem:$0x3F94];
	s0 =	simm.s32 @p0 $0x1  }
0x13: {  	[smem:$0x3FAF] =	sst s0;
	s0 =	simm.s32 @!p1 $0x0  }
0x14: {  	s2 =	sld [smem:$0x3F93];
	s0 =	simm.s32 @p1 $0x1  }
0x15: {  	[smem:$0x3FB0] =	sst s0;
	s0 =	simm.s32 @!p2 $0x0  }
0x16: {  	s3 =	sld [smem:$0x3FDB];
	s0 =	simm.s32 @p2 $0x1  }
0x17: {  	s4 =	simm.s32 $0x1BF5;
	[smem:$0x3FB2] =	sst s0  }
0x18: {  	s0 =	sld [smem:$0x3F95];
	_ =	swait.ge [sflag:s4], $0x0  }
0x19: {  	s7 =	sld [smem:$0x3F96]  }
0x1a: {  	s8 =	sadd.s32 $0xFFFFE003, lr  }
0x1b: {  	s9 =	sadd.s32 $0xFFFFFEF7, lr;
	s5 =	simm.s32 $0xFFFFFFFF;
	p2 =	slt.u32 s8, $0xFFFFF086  }
0x1c: {  	p1 =	slt.u32 s9, $0xF7A;
	s5 =	simm.s32 @!p2 $0x0  }
0x1d: {  	s5 =	simm.s32 @p1 $0x1;
	p0 =	seq.s32 s7, s2  }
0x1e: {  	s7 =	smul.u32 @!p0 $0xF7A, s2;
	p2 =	seq.s32 @!p0 s5, $0x0  }
0x1f: {  	s9 =	smul.u32 $0xF7A, s1;
	s8 =	simm.s32 @!p0 $0x1BF5;
	p2 =	por !p2, p0  }
0x20: {  	[sflag:s8] =	ssyncset.s32 @!p0 $0xFFFFF086;
	s6 =	sadd.s32 @!p0 s3, s7;
	s7 =	simm.s32 @!p0 $0x108  }
0x21: {  	s3 =	sadd.s32 s3, s9;
	s6 =	sadd.s32 @!p0 $0x88, s6;
	s7 =	simm.s32 @p2 $0x1082  }
0x22: {  	[simem:s7], [sflag:s8] =	dma.local @!p0 [hbm:s6], $0xF7A  }
0x23: {  	s9 =	sor.u32 $0xD0000000, s2;
	s6 =	simm.s32 $0x108;
	_ =	swait.ge @!p0 [sflag:s8], $0x0  }
0x24: {  	s3 =	sadd.s32 $0x88, s3;
	s6 =	simm.s32 @!p1 $0x1082;
	[sflag:s4] =	ssyncset.s32 $0xFFFFF086  }
0x25: {  	[simem:s6], [sflag:s4] =	dma.local [hbm:s3], $0xF7A  }
0x26: {  	[smem:$0x3F96] =	sst s1;
	(tag) =	ssettag s2;
	_ =	strace s9  }
0x27: {  	s1 =	sld [smem:$0x3FA6]  }
0x28: {  	s2 =	sld [smem:$0x3FA7]  }
0x29: {  	s4 =	sld [smem:$0x3FA9]  }
0x2a: {  	p0 =	seq.s32 s5, $0x0;
	s5 =	sld [smem:$0x3FAA]  }
0x2b: {  	s6 =	sld [smem:$0x3FAB]  }
0x2c: {  	s7 =	sld [smem:$0x3FAC]  }
0x2d: {  	s3 =	simm.s32 $0x108;
	s8 =	sld [smem:$0x3FAD]  }
0x2e: {  	s3 =	simm.s32 @!p0 $0x1082;
	s9 =	sld [smem:$0x3FAE]  }
0x2f: {  	lr =	sadd.s32 s0, s3;
	s0 =	sld [smem:$0x3FA5]  }
0x30: {  	s3 =	sld [smem:$0x3FA8]  }
0x31: {  	[smem:$0x3FB1] =	sst s10  }
0x32: {  	s10 =	sld [smem:$0x3FAF];
	_ =	sdelay $0x3  }
0x33: {  	p0 =	seq.s32 s10, $0x1;
	s10 =	sld [smem:$0x3FB1];
	_ =	sdelay $0x3  }
0x34: {  	[smem:$0x3FB1] =	sst s10  }
0x35: {  	s10 =	sld [smem:$0x3FB0];
	_ =	sdelay $0x3  }
0x36: {  	p1 =	seq.s32 s10, $0x1;
	s10 =	sld [smem:$0x3FB1];
	_ =	sdelay $0x3  }
0x37: {  	[smem:$0x3FB1] =	sst s10  }
0x38: {  	s10 =	sld [smem:$0x3FB2]  }
0x39: {  	_ = 	snop;
	(pc) =	sbr.ind lr, $3  }
0x3a: {  	_ = 	snop  }
0x3b: {  	_ = 	snop  }
0x3c: {  	p2 =	seq.s32 s10, $0x1;
	s10 =	sld [smem:$0x3FB1]  }
0x3d: {  	_ =	shalt  }
0x3e: {  	_ =	shalt  }
0x3f: {  	_ =	shalt  }
0x40: {  	_ =	shalt  }
0x41: {  	_ =	shalt  }
0x42: {  	_ =	shalt  }
0x43: {  	_ =	shalt  }
0x44: {  	_ =	shalt  }
0x45: {  	_ =	shalt  }
0x46: {  	_ =	shalt  }
0x47: {  	_ =	shalt  }
0x48: {  	_ =	shalt  }
0x49: {  	_ =	shalt  }
0x4a: {  	_ =	shalt  }
0x4b: {  	_ =	shalt  }
0x4c: {  	_ =	shalt  }
0x4d: {  	_ =	shalt  }
0x4e: {  	_ =	shalt  }
0x4f: {  	_ =	shalt  }
0x50: {  	_ =	shalt  }
0x51: {  	_ =	shalt  }
0x52: {  	_ =	shalt  }
0x53: {  	_ =	shalt  }
0x54: {  	_ =	shalt  }
0x55: {  	_ =	shalt  }
0x56: {  	_ =	shalt  }
0x57: {  	_ =	shalt  }
0x58: {  	_ =	shalt  }
0x59: {  	_ =	shalt  }
0x5a: {  	_ =	shalt  }
0x5b: {  	_ =	shalt  }
0x5c: {  	_ =	shalt  }
0x5d: {  	_ =	shalt  }
0x5e: {  	_ =	shalt  }
0x5f: {  	_ =	shalt  }
0x60: {  	_ =	shalt  }
0x61: {  	_ =	shalt  }
0x62: {  	_ =	shalt  }
0x63: {  	_ =	shalt  }
0x64: {  	_ =	shalt  }
0x65: {  	_ =	shalt  }
0x66: {  	_ =	shalt  }
0x67: {  	_ =	shalt  }
0x68: {  	_ =	shalt  }
0x69: {  	_ =	shalt  }
0x6a: {  	_ =	shalt  }
0x6b: {  	_ =	shalt  }
0x6c: {  	_ =	shalt  }
0x6d: {  	_ =	shalt  }
0x6e: {  	_ =	shalt  }
0x6f: {  	_ =	shalt  }
0x70: {  	_ =	shalt  }
0x71: {  	_ =	shalt  }
0x72: {  	_ =	shalt  }
0x73: {  	_ =	shalt  }
0x74: {  	_ =	shalt  }
0x75: {  	_ =	shalt  }
0x76: {  	_ =	shalt  }
0x77: {  	_ =	shalt  }
0x78: {  	_ =	shalt  }
0x79: {  	_ =	shalt  }
0x7a: {  	_ =	shalt  }
0x7b: {  	_ =	shalt  }
0x7c: {  	_ =	shalt  }
0x7d: {  	_ =	shalt  }
0x7e: {  	_ =	shalt  }
0x7f: {  	_ =	shalt  }
0x80: {  	_ =	shalt  }
0x81: {  	_ =	shalt  }
0x82: {  	_ =	shalt  }
0x83: {  	_ =	shalt  }
0x84: {  	_ =	shalt  }
0x85: {  	_ =	shalt  }
0x86: {  	_ =	shalt  }
0x87: {  	_ =	shalt  }
.Lfunc_end0:
.L_simem_size_0:
called_computation.1_lowered:
.L_overlay_start_0:
0x88: {  	s2 =	sld [smem:$0x3FD9]  }
0x89: {  	s3 =	sld [smem:$0x3FFE];
	_ =	sdelay $0x1  }
0x8a: {  	s1 =	srdreg.scid  }
0x8b: {  	s0 =	sand.u32 $0x1, s1  }
0x8c: {  	s16 =	sshll.u32 s0, $0xA;
	s2 =	sadd.s32 s3, s2  }
0x8d: {  	s2 =	sadd.s32 s2, s16  }
0x8e: {  	[smem:$0x3FBD] =	sst s2  }
0x8f: {  	_ = 	snop  }
0x90: {  	(tm) =	ssettm $0x1  }
0x91: {  	s17 =	sld [smem:$0x3FFB];
	_ =	sdelay $0x3  }
0x92: {  	_ =	strace s17  }
0x93: {  	s2 =	sld [smem:$0x3FFC];
	_ =	sdelay $0x3  }
0x94: {  	_ =	strace s2  }
0x95: {  	s2 =	sld [smem:$0x3FFD];
	_ =	sdelay $0x3  }
0x96: {  	_ =	strace s2  }
0x97: {  	_ =	strace $0x8FFFFFFF  }
0x98: {  	s18 =	sld [smem:$0x3FDB];
	_ =	sdelay $0x1  }
0x99: {  	s19 =	simm.s32 $_scs_section_size  }
0x9a: {  	s4 =	simm.s32 $_size__tile_overlayer_lowered;
	s5 =	simm.s32 $_tile_overlayer_lowered  }
0x9b: {  	s22 =	simm.s32 $0x1BFF;
	s21 =	sshll.u32 s5, $0x1;
	s2 =	sadd.s32 s19, s18  }
0x9c: {  	s6 =	simm.s32 $0x0;
	s20 =	sshll.u32 s4, $0x1;
	s4 =	sadd.s32 s21, s2  }
0x9d: {  	[timem:s6], [sflag:s22] =	dma.local [hbm:s4], s20  }
0x9e: {  	_ =	swait.ge [sflag:s22], s20  }
0x9f: {  	s3 =	ssub.s32 $0x0, s20;
	[sflag:s22] =	ssyncset.done $0x0  }
0xa0: {  	[sflag:s22] =	ssyncadd.s32 s3;
	_ =	sdelay $0x1  }
0xa1: {  	s23 =	simm.s32 $0x1B8B  }
0xa2: {  	_ =	swait.ge [sflag:s23], $0x1  }
0xa3: {  	[sflag:s23] =	ssyncset.done $0x0  }
0xa4: {  	s25 =	simm.s32 $0x1B8E;
	s24 =	sld [smem:$0x3FFE];
	[sflag:s23] =	ssyncadd.s32 $0xFFFFFFFF  }
0xa5: {  	s26 =	simm.s32 $execute0_lowered;
	[smem:$0x3FD2] =	sst s25  }
0xa6: {  	s4 =	sshll.u32 s26, $0x1;
	_ =	strace $0x80000049;
	[dreg:$0x1] =	wrdreg $0xFFFFFFFF  }
0xa7: {  	s28 =	simm.s32 $_size_execute0_lowered;
	s2 =	sadd.s32 s2, s4;
	[dreg:$0x0] =	wrdreg $0x0  }
0xa8: {  	s4 =	sshll.u32 s28, $0x1;
	[dreg:$0x2] =	wrdreg s2  }
0xa9: {  	[dreg:$0x3] =	wrdreg s4  }
0xaa: {  	[dreg:$0x4] =	wrdreg $0xC0  }
0xab: {  	_ =	task [dreg:s6], $0x5FFFF  }
0xac: {  	[dreg:$0x1] =	wrdreg $0xFFFFFFFF  }
0xad: {  	[dreg:$0x0] =	wrdreg $0x60  }
0xae: {  	[dreg:$0x2] =	wrdreg s24  }
0xaf: {  	[dreg:$0x3] =	wrdreg $0xA2800  }
0xb0: {  	[dreg:$0x4] =	wrdreg $0x9  }
0xb1: {  	_ =	task.clear_ibuf [dreg:s6], $0x5FFFF;
	_ =	strace $0x90000049  }
0xb2: {  	s29 =	simm.s32 $0x9;
	_ =	strace $0x8000004B  }
0xb3: {  	_ =	swait.ge [sflag:s29], $0x1  }
0xb4: {  	[sflag:s29] =	ssyncadd.s32 $0xFFFFFFFF  }
0xb5: {  	_ =	strace $0x9000004B  }
0xb6: {  	_ =	sfence  }
0xb7: {  	s30 =	sld [smem:$0x0];
	_ =	sdelay $0x2  }
0xb8: {  	s31 =	sshll.u32 s1, $0xD;
	s1 =	sshrl.u32 s1, $0x2  }
0xb9: {  	s3 =	sand.u32 $0x4000, s31;
	s1 =	sadd.s32 s1, s30  }
0xba: {  	s0 =	sor.u32 s3, s0;
	s1 =	sshll.u32 s1, $0x11  }
0xbb: {  	s0 =	sor.u32 s1, s0  }
0xbc: {  	s0 =	sadd.s32 $0x8F2B, s0  }
0xbd: {  	[sflag:s0] =	ssyncadd.remote.s32 $0x1  }
0xbe: {  	_ =	sfence.sel $0xFFFF  }
0xbf: {  	[dreg:$0x0] =	wrdreg $0xFFFFFFFF;
	(pc) =	sbr.abs _section_cstart, $3  }
0xc0: {  	[dreg:$0x1] =	wrdreg $0xFFFFFFFF  }
0xc1: {  	_ =	task.clear_ibuf [dreg:s6], $0x2FFFF;
	_ =	strace $0x9FFFFFFF  }
0xc2: {  	(tm) =	ssettm $0x7FFFFFFF  }
0xc3: {  	_ =	shalt  }
tec
execute0_lowered:
.L_overlay_start_1:
0x0: {  	(tag) =	ssettag $0x1  }
0x1: {  	s0 =	rddreg [dreg:$0x0]  }
0x2: {  	s2 =	rddreg [dreg:$0x1]  }
0x3: {  	s3 =	simm.s32 $0x0;
	s12 =	stileid.u32;
	s1 =	srdreg.scid  }
0x4: {  	s28 =	simm.s32 $0xD;
	s29 =	simm.s32 $0x5;
	s30 =	simm.s32 $0x280  }
0x5: {  	s6 =	smul.u32 $0x13C00, s12;
	s1 =	sand.u32 $0x1, s1;
	s4 =	sshll.u32 s12, $0x1  }
0x6: {  	s31 =	simm.s32 $0x6;
	s5 =	smul.u32 $0x13C000, s1;
	s7 =	sor.u32 s1, s4  }
0x7: {  	[smem:$0x7FF] =	sst s3;
	s9 =	sadd.s32 $0x2E00, s0;
	s7 =	smul.u32 $0x50, s7  }
0x8: {  	s22 =	sshll.u32 s12, $0x6;
	s4 =	sadd.s32 $0x16800, s0;
	s5 =	sadd.s32 s6, s5  }
0x9: {  	s8 =	sshrl.u32 s6, $0x3;
	s5 =	sshrl.u32 s5, $0x3;
	s7 =	sshrl.u32 s7, $0x3  }
0xa: {  	s8 =	sadd.s32 s8, s0;
	s0 =	sadd.s32 s5, s0;
	s5 =	sadd.s32 s9, s7  }
0xb: {  	_ =	strace $0x8000004A;
	s10 =	ssub.s32 $0x2, s1;
	s14 =	sadd.s32 $0x9C40, s5  }
0xc: {  	s21 =	smul.u32 $0x50, s1;
	s15 =	sadd.s32 $0x140, s5;
	[dreg:$0x3] =	wrdreg s14  }
0xd: {  	s1 =	smul.u32 $0xA, s1;
	s16 =	sadd.s32 $0x9D80, s5;
	[dreg:$0x4] =	wrdreg s15  }
0xe: {  	s11 =	sshrl.u32 s10, $0x1;
	s17 =	sadd.s32 $0x280, s5;
	[dreg:$0x5] =	wrdreg s16  }
0xf: {  	s13 =	sadd.s32 s6, s2;
	s18 =	sadd.s32 $0x9EC0, s5;
	[dreg:$0x6] =	wrdreg s17  }
0x10: {  	s11 =	ssub.s32 s10, s11;
	s19 =	sadd.s32 $0x3C0, s5;
	[dreg:$0x7] =	wrdreg s18  }
0x11: {  	s20 =	sadd.s32 $0xA000, s5;
	s16 =	smul.u32 $0x14, s12;
	[dreg:$0x8] =	wrdreg s19  }
0x12: {  	s17 =	smul.u32 $0xA0, s12;
	[dreg:$0x9] =	wrdreg s20;
	s14 =	sadd.s32 $0x3DA00, s8  }
0x13: {  	s15 =	sor.u32 $0x1C0D, s22;
	s20 =	simm.s32 $0x140;
	s23 =	sadd.s32 s16, s9  }
.Ltmp0:
0x14: {  	s6 =	sadd.s32 s21, s17;
	s16 =	sadd.s32 $0x65200, s0;
	(pc) =	sbr.rel .LBB2_1-.Ltmp0, $4  }
0x15: {  	s17 =	smax.u32 s11, $0x1;
	s21 =	simm.s32 $0x50;
	s24 =	sadd.s32 s1, s23  }
0x16: {  	s25 =	sadd.s32 $0x50A00, s6;
	s23 =	simm.s32 $0xA0;
	s1 =	simm.s32 $0x7  }
0x17: {  	s7 =	sadd.s32 $0x500, s24;
	s26 =	sshrl.u32 s25, $0x3;
	s24 =	simm.s32 $0x1  }
0x18: {  	s25 =	simm.s32 $0x9;
	s6 =	sadd.s32 s26, s9;
	s26 =	simm.s32 $0x0  }
.LBB2_7:
0x19: {  	_ =	swait.ge [sflag:s25], $0x2800  }
0x1a: {  	s26 =	sadd.s32 $0x1, s26;
	[sflag:s25] =	ssyncset.done $0x0  }
0x1b: {  	p0 =	sne.s32 s26, s17;
	[sflag:s25] =	ssyncadd.s32 $0xFFFFD800  }
.Ltmp1:
0x1c: {  	[bflag:$0x0] =	sbarrier.arrive $0xFFFF;
	(pc) =	sbr.rel @!p0 .LBB2_8-.Ltmp1, $4  }
0x1d: {  	[hbm:s16], [sflag:s15] =	dma.local [spmem:s0], $0x2780  }
0x1e: {  	_ =	swait.ge [sflag:s28], $0x2780  }
0x1f: {  	[sflag:s28] =	ssyncset.done $0x0  }
0x20: {  	[sflag:s28] =	ssyncadd.s32 $0xFFFFD880  }
.LBB2_1:
0x21: {  	[tilespmem:s3], [sflag:$0x5] =	stream.linear.gather [hbm4b:s5+s3], $0x50, $0x38;
	[tilespmem:$0x1DE80] =	vst v63  }
0x22: {  	s0 =	rddreg [dreg:$0x3]  }
0x23: {  	[tilespmem:s20], [sflag:$0x5] =	stream.linear.gather [hbm4b:s0+s3], $0x50, $0x38;
	[tilespmem:$0x1DE80] =	vst v63  }
0x24: {  	s18 =	rddreg [dreg:$0x4]  }
0x25: {  	[tilespmem:s21], [sflag:$0x6] =	stream.linear.gather [hbm4b:s18+s3], $0x50, $0x38;
	[tilespmem:$0x1DE80] =	vst v63  }
0x26: {  	s19 =	rddreg [dreg:$0x5];
	s8 =	simm.s32 $0x190  }
0x27: {  	[tilespmem:s8], [sflag:$0x6] =	stream.linear.gather [hbm4b:s19+s3], $0x50, $0x38;
	[tilespmem:$0x1DE80] =	vst v63  }
0x28: {  	s22 =	rddreg [dreg:$0x6]  }
0x29: {  	[tilespmem:s23], [sflag:$0x7] =	stream.linear.gather [hbm4b:s22+s3], $0x50, $0x38;
	[tilespmem:$0x1DE80] =	vst v63  }
0x2a: {  	s9 =	simm.s32 $0x1E0;
	s8 =	rddreg [dreg:$0x7]  }
0x2b: {  	[tilespmem:s9], [sflag:$0x7] =	stream.linear.gather [hbm4b:s8+s3], $0x50, $0x38;
	[tilespmem:$0x1DE80] =	vst v63  }
0x2c: {  	s10 =	rddreg [dreg:$0x8];
	s11 =	simm.s32 $0xF0  }
0x2d: {  	[tilespmem:s11], [sflag:$0x8] =	stream.linear.gather [hbm4b:s10+s3], $0x50, $0x38;
	[tilespmem:$0x1DE80] =	vst v63  }
0x2e: {  	s12 =	rddreg [dreg:$0x9];
	s0 =	sshrl.u32 s13, $0x3;
	s18 =	simm.s32 $0x230  }
0x2f: {  	[tilespmem:s18], [sflag:$0x8] =	stream.linear.gather [hbm4b:s12+s3], $0x50, $0x38;
	[tilespmem:$0x1DE80] =	vst v63  }
0x30: {  	[spmem:s0], [sflag:s15] =	dma.local [hbm:s14], $0x2780  }
0x31: {  	_ =	swait.ge [sflag:s28], $0x2780  }
0x32: {  	[sflag:s28] =	ssyncset.done $0x0  }
0x33: {  	[sflag:s28] =	ssyncadd.s32 $0xFFFFD880  }
0x34: {  	[bflag:$0x0] =	sbarrier.arrive $0xFFFF  }
0x35: {  	_ =	swait.ge [sflag:s29], $0x50  }
0x36: {  	[sflag:s29] =	ssyncset.done $0x0  }
0x37: {  	[sflag:s29] =	ssyncadd.s32 $0xFFFFFFB0  }
0x38: {  	_ =	swait.ge [sflag:s29], $0x50  }
0x39: {  	[sflag:s29] =	ssyncset.done $0x0  }
0x3a: {  	[sflag:s29] =	ssyncadd.s32 $0xFFFFFFB0  }
0x3b: {  	[tilespmem:s30], [sflag:$0x1] =	stream.indirect.gather [hbm4b:s4+s21], $0x80, s3, s21, $0xb8;
	[tilespmem:$0x1DE80] =	vst v63  }
0x3c: {  	_ =	swait.ge [sflag:s31], $0x50  }
0x3d: {  	[sflag:s31] =	ssyncset.done $0x0  }
0x3e: {  	[sflag:s31] =	ssyncadd.s32 $0xFFFFFFB0  }
0x3f: {  	_ =	swait.ge [sflag:s31], $0x50  }
0x40: {  	[sflag:s31] =	ssyncset.done $0x0  }
0x41: {  	s19 =	simm.s32 $0x2A80;
	[sflag:s31] =	ssyncadd.s32 $0xFFFFFFB0  }
0x42: {  	[tilespmem:s19], [sflag:$0x2] =	stream.indirect.gather [hbm4b:s4+s21], $0x80, s21, s21, $0xb8;
	[tilespmem:$0x1DE80] =	vst v63  }
0x43: {  	_ =	swait.ge [sflag:s1], $0x50  }
0x44: {  	[sflag:s1] =	ssyncset.done $0x0  }
0x45: {  	[sflag:s1] =	ssyncadd.s32 $0xFFFFFFB0  }
0x46: {  	_ =	swait.ge [sflag:s1], $0x50  }
0x47: {  	[sflag:s1] =	ssyncset.done $0x0  }
0x48: {  	s22 =	simm.s32 $0x5280;
	[sflag:s1] =	ssyncadd.s32 $0xFFFFFFB0  }
0x49: {  	[tilespmem:s22], [sflag:$0x3] =	stream.indirect.gather [hbm4b:s4+s21], $0x80, s23, s21, $0xb8;
	[tilespmem:$0x1DE80] =	vst v63  }
.Ltmp2:
0x4a: {  	_ = 	snop;
	(pc) =	sbr.rel .LBB2_2-.Ltmp2, $4  }
0x4b: {  	_ =	swait.ge [sflag:s24], $0x2800  }
0x4c: {  	s18 =	smov.u32 s7;
	[sflag:s24] =	ssyncset.done $0x0  }
0x4d: {  	s19 =	smov.u32 s6;
	s22 =	simm.s32 $0x4;
	[sflag:s24] =	ssyncadd.s32 $0xFFFFD800  }
0x4e: {  	[spmem:s2] =	stream.indirect.scatter.add.f32 [tilespmem:s30], [sflag:$0x9], $0x80, s20, s21, $0xb8;
	[tilespmem:$0x1DE80] =	vst v63  }
.LBB2_3:
0x4f: {  	s10 =	smul.u32 $0x50, s9  }
0x50: {  	s12 =	sadd.s32 $0x5, s9  }
0x51: {  	[tilespmem:s10], [sflag:s12] =	stream.linear.gather [hbm4b:s18+s3], $0x50, $0x38;
	[tilespmem:$0x1DE80] =	vst v63  }
0x52: {  	s10 =	sadd.s32 $0x140, s10  }
0x53: {  	[tilespmem:s10], [sflag:s12] =	stream.linear.gather [hbm4b:s19+s3], $0x50, $0x38;
	[tilespmem:$0x1DE80] =	vst v63  }
.LBB2_5:
0x54: {  	s9 =	sxor.u32 $0x2, s8  }
0x55: {  	s10 =	sadd.s32 $0x5, s9  }
0x56: {  	_ =	swait.ge [sflag:s10], $0x50  }
0x57: {  	[sflag:s10] =	ssyncset.done $0x0  }
0x58: {  	s12 =	smul.u32 $0xA000, s9;
	[sflag:s10] =	ssyncadd.s32 $0xFFFFFFB0  }
0x59: {  	s11 =	smul.u32 $0x140, s9;
	_ =	swait.ge [sflag:s10], $0x50  }
0x5a: {  	s9 =	sadd.s32 $0x1, s9;
	s12 =	sshrl.u32 s12, $0x2;
	[sflag:s10] =	ssyncset.done $0x0  }
0x5b: {  	s11 =	sshrl.u32 s11, $0x2;
	s12 =	sor.u32 $0x280, s12;
	[sflag:s10] =	ssyncadd.s32 $0xFFFFFFB0  }
0x5c: {  	[tilespmem:s12], [sflag:s9] =	stream.indirect.gather [hbm4b:s4+s21], $0x80, s11, s21, $0xb8;
	[tilespmem:$0x1DE80] =	vst v63  }
.LBB2_6:
0x5d: {  	s9 =	smul.u32 $0xA000, s8;
	s22 =	sadd.s32 $0x1, s22  }
0x5e: {  	s11 =	smul.u32 $0x140, s8;
	p0 =	sne.s32 s22, $0x80  }
.Ltmp3:
0x5f: {  	s10 =	sadd.s32 $0x1, s8;
	s12 =	sadd.s32 $0x9, s8;
	(pc) =	sbr.rel @!p0 .LBB2_7-.Ltmp3, $4  }
0x60: {  	s18 =	sadd.s32 $0x140, s18;
	s19 =	sadd.s32 $0x140, s19;
	_ =	swait.ge [sflag:s10], $0x2800  }
0x61: {  	[sflag:s10] =	ssyncset.done $0x0;
	s9 =	sshrl.u32 s9, $0x2;
	s11 =	sshrl.u32 s11, $0x2  }
0x62: {  	[sflag:s10] =	ssyncadd.s32 $0xFFFFD800;
	s9 =	sor.u32 $0x280, s9;
	s10 =	sadd.s32 $0x140, s11  }
0x63: {  	[spmem:s2] =	stream.indirect.scatter.add.f32 [tilespmem:s9], [sflag:s12], $0x80, s10, s21, $0xb8;
	[tilespmem:$0x1DE80] =	vst v63  }
.LBB2_2:
0x64: {  	s8 =	sadd.s32 $0xFFFFFFFD, s22  }
0x65: {  	p0 =	sgt.u32 s8, $0x79  }
.Ltmp4:
0x66: {  	s9 =	sand.u32 $0x3, s22;
	(pc) =	sbr.rel @!p0 .LBB2_3-.Ltmp4, $4  }
0x67: {  	s10 =	sadd.s32 $0x9, s9  }
0x68: {  	_ =	swait.ge [sflag:s10], $0x2800  }
0x69: {  	[sflag:s10] =	ssyncset.done $0x0  }
0x6a: {  	s8 =	sand.u32 $0x3, s8;
	[sflag:s10] =	ssyncadd.s32 $0xFFFFD800  }
0x6b: {  	p0 =	sne.s32 s22, $0x7D  }
.Ltmp5:
0x6c: {  	_ = 	snop;
	(pc) =	sbr.rel @p0 .LBB2_6-.Ltmp5, $4  }
.Ltmp6:
0x6d: {  	_ = 	snop;
	(pc) =	sbr.rel @!p0 .LBB2_5-.Ltmp6, $4  }
0x6e: {  	_ = 	snop  }
0x6f: {  	_ = 	snop  }
0x70: {  	_ = 	snop  }
0x71: {  	_ = 	snop  }
.LBB2_8:
0x72: {  	_ =	sfence.sel $0x180000  }
0x73: {  	[bflag:$0x0] =	sbarrier.arrive $0xFFFF  }
0x74: {  	_ =	strace $0x9000004A  }
0x75: {  	s0 =	stileid.u32;
	[bflag:$0x2] =	sbarrier.arrive $0xFFFF  }
0x76: {  	p0 =	sne.s32 s0, $0x0;
	s0 =	rddreg [dreg:$0x2]  }
0x77: {  	s0 =	sadd.s32 @!p0 $0x100000, s0  }
0x78: {  	[sflag:s0] =	ssyncadd.tile.s32 @!p0 $0x1;
	_ =	shalt  }
.Lfunc_end2:
_tile_overlayer_lowered:
.L_overlay_start_2:
0x79: {  	(tag) =	ssettag $0x2  }
0x7a: {  	s0 =	rddreg [dreg:$0x0];
	s2 =	stileid.u32  }
0x7b: {  	s1 =	rddreg [dreg:$0x1];
	p0 =	sne.s32 s2, $0x0  }
0x7c: {  	s3 =	rddreg [dreg:$0x2];
	[bflag:$0x3] =	sbarrier.arrive $0xFFFF;
	s2 =	simm.s32 @!p0 $0x1C0D  }
0x7d: {  	[timem:s3], [sflag:s2] =	dma.local @!p0 [hbm:s0], s1  }
0x7e: {  	s0 =	simm.s32 @!p0 $0xD  }
0x7f: {  	_ =	swait.ge @!p0 [sflag:s0], s1  }
0x80: {  	s1 =	ssub.s32 @!p0 $0x0, s1;
	[sflag:s0] =	ssyncset.done @!p0 $0x0  }
0x81: {  	[sflag:s0] =	ssyncadd.s32 @!p0 s1  }
0x82: {  	[bflag:$0x3] =	sbarrier.arrive $0xFFFF  }
0x83: {  	_ =	shalt  }

// kernel: kernel.15.cloned.1.call-start
scs
__scs_entry_jumppad:
0x0: {  	(pc) =	sbr.rel $0x88, $3  }
0x1: {  	(tag) =	ssettag $0x0;
	lr =	simm.s32 $0x1  }
0x2: {  	[smem:$0x3F96] =	sst lr;
	_ =	strace $0xD0000000  }
0x3: {  	_ = 	snop  }
0x4: {  	_ = 	snop  }
0x5: {  	_ = 	snop  }
0x6: {  	_ = 	snop  }
0x7: {  	_ = 	snop  }
__scs_overlays_trampoline_lowered:
0x8: {  	[smem:$0x3FA5] =	sst s0  }
0x9: {  	[smem:$0x3FA6] =	sst s1  }
0xa: {  	[smem:$0x3FA7] =	sst s2  }
0xb: {  	[smem:$0x3FA8] =	sst s3  }
0xc: {  	[smem:$0x3FA9] =	sst s4  }
0xd: {  	[smem:$0x3FAA] =	sst s5  }
0xe: {  	[smem:$0x3FAB] =	sst s6  }
0xf: {  	[smem:$0x3FAC] =	sst s7  }
0x10: {  	[smem:$0x3FAD] =	sst s8  }
0x11: {  	[smem:$0x3FAE] =	sst s9;
	s0 =	simm.s32 @!p0 $0x0  }
0x12: {  	s1 =	sld [smem:$0x3F94];
	s0 =	simm.s32 @p0 $0x1  }
0x13: {  	[smem:$0x3FAF] =	sst s0;
	s0 =	simm.s32 @!p1 $0x0  }
0x14: {  	s2 =	sld [smem:$0x3F93];
	s0 =	simm.s32 @p1 $0x1  }
0x15: {  	[smem:$0x3FB0] =	sst s0;
	s0 =	simm.s32 @!p2 $0x0  }
0x16: {  	s3 =	sld [smem:$0x3FDB];
	s0 =	simm.s32 @p2 $0x1  }
0x17: {  	s4 =	simm.s32 $0x1BF5;
	[smem:$0x3FB2] =	sst s0  }
0x18: {  	s0 =	sld [smem:$0x3F95];
	_ =	swait.ge [sflag:s4], $0x0  }
0x19: {  	s7 =	sld [smem:$0x3F96]  }
0x1a: {  	s8 =	sadd.s32 $0xFFFFE003, lr  }
0x1b: {  	s9 =	sadd.s32 $0xFFFFFEF7, lr;
	s5 =	simm.s32 $0xFFFFFFFF;
	p2 =	slt.u32 s8, $0xFFFFF086  }
0x1c: {  	p1 =	slt.u32 s9, $0xF7A;
	s5 =	simm.s32 @!p2 $0x0  }
0x1d: {  	s5 =	simm.s32 @p1 $0x1;
	p0 =	seq.s32 s7, s2  }
0x1e: {  	s7 =	smul.u32 @!p0 $0xF7A, s2;
	p2 =	seq.s32 @!p0 s5, $0x0  }
0x1f: {  	s9 =	smul.u32 $0xF7A, s1;
	s8 =	simm.s32 @!p0 $0x1BF5;
	p2 =	por !p2, p0  }
0x20: {  	[sflag:s8] =	ssyncset.s32 @!p0 $0xFFFFF086;
	s6 =	sadd.s32 @!p0 s3, s7;
	s7 =	simm.s32 @!p0 $0x108  }
0x21: {  	s3 =	sadd.s32 s3, s9;
	s6 =	sadd.s32 @!p0 $0x88, s6;
	s7 =	simm.s32 @p2 $0x1082  }
0x22: {  	[simem:s7], [sflag:s8] =	dma.local @!p0 [hbm:s6], $0xF7A  }
0x23: {  	s9 =	sor.u32 $0xD0000000, s2;
	s6 =	simm.s32 $0x108;
	_ =	swait.ge @!p0 [sflag:s8], $0x0  }
0x24: {  	s3 =	sadd.s32 $0x88, s3;
	s6 =	simm.s32 @!p1 $0x1082;
	[sflag:s4] =	ssyncset.s32 $0xFFFFF086  }
0x25: {  	[simem:s6], [sflag:s4] =	dma.local [hbm:s3], $0xF7A  }
0x26: {  	[smem:$0x3F96] =	sst s1;
	(tag) =	ssettag s2;
	_ =	strace s9  }
0x27: {  	s1 =	sld [smem:$0x3FA6]  }
0x28: {  	s2 =	sld [smem:$0x3FA7]  }
0x29: {  	s4 =	sld [smem:$0x3FA9]  }
0x2a: {  	p0 =	seq.s32 s5, $0x0;
	s5 =	sld [smem:$0x3FAA]  }
0x2b: {  	s6 =	sld [smem:$0x3FAB]  }
0x2c: {  	s7 =	sld [smem:$0x3FAC]  }
0x2d: {  	s3 =	simm.s32 $0x108;
	s8 =	sld [smem:$0x3FAD]  }
0x2e: {  	s3 =	simm.s32 @!p0 $0x1082;
	s9 =	sld [smem:$0x3FAE]  }
0x2f: {  	lr =	sadd.s32 s0, s3;
	s0 =	sld [smem:$0x3FA5]  }
0x30: {  	s3 =	sld [smem:$0x3FA8]  }
0x31: {  	[smem:$0x3FB1] =	sst s10  }
0x32: {  	s10 =	sld [smem:$0x3FAF];
	_ =	sdelay $0x3  }
0x33: {  	p0 =	seq.s32 s10, $0x1;
	s10 =	sld [smem:$0x3FB1];
	_ =	sdelay $0x3  }
0x34: {  	[smem:$0x3FB1] =	sst s10  }
0x35: {  	s10 =	sld [smem:$0x3FB0];
	_ =	sdelay $0x3  }
0x36: {  	p1 =	seq.s32 s10, $0x1;
	s10 =	sld [smem:$0x3FB1];
	_ =	sdelay $0x3  }
0x37: {  	[smem:$0x3FB1] =	sst s10  }
0x38: {  	s10 =	sld [smem:$0x3FB2]  }
0x39: {  	_ = 	snop;
	(pc) =	sbr.ind lr, $3  }
0x3a: {  	_ = 	snop  }
0x3b: {  	_ = 	snop  }
0x3c: {  	p2 =	seq.s32 s10, $0x1;
	s10 =	sld [smem:$0x3FB1]  }
0x3d: {  	_ =	shalt  }
0x3e: {  	_ =	shalt  }
0x3f: {  	_ =	shalt  }
0x40: {  	_ =	shalt  }
0x41: {  	_ =	shalt  }
0x42: {  	_ =	shalt  }
0x43: {  	_ =	shalt  }
0x44: {  	_ =	shalt  }
0x45: {  	_ =	shalt  }
0x46: {  	_ =	shalt  }
0x47: {  	_ =	shalt  }
0x48: {  	_ =	shalt  }
0x49: {  	_ =	shalt  }
0x4a: {  	_ =	shalt  }
0x4b: {  	_ =	shalt  }
0x4c: {  	_ =	shalt  }
0x4d: {  	_ =	shalt  }
0x4e: {  	_ =	shalt  }
0x4f: {  	_ =	shalt  }
0x50: {  	_ =	shalt  }
0x51: {  	_ =	shalt  }
0x52: {  	_ =	shalt  }
0x53: {  	_ =	shalt  }
0x54: {  	_ =	shalt  }
0x55: {  	_ =	shalt  }
0x56: {  	_ =	shalt  }
0x57: {  	_ =	shalt  }
0x58: {  	_ =	shalt  }
0x59: {  	_ =	shalt  }
0x5a: {  	_ =	shalt  }
0x5b: {  	_ =	shalt  }
0x5c: {  	_ =	shalt  }
0x5d: {  	_ =	shalt  }
0x5e: {  	_ =	shalt  }
0x5f: {  	_ =	shalt  }
0x60: {  	_ =	shalt  }
0x61: {  	_ =	shalt  }
0x62: {  	_ =	shalt  }
0x63: {  	_ =	shalt  }
0x64: {  	_ =	shalt  }
0x65: {  	_ =	shalt  }
0x66: {  	_ =	shalt  }
0x67: {  	_ =	shalt  }
0x68: {  	_ =	shalt  }
0x69: {  	_ =	shalt  }
0x6a: {  	_ =	shalt  }
0x6b: {  	_ =	shalt  }
0x6c: {  	_ =	shalt  }
0x6d: {  	_ =	shalt  }
0x6e: {  	_ =	shalt  }
0x6f: {  	_ =	shalt  }
0x70: {  	_ =	shalt  }
0x71: {  	_ =	shalt  }
0x72: {  	_ =	shalt  }
0x73: {  	_ =	shalt  }
0x74: {  	_ =	shalt  }
0x75: {  	_ =	shalt  }
0x76: {  	_ =	shalt  }
0x77: {  	_ =	shalt  }
0x78: {  	_ =	shalt  }
0x79: {  	_ =	shalt  }
0x7a: {  	_ =	shalt  }
0x7b: {  	_ =	shalt  }
0x7c: {  	_ =	shalt  }
0x7d: {  	_ =	shalt  }
0x7e: {  	_ =	shalt  }
0x7f: {  	_ =	shalt  }
0x80: {  	_ =	shalt  }
0x81: {  	_ =	shalt  }
0x82: {  	_ =	shalt  }
0x83: {  	_ =	shalt  }
0x84: {  	_ =	shalt  }
0x85: {  	_ =	shalt  }
0x86: {  	_ =	shalt  }
0x87: {  	_ =	shalt  }
.Lfunc_end0:
.L_simem_size_0:
called_computation.2_lowered:
.L_overlay_start_0:
0x88: {  	s2 =	sld [smem:$0x3FD9]  }
0x89: {  	s3 =	sld [smem:$0x3FFE];
	_ =	sdelay $0x1  }
0x8a: {  	s1 =	srdreg.scid  }
0x8b: {  	s0 =	sand.u32 $0x1, s1  }
0x8c: {  	s16 =	sshll.u32 s0, $0xA;
	s2 =	sadd.s32 s3, s2  }
0x8d: {  	s2 =	sadd.s32 s2, s16  }
0x8e: {  	[smem:$0x3FBD] =	sst s2  }
0x8f: {  	_ = 	snop  }
0x90: {  	(tm) =	ssettm $0x1  }
0x91: {  	s17 =	sld [smem:$0x3FFB];
	_ =	sdelay $0x3  }
0x92: {  	_ =	strace s17  }
0x93: {  	s2 =	sld [smem:$0x3FFC];
	_ =	sdelay $0x3  }
0x94: {  	_ =	strace s2  }
0x95: {  	s2 =	sld [smem:$0x3FFD];
	_ =	sdelay $0x3  }
0x96: {  	_ =	strace s2  }
0x97: {  	_ =	strace $0x8FFFFFFF  }
0x98: {  	s18 =	sld [smem:$0x3FDB];
	_ =	sdelay $0x1  }
0x99: {  	s19 =	simm.s32 $_scs_section_size  }
0x9a: {  	s4 =	simm.s32 $_size__tile_overlayer_lowered;
	s5 =	simm.s32 $_tile_overlayer_lowered  }
0x9b: {  	s22 =	simm.s32 $0x1BFF;
	s21 =	sshll.u32 s5, $0x1;
	s2 =	sadd.s32 s19, s18  }
0x9c: {  	s6 =	simm.s32 $0x0;
	s20 =	sshll.u32 s4, $0x1;
	s4 =	sadd.s32 s21, s2  }
0x9d: {  	[timem:s6], [sflag:s22] =	dma.local [hbm:s4], s20  }
0x9e: {  	_ =	swait.ge [sflag:s22], s20  }
0x9f: {  	s3 =	ssub.s32 $0x0, s20;
	[sflag:s22] =	ssyncset.done $0x0  }
0xa0: {  	[sflag:s22] =	ssyncadd.s32 s3;
	_ =	sdelay $0x1  }
0xa1: {  	s23 =	simm.s32 $0x1B8B  }
0xa2: {  	_ =	swait.ge [sflag:s23], $0x1  }
0xa3: {  	[sflag:s23] =	ssyncset.done $0x0  }
0xa4: {  	s25 =	simm.s32 $0x1B8E;
	s24 =	sld [smem:$0x3FFE];
	[sflag:s23] =	ssyncadd.s32 $0xFFFFFFFF  }
0xa5: {  	s26 =	simm.s32 $execute0_lowered;
	[smem:$0x3FD2] =	sst s25  }
0xa6: {  	s4 =	sshll.u32 s26, $0x1;
	_ =	strace $0x8000004C;
	[dreg:$0x1] =	wrdreg $0xFFFFFFFF  }
0xa7: {  	s28 =	simm.s32 $_size_execute0_lowered;
	s2 =	sadd.s32 s2, s4;
	[dreg:$0x0] =	wrdreg $0x0  }
0xa8: {  	s4 =	sshll.u32 s28, $0x1;
	[dreg:$0x2] =	wrdreg s2  }
0xa9: {  	[dreg:$0x3] =	wrdreg s4  }
0xaa: {  	[dreg:$0x4] =	wrdreg $0xC0  }
0xab: {  	_ =	task [dreg:s6], $0x5FFFF  }
0xac: {  	[dreg:$0x1] =	wrdreg $0xFFFFFFFF  }
0xad: {  	[dreg:$0x0] =	wrdreg $0x60  }
0xae: {  	[dreg:$0x2] =	wrdreg s24  }
0xaf: {  	[dreg:$0x3] =	wrdreg $0x14A000  }
0xb0: {  	[dreg:$0x4] =	wrdreg $0x9  }
0xb1: {  	_ =	task.clear_ibuf [dreg:s6], $0x5FFFF;
	_ =	strace $0x9000004C  }
0xb2: {  	s29 =	simm.s32 $0x9;
	_ =	strace $0x8000004E  }
0xb3: {  	_ =	swait.ge [sflag:s29], $0x1  }
0xb4: {  	[sflag:s29] =	ssyncadd.s32 $0xFFFFFFFF  }
0xb5: {  	_ =	strace $0x9000004E  }
0xb6: {  	_ =	sfence  }
0xb7: {  	s30 =	sld [smem:$0x0];
	_ =	sdelay $0x2  }
0xb8: {  	s31 =	sshll.u32 s1, $0xD;
	s1 =	sshrl.u32 s1, $0x2  }
0xb9: {  	s3 =	sand.u32 $0x4000, s31;
	s1 =	sadd.s32 s1, s30  }
0xba: {  	s0 =	sor.u32 s3, s0;
	s1 =	sshll.u32 s1, $0x11  }
0xbb: {  	s0 =	sor.u32 s1, s0  }
0xbc: {  	s0 =	sadd.s32 $0x8F2B, s0  }
0xbd: {  	[sflag:s0] =	ssyncadd.remote.s32 $0x1  }
0xbe: {  	_ =	sfence.sel $0xFFFF  }
0xbf: {  	[dreg:$0x0] =	wrdreg $0xFFFFFFFF;
	(pc) =	sbr.abs _section_cstart, $3  }
0xc0: {  	[dreg:$0x1] =	wrdreg $0xFFFFFFFF  }
0xc1: {  	_ =	task.clear_ibuf [dreg:s6], $0x2FFFF;
	_ =	strace $0x9FFFFFFF  }
0xc2: {  	(tm) =	ssettm $0x7FFFFFFF  }
0xc3: {  	_ =	shalt  }
tec
execute0_lowered:
.L_overlay_start_1:
0x0: {  	(tag) =	ssettag $0x1  }
0x1: {  	s0 =	rddreg [dreg:$0x0]  }
0x2: {  	s2 =	rddreg [dreg:$0x1]  }
0x3: {  	s13 =	stileid.u32;
	s1 =	srdreg.scid;
	s3 =	simm.s32 $0x0  }
0x4: {  	s7 =	smul.u32 $0x9E00, s13;
	s1 =	sand.u32 $0x1, s1;
	[smem:$0x7FF] =	sst s3  }
0x5: {  	s8 =	sadd.s32 $0x2E00, s0;
	s11 =	sshll.u32 s13, $0x5;
	s5 =	smul.u32 $0x9E000, s1  }
0x6: {  	_ =	strace $0x8000004D;
	s12 =	sshll.u32 s1, $0x4;
	s6 =	sshrl.u32 s7, $0x3  }
0x7: {  	s22 =	sor.u32 s12, s11;
	s5 =	sadd.s32 s7, s5;
	s7 =	sadd.s32 s7, s2  }
0x8: {  	s9 =	sadd.s32 s6, s0;
	s6 =	sadd.s32 s8, s22;
	[dreg:$0x14] =	wrdreg s7  }
0x9: {  	s4 =	sadd.s32 $0x16800, s0;
	s23 =	sadd.s32 $0x9C40, s6;
	[dreg:$0x6] =	wrdreg s6  }
0xa: {  	p0 =	slt.u32 s13, $0x2;
	s24 =	sadd.s32 $0x200, s6;
	[dreg:$0x7] =	wrdreg s23  }
0xb: {  	s30 =	sshll.u32 s13, $0x8;
	s25 =	sadd.s32 $0x9E40, s6;
	[dreg:$0x8] =	wrdreg s24  }
0xc: {  	s21 =	ssub.s32 $0x2, s1;
	s26 =	sadd.s32 $0x400, s6;
	[dreg:$0x9] =	wrdreg s25  }
0xd: {  	s1 =	sshll.u32 s1, $0x7;
	s28 =	sadd.s32 $0xA040, s6;
	[dreg:$0xa] =	wrdreg s26  }
0xe: {  	s10 =	sshrl.u32 s21, $0x1;
	s29 =	sadd.s32 $0x600, s6;
	[dreg:$0xb] =	wrdreg s28  }
0xf: {  	s1 =	sor.u32 s1, s30;
	s31 =	sadd.s32 $0xA240, s6;
	[dreg:$0xc] =	wrdreg s29  }
0x10: {  	s10 =	ssub.s32 s21, s10;
	s14 =	sadd.s32 $0x800, s6;
	[dreg:$0xd] =	wrdreg s31  }
0x11: {  	s17 =	sadd.s32 $0x57200, s1;
	s15 =	sadd.s32 $0xA440, s6;
	[dreg:$0xe] =	wrdreg s14  }
0x12: {  	s1 =	sor.u32 $0x9000, s1;
	s16 =	sadd.s32 $0xA00, s6;
	[dreg:$0xf] =	wrdreg s15  }
0x13: {  	s22 =	sshll.u32 s13, $0x6;
	s18 =	sadd.s32 $0xA640, s6;
	[dreg:$0x10] =	wrdreg s16  }
0x14: {  	s5 =	sshrl.u32 s5, $0x3;
	s20 =	sadd.s32 $0xC00, s6;
	[dreg:$0x11] =	wrdreg s18  }
0x15: {  	s11 =	sshrl.u32 s17, $0x3;
	s21 =	sadd.s32 $0xA840, s6;
	[dreg:$0x12] =	wrdreg s20  }
0x16: {  	s1 =	sshrl.u32 s1, $0x3;
	s30 =	sadd.s32 $0x1200, s6;
	[dreg:$0x13] =	wrdreg s21  }
0x17: {  	s7 =	sor.u32 $0x1C1F, s22;
	s17 =	simm.s32 $0xD;
	[dreg:$0x1e] =	wrdreg s30  }
0x18: {  	s22 =	simm.s32 $0x11;
	s11 =	sadd.s32 s11, s8;
	[dreg:$0x17] =	wrdreg s7  }
0x19: {  	s0 =	sadd.s32 s5, s0;
	s1 =	sadd.s32 s1, s8;
	[dreg:$0x4] =	wrdreg s11  }
0x1a: {  	s5 =	simm.s32 $0x4F;
	s23 =	sadd.s32 $0x2A200, s9;
	[dreg:$0x3] =	wrdreg s1  }
0x1b: {  	s24 =	smax.u32 s10, $0x1;
	s25 =	sadd.s32 $0xE00, s6;
	[dreg:$0x16] =	wrdreg s23  }
0x1c: {  	s26 =	sadd.s32 $0xAA40, s6;
	s28 =	sadd.s32 $0x1000, s6;
	[dreg:$0x19] =	wrdreg s24  }
0x1d: {  	s29 =	sadd.s32 $0xAC40, s6;
	s31 =	sadd.s32 $0xAE40, s6;
	[dreg:$0x1a] =	wrdreg s25  }
0x1e: {  	s15 =	simm.s32 $0x1F;
	s16 =	simm.s32 $0xC;
	[dreg:$0x1b] =	wrdreg s26  }
0x1f: {  	s18 =	simm.s32 $0xE;
	s20 =	simm.s32 $0x10;
	[dreg:$0x1c] =	wrdreg s28  }
0x20: {  	s5 =	simm.s32 @!p0 $0x4E;
	s1 =	simm.s32 $0x1D;
	[dreg:$0x1d] =	wrdreg s29  }
0x21: {  	s0 =	sadd.s32 $0x3DE00, s0;
	[dreg:$0x1f] =	wrdreg s31;
	s24 =	simm.s32 $0x12  }
0x22: {  	s25 =	simm.s32 $0x13;
	s19 =	sshll.u32 s5, $0x2;
	[dreg:$0x18] =	wrdreg s0  }
0x23: {  	s26 =	simm.s32 $0x0;
	s1 =	simm.s32 @!p0 $0x1C;
	[dreg:$0x5] =	wrdreg s19  }
0x24: {  	[dreg:$0x15] =	wrdreg s1;
	s1 =	simm.s32 $0x80;
	s19 =	simm.s32 $0xF  }
.LBB2_1:
0x25: {  	s0 =	rddreg [dreg:$0x6]  }
0x26: {  	s11 =	rddreg [dreg:$0x7]  }
0x27: {  	[tilespmem:s3], [sflag:$0xB] =	stream.linear.gather [hbm4b:s0+s3], $0x80, $0x38;
	[tilespmem:$0x1E800] =	vst v63  }
0x28: {  	s6 =	simm.s32 $0x500;
	s12 =	rddreg [dreg:$0x8]  }
0x29: {  	[tilespmem:s6], [sflag:$0xB] =	stream.linear.gather [hbm4b:s11+s3], $0x80, $0x38;
	[tilespmem:$0x1E800] =	vst v63  }
0x2a: {  	s13 =	rddreg [dreg:$0x9]  }
0x2b: {  	[tilespmem:s1], [sflag:$0xC] =	stream.linear.gather [hbm4b:s12+s3], $0x80, $0x38;
	[tilespmem:$0x1E800] =	vst v63  }
0x2c: {  	s14 =	simm.s32 $0x580;
	s21 =	rddreg [dreg:$0xa]  }
0x2d: {  	[tilespmem:s14], [sflag:$0xC] =	stream.linear.gather [hbm4b:s13+s3], $0x80, $0x38;
	[tilespmem:$0x1E800] =	vst v63  }
0x2e: {  	s23 =	rddreg [dreg:$0xb];
	s6 =	simm.s32 $0x100  }
0x2f: {  	[tilespmem:s6], [sflag:$0xD] =	stream.linear.gather [hbm4b:s21+s3], $0x80, $0x38;
	[tilespmem:$0x1E800] =	vst v63  }
0x30: {  	s8 =	simm.s32 $0x600;
	s9 =	rddreg [dreg:$0xc]  }
0x31: {  	[tilespmem:s8], [sflag:$0xD] =	stream.linear.gather [hbm4b:s23+s3], $0x80, $0x38;
	[tilespmem:$0x1E800] =	vst v63  }
0x32: {  	s10 =	rddreg [dreg:$0xd];
	s8 =	simm.s32 $0x180  }
0x33: {  	[tilespmem:s8], [sflag:$0xE] =	stream.linear.gather [hbm4b:s9+s3], $0x80, $0x38;
	[tilespmem:$0x1E800] =	vst v63  }
0x34: {  	s11 =	rddreg [dreg:$0xe];
	s9 =	simm.s32 $0x680  }
0x35: {  	[tilespmem:s9], [sflag:$0xE] =	stream.linear.gather [hbm4b:s10+s3], $0x80, $0x38;
	[tilespmem:$0x1E800] =	vst v63  }
0x36: {  	s12 =	rddreg [dreg:$0xf];
	s9 =	simm.s32 $0x200  }
0x37: {  	[tilespmem:s9], [sflag:$0xF] =	stream.linear.gather [hbm4b:s11+s3], $0x80, $0x38;
	[tilespmem:$0x1E800] =	vst v63  }
0x38: {  	s13 =	rddreg [dreg:$0x10];
	s10 =	simm.s32 $0x700  }
0x39: {  	[tilespmem:s10], [sflag:$0xF] =	stream.linear.gather [hbm4b:s12+s3], $0x80, $0x38;
	[tilespmem:$0x1E800] =	vst v63  }
0x3a: {  	s14 =	rddreg [dreg:$0x11];
	s10 =	simm.s32 $0x280  }
0x3b: {  	[tilespmem:s10], [sflag:$0x10] =	stream.linear.gather [hbm4b:s13+s3], $0x80, $0x38;
	[tilespmem:$0x1E800] =	vst v63  }
0x3c: {  	s21 =	rddreg [dreg:$0x12];
	s11 =	simm.s32 $0x780  }
0x3d: {  	[tilespmem:s11], [sflag:$0x10] =	stream.linear.gather [hbm4b:s14+s3], $0x80, $0x38;
	[tilespmem:$0x1E800] =	vst v63  }
0x3e: {  	s23 =	rddreg [dreg:$0x13];
	s11 =	simm.s32 $0x300  }
0x3f: {  	[tilespmem:s11], [sflag:$0x11] =	stream.linear.gather [hbm4b:s21+s3], $0x80, $0x38;
	[tilespmem:$0x1E800] =	vst v63  }
0x40: {  	s12 =	simm.s32 $0x800;
	s13 =	rddreg [dreg:$0x1a]  }
0x41: {  	[tilespmem:s12], [sflag:$0x11] =	stream.linear.gather [hbm4b:s23+s3], $0x80, $0x38;
	[tilespmem:$0x1E800] =	vst v63  }
0x42: {  	s14 =	rddreg [dreg:$0x1b];
	s12 =	simm.s32 $0x380  }
0x43: {  	[tilespmem:s12], [sflag:$0x12] =	stream.linear.gather [hbm4b:s13+s3], $0x80, $0x38;
	[tilespmem:$0x1E800] =	vst v63  }
0x44: {  	s21 =	rddreg [dreg:$0x1c];
	s13 =	simm.s32 $0x880  }
0x45: {  	[tilespmem:s13], [sflag:$0x12] =	stream.linear.gather [hbm4b:s14+s3], $0x80, $0x38;
	[tilespmem:$0x1E800] =	vst v63  }
0x46: {  	s23 =	rddreg [dreg:$0x1d];
	s13 =	simm.s32 $0x400  }
0x47: {  	[tilespmem:s13], [sflag:$0x13] =	stream.linear.gather [hbm4b:s21+s3], $0x80, $0x38;
	[tilespmem:$0x1E800] =	vst v63  }
0x48: {  	s14 =	simm.s32 $0x900;
	s21 =	rddreg [dreg:$0x1e]  }
0x49: {  	[tilespmem:s14], [sflag:$0x13] =	stream.linear.gather [hbm4b:s23+s3], $0x80, $0x38;
	[tilespmem:$0x1E800] =	vst v63  }
0x4a: {  	s23 =	simm.s32 $0x480;
	s14 =	rddreg [dreg:$0x1f]  }
0x4b: {  	[tilespmem:s23], [sflag:$0x14] =	stream.linear.gather [hbm4b:s21+s3], $0x80, $0x38;
	[tilespmem:$0x1E800] =	vst v63  }
0x4c: {  	s21 =	simm.s32 $0x980;
	s23 =	rddreg [dreg:$0x14]  }
0x4d: {  	[tilespmem:s21], [sflag:$0x14] =	stream.linear.gather [hbm4b:s14+s3], $0x80, $0x38;
	[tilespmem:$0x1E800] =	vst v63  }
0x4e: {  	s28 =	sshrl.u32 s23, $0x3;
	s14 =	rddreg [dreg:$0x16]  }
0x4f: {  	[spmem:s28], [sflag:s7] =	dma.local [hbm:s14], $0x13C0  }
0x50: {  	_ =	swait.ge [sflag:s15], $0x13C0  }
0x51: {  	[sflag:s15] =	ssyncset.done $0x0  }
0x52: {  	[sflag:s15] =	ssyncadd.s32 $0xFFFFEC40  }
0x53: {  	s15 =	simm.s32 $0xB;
	[bflag:$0x0] =	sbarrier.arrive $0xFFFF  }
0x54: {  	_ =	swait.ge [sflag:s15], $0x80  }
0x55: {  	[sflag:s15] =	ssyncset.done $0x0  }
0x56: {  	[sflag:s15] =	ssyncadd.s32 $0xFFFFFF80  }
0x57: {  	_ =	swait.ge [sflag:s15], $0x80  }
0x58: {  	[sflag:s15] =	ssyncset.done $0x0  }
0x59: {  	s29 =	simm.s32 $0xA00;
	[sflag:s15] =	ssyncadd.s32 $0xFFFFFF80  }
0x5a: {  	[tilespmem:s29], [sflag:$0x1] =	stream.indirect.gather [hbm4b:s4+s1], $0x40, s3, s1, $0xb8;
	[tilespmem:$0x1E800] =	vst v63  }
0x5b: {  	_ =	swait.ge [sflag:s16], $0x80  }
0x5c: {  	[sflag:s16] =	ssyncset.done $0x0  }
0x5d: {  	[sflag:s16] =	ssyncadd.s32 $0xFFFFFF80  }
0x5e: {  	_ =	swait.ge [sflag:s16], $0x80  }
0x5f: {  	[sflag:s16] =	ssyncset.done $0x0  }
0x60: {  	s21 =	simm.s32 $0x2A00;
	[sflag:s16] =	ssyncadd.s32 $0xFFFFFF80  }
0x61: {  	[tilespmem:s21], [sflag:$0x2] =	stream.indirect.gather [hbm4b:s4+s1], $0x40, s1, s1, $0xb8;
	[tilespmem:$0x1E800] =	vst v63  }
0x62: {  	_ =	swait.ge [sflag:s17], $0x80  }
0x63: {  	[sflag:s17] =	ssyncset.done $0x0  }
0x64: {  	[sflag:s17] =	ssyncadd.s32 $0xFFFFFF80  }
0x65: {  	_ =	swait.ge [sflag:s17], $0x80  }
0x66: {  	[sflag:s17] =	ssyncset.done $0x0  }
0x67: {  	s23 =	simm.s32 $0x4A00;
	[sflag:s17] =	ssyncadd.s32 $0xFFFFFF80  }
0x68: {  	[tilespmem:s23], [sflag:$0x3] =	stream.indirect.gather [hbm4b:s4+s1], $0x40, s6, s1, $0xb8;
	[tilespmem:$0x1E800] =	vst v63  }
0x69: {  	_ =	swait.ge [sflag:s18], $0x80  }
0x6a: {  	[sflag:s18] =	ssyncset.done $0x0  }
0x6b: {  	[sflag:s18] =	ssyncadd.s32 $0xFFFFFF80  }
0x6c: {  	_ =	swait.ge [sflag:s18], $0x80  }
0x6d: {  	[sflag:s18] =	ssyncset.done $0x0  }
0x6e: {  	s7 =	simm.s32 $0x6A00;
	[sflag:s18] =	ssyncadd.s32 $0xFFFFFF80  }
0x6f: {  	[tilespmem:s7], [sflag:$0x4] =	stream.indirect.gather [hbm4b:s4+s1], $0x40, s8, s1, $0xb8;
	[tilespmem:$0x1E800] =	vst v63  }
0x70: {  	_ =	swait.ge [sflag:s19], $0x80  }
0x71: {  	[sflag:s19] =	ssyncset.done $0x0  }
0x72: {  	[sflag:s19] =	ssyncadd.s32 $0xFFFFFF80  }
0x73: {  	_ =	swait.ge [sflag:s19], $0x80  }
0x74: {  	[sflag:s19] =	ssyncset.done $0x0  }
0x75: {  	s14 =	simm.s32 $0x8A00;
	[sflag:s19] =	ssyncadd.s32 $0xFFFFFF80  }
0x76: {  	[tilespmem:s14], [sflag:$0x5] =	stream.indirect.gather [hbm4b:s4+s1], $0x40, s9, s1, $0xb8;
	[tilespmem:$0x1E800] =	vst v63  }
0x77: {  	_ =	swait.ge [sflag:s20], $0x80  }
0x78: {  	[sflag:s20] =	ssyncset.done $0x0  }
0x79: {  	[sflag:s20] =	ssyncadd.s32 $0xFFFFFF80  }
0x7a: {  	_ =	swait.ge [sflag:s20], $0x80  }
0x7b: {  	[sflag:s20] =	ssyncset.done $0x0  }
0x7c: {  	s15 =	simm.s32 $0xAA00;
	[sflag:s20] =	ssyncadd.s32 $0xFFFFFF80  }
0x7d: {  	[tilespmem:s15], [sflag:$0x6] =	stream.indirect.gather [hbm4b:s4+s1], $0x40, s10, s1, $0xb8;
	[tilespmem:$0x1E800] =	vst v63  }
0x7e: {  	_ =	swait.ge [sflag:s22], $0x80  }
0x7f: {  	[sflag:s22] =	ssyncset.done $0x0  }
0x80: {  	[sflag:s22] =	ssyncadd.s32 $0xFFFFFF80  }
0x81: {  	_ =	swait.ge [sflag:s22], $0x80  }
0x82: {  	[sflag:s22] =	ssyncset.done $0x0  }
0x83: {  	s21 =	simm.s32 $0xCA00;
	[sflag:s22] =	ssyncadd.s32 $0xFFFFFF80  }
0x84: {  	[tilespmem:s21], [sflag:$0x7] =	stream.indirect.gather [hbm4b:s4+s1], $0x40, s11, s1, $0xb8;
	[tilespmem:$0x1E800] =	vst v63  }
0x85: {  	_ =	swait.ge [sflag:s24], $0x80  }
0x86: {  	[sflag:s24] =	ssyncset.done $0x0  }
0x87: {  	[sflag:s24] =	ssyncadd.s32 $0xFFFFFF80  }
0x88: {  	_ =	swait.ge [sflag:s24], $0x80  }
0x89: {  	[sflag:s24] =	ssyncset.done $0x0  }
0x8a: {  	s23 =	simm.s32 $0xEA00;
	[sflag:s24] =	ssyncadd.s32 $0xFFFFFF80  }
0x8b: {  	[tilespmem:s23], [sflag:$0x8] =	stream.indirect.gather [hbm4b:s4+s1], $0x40, s12, s1, $0xb8;
	[tilespmem:$0x1E800] =	vst v63  }
0x8c: {  	_ =	swait.ge [sflag:s25], $0x80  }
0x8d: {  	[sflag:s25] =	ssyncset.done $0x0  }
0x8e: {  	[sflag:s25] =	ssyncadd.s32 $0xFFFFFF80  }
0x8f: {  	s30 =	simm.s32 $0x10A00;
	s31 =	simm.s32 $0x9;
	_ =	swait.ge [sflag:s25], $0x80  }
0x90: {  	s0 =	simm.s32 $0x0;
	s7 =	simm.s32 $0x0;
	[sflag:s25] =	ssyncset.done $0x0  }
0x91: {  	s8 =	simm.s32 $0x0;
	s9 =	simm.s32 $0x8;
	[sflag:s25] =	ssyncadd.s32 $0xFFFFFF80  }
0x92: {  	[tilespmem:s30], [sflag:$0x9] =	stream.indirect.gather [hbm4b:s4+s1], $0x40, s13, s1, $0xb8;
	[tilespmem:$0x1E800] =	vst v63  }
.LBB2_2:
0x93: {  	s10 =	smulhi.u32 $0xCCCCCCCD, s31;
	_ =	sdelay $0x1  }
0x94: {  	s11 =	smulhi.u32 $0xCCCCCCCD, s9;
	s10 =	sshrl.u32 s10, $0x3  }
0x95: {  	s12 =	smul.u32 $0xFFFFFFD8, s10  }
0x96: {  	p0 =	seq.s32 s7, $0x0;
	s10 =	smul.u32 $0xFFFFEC00, s10  }
0x97: {  	s6 =	sshra.s32 @!p0 s7, $0x2;
	s12 =	sshra.s32 s12, $0x2  }
0x98: {  	s11 =	sshrl.u32 s11, $0x3;
	s23 =	sshra.s32 s10, $0x2;
	s13 =	sadd.s32 $0x1E, s12  }
0x99: {  	s10 =	sadd.s32 $0x1, s9;
	s12 =	sadd.s32 $0x14, s12;
	s6 =	sadd.s32 @!p0 s6, s13  }
0x9a: {  	p1 =	sge.u32 @!p0 s10, s5;
	s13 =	sadd.s32 $0x480, s23;
	_ =	swait.ge @!p0 [sflag:s6], $0x2000  }
0x9b: {  	p1 =	por p1, p0;
	s23 =	sadd.s32 $0x980, s23;
	[sflag:s6] =	ssyncset.done @!p0 $0x0  }
0x9c: {  	s15 =	simm.s32 @!p1 $0x0;
	[sflag:s6] =	ssyncadd.s32 @!p0 $0xFFFFE000;
	s6 =	sshra.s32 @!p1 s7, $0x2  }
0x9d: {  	s21 =	rddreg [dreg:$0x3];
	s6 =	sadd.s32 @!p1 s6, s12;
	s12 =	sshra.s32 @!p1 s0, $0x2  }
0x9e: {  	s14 =	rddreg [dreg:$0x4];
	s21 =	sadd.s32 @!p1 s0, s21;
	s13 =	sadd.s32 @!p1 s12, s13  }
0x9f: {  	[tilespmem:s13], [sflag:s6] =	stream.linear.gather @!p1 [hbm4b:s21+s15], $0x80, $0x38;
	[tilespmem:$0x1E800] =	vst v63  }
0xa0: {  	s14 =	sadd.s32 @!p1 s0, s14;
	s12 =	sadd.s32 @!p1 s12, s23;
	s21 =	smul.u32 $0xFFFFFFD8, s11  }
0xa1: {  	[tilespmem:s12], [sflag:s6] =	stream.linear.gather @!p1 [hbm4b:s14+s15], $0x80, $0x38;
	[tilespmem:$0x1E800] =	vst v63  }
0xa2: {  	p1 =	sge.u32 @!p0 s9, s5  }
0xa3: {  	s14 =	sshra.s32 s21, $0x2;
	s15 =	smul.u32 $0xFFFFEC00, s11;
	p0 =	por p1, p0  }
0xa4: {  	s21 =	smulhi.u32 $0xCCCCCCCD, s8;
	s9 =	sadd.s32 $0x13, s14;
	s13 =	sshra.s32 @!p0 s7, $0x2  }
0xa5: {  	s11 =	smul.u32 $0xFFFB0000, s11;
	s9 =	sadd.s32 @!p0 s13, s9  }
0xa6: {  	s6 =	sadd.s32 $0x9, s14;
	s12 =	sshra.s32 s15, $0x2;
	_ =	swait.ge @!p0 [sflag:s9], $0x80  }
0xa7: {  	s14 =	sshrl.u32 s21, $0x3;
	s11 =	sshra.s32 s11, $0x2;
	[sflag:s9] =	ssyncset.done @!p0 $0x0  }
0xa8: {  	s21 =	sshra.s32 @!p0 s0, $0x2;
	s12 =	sadd.s32 $0x400, s12;
	[sflag:s9] =	ssyncadd.s32 @!p0 $0xFFFFFF80  }
0xa9: {  	s23 =	smul.u32 $0xFFFFFFD8, s14;
	s11 =	sadd.s32 s11, s30;
	_ =	swait.ge @!p0 [sflag:s9], $0x80  }
0xaa: {  	s6 =	sadd.s32 @!p0 s13, s6;
	s12 =	sadd.s32 @!p0 s21, s12;
	[sflag:s9] =	ssyncset.done @!p0 $0x0  }
0xab: {  	s15 =	sshra.s32 s23, $0x2;
	[sflag:s9] =	ssyncadd.s32 @!p0 $0xFFFFFF80;
	s9 =	simm.s32 @!p0 $0x80  }
0xac: {  	[tilespmem:s11], [sflag:s6] =	stream.indirect.gather @!p0 [hbm4b:s4+s9], $0x40, s12, s9, $0xb8;
	[tilespmem:$0x1E800] =	vst v63  }
0xad: {  	s13 =	sshra.s32 s7, $0x2;
	s11 =	sor.u32 $0x1, s15  }
0xae: {  	s31 =	sadd.s32 $0x1, s31;
	s8 =	sadd.s32 $0x1, s8;
	s6 =	sadd.s32 s13, s11  }
0xaf: {  	s7 =	sadd.s32 $0x4, s7;
	s12 =	smul.u32 $0xFFFB0000, s14;
	_ =	swait.ge [sflag:s6], $0x2000  }
0xb0: {  	s30 =	sadd.s32 $0x2000, s30;
	s14 =	smul.u32 $0xFFFFEC00, s14;
	s23 =	rddreg [dreg:$0x5]  }
0xb1: {  	s21 =	sshra.s32 s0, $0x2;
	s15 =	sadd.s32 $0x15, s15;
	p0 =	sne.s32 s23, s7  }
.Ltmp0:
0xb2: {  	s9 =	sshra.s32 s12, $0x2;
	s12 =	sshra.s32 s14, $0x2;
	(pc) =	sbr.rel @p0 .LBB2_2-.Ltmp0, $4  }
0xb3: {  	s11 =	sadd.s32 s13, s15;
	[sflag:s6] =	ssyncset.done $0x0;
	s12 =	sadd.s32 $0x500, s12  }
0xb4: {  	s9 =	sadd.s32 s9, s29;
	[sflag:s6] =	ssyncadd.s32 $0xFFFFE000;
	s6 =	sadd.s32 s21, s12  }
0xb5: {  	[spmem:s2] =	stream.indirect.scatter.add.f32 [tilespmem:s9], [sflag:s11], $0x40, s6, s1, $0xb8;
	[tilespmem:$0x1E800] =	vst v63  }
0xb6: {  	s0 =	sadd.s32 $0x200, s0;
	s29 =	sadd.s32 $0x2000, s29;
	s9 =	smov.u32 s10  }
0xb7: {  	s0 =	rddreg [dreg:$0x15]  }
0xb8: {  	_ =	swait.ge [sflag:s0], $0x2000  }
0xb9: {  	[sflag:s0] =	ssyncset.done $0x0  }
0xba: {  	[sflag:s0] =	ssyncadd.s32 $0xFFFFE000  }
0xbb: {  	[bflag:$0x0] =	sbarrier.arrive $0xFFFF  }
0xbc: {  	s7 =	rddreg [dreg:$0x17]  }
0xbd: {  	s15 =	simm.s32 $0x1F;
	s30 =	rddreg [dreg:$0x18]  }
0xbe: {  	[hbm:s30], [sflag:s7] =	dma.local [spmem:s28], $0x13C0  }
0xbf: {  	_ =	swait.ge [sflag:s15], $0x13C0  }
0xc0: {  	s26 =	sadd.s32 $0x1, s26;
	s31 =	rddreg [dreg:$0x19]  }
0xc1: {  	p0 =	sne.s32 s26, s31  }
.Ltmp1:
0xc2: {  	_ = 	snop;
	(pc) =	sbr.rel @p0 .LBB2_1-.Ltmp1, $3  }
0xc3: {  	_ =	sdelay $0x1  }
0xc4: {  	[sflag:s15] =	ssyncset.done $0x0  }
0xc5: {  	[sflag:s15] =	ssyncadd.s32 $0xFFFFEC40  }
0xc6: {  	_ =	sfence.sel $0x180000  }
0xc7: {  	[bflag:$0x0] =	sbarrier.arrive $0xFFFF  }
0xc8: {  	_ =	strace $0x9000004D  }
0xc9: {  	s0 =	stileid.u32;
	[bflag:$0x2] =	sbarrier.arrive $0xFFFF  }
0xca: {  	p0 =	sne.s32 s0, $0x0;
	s0 =	rddreg [dreg:$0x2]  }
0xcb: {  	s0 =	sadd.s32 @!p0 $0x100000, s0  }
0xcc: {  	[sflag:s0] =	ssyncadd.tile.s32 @!p0 $0x1;
	_ =	shalt  }
.Lfunc_end2:
_tile_overlayer_lowered:
.L_overlay_start_2:
0xcd: {  	(tag) =	ssettag $0x2  }
0xce: {  	s0 =	rddreg [dreg:$0x0];
	s2 =	stileid.u32  }
0xcf: {  	s1 =	rddreg [dreg:$0x1];
	p0 =	sne.s32 s2, $0x0  }
0xd0: {  	s3 =	rddreg [dreg:$0x2];
	[bflag:$0x3] =	sbarrier.arrive $0xFFFF;
	s2 =	simm.s32 @!p0 $0x1C1F  }
0xd1: {  	[timem:s3], [sflag:s2] =	dma.local @!p0 [hbm:s0], s1  }
0xd2: {  	s0 =	simm.s32 @!p0 $0x1F  }
0xd3: {  	_ =	swait.ge @!p0 [sflag:s0], s1  }
0xd4: {  	s1 =	ssub.s32 @!p0 $0x0, s1;
	[sflag:s0] =	ssyncset.done @!p0 $0x0  }
0xd5: {  	[sflag:s0] =	ssyncadd.s32 @!p0 s1  }
0xd6: {  	[bflag:$0x3] =	sbarrier.arrive $0xFFFF  }
0xd7: {  	_ =	shalt  }

// kernel: kernel.9.cloned.1.call-start
scs
__scs_entry_jumppad:
0x0: {  	(pc) =	sbr.rel $0x88, $3  }
0x1: {  	(tag) =	ssettag $0x0;
	lr =	simm.s32 $0x1  }
0x2: {  	[smem:$0x3F96] =	sst lr;
	_ =	strace $0xD0000000  }
0x3: {  	_ = 	snop  }
0x4: {  	_ = 	snop  }
0x5: {  	_ = 	snop  }
0x6: {  	_ = 	snop  }
0x7: {  	_ = 	snop  }
__scs_overlays_trampoline_lowered:
0x8: {  	[smem:$0x3FA5] =	sst s0  }
0x9: {  	[smem:$0x3FA6] =	sst s1  }
0xa: {  	[smem:$0x3FA7] =	sst s2  }
0xb: {  	[smem:$0x3FA8] =	sst s3  }
0xc: {  	[smem:$0x3FA9] =	sst s4  }
0xd: {  	[smem:$0x3FAA] =	sst s5  }
0xe: {  	[smem:$0x3FAB] =	sst s6  }
0xf: {  	[smem:$0x3FAC] =	sst s7  }
0x10: {  	[smem:$0x3FAD] =	sst s8  }
0x11: {  	[smem:$0x3FAE] =	sst s9;
	s0 =	simm.s32 @!p0 $0x0  }
0x12: {  	s1 =	sld [smem:$0x3F94];
	s0 =	simm.s32 @p0 $0x1  }
0x13: {  	[smem:$0x3FAF] =	sst s0;
	s0 =	simm.s32 @!p1 $0x0  }
0x14: {  	s2 =	sld [smem:$0x3F93];
	s0 =	simm.s32 @p1 $0x1  }
0x15: {  	[smem:$0x3FB0] =	sst s0;
	s0 =	simm.s32 @!p2 $0x0  }
0x16: {  	s3 =	sld [smem:$0x3FDB];
	s0 =	simm.s32 @p2 $0x1  }
0x17: {  	s4 =	simm.s32 $0x1BF5;
	[smem:$0x3FB2] =	sst s0  }
0x18: {  	s0 =	sld [smem:$0x3F95];
	_ =	swait.ge [sflag:s4], $0x0  }
0x19: {  	s7 =	sld [smem:$0x3F96]  }
0x1a: {  	s8 =	sadd.s32 $0xFFFFE003, lr  }
0x1b: {  	s9 =	sadd.s32 $0xFFFFFEF7, lr;
	s5 =	simm.s32 $0xFFFFFFFF;
	p2 =	slt.u32 s8, $0xFFFFF086  }
0x1c: {  	p1 =	slt.u32 s9, $0xF7A;
	s5 =	simm.s32 @!p2 $0x0  }
0x1d: {  	s5 =	simm.s32 @p1 $0x1;
	p0 =	seq.s32 s7, s2  }
0x1e: {  	s7 =	smul.u32 @!p0 $0xF7A, s2;
	p2 =	seq.s32 @!p0 s5, $0x0  }
0x1f: {  	s9 =	smul.u32 $0xF7A, s1;
	s8 =	simm.s32 @!p0 $0x1BF5;
	p2 =	por !p2, p0  }
0x20: {  	[sflag:s8] =	ssyncset.s32 @!p0 $0xFFFFF086;
	s6 =	sadd.s32 @!p0 s3, s7;
	s7 =	simm.s32 @!p0 $0x108  }
0x21: {  	s3 =	sadd.s32 s3, s9;
	s6 =	sadd.s32 @!p0 $0x88, s6;
	s7 =	simm.s32 @p2 $0x1082  }
0x22: {  	[simem:s7], [sflag:s8] =	dma.local @!p0 [hbm:s6], $0xF7A  }
0x23: {  	s9 =	sor.u32 $0xD0000000, s2;
	s6 =	simm.s32 $0x108;
	_ =	swait.ge @!p0 [sflag:s8], $0x0  }
0x24: {  	s3 =	sadd.s32 $0x88, s3;
	s6 =	simm.s32 @!p1 $0x1082;
	[sflag:s4] =	ssyncset.s32 $0xFFFFF086  }
0x25: {  	[simem:s6], [sflag:s4] =	dma.local [hbm:s3], $0xF7A  }
0x26: {  	[smem:$0x3F96] =	sst s1;
	(tag) =	ssettag s2;
	_ =	strace s9  }
0x27: {  	s1 =	sld [smem:$0x3FA6]  }
0x28: {  	s2 =	sld [smem:$0x3FA7]  }
0x29: {  	s4 =	sld [smem:$0x3FA9]  }
0x2a: {  	p0 =	seq.s32 s5, $0x0;
	s5 =	sld [smem:$0x3FAA]  }
0x2b: {  	s6 =	sld [smem:$0x3FAB]  }
0x2c: {  	s7 =	sld [smem:$0x3FAC]  }
0x2d: {  	s3 =	simm.s32 $0x108;
	s8 =	sld [smem:$0x3FAD]  }
0x2e: {  	s3 =	simm.s32 @!p0 $0x1082;
	s9 =	sld [smem:$0x3FAE]  }
0x2f: {  	lr =	sadd.s32 s0, s3;
	s0 =	sld [smem:$0x3FA5]  }
0x30: {  	s3 =	sld [smem:$0x3FA8]  }
0x31: {  	[smem:$0x3FB1] =	sst s10  }
0x32: {  	s10 =	sld [smem:$0x3FAF];
	_ =	sdelay $0x3  }
0x33: {  	p0 =	seq.s32 s10, $0x1;
	s10 =	sld [smem:$0x3FB1];
	_ =	sdelay $0x3  }
0x34: {  	[smem:$0x3FB1] =	sst s10  }
0x35: {  	s10 =	sld [smem:$0x3FB0];
	_ =	sdelay $0x3  }
0x36: {  	p1 =	seq.s32 s10, $0x1;
	s10 =	sld [smem:$0x3FB1];
	_ =	sdelay $0x3  }
0x37: {  	[smem:$0x3FB1] =	sst s10  }
0x38: {  	s10 =	sld [smem:$0x3FB2]  }
0x39: {  	_ = 	snop;
	(pc) =	sbr.ind lr, $3  }
0x3a: {  	_ = 	snop  }
0x3b: {  	_ = 	snop  }
0x3c: {  	p2 =	seq.s32 s10, $0x1;
	s10 =	sld [smem:$0x3FB1]  }
0x3d: {  	_ =	shalt  }
0x3e: {  	_ =	shalt  }
0x3f: {  	_ =	shalt  }
0x40: {  	_ =	shalt  }
0x41: {  	_ =	shalt  }
0x42: {  	_ =	shalt  }
0x43: {  	_ =	shalt  }
0x44: {  	_ =	shalt  }
0x45: {  	_ =	shalt  }
0x46: {  	_ =	shalt  }
0x47: {  	_ =	shalt  }
0x48: {  	_ =	shalt  }
0x49: {  	_ =	shalt  }
0x4a: {  	_ =	shalt  }
0x4b: {  	_ =	shalt  }
0x4c: {  	_ =	shalt  }
0x4d: {  	_ =	shalt  }
0x4e: {  	_ =	shalt  }
0x4f: {  	_ =	shalt  }
0x50: {  	_ =	shalt  }
0x51: {  	_ =	shalt  }
0x52: {  	_ =	shalt  }
0x53: {  	_ =	shalt  }
0x54: {  	_ =	shalt  }
0x55: {  	_ =	shalt  }
0x56: {  	_ =	shalt  }
0x57: {  	_ =	shalt  }
0x58: {  	_ =	shalt  }
0x59: {  	_ =	shalt  }
0x5a: {  	_ =	shalt  }
0x5b: {  	_ =	shalt  }
0x5c: {  	_ =	shalt  }
0x5d: {  	_ =	shalt  }
0x5e: {  	_ =	shalt  }
0x5f: {  	_ =	shalt  }
0x60: {  	_ =	shalt  }
0x61: {  	_ =	shalt  }
0x62: {  	_ =	shalt  }
0x63: {  	_ =	shalt  }
0x64: {  	_ =	shalt  }
0x65: {  	_ =	shalt  }
0x66: {  	_ =	shalt  }
0x67: {  	_ =	shalt  }
0x68: {  	_ =	shalt  }
0x69: {  	_ =	shalt  }
0x6a: {  	_ =	shalt  }
0x6b: {  	_ =	shalt  }
0x6c: {  	_ =	shalt  }
0x6d: {  	_ =	shalt  }
0x6e: {  	_ =	shalt  }
0x6f: {  	_ =	shalt  }
0x70: {  	_ =	shalt  }
0x71: {  	_ =	shalt  }
0x72: {  	_ =	shalt  }
0x73: {  	_ =	shalt  }
0x74: {  	_ =	shalt  }
0x75: {  	_ =	shalt  }
0x76: {  	_ =	shalt  }
0x77: {  	_ =	shalt  }
0x78: {  	_ =	shalt  }
0x79: {  	_ =	shalt  }
0x7a: {  	_ =	shalt  }
0x7b: {  	_ =	shalt  }
0x7c: {  	_ =	shalt  }
0x7d: {  	_ =	shalt  }
0x7e: {  	_ =	shalt  }
0x7f: {  	_ =	shalt  }
0x80: {  	_ =	shalt  }
0x81: {  	_ =	shalt  }
0x82: {  	_ =	shalt  }
0x83: {  	_ =	shalt  }
0x84: {  	_ =	shalt  }
0x85: {  	_ =	shalt  }
0x86: {  	_ =	shalt  }
0x87: {  	_ =	shalt  }
.Lfunc_end0:
.L_simem_size_0:
called_computation_lowered:
.L_overlay_start_0:
0x88: {  	s2 =	sld [smem:$0x3FD9]  }
0x89: {  	s3 =	sld [smem:$0x3FFE];
	_ =	sdelay $0x1  }
0x8a: {  	s1 =	srdreg.scid  }
0x8b: {  	s0 =	sand.u32 $0x1, s1  }
0x8c: {  	s17 =	sshll.u32 s0, $0xA;
	s2 =	sadd.s32 s3, s2  }
0x8d: {  	s2 =	sadd.s32 s2, s17  }
0x8e: {  	[smem:$0x3FBD] =	sst s2  }
0x8f: {  	_ = 	snop  }
0x90: {  	s2 =	sld [smem:$0x3FD0];
	(tm) =	ssettm $0x1  }
0x91: {  	s18 =	sld [smem:$0x3FFB];
	_ =	sdelay $0x3  }
0x92: {  	_ =	strace s18  }
0x93: {  	s3 =	sld [smem:$0x3FFC];
	_ =	sdelay $0x3  }
0x94: {  	_ =	strace s3  }
0x95: {  	s3 =	sld [smem:$0x3FFD];
	_ =	sdelay $0x3  }
0x96: {  	_ =	strace s3  }
0x97: {  	_ =	strace $0x8FFFFFFF  }
0x98: {  	s19 =	sld [smem:$0x3FDB];
	_ =	sdelay $0x1  }
0x99: {  	s4 =	simm.s32 $_scs_section_size  }
0x9a: {  	s5 =	simm.s32 $_size__tile_overlayer_lowered;
	s6 =	simm.s32 $_tile_overlayer_lowered  }
0x9b: {  	s22 =	simm.s32 $0x1BFF;
	s21 =	sshll.u32 s6, $0x1;
	s3 =	sadd.s32 s4, s19  }
0x9c: {  	s7 =	simm.s32 $0x0;
	s20 =	sshll.u32 s5, $0x1;
	s5 =	sadd.s32 s21, s3  }
0x9d: {  	[timem:s7], [sflag:s22] =	dma.local [hbm:s5], s20  }
0x9e: {  	_ =	swait.ge [sflag:s22], s20  }
0x9f: {  	s4 =	ssub.s32 $0x0, s20;
	[sflag:s22] =	ssyncset.done $0x0  }
0xa0: {  	[sflag:s22] =	ssyncadd.s32 s4;
	_ =	sdelay $0x1  }
0xa1: {  	s23 =	simm.s32 $0x1B8B  }
0xa2: {  	_ =	swait.ge [sflag:s23], $0x1  }
0xa3: {  	[sflag:s23] =	ssyncset.done $0x0  }
0xa4: {  	s25 =	simm.s32 $0x1B8E;
	s24 =	sld [smem:$0x3FFE];
	[sflag:s23] =	ssyncadd.s32 $0xFFFFFFFF  }
0xa5: {  	s26 =	simm.s32 $execute0_lowered;
	[smem:$0x3FD2] =	sst s25  }
0xa6: {  	s5 =	sshll.u32 s26, $0x1;
	_ =	strace $0x80000046;
	[dreg:$0x1] =	wrdreg $0xFFFFFFFF  }
0xa7: {  	s28 =	simm.s32 $_size_execute0_lowered;
	s3 =	sadd.s32 s3, s5;
	[dreg:$0x0] =	wrdreg $0x0  }
0xa8: {  	s5 =	sshll.u32 s28, $0x1;
	[dreg:$0x2] =	wrdreg s3  }
0xa9: {  	[dreg:$0x3] =	wrdreg s5  }
0xaa: {  	[dreg:$0x4] =	wrdreg $0xC0  }
0xab: {  	_ =	task [dreg:s7], $0x5FFFF  }
0xac: {  	[dreg:$0x1] =	wrdreg $0xFFFFFFFF  }
0xad: {  	[dreg:$0x0] =	wrdreg $0x60  }
0xae: {  	[dreg:$0x2] =	wrdreg s24  }
0xaf: {  	[dreg:$0x3] =	wrdreg s2  }
0xb0: {  	[dreg:$0x4] =	wrdreg $0x79E00  }
0xb1: {  	[dreg:$0x5] =	wrdreg $0x1BAE00  }
0xb2: {  	[dreg:$0x6] =	wrdreg $0x9  }
0xb3: {  	_ =	task.clear_ibuf [dreg:s7], $0x7FFFF;
	_ =	strace $0x90000046  }
0xb4: {  	s29 =	simm.s32 $0x9;
	_ =	strace $0x80000048  }
0xb5: {  	_ =	swait.ge [sflag:s29], $0x1  }
0xb6: {  	[sflag:s29] =	ssyncadd.s32 $0xFFFFFFFF  }
0xb7: {  	_ =	strace $0x90000048  }
0xb8: {  	_ =	sfence  }
0xb9: {  	s30 =	sld [smem:$0x0];
	_ =	sdelay $0x2  }
0xba: {  	s31 =	sshll.u32 s1, $0xD;
	s1 =	sshrl.u32 s1, $0x2  }
0xbb: {  	s3 =	sand.u32 $0x4000, s31;
	s1 =	sadd.s32 s1, s30  }
0xbc: {  	s0 =	sor.u32 s3, s0;
	s1 =	sshll.u32 s1, $0x11  }
0xbd: {  	s0 =	sor.u32 s1, s0  }
0xbe: {  	s0 =	sadd.s32 $0x8F2B, s0  }
0xbf: {  	[sflag:s0] =	ssyncadd.remote.s32 $0x1  }
0xc0: {  	_ =	sfence.sel $0xFFFF  }
0xc1: {  	[dreg:$0x0] =	wrdreg $0xFFFFFFFF;
	(pc) =	sbr.abs _section_cstart, $3  }
0xc2: {  	[dreg:$0x1] =	wrdreg $0xFFFFFFFF  }
0xc3: {  	_ =	task.clear_ibuf [dreg:s7], $0x2FFFF;
	_ =	strace $0x9FFFFFFF  }
0xc4: {  	(tm) =	ssettm $0x7FFFFFFF  }
0xc5: {  	_ =	shalt  }
tec
execute0_lowered:
.L_overlay_start_1:
0x0: {  	(tag) =	ssettag $0x1  }
0x1: {  	s0 =	rddreg [dreg:$0x0]  }
0x2: {  	s3 =	rddreg [dreg:$0x1]  }
0x3: {  	s1 =	rddreg [dreg:$0x2]  }
0x4: {  	s2 =	rddreg [dreg:$0x3];
	s4 =	simm.s32 $0x0  }
0x5: {  	s19 =	stileid.u32;
	s7 =	srdreg.scid;
	s29 =	simm.s32 $0xA  }
0x6: {  	s30 =	simm.s32 $0x1B5E0;
	s31 =	simm.s32 $0x4;
	[smem:$0x7FF] =	sst s4  }
0x7: {  	s5 =	sadd.s32 $0x16800, s0;
	s8 =	sadd.s32 $0x2E00, s0;
	s6 =	smul.u32 $0x13C00, s19  }
0x8: {  	s9 =	smul.u32 $0x2780, s19;
	s10 =	sand.u32 $0x1, s7;
	s24 =	sshll.u32 s19, $0x1  }
0x9: {  	s25 =	sadd.s32 $0x6A200, s0;
	s21 =	smul.u32 $0xA0, s19;
	s22 =	sshll.u32 s19, $0x6  }
0xa: {  	_ =	strace $0x80000047;
	s12 =	smul.u32 $0x13C000, s10;
	s7 =	sor.u32 s10, s24  }
0xb: {  	[dreg:$0x5] =	wrdreg s25;
	s26 =	ssub.s32 $0x2, s10;
	s24 =	smul.u32 $0x14, s19  }
0xc: {  	s11 =	sshrl.u32 s6, $0x3;
	s13 =	sshrl.u32 s9, $0x3;
	s7 =	smul.u32 $0x50, s7  }
0xd: {  	s28 =	sshrl.u32 s26, $0x1;
	s11 =	sadd.s32 s11, s0;
	s17 =	sadd.s32 s13, s0  }
0xe: {  	s12 =	sadd.s32 s6, s12;
	s20 =	ssub.s32 s26, s28;
	s7 =	sshrl.u32 s7, $0x3  }
0xf: {  	s6 =	sadd.s32 s6, s1;
	s26 =	sadd.s32 s24, s8;
	s7 =	sadd.s32 s8, s7  }
0x10: {  	s24 =	simm.s32 $0x50;
	[dreg:$0xb] =	wrdreg s6;
	s13 =	sadd.s32 $0x9C40, s7  }
0x11: {  	s12 =	sshrl.u32 s12, $0x3;
	s14 =	sadd.s32 $0x140, s7;
	[dreg:$0x6] =	wrdreg s13  }
0x12: {  	s17 =	sadd.s32 $0x65200, s17;
	s15 =	sadd.s32 $0x9D80, s7;
	[dreg:$0x7] =	wrdreg s14  }
0x13: {  	s20 =	smax.u32 s20, $0x1;
	s16 =	sadd.s32 $0x280, s7;
	[dreg:$0x8] =	wrdreg s15  }
0x14: {  	s18 =	sadd.s32 $0x9EC0, s7;
	[dreg:$0x9] =	wrdreg s16;
	s16 =	smul.u32 $0x27800, s10  }
0x15: {  	s0 =	sadd.s32 s12, s0;
	[dreg:$0xa] =	wrdreg s18;
	s18 =	smul.u32 $0x50, s10  }
0x16: {  	s14 =	sadd.s32 $0x3DA00, s11;
	s15 =	sor.u32 $0x1C0A, s22;
	s10 =	smul.u32 $0xA, s10  }
.Ltmp0:
0x17: {  	s23 =	sadd.s32 s9, s16;
	s16 =	sadd.s32 s9, s2;
	(pc) =	sbr.rel .LBB2_1-.Ltmp0, $4  }
0x18: {  	s6 =	sadd.s32 s18, s21;
	s18 =	sadd.s32 $0x6A400, s0;
	s0 =	sadd.s32 s10, s26  }
0x19: {  	s26 =	simm.s32 $0x0;
	s25 =	sshrl.u32 s23, $0x3;
	s28 =	sadd.s32 $0x4F600, s6  }
0x1a: {  	s6 =	sadd.s32 $0x280, s0;
	s19 =	sadd.s32 s3, s25;
	s3 =	sshrl.u32 s28, $0x3  }
0x1b: {  	s25 =	simm.s32 $0x8;
	s23 =	sadd.s32 s3, s8;
	s3 =	simm.s32 $0x5  }
.LBB2_8:
0x1c: {  	_ =	swait.ge [sflag:s25], $0x2800  }
0x1d: {  	[sflag:s25] =	ssyncset.done $0x0  }
0x1e: {  	[sflag:s25] =	ssyncadd.s32 $0xFFFFD800  }
0x1f: {  	_ =	swait.ge [sflag:s25], $0x500  }
0x20: {  	[sflag:s25] =	ssyncset.done $0x0  }
0x21: {  	[sflag:s25] =	ssyncadd.s32 $0xFFFFFB00  }
0x22: {  	[bflag:$0x0] =	sbarrier.arrive $0xFFFF  }
0x23: {  	[hbm:s18], [sflag:s15] =	dma.local [spmem:s28], $0x2780  }
0x24: {  	s26 =	sadd.s32 $0x1, s26;
	_ =	swait.ge [sflag:s29], $0x2780  }
0x25: {  	p0 =	sne.s32 s26, s20;
	[sflag:s29] =	ssyncset.done $0x0  }
.Ltmp1:
0x26: {  	[sflag:s29] =	ssyncadd.s32 $0xFFFFD880;
	(pc) =	sbr.rel @!p0 .LBB2_9-.Ltmp1, $4  }
0x27: {  	[hbm:s19], [sflag:s15] =	dma.local [spmem:s0], $0x4F0  }
0x28: {  	_ =	swait.ge [sflag:s29], $0x4F0  }
0x29: {  	[sflag:s29] =	ssyncset.done $0x0  }
0x2a: {  	[sflag:s29] =	ssyncadd.s32 $0xFFFFFB10  }
.LBB2_1:
0x2b: {  	[tilespmem:s4], [sflag:$0x4] =	stream.linear.gather [hbm4b:s7+s4], $0x50, $0x38;
	[tilespmem:$0x1E260] =	vst v63  }
0x2c: {  	s0 =	rddreg [dreg:$0x6]  }
0x2d: {  	s8 =	simm.s32 $0xF0;
	s13 =	rddreg [dreg:$0x7]  }
0x2e: {  	[tilespmem:s8], [sflag:$0x4] =	stream.linear.gather [hbm4b:s0+s4], $0x50, $0x38;
	[tilespmem:$0x1E260] =	vst v63  }
0x2f: {  	s21 =	rddreg [dreg:$0x8]  }
0x30: {  	[tilespmem:s24], [sflag:$0x5] =	stream.linear.gather [hbm4b:s13+s4], $0x50, $0x38;
	[tilespmem:$0x1E260] =	vst v63  }
0x31: {  	s22 =	simm.s32 $0x140;
	s12 =	rddreg [dreg:$0xb]  }
0x32: {  	[tilespmem:s22], [sflag:$0x5] =	stream.linear.gather [hbm4b:s21+s4], $0x50, $0x38;
	[tilespmem:$0x1E260] =	vst v63  }
0x33: {  	s9 =	simm.s32 $0xA0;
	s8 =	rddreg [dreg:$0x9]  }
0x34: {  	[tilespmem:s9], [sflag:$0x6] =	stream.linear.gather [hbm4b:s8+s4], $0x50, $0x38;
	[tilespmem:$0x1E260] =	vst v63  }
0x35: {  	s10 =	rddreg [dreg:$0xa];
	s11 =	simm.s32 $0x190;
	s28 =	sshrl.u32 s12, $0x3  }
0x36: {  	[tilespmem:s11], [sflag:$0x6] =	stream.linear.gather [hbm4b:s10+s4], $0x50, $0x38;
	[tilespmem:$0x1E260] =	vst v63  }
0x37: {  	[spmem:s28], [sflag:s15] =	dma.local [hbm:s14], $0x2780  }
0x38: {  	_ =	swait.ge [sflag:s29], $0x2780  }
0x39: {  	[sflag:s29] =	ssyncset.done $0x0  }
0x3a: {  	s0 =	sshrl.u32 s16, $0x3;
	[sflag:s29] =	ssyncadd.s32 $0xFFFFD880  }
0x3b: {  	[spmem:s0], [sflag:s15] =	dma.local [hbm:s17], $0x4F0  }
0x3c: {  	_ =	swait.ge [sflag:s29], $0x4F0  }
0x3d: {  	[sflag:s29] =	ssyncset.done $0x0  }
0x3e: {  	s13 =	rddreg [dreg:$0x5];
	[sflag:s29] =	ssyncadd.s32 $0xFFFFFB10  }
0x3f: {  	[tilespmem:s30], [sflag:$0xA] =	stream.linear.gather [hbm4b:s13+s4], $0x500, $0x38;
	[tilespmem:$0x1E260] =	vst v63  }
0x40: {  	_ =	swait.ge [sflag:s29], $0x500  }
0x41: {  	[sflag:s29] =	ssyncset.done $0x0  }
0x42: {  	[sflag:s29] =	ssyncadd.s32 $0xFFFFFB00  }
0x43: {  	[bflag:$0x0] =	sbarrier.arrive $0xFFFF  }
0x44: {  	_ =	swait.ge [sflag:s31], $0x50  }
0x45: {  	[sflag:s31] =	ssyncset.done $0x0  }
0x46: {  	[sflag:s31] =	ssyncadd.s32 $0xFFFFFFB0  }
0x47: {  	_ =	swait.ge [sflag:s31], $0x50  }
0x48: {  	[sflag:s31] =	ssyncset.done $0x0  }
0x49: {  	s21 =	simm.s32 $0x1E0;
	[sflag:s31] =	ssyncadd.s32 $0xFFFFFFB0  }
0x4a: {  	[tilespmem:s21], [sflag:$0x1] =	stream.indirect.gather [hbm4b:s5+s24], $0x80, s4, s24, $0xb8;
	[tilespmem:$0x1E260] =	vst v63  }
0x4b: {  	_ =	swait.ge [sflag:s3], $0x50  }
0x4c: {  	[sflag:s3] =	ssyncset.done $0x0  }
0x4d: {  	[sflag:s3] =	ssyncadd.s32 $0xFFFFFFB0  }
.Ltmp2:
0x4e: {  	_ =	swait.ge [sflag:s3], $0x50;
	(pc) =	sbr.rel .LBB2_2-.Ltmp2, $4  }
0x4f: {  	[sflag:s3] =	ssyncset.done $0x0  }
0x50: {  	s22 =	simm.s32 $0x29E0;
	[sflag:s3] =	ssyncadd.s32 $0xFFFFFFB0  }
0x51: {  	[tilespmem:s22], [sflag:$0x2] =	stream.indirect.gather [hbm4b:s5+s24], $0x80, s24, s24, $0xb8;
	[tilespmem:$0x1E260] =	vst v63  }
0x52: {  	s9 =	simm.s32 $0x0;
	s21 =	smov.u32 s6;
	s22 =	smov.u32 s23  }
.LBB2_4:
0x53: {  	s12 =	smul.u32 $0x50, s11  }
0x54: {  	s13 =	sadd.s32 $0x4, s11  }
0x55: {  	[tilespmem:s12], [sflag:s13] =	stream.linear.gather [hbm4b:s21+s4], $0x50, $0x38;
	[tilespmem:$0x1E260] =	vst v63  }
0x56: {  	s12 =	sadd.s32 $0xF0, s12  }
0x57: {  	[tilespmem:s12], [sflag:s13] =	stream.linear.gather [hbm4b:s22+s4], $0x50, $0x38;
	[tilespmem:$0x1E260] =	vst v63  }
.LBB2_6:
0x58: {  	s10 =	sadd.s32 $0xAB, s10  }
0x59: {  	s10 =	sshrl.u32 s10, $0x9  }
0x5a: {  	s10 =	sand.u32 $0x7F, s10  }
0x5b: {  	s10 =	smul.u32 $0x3, s10;
	_ =	sdelay $0x1  }
0x5c: {  	s10 =	ssub.s32 s9, s10  }
0x5d: {  	s10 =	sand.u32 $0xFF, s10  }
0x5e: {  	s11 =	sadd.s32 $0x4, s10  }
0x5f: {  	_ =	swait.ge [sflag:s11], $0x50  }
0x60: {  	[sflag:s11] =	ssyncset.done $0x0  }
0x61: {  	s12 =	smul.u32 $0xA000, s10;
	[sflag:s11] =	ssyncadd.s32 $0xFFFFFFB0  }
0x62: {  	s13 =	smul.u32 $0x140, s10;
	_ =	swait.ge [sflag:s11], $0x50  }
0x63: {  	s10 =	sadd.s32 $0x1, s10;
	s12 =	sshrl.u32 s12, $0x2;
	[sflag:s11] =	ssyncset.done $0x0  }
0x64: {  	s13 =	sshrl.u32 s13, $0x2;
	[sflag:s11] =	ssyncadd.s32 $0xFFFFFFB0;
	s11 =	sor.u32 $0x1E0, s12  }
0x65: {  	[tilespmem:s11], [sflag:s10] =	stream.indirect.gather [hbm4b:s5+s24], $0x80, s13, s24, $0xb8;
	[tilespmem:$0x1E260] =	vst v63  }
.LBB2_7:
0x66: {  	s10 =	sand.u32 $0xFF, s8  }
0x67: {  	s10 =	smul.u32 $0xAB, s10;
	_ =	sdelay $0x1  }
0x68: {  	s10 =	sshrl.u32 s10, $0x9  }
0x69: {  	s10 =	smul.u32 $0x3, s10;
	_ =	sdelay $0x1  }
0x6a: {  	s12 =	ssub.s32 s8, s10  }
0x6b: {  	s8 =	sand.u32 $0xFF, s12  }
0x6c: {  	s13 =	smul.u32 $0xA000, s8;
	s11 =	sadd.s32 $0x1, s8  }
0x6d: {  	s12 =	smul.u32 $0x140, s8;
	_ =	swait.ge [sflag:s11], $0x2800  }
0x6e: {  	p0 =	sne.s32 s9, $0x7D;
	s8 =	sadd.s32 $0x7, s8;
	[sflag:s11] =	ssyncset.done $0x0  }
.Ltmp3:
0x6f: {  	s10 =	sshrl.u32 s13, $0x2;
	s13 =	sshrl.u32 s12, $0x2;
	(pc) =	sbr.rel @!p0 .LBB2_8-.Ltmp3, $4  }
0x70: {  	[sflag:s11] =	ssyncadd.s32 $0xFFFFD800;
	s10 =	sor.u32 $0x1E0, s10;
	s11 =	sadd.s32 $0xF0, s13  }
0x71: {  	[spmem:s1] =	stream.indirect.scatter.add.f32 [tilespmem:s10], [sflag:s8], $0x80, s11, s24, $0xb8;
	[tilespmem:$0x1E260] =	vst v63  }
0x72: {  	s21 =	sadd.s32 $0x140, s21;
	s22 =	sadd.s32 $0x140, s22  }
0x73: {  	[spmem:s2] =	stream.indirect.scatter.add.f32 [tilespmem:s30], [sflag:s8], $0x10, s11, s24, $0xb8;
	[tilespmem:$0x1E260] =	vst v63  }
.LBB2_2:
0x74: {  	p0 =	seq.s32 s9, $0x0  }
.Ltmp4:
0x75: {  	_ = 	snop;
	(pc) =	sbr.rel @p0 .LBB2_7-.Ltmp4, $2  }
0x76: {  	_ =	sdelay $0x2  }
0x77: {  	s8 =	smov.u32 s9;
	s9 =	sadd.s32 $0x1, s9  }
0x78: {  	s10 =	smul.u32 $0xAB, s8;
	_ =	sdelay $0x1  }
0x79: {  	s11 =	sadd.s32 $0x156, s10  }
0x7a: {  	s11 =	sshrl.u32 s11, $0x9  }
0x7b: {  	s11 =	sand.u32 $0x7F, s11  }
0x7c: {  	s11 =	smul.u32 $0x3, s11;
	_ =	sdelay $0x1  }
0x7d: {  	s11 =	ssub.s32 s8, s11  }
0x7e: {  	s11 =	sadd.s32 $0x2, s11  }
0x7f: {  	s11 =	sand.u32 $0xFF, s11  }
0x80: {  	s12 =	sadd.s32 $0x7, s11  }
0x81: {  	p0 =	sgt.u32 s8, $0x7A;
	_ =	swait.ge [sflag:s12], $0x2800  }
.Ltmp5:
0x82: {  	[sflag:s12] =	ssyncset.done $0x0;
	(pc) =	sbr.rel @!p0 .LBB2_4-.Ltmp5, $4  }
0x83: {  	[sflag:s12] =	ssyncadd.s32 $0xFFFFD800  }
0x84: {  	_ =	swait.ge [sflag:s12], $0x500  }
0x85: {  	[sflag:s12] =	ssyncset.done $0x0  }
0x86: {  	[sflag:s12] =	ssyncadd.s32 $0xFFFFFB00  }
0x87: {  	p0 =	seq.s32 s8, $0x7C  }
.Ltmp6:
0x88: {  	_ = 	snop;
	(pc) =	sbr.rel @p0 .LBB2_7-.Ltmp6, $4  }
.Ltmp7:
0x89: {  	_ = 	snop;
	(pc) =	sbr.rel @!p0 .LBB2_6-.Ltmp7, $4  }
0x8a: {  	_ = 	snop  }
0x8b: {  	_ = 	snop  }
0x8c: {  	_ = 	snop  }
0x8d: {  	_ = 	snop  }
.LBB2_9:
0x8e: {  	_ =	sfence.sel $0x180000  }
0x8f: {  	[bflag:$0x0] =	sbarrier.arrive $0xFFFF  }
0x90: {  	_ =	strace $0x90000047  }
0x91: {  	s0 =	stileid.u32;
	[bflag:$0x2] =	sbarrier.arrive $0xFFFF  }
0x92: {  	p0 =	sne.s32 s0, $0x0;
	s0 =	rddreg [dreg:$0x4]  }
0x93: {  	s0 =	sadd.s32 @!p0 $0x100000, s0  }
0x94: {  	[sflag:s0] =	ssyncadd.tile.s32 @!p0 $0x1;
	_ =	shalt  }
.Lfunc_end2:
_tile_overlayer_lowered:
.L_overlay_start_2:
0x95: {  	(tag) =	ssettag $0x2  }
0x96: {  	s0 =	rddreg [dreg:$0x0];
	s2 =	stileid.u32  }
0x97: {  	s1 =	rddreg [dreg:$0x1];
	p0 =	sne.s32 s2, $0x0  }
0x98: {  	s3 =	rddreg [dreg:$0x2];
	[bflag:$0x3] =	sbarrier.arrive $0xFFFF;
	s2 =	simm.s32 @!p0 $0x1C0A  }
0x99: {  	[timem:s3], [sflag:s2] =	dma.local @!p0 [hbm:s0], s1  }
0x9a: {  	s0 =	simm.s32 @!p0 $0xA  }
0x9b: {  	_ =	swait.ge @!p0 [sflag:s0], s1  }
0x9c: {  	s1 =	ssub.s32 @!p0 $0x0, s1;
	[sflag:s0] =	ssyncset.done @!p0 $0x0  }
0x9d: {  	[sflag:s0] =	ssyncadd.s32 @!p0 s1  }
0x9e: {  	[bflag:$0x3] =	sbarrier.arrive $0xFFFF  }
0x9f: {  	_ =	shalt  }

</sc_bundles>
